<compile_context>
chip_gen: v7x
topology: tpu7x:2x2x1
jax: 0.10.2.dev20260603
libtpu: 0.0.44.dev20260713+nightly
codegen_flags: <defaults>
</compile_context>

<pallas_src>
import numpy as _np

import jax
import jax.numpy as jnp
from jax import lax
from jax.experimental import pallas as pl
from jax.experimental.pallas import tpu as pltpu
from jax.experimental.pallas import tpu_sc as plsc

N = 100000
F = 128
FH = F // 2
NB = 16
SIZE = 128
GMAX = 400
C = 400
CA = 2000
NCHA = N // CA
NL = 16
VS = float(_np.float32(0.05))
NEG = float("-inf")


def _body(x_hbm, posf_hbm, batch_hbm, out_hbm,
          acc, xbuf0, xbuf1, posbuf0, posbuf1, clus2, stage,
          posbufa, batchbufa, posbufa2, batchbufa2, mn_all, mx_all, cnt_all,
          sh_mn, sh_mx, sh_cnt, sem0, sem1, sema0, sema1):
    c = lax.axis_index("c")
    s = lax.axis_index("s")
    cofs = c * FH

    iota = lax.broadcasted_iota(jnp.int32, (NL,), 0)
    even = (iota & 1) == 0

    rbase = plsc.scan_count(iota * 0)[0][0]

    big = jnp.full((NL,), jnp.float32(jnp.inf))

    def start_a(i, pb, bb, sem):
        k = s + 16 * i
        pltpu.async_copy(posf_hbm.at[pl.ds(k * CA * 2, CA * 2)], pb, sem)
        pltpu.async_copy(batch_hbm.at[pl.ds(k * CA, CA)], bb, sem)

    def wait_a(pb, bb, sem):
        pltpu.make_async_copy(posf_hbm.at[pl.ds(0, CA * 2)], pb, sem).wait()
        pltpu.make_async_copy(batch_hbm.at[pl.ds(0, CA)], bb, sem).wait()

    def compute_a(pb, bb, carry):
        mn, mx, cnts = carry

        def vec_mm(t, mm):
            v = pb[pl.ds(t * NL, NL)]
            return (jnp.minimum(mm[0], v), jnp.maximum(mm[1], v))

        mn, mx = plsc.parallel_loop(
            0, (CA * 2) // NL, 1, unroll=8, carry=(mn, mx))(vec_mm)

        first = bb[pl.ds(0, NL)][0]
        last = bb[pl.ds(CA - NL, NL)][NL - 1]

        def val_cnt(v, cnts):
            def vec_cnt(t, a):
                bv = bb[pl.ds(t * NL, NL)]
                return a + jnp.where(bv == v, 1, 0)

            perlane = plsc.parallel_loop(
                0, CA // NL, 1, unroll=8,
                carry=jnp.zeros((NL,), jnp.int32))(vec_cnt)
            tot = jnp.sum(perlane)
            return cnts + jnp.where(iota == v, tot, 0)

        cnts = lax.fori_loop(first, last + 1, val_cnt, cnts)
        return (mn, mx, cnts)

    ntrips = (NCHA - s + 15) // 16

    with jax.named_scope("phase_a_scan"):
        @pl.when(ntrips > 0)
        def _():
            start_a(0, posbufa, batchbufa, sema0)

        def pair_a(p, carry):
            i0 = 2 * p
            i1 = i0 + 1

            @pl.when(i1 < ntrips)
            def _():
                start_a(i1, posbufa2, batchbufa2, sema1)

            wait_a(posbufa, batchbufa, sema0)
            carry = compute_a(posbufa, batchbufa, carry)

            @pl.when(i0 + 2 < ntrips)
            def _():
                start_a(i0 + 2, posbufa, batchbufa, sema0)

            def odd_fn(cy):
                wait_a(posbufa2, batchbufa2, sema1)
                return compute_a(posbufa2, batchbufa2, cy)

            return lax.cond(i1 < ntrips, odd_fn, lambda cy: cy, carry)

        mn, mx, cnts = lax.fori_loop(
            0, (ntrips + 1) // 2, pair_a,
            (big, -big, jnp.zeros((NL,), jnp.int32)))

    posbufa[pl.ds(0, NL)] = mn
    posbufa[pl.ds(NL, NL)] = mx
    batchbufa[pl.ds(0, NL)] = cnts
    pltpu.sync_copy(posbufa.at[pl.ds(0, NL)], sh_mn.at[s])
    pltpu.sync_copy(posbufa.at[pl.ds(NL, NL)], sh_mx.at[s])
    pltpu.sync_copy(batchbufa.at[pl.ds(0, NL)], sh_cnt.at[s])
    plsc.subcore_barrier()
    pltpu.sync_copy(sh_mn, mn_all)
    pltpu.sync_copy(sh_mx, mx_all)
    pltpu.sync_copy(sh_cnt, cnt_all)

    def red_mm(i, carry):
        gmn, gmx, gcnt = carry
        return (jnp.minimum(gmn, mn_all[i, :]),
                jnp.maximum(gmx, mx_all[i, :]),
                gcnt + cnt_all[i, :])

    gmn, gmx, gcnt = lax.fori_loop(
        0, 16, red_mm, (big, -big, jnp.zeros((NL,), jnp.int32)))

    nv_il = ((gmx - gmn) / VS).astype(jnp.int32) + 1
    nv0 = jnp.max(jnp.where(even, nv_il, 0))
    nv1 = jnp.max(jnp.where(even, 0, nv_il))
    G = nv0 * nv1
    nvm1_il = nv_il - 1
    stride_il = jnp.where(even, 1, nv0)
    start_il = jnp.where(even,
                         jnp.min(jnp.where(even, gmn, big)),
                         jnp.min(jnp.where(even, big, gmn)))

    bmin = jnp.min(jnp.where(gcnt > 0, iota, NB))
    bmax = jnp.max(jnp.where(gcnt > 0, iota, -1))
    incl = plsc.cumsum(gcnt)
    v_mine = bmin + s
    sel = iota == v_mine
    my_len = jnp.max(jnp.where(sel, gcnt, 0))
    my_start = jnp.max(jnp.where(sel, incl - gcnt, 0))

    def init_acc(i):
        for t in range(FH // NL):
            acc[i, pl.ds(t * NL, NL)] = jnp.full((NL,), NEG)

    with jax.named_scope("phase_b_init"):
        plsc.parallel_loop(0, GMAX, 1, unroll=4)(init_acc)
    clus2[pl.ds(2 * C, NL)] = iota * 0
    clus2[pl.ds(2 * C + NL, NL)] = iota * 0

    k_lo = my_start // C
    k_hi = (my_start + my_len - 1) // C
    nchunks = jnp.where(my_len > 0, k_hi + 1 - k_lo, 0)

    def start_chunk(i, xb, pb, sem):
        r0 = (k_lo + i) * C
        pltpu.async_copy(x_hbm.at[pl.ds(r0, C), pl.ds(cofs, FH)],
                         xb.at[pl.ds(0, C), :], sem)
        pltpu.async_copy(posf_hbm.at[pl.ds(r0 * 2, C * 2)], pb, sem)

    def wait_chunk(xb, pb, sem):
        pltpu.make_async_copy(x_hbm.at[pl.ds(0, C), pl.ds(cofs, FH)],
                              xb.at[pl.ds(0, C), :], sem).wait()
        pltpu.make_async_copy(posf_hbm.at[pl.ds(0, C * 2)], pb, sem).wait()

    def process(i, xb, pb):
        r0 = (k_lo + i) * C

        def vec_cl(t):
            pv = pb[pl.ds(t * NL, NL)]
            q = (pv - start_il) / VS
            ci = jnp.minimum(q.astype(jnp.int32), nvm1_il)
            contrib = ci * stride_il
            clus2[pl.ds(t * NL, NL)] = contrib
            swapped = plsc.load_gather(clus2, [t * NL + (iota ^ 1)])
            clus2[pl.ds(t * NL, NL)] = contrib + swapped

        plsc.parallel_loop(0, (C * 2) // NL, 1, unroll=4)(vec_cl)

        j_lo = jnp.maximum(0, my_start - r0)
        j_hi = jnp.minimum(C, my_start + my_len - r0)
        ngroups = (j_hi - j_lo + NL - 1) // NL

        def group(g, _):
            j0 = j_lo + g * NL
            rowids = j0 + iota
            valid = rowids < j_hi
            cl_v = plsc.load_gather(clus2, [2 * rowids])
            cnt, _last = plsc.scan_count(cl_v, mask=valid)
            cnti = jnp.where(valid, cnt, rbase - 1)
            rhi = jnp.max(cnti)

            def round_(r, _):
                m = valid & (cnti == r)

                def feat(f):
                    fsk = (f + iota) & (FH - 1)
                    xi = plsc.load_gather(xb, [rowids, fsk], mask=m)
                    ai = plsc.load_gather(acc, [cl_v, fsk], mask=m)
                    plsc.store_scatter(acc, [cl_v, fsk],
                                       jnp.maximum(ai, xi), mask=m)

                plsc.parallel_loop(0, FH, 1, unroll=16)(feat)
                return 0

            lax.fori_loop(rbase, rhi + 1, round_, 0)
            return 0

        lax.fori_loop(0, ngroups, group, 0)

    @pl.when(nchunks > 0)
    def _():
        start_chunk(0, xbuf0, posbuf0, sem0)

    def pair(p, _):
        i0 = 2 * p
        i1 = i0 + 1

        @pl.when(i1 < nchunks)
        def _():
            start_chunk(i1, xbuf1, posbuf1, sem1)

        wait_chunk(xbuf0, posbuf0, sem0)
        process(i0, xbuf0, posbuf0)

        @pl.when(i0 + 2 < nchunks)
        def _():
            start_chunk(i0 + 2, xbuf0, posbuf0, sem0)

        @pl.when(i1 < nchunks)
        def _():
            wait_chunk(xbuf1, posbuf1, sem1)
            process(i1, xbuf1, posbuf1)

        return 0

    with jax.named_scope("phase_b_main"):
        lax.fori_loop(0, (nchunks + 1) // 2, pair, 0)

    def init_stage(i, _):
        for t in range(FH // NL):
            stage[i, pl.ds(t * NL, NL)] = jnp.zeros((NL,), jnp.float32)
        return 0

    lax.fori_loop(0, SIZE + 1, init_stage, 0)

    @pl.when(jnp.logical_or(s < bmin, s > bmax))
    def _():
        pltpu.sync_copy(stage.at[pl.ds(0, SIZE), :],
                        out_hbm.at[pl.ds(s * SIZE, SIZE), pl.ds(cofs, FH)])

    @pl.when(v_mine <= bmax)
    def _():
        def pick(c_id, r):
            v0 = acc[c_id, pl.ds(0, NL)]
            pred = jnp.max((v0 != NEG).astype(jnp.int32))
            dst0 = jnp.where(v_mine == 0, c_id, r)
            valid = (pred > 0) & (dst0 < SIZE)
            dst = jnp.where(valid, dst0, SIZE)
            for t in range(FH // NL):
                sl = pl.ds(t * NL, NL)
                stage[dst, sl] = acc[c_id, sl]
            return r + pred

        lax.fori_loop(0, G, pick, jnp.int32(0))
        pltpu.sync_copy(
            stage.at[pl.ds(0, SIZE), :],
            out_hbm.at[pl.ds(v_mine * SIZE, SIZE), pl.ds(cofs, FH)])


@jax.jit
def kernel(x, pos, batch):
    posf = pos.reshape(-1)
    mesh = plsc.VectorSubcoreMesh(core_axis_name="c", subcore_axis_name="s")
    f = pl.kernel(
        _body,
        out_type=jax.ShapeDtypeStruct((NB * SIZE, F), jnp.float32),
        mesh=mesh,
        compiler_params=pltpu.CompilerParams(
            use_tc_tiling_on_sc=False, needs_layout_passes=False),
        scratch_types=[
            pltpu.VMEM((GMAX, FH), jnp.float32),
            pltpu.VMEM((C + NL, FH), jnp.float32),
            pltpu.VMEM((C + NL, FH), jnp.float32),
            pltpu.VMEM((C * 2,), jnp.float32),
            pltpu.VMEM((C * 2,), jnp.float32),
            pltpu.VMEM((C * 2 + 2 * NL,), jnp.int32),
            pltpu.VMEM((SIZE + 1, FH), jnp.float32),
            pltpu.VMEM((CA * 2,), jnp.float32),
            pltpu.VMEM((CA,), jnp.int32),
            pltpu.VMEM((CA * 2,), jnp.float32),
            pltpu.VMEM((CA,), jnp.int32),
            pltpu.VMEM((16, NL), jnp.float32),
            pltpu.VMEM((16, NL), jnp.float32),
            pltpu.VMEM((16, NL), jnp.int32),
            pltpu.VMEM_SHARED((16, NL), jnp.float32),
            pltpu.VMEM_SHARED((16, NL), jnp.float32),
            pltpu.VMEM_SHARED((16, NL), jnp.int32),
            pltpu.SemaphoreType.DMA,
            pltpu.SemaphoreType.DMA,
            pltpu.SemaphoreType.DMA,
            pltpu.SemaphoreType.DMA,
        ],
    )
    return f(x, posf, batch)

# --- scband reference (transcript-rebuilt; emitter-appended) ---
"""Pipeline reference for scband-max-pooling-x-80109730005544 (READ-ONLY COPY).

The authoritative reference and input builder live on the scoring server;
editing this copy changes nothing except your own understanding.
"""

import jax, jax.numpy as jnp
import numpy as np

VOXEL_SIZE = [0.05, 0.05]
SIZE = 128


def voxel_grid(pos, batch, size_vec):
    # torch_cluster.grid_cluster semantics: append batch as an extra dim with voxel size 1,
    # compute per-dim voxel coordinates, linearize with first-dim-fastest strides.
    p = jnp.concatenate([pos, batch.astype(pos.dtype)[:, None]], axis=1)
    sz = jnp.concatenate([size_vec, jnp.ones((1,), pos.dtype)])
    start = p.min(axis=0)
    end = p.max(axis=0)
    num_voxels = jnp.floor((end - start) / sz).astype(jnp.int32) + 1
    coord = jnp.floor((p - start) / sz).astype(jnp.int32)
    coord = jnp.minimum(coord, num_voxels - 1)
    strides = jnp.concatenate([jnp.ones((1,), jnp.int32), jnp.cumprod(num_voxels)[:-1]])
    cluster = (coord * strides).sum(axis=1)
    return cluster


def setup_inputs(seed: int = 0) -> dict:
    key = jax.random.key(seed)
    k1, k2, k3 = jax.random.split(key, 3)
    N, F = 100000, 128
    x = jax.random.normal(k1, (N, F), dtype=jnp.float32)
    pos = jax.random.uniform(k2, (N, 2), dtype=jnp.float32)
    batch = jnp.sort(jax.random.randint(k3, (N,), 0, 16, dtype=jnp.int32))
    return {"x": x, "pos": pos, "batch": batch}


def reference(x, pos, batch):
    voxel_size = jnp.array(VOXEL_SIZE, dtype=jnp.float32)
    cluster = voxel_grid(pos, batch, voxel_size)
    batch_size = 16
    nvx = int(np.floor(1.0 / VOXEL_SIZE[0])) + 2
    nvy = int(np.floor(1.0 / VOXEL_SIZE[1])) + 2
    num_clusters = nvx * nvy * batch_size
    # scatter(x, cluster, reduce='max') with zero-fill for empty clusters (torch_scatter behavior)
    pooled_x = jax.ops.segment_max(x, cluster, num_segments=num_clusters)
    counts = jax.ops.segment_sum(jnp.ones_like(cluster), cluster, num_segments=num_clusters)
    pooled_x = jnp.where(counts[:, None] > 0, pooled_x, 0.0)
    # scatter(batch, cluster, reduce='min') with zero-fill for empty clusters
    cluster_batch = jax.ops.segment_min(batch, cluster, num_segments=num_clusters)
    cluster_batch = jnp.where(counts > 0, cluster_batch, 0)
    num_features = x.shape[1]
    out = jnp.zeros((batch_size * SIZE, num_features), dtype=x.dtype)
    for b in range(batch_size):
        mask = cluster_batch == b
        rank = jnp.cumsum(mask) - 1
        valid = mask & (rank < SIZE)
        rows = jnp.where(valid, b * SIZE + rank, batch_size * SIZE)
        out = out.at[rows].set(pooled_x, mode="drop")
    return out

if __name__ == "__main__":
    import jax
    _d = setup_inputs()
    print(jax.jit(kernel)(*tuple(_d.values())))

</pallas_src>

<mosaic_0001>
#map = affine_map<(d0, d1) -> (0, 0)>
#map1 = affine_map<(d0, d1) -> (0)>
module attributes {stable_mosaic.version = 14 : i64} {
  func.func @_body(%arg0: i32, %arg1: i32, %arg2: memref<100000x128xf32, #tpu.memory_space<hbm>>, %arg3: memref<200000xf32, #tpu.memory_space<hbm>>, %arg4: memref<100000xi32, #tpu.memory_space<hbm>>, %arg5: memref<2048x128xf32, #tpu.memory_space<hbm>>, %arg6: memref<400x64xf32, #tpu.memory_space<vmem>>, %arg7: memref<416x64xf32, #tpu.memory_space<vmem>>, %arg8: memref<416x64xf32, #tpu.memory_space<vmem>>, %arg9: memref<800xf32, #tpu.memory_space<vmem>>, %arg10: memref<800xf32, #tpu.memory_space<vmem>>, %arg11: memref<832xi32, #tpu.memory_space<vmem>>, %arg12: memref<129x64xf32, #tpu.memory_space<vmem>>, %arg13: memref<4000xf32, #tpu.memory_space<vmem>>, %arg14: memref<2000xi32, #tpu.memory_space<vmem>>, %arg15: memref<4000xf32, #tpu.memory_space<vmem>>, %arg16: memref<2000xi32, #tpu.memory_space<vmem>>, %arg17: memref<16x16xf32, #tpu.memory_space<vmem>>, %arg18: memref<16x16xf32, #tpu.memory_space<vmem>>, %arg19: memref<16x16xi32, #tpu.memory_space<vmem>>, %arg20: memref<16x16xf32, #tpu.memory_space<vmem_shared>>, %arg21: memref<16x16xf32, #tpu.memory_space<vmem_shared>>, %arg22: memref<16x16xi32, #tpu.memory_space<vmem_shared>>, %arg23: memref<!tpu.dma_semaphore, #tpu.memory_space<semaphore_mem>>, %arg24: memref<!tpu.dma_semaphore, #tpu.memory_space<semaphore_mem>>, %arg25: memref<!tpu.dma_semaphore, #tpu.memory_space<semaphore_mem>>, %arg26: memref<!tpu.dma_semaphore, #tpu.memory_space<semaphore_mem>>) attributes {dimension_semantics = [#tpu.dimension_semantics<core_parallel>, #tpu.dimension_semantics<subcore_parallel>], iteration_bounds = array<i64: 2, 16>, scalar_prefetch = 0 : i64, scratch_operands = 21 : i64, tpu.core_type = #tpu.core_type<sc_vector_subcore>, window_params = [{transform_indices = #map}, {transform_indices = #map1}, {transform_indices = #map1}, {transform_indices = #map}]} {
    %mul3A = arith.constant 64 : i32
    %mul3A_0 = arith.muli %arg0, %mul3A : i32
    %iota3A = tpu.iota {dimensions = array<i32: 0>} : vector<16xi32>
    %and3A = arith.constant 1 : i32
    %and3A_1 = vector.broadcast %and3A : i32 to vector<16xi32>
    %and3A_2 = arith.andi %iota3A, %and3A_1 : vector<16xi32>
    %eq3A = arith.constant 0 : i32
    %eq3A_3 = vector.broadcast %eq3A : i32 to vector<16xi32>
    %eq3A_4 = arith.cmpi eq, %and3A_2, %eq3A_3 : vector<16xi32>
    %mul3A_5 = arith.constant 0 : i32
    %mul3A_6 = vector.broadcast %mul3A_5 : i32 to vector<16xi32>
    %mul3A_7 = arith.muli %iota3A, %mul3A_6 : vector<16xi32>
    %broadcast_in_dim3A = arith.constant true
    %broadcast_in_dim3A_8 = vector.broadcast %broadcast_in_dim3A : i1 to vector<16xi1>
    %unique3A, %unique3A_9 = tpu.scan_count mask(%broadcast_in_dim3A_8 : vector<16xi1>) value(%mul3A_7 : vector<16xi32>) : vector<16xi1>, vector<16xi32>
    %slice3A = vector.extract_strided_slice %unique3A_9 {offsets = [0], sizes = [1], strides = [1]} : vector<16xi32> to vector<1xi32>
    %squeeze3A = vector.extract %slice3A[0] : i32 from vector<1xi32>
    %broadcast_in_dim3A_10 = arith.constant 0x7F800000 : f32
    %broadcast_in_dim3A_11 = vector.broadcast %broadcast_in_dim3A_10 : f32 to vector<16xf32>
    %sub3A = arith.constant 50 : i32
    %sub3A_12 = arith.subi %sub3A, %arg1 : i32
    %add3A = arith.constant 15 : i32
    %add3A_13 = arith.addi %sub3A_12, %add3A : i32
    %jit3A = arith.constant 16 : i32
    %div3A = arith.divsi %add3A_13, %jit3A : i32
    %sign3A = arith.constant 0 : i32
    %sign3A_14 = arith.cmpi sgt, %add3A_13, %sign3A : i32
    %sign3A_15 = arith.extui %sign3A_14 : i1 to i32
    %sign3A_16 = arith.constant 0 : i32
    %sign3A_17 = arith.cmpi slt, %add3A_13, %sign3A_16 : i32
    %sign3A_18 = arith.extui %sign3A_17 : i1 to i32
    %sign3A_19 = arith.subi %sign3A_15, %sign3A_18 : i32
    %sign3A_20 = arith.constant 0 : i32
    %sign3A_21 = arith.cmpi sgt, %jit3A, %sign3A_20 : i32
    %sign3A_22 = arith.extui %sign3A_21 : i1 to i32
    %sign3A_23 = arith.constant 0 : i32
    %sign3A_24 = arith.cmpi slt, %jit3A, %sign3A_23 : i32
    %sign3A_25 = arith.extui %sign3A_24 : i1 to i32
    %sign3A_26 = arith.subi %sign3A_22, %sign3A_25 : i32
    %ne3A = arith.cmpi ne, %sign3A_19, %sign3A_26 : i32
    %rem3A = arith.remsi %add3A_13, %jit3A : i32
    %ne3A_27 = arith.constant 0 : i32
    %ne3A_28 = arith.cmpi ne, %rem3A, %ne3A_27 : i32
    %and3A_29 = arith.andi %ne3A, %ne3A_28 : i1
    %sub3A_30 = arith.constant 1 : i32
    %sub3A_31 = arith.subi %div3A, %sub3A_30 : i32
    %select_n3A = arith.select %and3A_29, %sub3A_31, %div3A : i32
    %gt3A = arith.constant 0 : i32
    "tpu.trace_start"() <{level = 10 : i32, message = "phase_a_scan"}> : () -> ()
    %gt3A_32 = arith.cmpi sgt, %select_n3A, %gt3A : i32
    %convert_element_type3A = arith.extui %gt3A_32 : i1 to i32
    %cond3A = arith.constant 0 : i32
    %cond3A_33 = arith.cmpi ne, %convert_element_type3A, %cond3A : i32
    scf.if %cond3A_33 {
      %add3A_321 = arith.constant 0 : i32
      %add3A_322 = arith.addi %arg1, %add3A_321 : i32
      %mul3A_323 = arith.constant 2000 : i32
      %mul3A_324 = arith.muli %add3A_322, %mul3A_323 : i32
      %mul3A_325 = arith.constant 2 : i32
      %mul3A_326 = arith.muli %mul3A_324, %mul3A_325 : i32
      %dma_start3A = tpu.memref_slice %arg3[%mul3A_326] : memref<200000xf32, #tpu.memory_space<hbm>> -> memref<4000xf32, #tpu.memory_space<hbm>>
      %dma_start3A_327 = tpu.memref_slice %arg3[%mul3A_326] : memref<200000xf32, #tpu.memory_space<hbm>> -> memref<4000xf32, #tpu.memory_space<hbm>>
      tpu.enqueue_dma source(%dma_start3A_327 : memref<4000xf32, #tpu.memory_space<hbm>>) target(%arg13 : memref<4000xf32, #tpu.memory_space<vmem>>) target_semaphore(%arg25 : memref<!tpu.dma_semaphore, #tpu.memory_space<semaphore_mem>>)
      %mul3A_328 = arith.constant 2000 : i32
      %mul3A_329 = arith.muli %add3A_322, %mul3A_328 : i32
      %dma_start3A_330 = tpu.memref_slice %arg4[%mul3A_329] : memref<100000xi32, #tpu.memory_space<hbm>> -> memref<2000xi32, #tpu.memory_space<hbm>>
      %dma_start3A_331 = tpu.memref_slice %arg4[%mul3A_329] : memref<100000xi32, #tpu.memory_space<hbm>> -> memref<2000xi32, #tpu.memory_space<hbm>>
      tpu.enqueue_dma source(%dma_start3A_331 : memref<2000xi32, #tpu.memory_space<hbm>>) target(%arg14 : memref<2000xi32, #tpu.memory_space<vmem>>) target_semaphore(%arg25 : memref<!tpu.dma_semaphore, #tpu.memory_space<semaphore_mem>>)
    } else {
    }
    %add3A_34 = arith.constant 1 : i32
    %add3A_35 = arith.addi %select_n3A, %add3A_34 : i32
    %jit3A_36 = arith.constant 2 : i32
    %div3A_37 = arith.divsi %add3A_35, %jit3A_36 : i32
    %sign3A_38 = arith.constant 0 : i32
    %sign3A_39 = arith.cmpi sgt, %add3A_35, %sign3A_38 : i32
    %sign3A_40 = arith.extui %sign3A_39 : i1 to i32
    %sign3A_41 = arith.constant 0 : i32
    %sign3A_42 = arith.cmpi slt, %add3A_35, %sign3A_41 : i32
    %sign3A_43 = arith.extui %sign3A_42 : i1 to i32
    %sign3A_44 = arith.subi %sign3A_40, %sign3A_43 : i32
    %sign3A_45 = arith.constant 0 : i32
    %sign3A_46 = arith.cmpi sgt, %jit3A_36, %sign3A_45 : i32
    %sign3A_47 = arith.extui %sign3A_46 : i1 to i32
    %sign3A_48 = arith.constant 0 : i32
    %sign3A_49 = arith.cmpi slt, %jit3A_36, %sign3A_48 : i32
    %sign3A_50 = arith.extui %sign3A_49 : i1 to i32
    %sign3A_51 = arith.subi %sign3A_47, %sign3A_50 : i32
    %ne3A_52 = arith.cmpi ne, %sign3A_44, %sign3A_51 : i32
    %rem3A_53 = arith.remsi %add3A_35, %jit3A_36 : i32
    %ne3A_54 = arith.constant 0 : i32
    %ne3A_55 = arith.cmpi ne, %rem3A_53, %ne3A_54 : i32
    %and3A_56 = arith.andi %ne3A_52, %ne3A_55 : i1
    %sub3A_57 = arith.constant 1 : i32
    %sub3A_58 = arith.subi %div3A_37, %sub3A_57 : i32
    %select_n3A_59 = arith.select %and3A_56, %sub3A_58, %div3A_37 : i32
    %neg3A = arith.constant 0.000000e+00 : f32
    %neg3A_60 = vector.broadcast %neg3A : f32 to vector<16xf32>
    %neg3A_61 = arith.subf %neg3A_60, %broadcast_in_dim3A_11 : vector<16xf32>
    %broadcast_in_dim3A_62 = arith.constant 0 : i32
    %broadcast_in_dim3A_63 = vector.broadcast %broadcast_in_dim3A_62 : i32 to vector<16xi32>
    %while3A = arith.constant 0 : i32
    %while3A_64 = arith.subi %select_n3A_59, %while3A : i32
    %while3A_65 = arith.addi %while3A, %while3A_64 : i32
    %while3A_66 = arith.constant 1 : i32
    %while3A_67 = arith.divsi %while3A_64, %while3A_66 : i32
    %while3A_68 = arith.muli %while3A_67, %while3A_66 : i32
    %while3A_69 = arith.addi %while3A, %while3A_68 : i32
    %while3A_70 = arith.constant 1 : i32
    %while3A_71:3 = scf.for %while3A_321 = %while3A to %while3A_69 step %while3A_70 iter_args(%while3A_322 = %broadcast_in_dim3A_11, %while3A_323 = %neg3A_61, %while3A_324 = %broadcast_in_dim3A_63) -> (vector<16xf32>, vector<16xf32>, vector<16xi32>)  : i32 {
      %mul3A_325 = arith.constant 2 : i32
      %mul3A_326 = arith.muli %mul3A_325, %while3A_321 : i32
      %add3A_327 = arith.constant 1 : i32
      %add3A_328 = arith.addi %mul3A_326, %add3A_327 : i32
      %lt3A_329 = arith.cmpi slt, %add3A_328, %select_n3A : i32
      %convert_element_type3A_330 = arith.extui %lt3A_329 : i1 to i32
      %cond3A_331 = arith.constant 0 : i32
      %cond3A_332 = arith.cmpi ne, %convert_element_type3A_330, %cond3A_331 : i32
      scf.if %cond3A_332 {
        %mul3A_374 = arith.constant 16 : i32
        %mul3A_375 = arith.muli %mul3A_374, %add3A_328 : i32
        %add3A_376 = arith.addi %arg1, %mul3A_375 : i32
        %mul3A_377 = arith.constant 2000 : i32
        %mul3A_378 = arith.muli %add3A_376, %mul3A_377 : i32
        %mul3A_379 = arith.constant 2 : i32
        %mul3A_380 = arith.muli %mul3A_378, %mul3A_379 : i32
        %dma_start3A = tpu.memref_slice %arg3[%mul3A_380] : memref<200000xf32, #tpu.memory_space<hbm>> -> memref<4000xf32, #tpu.memory_space<hbm>>
        %dma_start3A_381 = tpu.memref_slice %arg3[%mul3A_380] : memref<200000xf32, #tpu.memory_space<hbm>> -> memref<4000xf32, #tpu.memory_space<hbm>>
        tpu.enqueue_dma source(%dma_start3A_381 : memref<4000xf32, #tpu.memory_space<hbm>>) target(%arg15 : memref<4000xf32, #tpu.memory_space<vmem>>) target_semaphore(%arg26 : memref<!tpu.dma_semaphore, #tpu.memory_space<semaphore_mem>>)
        %mul3A_382 = arith.constant 2000 : i32
        %mul3A_383 = arith.muli %add3A_376, %mul3A_382 : i32
        %dma_start3A_384 = tpu.memref_slice %arg4[%mul3A_383] : memref<100000xi32, #tpu.memory_space<hbm>> -> memref<2000xi32, #tpu.memory_space<hbm>>
        %dma_start3A_385 = tpu.memref_slice %arg4[%mul3A_383] : memref<100000xi32, #tpu.memory_space<hbm>> -> memref<2000xi32, #tpu.memory_space<hbm>>
        tpu.enqueue_dma source(%dma_start3A_385 : memref<2000xi32, #tpu.memory_space<hbm>>) target(%arg16 : memref<2000xi32, #tpu.memory_space<vmem>>) target_semaphore(%arg26 : memref<!tpu.dma_semaphore, #tpu.memory_space<semaphore_mem>>)
      } else {
      }
      %dma_wait3A = arith.constant 0 : i32
      %dma_wait3A_333 = tpu.memref_slice %arg3[%dma_wait3A] : memref<200000xf32, #tpu.memory_space<hbm>> -> memref<4000xf32, #tpu.memory_space<hbm>>
      %dma_wait3A_334 = arith.constant 0 : i32
      %dma_wait3A_335 = tpu.memref_slice %arg3[%dma_wait3A_334] : memref<200000xf32, #tpu.memory_space<hbm>> -> memref<4000xf32, #tpu.memory_space<hbm>>
      tpu.wait_dma2 semaphore(%arg25 : memref<!tpu.dma_semaphore, #tpu.memory_space<semaphore_mem>>) src(%dma_wait3A_335 : memref<4000xf32, #tpu.memory_space<hbm>>) dst(%arg13 : memref<4000xf32, #tpu.memory_space<vmem>>)
      %dma_wait3A_336 = arith.constant 0 : i32
      %dma_wait3A_337 = tpu.memref_slice %arg4[%dma_wait3A_336] : memref<100000xi32, #tpu.memory_space<hbm>> -> memref<2000xi32, #tpu.memory_space<hbm>>
      %dma_wait3A_338 = arith.constant 0 : i32
      %dma_wait3A_339 = tpu.memref_slice %arg4[%dma_wait3A_338] : memref<100000xi32, #tpu.memory_space<hbm>> -> memref<2000xi32, #tpu.memory_space<hbm>>
      tpu.wait_dma2 semaphore(%arg25 : memref<!tpu.dma_semaphore, #tpu.memory_space<semaphore_mem>>) src(%dma_wait3A_339 : memref<2000xi32, #tpu.memory_space<hbm>>) dst(%arg14 : memref<2000xi32, #tpu.memory_space<vmem>>)
      %parallel_loop3A_340 = arith.constant 0 : i32
      %parallel_loop3A_341 = arith.constant 250 : i32
      %parallel_loop3A_342 = arith.constant 1 : i32
      %parallel_loop3A_343:2 = scf.for %parallel_loop3A_374 = %parallel_loop3A_340 to %parallel_loop3A_341 step %parallel_loop3A_342 iter_args(%parallel_loop3A_375 = %while3A_322, %parallel_loop3A_376 = %while3A_323) -> (vector<16xf32>, vector<16xf32>)  : i32 {
        %parallel_loop3A_377 = arith.constant 16 : i32
        %parallel_loop3A_378 = arith.muli %parallel_loop3A_374, %parallel_loop3A_377 : i32
        %parallel_loop3A_379 = arith.index_cast %parallel_loop3A_378 : i32 to index
        %parallel_loop3A_380 = tpu.vector_load %arg13[%parallel_loop3A_379] {strides = array<i32>} : memref<4000xf32, #tpu.memory_space<vmem>>, vector<16xf32>,
        %parallel_loop3A_381 = arith.minimumf %parallel_loop3A_375, %parallel_loop3A_380 : vector<16xf32>
        %parallel_loop3A_382 = arith.maximumf %parallel_loop3A_376, %parallel_loop3A_380 : vector<16xf32>
        scf.yield %parallel_loop3A_381, %parallel_loop3A_382 : vector<16xf32>, vector<16xf32>
      } {sc.loop_unroll_factor = 8 : i64, sc.parallel_access}
      %get3A = arith.constant 0 : index
      %get3A_344 = tpu.vector_load %arg14[%get3A] {strides = array<i32>} : memref<2000xi32, #tpu.memory_space<vmem>>, vector<16xi32>,
      %slice3A_345 = vector.extract_strided_slice %get3A_344 {offsets = [0], sizes = [1], strides = [1]} : vector<16xi32> to vector<1xi32>
      %squeeze3A_346 = vector.extract %slice3A_345[0] : i32 from vector<1xi32>
      %get3A_347 = arith.constant 1984 : index
      %get3A_348 = tpu.vector_load %arg14[%get3A_347] {strides = array<i32>} : memref<2000xi32, #tpu.memory_space<vmem>>, vector<16xi32>,
      %slice3A_349 = vector.extract_strided_slice %get3A_348 {offsets = [15], sizes = [1], strides = [1]} : vector<16xi32> to vector<1xi32>
      %squeeze3A_350 = vector.extract %slice3A_349[0] : i32 from vector<1xi32>
      %add3A_351 = arith.constant 1 : i32
      %add3A_352 = arith.addi %squeeze3A_350, %add3A_351 : i32
      %while3A_353 = arith.subi %add3A_352, %squeeze3A_346 : i32
      %while3A_354 = arith.addi %squeeze3A_346, %while3A_353 : i32
      %while3A_355 = arith.constant 1 : i32
      %while3A_356 = arith.divsi %while3A_353, %while3A_355 : i32
      %while3A_357 = arith.muli %while3A_356, %while3A_355 : i32
      %while3A_358 = arith.addi %squeeze3A_346, %while3A_357 : i32
      %while3A_359 = arith.constant 1 : i32
      %while3A_360 = scf.for %while3A_374 = %squeeze3A_346 to %while3A_358 step %while3A_359 iter_args(%while3A_375 = %while3A_324) -> (vector<16xi32>)  : i32 {
        %broadcast_in_dim3A_376 = arith.constant 0 : i32
        %broadcast_in_dim3A_377 = vector.broadcast %broadcast_in_dim3A_376 : i32 to vector<16xi32>
        %parallel_loop3A_378 = arith.constant 0 : i32
        %parallel_loop3A_379 = arith.constant 125 : i32
        %parallel_loop3A_380 = arith.constant 1 : i32
        %parallel_loop3A_381 = scf.for %parallel_loop3A_392 = %parallel_loop3A_378 to %parallel_loop3A_379 step %parallel_loop3A_380 iter_args(%parallel_loop3A_393 = %broadcast_in_dim3A_377) -> (vector<16xi32>)  : i32 {
          %parallel_loop3A_394 = arith.constant 16 : i32
          %parallel_loop3A_395 = arith.muli %parallel_loop3A_392, %parallel_loop3A_394 : i32
          %parallel_loop3A_396 = arith.index_cast %parallel_loop3A_395 : i32 to index
          %parallel_loop3A_397 = tpu.vector_load %arg14[%parallel_loop3A_396] {strides = array<i32>} : memref<2000xi32, #tpu.memory_space<vmem>>, vector<16xi32>,
          %parallel_loop3A_398 = vector.broadcast %while3A_374 : i32 to vector<16xi32>
          %parallel_loop3A_399 = arith.cmpi eq, %parallel_loop3A_397, %parallel_loop3A_398 : vector<16xi32>
          %parallel_loop3A_400 = arith.constant 1 : i32
          %parallel_loop3A_401 = arith.constant 0 : i32
          %parallel_loop3A_402 = vector.broadcast %parallel_loop3A_400 : i32 to vector<16xi32>
          %parallel_loop3A_403 = vector.broadcast %parallel_loop3A_401 : i32 to vector<16xi32>
          %parallel_loop3A_404 = arith.select %parallel_loop3A_399, %parallel_loop3A_402, %parallel_loop3A_403 : vector<16xi1>, vector<16xi32>
          %parallel_loop3A_405 = arith.addi %parallel_loop3A_393, %parallel_loop3A_404 : vector<16xi32>
          scf.yield %parallel_loop3A_405 : vector<16xi32>
        } {sc.loop_unroll_factor = 8 : i64, sc.parallel_access}
        %reduce_sum3A = arith.constant true
        %reduce_sum3A_382 = vector.broadcast %reduce_sum3A : i1 to vector<16xi1>
        %reduce_sum3A_383 = tpu.scan <sum>, %parallel_loop3A_381 masked %reduce_sum3A_382 : vector<16xi32>, vector<16xi1> -> vector<16xi32>
        %reduce_sum3A_384 = vector.extract %reduce_sum3A_383[15] : i32 from vector<16xi32>
        %eq3A_385 = vector.broadcast %while3A_374 : i32 to vector<16xi32>
        %eq3A_386 = arith.cmpi eq, %iota3A, %eq3A_385 : vector<16xi32>
        %jit3A_387 = arith.constant 0 : i32
        %broadcast_in_dim3A_388 = vector.broadcast %reduce_sum3A_384 : i32 to vector<16xi32>
        %broadcast_in_dim3A_389 = vector.broadcast %jit3A_387 : i32 to vector<16xi32>
        %select_n3A_390 = arith.select %eq3A_386, %broadcast_in_dim3A_388, %broadcast_in_dim3A_389 : vector<16xi1>, vector<16xi32>
        %add3A_391 = arith.addi %while3A_375, %select_n3A_390 : vector<16xi32>
        scf.yield %add3A_391 : vector<16xi32>
      }
      %while3A_361 = arith.constant 1 : i32
      %while3A_362 = scf.for %while3A_374 = %while3A_358 to %while3A_354 step %while3A_361 iter_args(%while3A_375 = %while3A_360) -> (vector<16xi32>)  : i32 {
        %broadcast_in_dim3A_376 = arith.constant 0 : i32
        %broadcast_in_dim3A_377 = vector.broadcast %broadcast_in_dim3A_376 : i32 to vector<16xi32>
        %parallel_loop3A_378 = arith.constant 0 : i32
        %parallel_loop3A_379 = arith.constant 125 : i32
        %parallel_loop3A_380 = arith.constant 1 : i32
        %parallel_loop3A_381 = scf.for %parallel_loop3A_392 = %parallel_loop3A_378 to %parallel_loop3A_379 step %parallel_loop3A_380 iter_args(%parallel_loop3A_393 = %broadcast_in_dim3A_377) -> (vector<16xi32>)  : i32 {
          %parallel_loop3A_394 = arith.constant 16 : i32
          %parallel_loop3A_395 = arith.muli %parallel_loop3A_392, %parallel_loop3A_394 : i32
          %parallel_loop3A_396 = arith.index_cast %parallel_loop3A_395 : i32 to index
          %parallel_loop3A_397 = tpu.vector_load %arg14[%parallel_loop3A_396] {strides = array<i32>} : memref<2000xi32, #tpu.memory_space<vmem>>, vector<16xi32>,
          %parallel_loop3A_398 = vector.broadcast %while3A_374 : i32 to vector<16xi32>
          %parallel_loop3A_399 = arith.cmpi eq, %parallel_loop3A_397, %parallel_loop3A_398 : vector<16xi32>
          %parallel_loop3A_400 = arith.constant 1 : i32
          %parallel_loop3A_401 = arith.constant 0 : i32
          %parallel_loop3A_402 = vector.broadcast %parallel_loop3A_400 : i32 to vector<16xi32>
          %parallel_loop3A_403 = vector.broadcast %parallel_loop3A_401 : i32 to vector<16xi32>
          %parallel_loop3A_404 = arith.select %parallel_loop3A_399, %parallel_loop3A_402, %parallel_loop3A_403 : vector<16xi1>, vector<16xi32>
          %parallel_loop3A_405 = arith.addi %parallel_loop3A_393, %parallel_loop3A_404 : vector<16xi32>
          scf.yield %parallel_loop3A_405 : vector<16xi32>
        } {sc.loop_unroll_factor = 8 : i64, sc.parallel_access}
        %reduce_sum3A = arith.constant true
        %reduce_sum3A_382 = vector.broadcast %reduce_sum3A : i1 to vector<16xi1>
        %reduce_sum3A_383 = tpu.scan <sum>, %parallel_loop3A_381 masked %reduce_sum3A_382 : vector<16xi32>, vector<16xi1> -> vector<16xi32>
        %reduce_sum3A_384 = vector.extract %reduce_sum3A_383[15] : i32 from vector<16xi32>
        %eq3A_385 = vector.broadcast %while3A_374 : i32 to vector<16xi32>
        %eq3A_386 = arith.cmpi eq, %iota3A, %eq3A_385 : vector<16xi32>
        %jit3A_387 = arith.constant 0 : i32
        %broadcast_in_dim3A_388 = vector.broadcast %reduce_sum3A_384 : i32 to vector<16xi32>
        %broadcast_in_dim3A_389 = vector.broadcast %jit3A_387 : i32 to vector<16xi32>
        %select_n3A_390 = arith.select %eq3A_386, %broadcast_in_dim3A_388, %broadcast_in_dim3A_389 : vector<16xi1>, vector<16xi32>
        %add3A_391 = arith.addi %while3A_375, %select_n3A_390 : vector<16xi32>
        scf.yield %add3A_391 : vector<16xi32>
      }
      %add3A_363 = arith.constant 2 : i32
      %add3A_364 = arith.addi %mul3A_326, %add3A_363 : i32
      %lt3A_365 = arith.cmpi slt, %add3A_364, %select_n3A : i32
      %convert_element_type3A_366 = arith.extui %lt3A_365 : i1 to i32
      %cond3A_367 = arith.constant 0 : i32
      %cond3A_368 = arith.cmpi ne, %convert_element_type3A_366, %cond3A_367 : i32
      scf.if %cond3A_368 {
        %add3A_374 = arith.constant 2 : i32
        %add3A_375 = arith.addi %mul3A_326, %add3A_374 : i32
        %mul3A_376 = arith.constant 16 : i32
        %mul3A_377 = arith.muli %mul3A_376, %add3A_375 : i32
        %add3A_378 = arith.addi %arg1, %mul3A_377 : i32
        %mul3A_379 = arith.constant 2000 : i32
        %mul3A_380 = arith.muli %add3A_378, %mul3A_379 : i32
        %mul3A_381 = arith.constant 2 : i32
        %mul3A_382 = arith.muli %mul3A_380, %mul3A_381 : i32
        %dma_start3A = tpu.memref_slice %arg3[%mul3A_382] : memref<200000xf32, #tpu.memory_space<hbm>> -> memref<4000xf32, #tpu.memory_space<hbm>>
        %dma_start3A_383 = tpu.memref_slice %arg3[%mul3A_382] : memref<200000xf32, #tpu.memory_space<hbm>> -> memref<4000xf32, #tpu.memory_space<hbm>>
        tpu.enqueue_dma source(%dma_start3A_383 : memref<4000xf32, #tpu.memory_space<hbm>>) target(%arg13 : memref<4000xf32, #tpu.memory_space<vmem>>) target_semaphore(%arg25 : memref<!tpu.dma_semaphore, #tpu.memory_space<semaphore_mem>>)
        %mul3A_384 = arith.constant 2000 : i32
        %mul3A_385 = arith.muli %add3A_378, %mul3A_384 : i32
        %dma_start3A_386 = tpu.memref_slice %arg4[%mul3A_385] : memref<100000xi32, #tpu.memory_space<hbm>> -> memref<2000xi32, #tpu.memory_space<hbm>>
        %dma_start3A_387 = tpu.memref_slice %arg4[%mul3A_385] : memref<100000xi32, #tpu.memory_space<hbm>> -> memref<2000xi32, #tpu.memory_space<hbm>>
        tpu.enqueue_dma source(%dma_start3A_387 : memref<2000xi32, #tpu.memory_space<hbm>>) target(%arg14 : memref<2000xi32, #tpu.memory_space<vmem>>) target_semaphore(%arg25 : memref<!tpu.dma_semaphore, #tpu.memory_space<semaphore_mem>>)
      } else {
      }
      %lt3A_369 = arith.cmpi slt, %add3A_328, %select_n3A : i32
      %convert_element_type3A_370 = arith.extui %lt3A_369 : i1 to i32
      %cond3A_371 = arith.constant 0 : i32
      %cond3A_372 = arith.cmpi ne, %convert_element_type3A_370, %cond3A_371 : i32
      %cond3A_373:3 = scf.if %cond3A_372 -> (vector<16xf32>, vector<16xf32>, vector<16xi32>) {
        %dma_wait3A_374 = arith.constant 0 : i32
        %dma_wait3A_375 = tpu.memref_slice %arg3[%dma_wait3A_374] : memref<200000xf32, #tpu.memory_space<hbm>> -> memref<4000xf32, #tpu.memory_space<hbm>>
        %dma_wait3A_376 = arith.constant 0 : i32
        %dma_wait3A_377 = tpu.memref_slice %arg3[%dma_wait3A_376] : memref<200000xf32, #tpu.memory_space<hbm>> -> memref<4000xf32, #tpu.memory_space<hbm>>
        tpu.wait_dma2 semaphore(%arg26 : memref<!tpu.dma_semaphore, #tpu.memory_space<semaphore_mem>>) src(%dma_wait3A_377 : memref<4000xf32, #tpu.memory_space<hbm>>) dst(%arg15 : memref<4000xf32, #tpu.memory_space<vmem>>)
        %dma_wait3A_378 = arith.constant 0 : i32
        %dma_wait3A_379 = tpu.memref_slice %arg4[%dma_wait3A_378] : memref<100000xi32, #tpu.memory_space<hbm>> -> memref<2000xi32, #tpu.memory_space<hbm>>
        %dma_wait3A_380 = arith.constant 0 : i32
        %dma_wait3A_381 = tpu.memref_slice %arg4[%dma_wait3A_380] : memref<100000xi32, #tpu.memory_space<hbm>> -> memref<2000xi32, #tpu.memory_space<hbm>>
        tpu.wait_dma2 semaphore(%arg26 : memref<!tpu.dma_semaphore, #tpu.memory_space<semaphore_mem>>) src(%dma_wait3A_381 : memref<2000xi32, #tpu.memory_space<hbm>>) dst(%arg16 : memref<2000xi32, #tpu.memory_space<vmem>>)
        %parallel_loop3A_382 = arith.constant 0 : i32
        %parallel_loop3A_383 = arith.constant 250 : i32
        %parallel_loop3A_384 = arith.constant 1 : i32
        %parallel_loop3A_385:2 = scf.for %parallel_loop3A_406 = %parallel_loop3A_382 to %parallel_loop3A_383 step %parallel_loop3A_384 iter_args(%parallel_loop3A_407 = %parallel_loop3A_343#0, %parallel_loop3A_408 = %parallel_loop3A_343#1) -> (vector<16xf32>, vector<16xf32>)  : i32 {
          %parallel_loop3A_409 = arith.constant 16 : i32
          %parallel_loop3A_410 = arith.muli %parallel_loop3A_406, %parallel_loop3A_409 : i32
          %parallel_loop3A_411 = arith.index_cast %parallel_loop3A_410 : i32 to index
          %parallel_loop3A_412 = tpu.vector_load %arg15[%parallel_loop3A_411] {strides = array<i32>} : memref<4000xf32, #tpu.memory_space<vmem>>, vector<16xf32>,
          %parallel_loop3A_413 = arith.minimumf %parallel_loop3A_407, %parallel_loop3A_412 : vector<16xf32>
          %parallel_loop3A_414 = arith.maximumf %parallel_loop3A_408, %parallel_loop3A_412 : vector<16xf32>
          scf.yield %parallel_loop3A_413, %parallel_loop3A_414 : vector<16xf32>, vector<16xf32>
        } {sc.loop_unroll_factor = 8 : i64, sc.parallel_access}
        %get3A_386 = arith.constant 0 : index
        %get3A_387 = tpu.vector_load %arg16[%get3A_386] {strides = array<i32>} : memref<2000xi32, #tpu.memory_space<vmem>>, vector<16xi32>,
        %slice3A_388 = vector.extract_strided_slice %get3A_387 {offsets = [0], sizes = [1], strides = [1]} : vector<16xi32> to vector<1xi32>
        %squeeze3A_389 = vector.extract %slice3A_388[0] : i32 from vector<1xi32>
        %get3A_390 = arith.constant 1984 : index
        %get3A_391 = tpu.vector_load %arg16[%get3A_390] {strides = array<i32>} : memref<2000xi32, #tpu.memory_space<vmem>>, vector<16xi32>,
        %slice3A_392 = vector.extract_strided_slice %get3A_391 {offsets = [15], sizes = [1], strides = [1]} : vector<16xi32> to vector<1xi32>
        %squeeze3A_393 = vector.extract %slice3A_392[0] : i32 from vector<1xi32>
        %add3A_394 = arith.constant 1 : i32
        %add3A_395 = arith.addi %squeeze3A_393, %add3A_394 : i32
        %while3A_396 = arith.subi %add3A_395, %squeeze3A_389 : i32
        %while3A_397 = arith.addi %squeeze3A_389, %while3A_396 : i32
        %while3A_398 = arith.constant 1 : i32
        %while3A_399 = arith.divsi %while3A_396, %while3A_398 : i32
        %while3A_400 = arith.muli %while3A_399, %while3A_398 : i32
        %while3A_401 = arith.addi %squeeze3A_389, %while3A_400 : i32
        %while3A_402 = arith.constant 1 : i32
        %while3A_403 = scf.for %while3A_406 = %squeeze3A_389 to %while3A_401 step %while3A_402 iter_args(%while3A_407 = %while3A_362) -> (vector<16xi32>)  : i32 {
          %broadcast_in_dim3A_408 = arith.constant 0 : i32
          %broadcast_in_dim3A_409 = vector.broadcast %broadcast_in_dim3A_408 : i32 to vector<16xi32>
          %parallel_loop3A_410 = arith.constant 0 : i32
          %parallel_loop3A_411 = arith.constant 125 : i32
          %parallel_loop3A_412 = arith.constant 1 : i32
          %parallel_loop3A_413 = scf.for %parallel_loop3A_424 = %parallel_loop3A_410 to %parallel_loop3A_411 step %parallel_loop3A_412 iter_args(%parallel_loop3A_425 = %broadcast_in_dim3A_409) -> (vector<16xi32>)  : i32 {
            %parallel_loop3A_426 = arith.constant 16 : i32
            %parallel_loop3A_427 = arith.muli %parallel_loop3A_424, %parallel_loop3A_426 : i32
            %parallel_loop3A_428 = arith.index_cast %parallel_loop3A_427 : i32 to index
            %parallel_loop3A_429 = tpu.vector_load %arg16[%parallel_loop3A_428] {strides = array<i32>} : memref<2000xi32, #tpu.memory_space<vmem>>, vector<16xi32>,
            %parallel_loop3A_430 = vector.broadcast %while3A_406 : i32 to vector<16xi32>
            %parallel_loop3A_431 = arith.cmpi eq, %parallel_loop3A_429, %parallel_loop3A_430 : vector<16xi32>
            %parallel_loop3A_432 = arith.constant 1 : i32
            %parallel_loop3A_433 = arith.constant 0 : i32
            %parallel_loop3A_434 = vector.broadcast %parallel_loop3A_432 : i32 to vector<16xi32>
            %parallel_loop3A_435 = vector.broadcast %parallel_loop3A_433 : i32 to vector<16xi32>
            %parallel_loop3A_436 = arith.select %parallel_loop3A_431, %parallel_loop3A_434, %parallel_loop3A_435 : vector<16xi1>, vector<16xi32>
            %parallel_loop3A_437 = arith.addi %parallel_loop3A_425, %parallel_loop3A_436 : vector<16xi32>
            scf.yield %parallel_loop3A_437 : vector<16xi32>
          } {sc.loop_unroll_factor = 8 : i64, sc.parallel_access}
          %reduce_sum3A = arith.constant true
          %reduce_sum3A_414 = vector.broadcast %reduce_sum3A : i1 to vector<16xi1>
          %reduce_sum3A_415 = tpu.scan <sum>, %parallel_loop3A_413 masked %reduce_sum3A_414 : vector<16xi32>, vector<16xi1> -> vector<16xi32>
          %reduce_sum3A_416 = vector.extract %reduce_sum3A_415[15] : i32 from vector<16xi32>
          %eq3A_417 = vector.broadcast %while3A_406 : i32 to vector<16xi32>
          %eq3A_418 = arith.cmpi eq, %iota3A, %eq3A_417 : vector<16xi32>
          %jit3A_419 = arith.constant 0 : i32
          %broadcast_in_dim3A_420 = vector.broadcast %reduce_sum3A_416 : i32 to vector<16xi32>
          %broadcast_in_dim3A_421 = vector.broadcast %jit3A_419 : i32 to vector<16xi32>
          %select_n3A_422 = arith.select %eq3A_418, %broadcast_in_dim3A_420, %broadcast_in_dim3A_421 : vector<16xi1>, vector<16xi32>
          %add3A_423 = arith.addi %while3A_407, %select_n3A_422 : vector<16xi32>
          scf.yield %add3A_423 : vector<16xi32>
        }
        %while3A_404 = arith.constant 1 : i32
        %while3A_405 = scf.for %while3A_406 = %while3A_401 to %while3A_397 step %while3A_404 iter_args(%while3A_407 = %while3A_403) -> (vector<16xi32>)  : i32 {
          %broadcast_in_dim3A_408 = arith.constant 0 : i32
          %broadcast_in_dim3A_409 = vector.broadcast %broadcast_in_dim3A_408 : i32 to vector<16xi32>
          %parallel_loop3A_410 = arith.constant 0 : i32
          %parallel_loop3A_411 = arith.constant 125 : i32
          %parallel_loop3A_412 = arith.constant 1 : i32
          %parallel_loop3A_413 = scf.for %parallel_loop3A_424 = %parallel_loop3A_410 to %parallel_loop3A_411 step %parallel_loop3A_412 iter_args(%parallel_loop3A_425 = %broadcast_in_dim3A_409) -> (vector<16xi32>)  : i32 {
            %parallel_loop3A_426 = arith.constant 16 : i32
            %parallel_loop3A_427 = arith.muli %parallel_loop3A_424, %parallel_loop3A_426 : i32
            %parallel_loop3A_428 = arith.index_cast %parallel_loop3A_427 : i32 to index
            %parallel_loop3A_429 = tpu.vector_load %arg16[%parallel_loop3A_428] {strides = array<i32>} : memref<2000xi32, #tpu.memory_space<vmem>>, vector<16xi32>,
            %parallel_loop3A_430 = vector.broadcast %while3A_406 : i32 to vector<16xi32>
            %parallel_loop3A_431 = arith.cmpi eq, %parallel_loop3A_429, %parallel_loop3A_430 : vector<16xi32>
            %parallel_loop3A_432 = arith.constant 1 : i32
            %parallel_loop3A_433 = arith.constant 0 : i32
            %parallel_loop3A_434 = vector.broadcast %parallel_loop3A_432 : i32 to vector<16xi32>
            %parallel_loop3A_435 = vector.broadcast %parallel_loop3A_433 : i32 to vector<16xi32>
            %parallel_loop3A_436 = arith.select %parallel_loop3A_431, %parallel_loop3A_434, %parallel_loop3A_435 : vector<16xi1>, vector<16xi32>
            %parallel_loop3A_437 = arith.addi %parallel_loop3A_425, %parallel_loop3A_436 : vector<16xi32>
            scf.yield %parallel_loop3A_437 : vector<16xi32>
          } {sc.loop_unroll_factor = 8 : i64, sc.parallel_access}
          %reduce_sum3A = arith.constant true
          %reduce_sum3A_414 = vector.broadcast %reduce_sum3A : i1 to vector<16xi1>
          %reduce_sum3A_415 = tpu.scan <sum>, %parallel_loop3A_413 masked %reduce_sum3A_414 : vector<16xi32>, vector<16xi1> -> vector<16xi32>
          %reduce_sum3A_416 = vector.extract %reduce_sum3A_415[15] : i32 from vector<16xi32>
          %eq3A_417 = vector.broadcast %while3A_406 : i32 to vector<16xi32>
          %eq3A_418 = arith.cmpi eq, %iota3A, %eq3A_417 : vector<16xi32>
          %jit3A_419 = arith.constant 0 : i32
          %broadcast_in_dim3A_420 = vector.broadcast %reduce_sum3A_416 : i32 to vector<16xi32>
          %broadcast_in_dim3A_421 = vector.broadcast %jit3A_419 : i32 to vector<16xi32>
          %select_n3A_422 = arith.select %eq3A_418, %broadcast_in_dim3A_420, %broadcast_in_dim3A_421 : vector<16xi1>, vector<16xi32>
          %add3A_423 = arith.addi %while3A_407, %select_n3A_422 : vector<16xi32>
          scf.yield %add3A_423 : vector<16xi32>
        }
        scf.yield %parallel_loop3A_385#0, %parallel_loop3A_385#1, %while3A_405 : vector<16xf32>, vector<16xf32>, vector<16xi32>
      } else {
        scf.yield %parallel_loop3A_343#0, %parallel_loop3A_343#1, %while3A_362 : vector<16xf32>, vector<16xf32>, vector<16xi32>
      }
      scf.yield %cond3A_373#0, %cond3A_373#1, %cond3A_373#2 : vector<16xf32>, vector<16xf32>, vector<16xi32>
    }
    %while3A_72 = arith.constant 1 : i32
    %while3A_73:3 = scf.for %while3A_321 = %while3A_69 to %while3A_65 step %while3A_72 iter_args(%while3A_322 = %while3A_71#0, %while3A_323 = %while3A_71#1, %while3A_324 = %while3A_71#2) -> (vector<16xf32>, vector<16xf32>, vector<16xi32>)  : i32 {
      %mul3A_325 = arith.constant 2 : i32
      %mul3A_326 = arith.muli %mul3A_325, %while3A_321 : i32
      %add3A_327 = arith.constant 1 : i32
      %add3A_328 = arith.addi %mul3A_326, %add3A_327 : i32
      %lt3A_329 = arith.cmpi slt, %add3A_328, %select_n3A : i32
      %convert_element_type3A_330 = arith.extui %lt3A_329 : i1 to i32
      %cond3A_331 = arith.constant 0 : i32
      %cond3A_332 = arith.cmpi ne, %convert_element_type3A_330, %cond3A_331 : i32
      scf.if %cond3A_332 {
        %mul3A_374 = arith.constant 16 : i32
        %mul3A_375 = arith.muli %mul3A_374, %add3A_328 : i32
        %add3A_376 = arith.addi %arg1, %mul3A_375 : i32
        %mul3A_377 = arith.constant 2000 : i32
        %mul3A_378 = arith.muli %add3A_376, %mul3A_377 : i32
        %mul3A_379 = arith.constant 2 : i32
        %mul3A_380 = arith.muli %mul3A_378, %mul3A_379 : i32
        %dma_start3A = tpu.memref_slice %arg3[%mul3A_380] : memref<200000xf32, #tpu.memory_space<hbm>> -> memref<4000xf32, #tpu.memory_space<hbm>>
        %dma_start3A_381 = tpu.memref_slice %arg3[%mul3A_380] : memref<200000xf32, #tpu.memory_space<hbm>> -> memref<4000xf32, #tpu.memory_space<hbm>>
        tpu.enqueue_dma source(%dma_start3A_381 : memref<4000xf32, #tpu.memory_space<hbm>>) target(%arg15 : memref<4000xf32, #tpu.memory_space<vmem>>) target_semaphore(%arg26 : memref<!tpu.dma_semaphore, #tpu.memory_space<semaphore_mem>>)
        %mul3A_382 = arith.constant 2000 : i32
        %mul3A_383 = arith.muli %add3A_376, %mul3A_382 : i32
        %dma_start3A_384 = tpu.memref_slice %arg4[%mul3A_383] : memref<100000xi32, #tpu.memory_space<hbm>> -> memref<2000xi32, #tpu.memory_space<hbm>>
        %dma_start3A_385 = tpu.memref_slice %arg4[%mul3A_383] : memref<100000xi32, #tpu.memory_space<hbm>> -> memref<2000xi32, #tpu.memory_space<hbm>>
        tpu.enqueue_dma source(%dma_start3A_385 : memref<2000xi32, #tpu.memory_space<hbm>>) target(%arg16 : memref<2000xi32, #tpu.memory_space<vmem>>) target_semaphore(%arg26 : memref<!tpu.dma_semaphore, #tpu.memory_space<semaphore_mem>>)
      } else {
      }
      %dma_wait3A = arith.constant 0 : i32
      %dma_wait3A_333 = tpu.memref_slice %arg3[%dma_wait3A] : memref<200000xf32, #tpu.memory_space<hbm>> -> memref<4000xf32, #tpu.memory_space<hbm>>
      %dma_wait3A_334 = arith.constant 0 : i32
      %dma_wait3A_335 = tpu.memref_slice %arg3[%dma_wait3A_334] : memref<200000xf32, #tpu.memory_space<hbm>> -> memref<4000xf32, #tpu.memory_space<hbm>>
      tpu.wait_dma2 semaphore(%arg25 : memref<!tpu.dma_semaphore, #tpu.memory_space<semaphore_mem>>) src(%dma_wait3A_335 : memref<4000xf32, #tpu.memory_space<hbm>>) dst(%arg13 : memref<4000xf32, #tpu.memory_space<vmem>>)
      %dma_wait3A_336 = arith.constant 0 : i32
      %dma_wait3A_337 = tpu.memref_slice %arg4[%dma_wait3A_336] : memref<100000xi32, #tpu.memory_space<hbm>> -> memref<2000xi32, #tpu.memory_space<hbm>>
      %dma_wait3A_338 = arith.constant 0 : i32
      %dma_wait3A_339 = tpu.memref_slice %arg4[%dma_wait3A_338] : memref<100000xi32, #tpu.memory_space<hbm>> -> memref<2000xi32, #tpu.memory_space<hbm>>
      tpu.wait_dma2 semaphore(%arg25 : memref<!tpu.dma_semaphore, #tpu.memory_space<semaphore_mem>>) src(%dma_wait3A_339 : memref<2000xi32, #tpu.memory_space<hbm>>) dst(%arg14 : memref<2000xi32, #tpu.memory_space<vmem>>)
      %parallel_loop3A_340 = arith.constant 0 : i32
      %parallel_loop3A_341 = arith.constant 250 : i32
      %parallel_loop3A_342 = arith.constant 1 : i32
      %parallel_loop3A_343:2 = scf.for %parallel_loop3A_374 = %parallel_loop3A_340 to %parallel_loop3A_341 step %parallel_loop3A_342 iter_args(%parallel_loop3A_375 = %while3A_322, %parallel_loop3A_376 = %while3A_323) -> (vector<16xf32>, vector<16xf32>)  : i32 {
        %parallel_loop3A_377 = arith.constant 16 : i32
        %parallel_loop3A_378 = arith.muli %parallel_loop3A_374, %parallel_loop3A_377 : i32
        %parallel_loop3A_379 = arith.index_cast %parallel_loop3A_378 : i32 to index
        %parallel_loop3A_380 = tpu.vector_load %arg13[%parallel_loop3A_379] {strides = array<i32>} : memref<4000xf32, #tpu.memory_space<vmem>>, vector<16xf32>,
        %parallel_loop3A_381 = arith.minimumf %parallel_loop3A_375, %parallel_loop3A_380 : vector<16xf32>
        %parallel_loop3A_382 = arith.maximumf %parallel_loop3A_376, %parallel_loop3A_380 : vector<16xf32>
        scf.yield %parallel_loop3A_381, %parallel_loop3A_382 : vector<16xf32>, vector<16xf32>
      } {sc.loop_unroll_factor = 8 : i64, sc.parallel_access}
      %get3A = arith.constant 0 : index
      %get3A_344 = tpu.vector_load %arg14[%get3A] {strides = array<i32>} : memref<2000xi32, #tpu.memory_space<vmem>>, vector<16xi32>,
      %slice3A_345 = vector.extract_strided_slice %get3A_344 {offsets = [0], sizes = [1], strides = [1]} : vector<16xi32> to vector<1xi32>
      %squeeze3A_346 = vector.extract %slice3A_345[0] : i32 from vector<1xi32>
      %get3A_347 = arith.constant 1984 : index
      %get3A_348 = tpu.vector_load %arg14[%get3A_347] {strides = array<i32>} : memref<2000xi32, #tpu.memory_space<vmem>>, vector<16xi32>,
      %slice3A_349 = vector.extract_strided_slice %get3A_348 {offsets = [15], sizes = [1], strides = [1]} : vector<16xi32> to vector<1xi32>
      %squeeze3A_350 = vector.extract %slice3A_349[0] : i32 from vector<1xi32>
      %add3A_351 = arith.constant 1 : i32
      %add3A_352 = arith.addi %squeeze3A_350, %add3A_351 : i32
      %while3A_353 = arith.subi %add3A_352, %squeeze3A_346 : i32
      %while3A_354 = arith.addi %squeeze3A_346, %while3A_353 : i32
      %while3A_355 = arith.constant 1 : i32
      %while3A_356 = arith.divsi %while3A_353, %while3A_355 : i32
      %while3A_357 = arith.muli %while3A_356, %while3A_355 : i32
      %while3A_358 = arith.addi %squeeze3A_346, %while3A_357 : i32
      %while3A_359 = arith.constant 1 : i32
      %while3A_360 = scf.for %while3A_374 = %squeeze3A_346 to %while3A_358 step %while3A_359 iter_args(%while3A_375 = %while3A_324) -> (vector<16xi32>)  : i32 {
        %broadcast_in_dim3A_376 = arith.constant 0 : i32
        %broadcast_in_dim3A_377 = vector.broadcast %broadcast_in_dim3A_376 : i32 to vector<16xi32>
        %parallel_loop3A_378 = arith.constant 0 : i32
        %parallel_loop3A_379 = arith.constant 125 : i32
        %parallel_loop3A_380 = arith.constant 1 : i32
        %parallel_loop3A_381 = scf.for %parallel_loop3A_392 = %parallel_loop3A_378 to %parallel_loop3A_379 step %parallel_loop3A_380 iter_args(%parallel_loop3A_393 = %broadcast_in_dim3A_377) -> (vector<16xi32>)  : i32 {
          %parallel_loop3A_394 = arith.constant 16 : i32
          %parallel_loop3A_395 = arith.muli %parallel_loop3A_392, %parallel_loop3A_394 : i32
          %parallel_loop3A_396 = arith.index_cast %parallel_loop3A_395 : i32 to index
          %parallel_loop3A_397 = tpu.vector_load %arg14[%parallel_loop3A_396] {strides = array<i32>} : memref<2000xi32, #tpu.memory_space<vmem>>, vector<16xi32>,
          %parallel_loop3A_398 = vector.broadcast %while3A_374 : i32 to vector<16xi32>
          %parallel_loop3A_399 = arith.cmpi eq, %parallel_loop3A_397, %parallel_loop3A_398 : vector<16xi32>
          %parallel_loop3A_400 = arith.constant 1 : i32
          %parallel_loop3A_401 = arith.constant 0 : i32
          %parallel_loop3A_402 = vector.broadcast %parallel_loop3A_400 : i32 to vector<16xi32>
          %parallel_loop3A_403 = vector.broadcast %parallel_loop3A_401 : i32 to vector<16xi32>
          %parallel_loop3A_404 = arith.select %parallel_loop3A_399, %parallel_loop3A_402, %parallel_loop3A_403 : vector<16xi1>, vector<16xi32>
          %parallel_loop3A_405 = arith.addi %parallel_loop3A_393, %parallel_loop3A_404 : vector<16xi32>
          scf.yield %parallel_loop3A_405 : vector<16xi32>
        } {sc.loop_unroll_factor = 8 : i64, sc.parallel_access}
        %reduce_sum3A = arith.constant true
        %reduce_sum3A_382 = vector.broadcast %reduce_sum3A : i1 to vector<16xi1>
        %reduce_sum3A_383 = tpu.scan <sum>, %parallel_loop3A_381 masked %reduce_sum3A_382 : vector<16xi32>, vector<16xi1> -> vector<16xi32>
        %reduce_sum3A_384 = vector.extract %reduce_sum3A_383[15] : i32 from vector<16xi32>
        %eq3A_385 = vector.broadcast %while3A_374 : i32 to vector<16xi32>
        %eq3A_386 = arith.cmpi eq, %iota3A, %eq3A_385 : vector<16xi32>
        %jit3A_387 = arith.constant 0 : i32
        %broadcast_in_dim3A_388 = vector.broadcast %reduce_sum3A_384 : i32 to vector<16xi32>
        %broadcast_in_dim3A_389 = vector.broadcast %jit3A_387 : i32 to vector<16xi32>
        %select_n3A_390 = arith.select %eq3A_386, %broadcast_in_dim3A_388, %broadcast_in_dim3A_389 : vector<16xi1>, vector<16xi32>
        %add3A_391 = arith.addi %while3A_375, %select_n3A_390 : vector<16xi32>
        scf.yield %add3A_391 : vector<16xi32>
      }
      %while3A_361 = arith.constant 1 : i32
      %while3A_362 = scf.for %while3A_374 = %while3A_358 to %while3A_354 step %while3A_361 iter_args(%while3A_375 = %while3A_360) -> (vector<16xi32>)  : i32 {
        %broadcast_in_dim3A_376 = arith.constant 0 : i32
        %broadcast_in_dim3A_377 = vector.broadcast %broadcast_in_dim3A_376 : i32 to vector<16xi32>
        %parallel_loop3A_378 = arith.constant 0 : i32
        %parallel_loop3A_379 = arith.constant 125 : i32
        %parallel_loop3A_380 = arith.constant 1 : i32
        %parallel_loop3A_381 = scf.for %parallel_loop3A_392 = %parallel_loop3A_378 to %parallel_loop3A_379 step %parallel_loop3A_380 iter_args(%parallel_loop3A_393 = %broadcast_in_dim3A_377) -> (vector<16xi32>)  : i32 {
          %parallel_loop3A_394 = arith.constant 16 : i32
          %parallel_loop3A_395 = arith.muli %parallel_loop3A_392, %parallel_loop3A_394 : i32
          %parallel_loop3A_396 = arith.index_cast %parallel_loop3A_395 : i32 to index
          %parallel_loop3A_397 = tpu.vector_load %arg14[%parallel_loop3A_396] {strides = array<i32>} : memref<2000xi32, #tpu.memory_space<vmem>>, vector<16xi32>,
          %parallel_loop3A_398 = vector.broadcast %while3A_374 : i32 to vector<16xi32>
          %parallel_loop3A_399 = arith.cmpi eq, %parallel_loop3A_397, %parallel_loop3A_398 : vector<16xi32>
          %parallel_loop3A_400 = arith.constant 1 : i32
          %parallel_loop3A_401 = arith.constant 0 : i32
          %parallel_loop3A_402 = vector.broadcast %parallel_loop3A_400 : i32 to vector<16xi32>
          %parallel_loop3A_403 = vector.broadcast %parallel_loop3A_401 : i32 to vector<16xi32>
          %parallel_loop3A_404 = arith.select %parallel_loop3A_399, %parallel_loop3A_402, %parallel_loop3A_403 : vector<16xi1>, vector<16xi32>
          %parallel_loop3A_405 = arith.addi %parallel_loop3A_393, %parallel_loop3A_404 : vector<16xi32>
          scf.yield %parallel_loop3A_405 : vector<16xi32>
        } {sc.loop_unroll_factor = 8 : i64, sc.parallel_access}
        %reduce_sum3A = arith.constant true
        %reduce_sum3A_382 = vector.broadcast %reduce_sum3A : i1 to vector<16xi1>
        %reduce_sum3A_383 = tpu.scan <sum>, %parallel_loop3A_381 masked %reduce_sum3A_382 : vector<16xi32>, vector<16xi1> -> vector<16xi32>
        %reduce_sum3A_384 = vector.extract %reduce_sum3A_383[15] : i32 from vector<16xi32>
        %eq3A_385 = vector.broadcast %while3A_374 : i32 to vector<16xi32>
        %eq3A_386 = arith.cmpi eq, %iota3A, %eq3A_385 : vector<16xi32>
        %jit3A_387 = arith.constant 0 : i32
        %broadcast_in_dim3A_388 = vector.broadcast %reduce_sum3A_384 : i32 to vector<16xi32>
        %broadcast_in_dim3A_389 = vector.broadcast %jit3A_387 : i32 to vector<16xi32>
        %select_n3A_390 = arith.select %eq3A_386, %broadcast_in_dim3A_388, %broadcast_in_dim3A_389 : vector<16xi1>, vector<16xi32>
        %add3A_391 = arith.addi %while3A_375, %select_n3A_390 : vector<16xi32>
        scf.yield %add3A_391 : vector<16xi32>
      }
      %add3A_363 = arith.constant 2 : i32
      %add3A_364 = arith.addi %mul3A_326, %add3A_363 : i32
      %lt3A_365 = arith.cmpi slt, %add3A_364, %select_n3A : i32
      %convert_element_type3A_366 = arith.extui %lt3A_365 : i1 to i32
      %cond3A_367 = arith.constant 0 : i32
      %cond3A_368 = arith.cmpi ne, %convert_element_type3A_366, %cond3A_367 : i32
      scf.if %cond3A_368 {
        %add3A_374 = arith.constant 2 : i32
        %add3A_375 = arith.addi %mul3A_326, %add3A_374 : i32
        %mul3A_376 = arith.constant 16 : i32
        %mul3A_377 = arith.muli %mul3A_376, %add3A_375 : i32
        %add3A_378 = arith.addi %arg1, %mul3A_377 : i32
        %mul3A_379 = arith.constant 2000 : i32
        %mul3A_380 = arith.muli %add3A_378, %mul3A_379 : i32
        %mul3A_381 = arith.constant 2 : i32
        %mul3A_382 = arith.muli %mul3A_380, %mul3A_381 : i32
        %dma_start3A = tpu.memref_slice %arg3[%mul3A_382] : memref<200000xf32, #tpu.memory_space<hbm>> -> memref<4000xf32, #tpu.memory_space<hbm>>
        %dma_start3A_383 = tpu.memref_slice %arg3[%mul3A_382] : memref<200000xf32, #tpu.memory_space<hbm>> -> memref<4000xf32, #tpu.memory_space<hbm>>
        tpu.enqueue_dma source(%dma_start3A_383 : memref<4000xf32, #tpu.memory_space<hbm>>) target(%arg13 : memref<4000xf32, #tpu.memory_space<vmem>>) target_semaphore(%arg25 : memref<!tpu.dma_semaphore, #tpu.memory_space<semaphore_mem>>)
        %mul3A_384 = arith.constant 2000 : i32
        %mul3A_385 = arith.muli %add3A_378, %mul3A_384 : i32
        %dma_start3A_386 = tpu.memref_slice %arg4[%mul3A_385] : memref<100000xi32, #tpu.memory_space<hbm>> -> memref<2000xi32, #tpu.memory_space<hbm>>
        %dma_start3A_387 = tpu.memref_slice %arg4[%mul3A_385] : memref<100000xi32, #tpu.memory_space<hbm>> -> memref<2000xi32, #tpu.memory_space<hbm>>
        tpu.enqueue_dma source(%dma_start3A_387 : memref<2000xi32, #tpu.memory_space<hbm>>) target(%arg14 : memref<2000xi32, #tpu.memory_space<vmem>>) target_semaphore(%arg25 : memref<!tpu.dma_semaphore, #tpu.memory_space<semaphore_mem>>)
      } else {
      }
      %lt3A_369 = arith.cmpi slt, %add3A_328, %select_n3A : i32
      %convert_element_type3A_370 = arith.extui %lt3A_369 : i1 to i32
      %cond3A_371 = arith.constant 0 : i32
      %cond3A_372 = arith.cmpi ne, %convert_element_type3A_370, %cond3A_371 : i32
      %cond3A_373:3 = scf.if %cond3A_372 -> (vector<16xf32>, vector<16xf32>, vector<16xi32>) {
        %dma_wait3A_374 = arith.constant 0 : i32
        %dma_wait3A_375 = tpu.memref_slice %arg3[%dma_wait3A_374] : memref<200000xf32, #tpu.memory_space<hbm>> -> memref<4000xf32, #tpu.memory_space<hbm>>
        %dma_wait3A_376 = arith.constant 0 : i32
        %dma_wait3A_377 = tpu.memref_slice %arg3[%dma_wait3A_376] : memref<200000xf32, #tpu.memory_space<hbm>> -> memref<4000xf32, #tpu.memory_space<hbm>>
        tpu.wait_dma2 semaphore(%arg26 : memref<!tpu.dma_semaphore, #tpu.memory_space<semaphore_mem>>) src(%dma_wait3A_377 : memref<4000xf32, #tpu.memory_space<hbm>>) dst(%arg15 : memref<4000xf32, #tpu.memory_space<vmem>>)
        %dma_wait3A_378 = arith.constant 0 : i32
        %dma_wait3A_379 = tpu.memref_slice %arg4[%dma_wait3A_378] : memref<100000xi32, #tpu.memory_space<hbm>> -> memref<2000xi32, #tpu.memory_space<hbm>>
        %dma_wait3A_380 = arith.constant 0 : i32
        %dma_wait3A_381 = tpu.memref_slice %arg4[%dma_wait3A_380] : memref<100000xi32, #tpu.memory_space<hbm>> -> memref<2000xi32, #tpu.memory_space<hbm>>
        tpu.wait_dma2 semaphore(%arg26 : memref<!tpu.dma_semaphore, #tpu.memory_space<semaphore_mem>>) src(%dma_wait3A_381 : memref<2000xi32, #tpu.memory_space<hbm>>) dst(%arg16 : memref<2000xi32, #tpu.memory_space<vmem>>)
        %parallel_loop3A_382 = arith.constant 0 : i32
        %parallel_loop3A_383 = arith.constant 250 : i32
        %parallel_loop3A_384 = arith.constant 1 : i32
        %parallel_loop3A_385:2 = scf.for %parallel_loop3A_406 = %parallel_loop3A_382 to %parallel_loop3A_383 step %parallel_loop3A_384 iter_args(%parallel_loop3A_407 = %parallel_loop3A_343#0, %parallel_loop3A_408 = %parallel_loop3A_343#1) -> (vector<16xf32>, vector<16xf32>)  : i32 {
          %parallel_loop3A_409 = arith.constant 16 : i32
          %parallel_loop3A_410 = arith.muli %parallel_loop3A_406, %parallel_loop3A_409 : i32
          %parallel_loop3A_411 = arith.index_cast %parallel_loop3A_410 : i32 to index
          %parallel_loop3A_412 = tpu.vector_load %arg15[%parallel_loop3A_411] {strides = array<i32>} : memref<4000xf32, #tpu.memory_space<vmem>>, vector<16xf32>,
          %parallel_loop3A_413 = arith.minimumf %parallel_loop3A_407, %parallel_loop3A_412 : vector<16xf32>
          %parallel_loop3A_414 = arith.maximumf %parallel_loop3A_408, %parallel_loop3A_412 : vector<16xf32>
          scf.yield %parallel_loop3A_413, %parallel_loop3A_414 : vector<16xf32>, vector<16xf32>
        } {sc.loop_unroll_factor = 8 : i64, sc.parallel_access}
        %get3A_386 = arith.constant 0 : index
        %get3A_387 = tpu.vector_load %arg16[%get3A_386] {strides = array<i32>} : memref<2000xi32, #tpu.memory_space<vmem>>, vector<16xi32>,
        %slice3A_388 = vector.extract_strided_slice %get3A_387 {offsets = [0], sizes = [1], strides = [1]} : vector<16xi32> to vector<1xi32>
        %squeeze3A_389 = vector.extract %slice3A_388[0] : i32 from vector<1xi32>
        %get3A_390 = arith.constant 1984 : index
        %get3A_391 = tpu.vector_load %arg16[%get3A_390] {strides = array<i32>} : memref<2000xi32, #tpu.memory_space<vmem>>, vector<16xi32>,
        %slice3A_392 = vector.extract_strided_slice %get3A_391 {offsets = [15], sizes = [1], strides = [1]} : vector<16xi32> to vector<1xi32>
        %squeeze3A_393 = vector.extract %slice3A_392[0] : i32 from vector<1xi32>
        %add3A_394 = arith.constant 1 : i32
        %add3A_395 = arith.addi %squeeze3A_393, %add3A_394 : i32
        %while3A_396 = arith.subi %add3A_395, %squeeze3A_389 : i32
        %while3A_397 = arith.addi %squeeze3A_389, %while3A_396 : i32
        %while3A_398 = arith.constant 1 : i32
        %while3A_399 = arith.divsi %while3A_396, %while3A_398 : i32
        %while3A_400 = arith.muli %while3A_399, %while3A_398 : i32
        %while3A_401 = arith.addi %squeeze3A_389, %while3A_400 : i32
        %while3A_402 = arith.constant 1 : i32
        %while3A_403 = scf.for %while3A_406 = %squeeze3A_389 to %while3A_401 step %while3A_402 iter_args(%while3A_407 = %while3A_362) -> (vector<16xi32>)  : i32 {
          %broadcast_in_dim3A_408 = arith.constant 0 : i32
          %broadcast_in_dim3A_409 = vector.broadcast %broadcast_in_dim3A_408 : i32 to vector<16xi32>
          %parallel_loop3A_410 = arith.constant 0 : i32
          %parallel_loop3A_411 = arith.constant 125 : i32
          %parallel_loop3A_412 = arith.constant 1 : i32
          %parallel_loop3A_413 = scf.for %parallel_loop3A_424 = %parallel_loop3A_410 to %parallel_loop3A_411 step %parallel_loop3A_412 iter_args(%parallel_loop3A_425 = %broadcast_in_dim3A_409) -> (vector<16xi32>)  : i32 {
            %parallel_loop3A_426 = arith.constant 16 : i32
            %parallel_loop3A_427 = arith.muli %parallel_loop3A_424, %parallel_loop3A_426 : i32
            %parallel_loop3A_428 = arith.index_cast %parallel_loop3A_427 : i32 to index
            %parallel_loop3A_429 = tpu.vector_load %arg16[%parallel_loop3A_428] {strides = array<i32>} : memref<2000xi32, #tpu.memory_space<vmem>>, vector<16xi32>,
            %parallel_loop3A_430 = vector.broadcast %while3A_406 : i32 to vector<16xi32>
            %parallel_loop3A_431 = arith.cmpi eq, %parallel_loop3A_429, %parallel_loop3A_430 : vector<16xi32>
            %parallel_loop3A_432 = arith.constant 1 : i32
            %parallel_loop3A_433 = arith.constant 0 : i32
            %parallel_loop3A_434 = vector.broadcast %parallel_loop3A_432 : i32 to vector<16xi32>
            %parallel_loop3A_435 = vector.broadcast %parallel_loop3A_433 : i32 to vector<16xi32>
            %parallel_loop3A_436 = arith.select %parallel_loop3A_431, %parallel_loop3A_434, %parallel_loop3A_435 : vector<16xi1>, vector<16xi32>
            %parallel_loop3A_437 = arith.addi %parallel_loop3A_425, %parallel_loop3A_436 : vector<16xi32>
            scf.yield %parallel_loop3A_437 : vector<16xi32>
          } {sc.loop_unroll_factor = 8 : i64, sc.parallel_access}
          %reduce_sum3A = arith.constant true
          %reduce_sum3A_414 = vector.broadcast %reduce_sum3A : i1 to vector<16xi1>
          %reduce_sum3A_415 = tpu.scan <sum>, %parallel_loop3A_413 masked %reduce_sum3A_414 : vector<16xi32>, vector<16xi1> -> vector<16xi32>
          %reduce_sum3A_416 = vector.extract %reduce_sum3A_415[15] : i32 from vector<16xi32>
          %eq3A_417 = vector.broadcast %while3A_406 : i32 to vector<16xi32>
          %eq3A_418 = arith.cmpi eq, %iota3A, %eq3A_417 : vector<16xi32>
          %jit3A_419 = arith.constant 0 : i32
          %broadcast_in_dim3A_420 = vector.broadcast %reduce_sum3A_416 : i32 to vector<16xi32>
          %broadcast_in_dim3A_421 = vector.broadcast %jit3A_419 : i32 to vector<16xi32>
          %select_n3A_422 = arith.select %eq3A_418, %broadcast_in_dim3A_420, %broadcast_in_dim3A_421 : vector<16xi1>, vector<16xi32>
          %add3A_423 = arith.addi %while3A_407, %select_n3A_422 : vector<16xi32>
          scf.yield %add3A_423 : vector<16xi32>
        }
        %while3A_404 = arith.constant 1 : i32
        %while3A_405 = scf.for %while3A_406 = %while3A_401 to %while3A_397 step %while3A_404 iter_args(%while3A_407 = %while3A_403) -> (vector<16xi32>)  : i32 {
          %broadcast_in_dim3A_408 = arith.constant 0 : i32
          %broadcast_in_dim3A_409 = vector.broadcast %broadcast_in_dim3A_408 : i32 to vector<16xi32>
          %parallel_loop3A_410 = arith.constant 0 : i32
          %parallel_loop3A_411 = arith.constant 125 : i32
          %parallel_loop3A_412 = arith.constant 1 : i32
          %parallel_loop3A_413 = scf.for %parallel_loop3A_424 = %parallel_loop3A_410 to %parallel_loop3A_411 step %parallel_loop3A_412 iter_args(%parallel_loop3A_425 = %broadcast_in_dim3A_409) -> (vector<16xi32>)  : i32 {
            %parallel_loop3A_426 = arith.constant 16 : i32
            %parallel_loop3A_427 = arith.muli %parallel_loop3A_424, %parallel_loop3A_426 : i32
            %parallel_loop3A_428 = arith.index_cast %parallel_loop3A_427 : i32 to index
            %parallel_loop3A_429 = tpu.vector_load %arg16[%parallel_loop3A_428] {strides = array<i32>} : memref<2000xi32, #tpu.memory_space<vmem>>, vector<16xi32>,
            %parallel_loop3A_430 = vector.broadcast %while3A_406 : i32 to vector<16xi32>
            %parallel_loop3A_431 = arith.cmpi eq, %parallel_loop3A_429, %parallel_loop3A_430 : vector<16xi32>
            %parallel_loop3A_432 = arith.constant 1 : i32
            %parallel_loop3A_433 = arith.constant 0 : i32
            %parallel_loop3A_434 = vector.broadcast %parallel_loop3A_432 : i32 to vector<16xi32>
            %parallel_loop3A_435 = vector.broadcast %parallel_loop3A_433 : i32 to vector<16xi32>
            %parallel_loop3A_436 = arith.select %parallel_loop3A_431, %parallel_loop3A_434, %parallel_loop3A_435 : vector<16xi1>, vector<16xi32>
            %parallel_loop3A_437 = arith.addi %parallel_loop3A_425, %parallel_loop3A_436 : vector<16xi32>
            scf.yield %parallel_loop3A_437 : vector<16xi32>
          } {sc.loop_unroll_factor = 8 : i64, sc.parallel_access}
          %reduce_sum3A = arith.constant true
          %reduce_sum3A_414 = vector.broadcast %reduce_sum3A : i1 to vector<16xi1>
          %reduce_sum3A_415 = tpu.scan <sum>, %parallel_loop3A_413 masked %reduce_sum3A_414 : vector<16xi32>, vector<16xi1> -> vector<16xi32>
          %reduce_sum3A_416 = vector.extract %reduce_sum3A_415[15] : i32 from vector<16xi32>
          %eq3A_417 = vector.broadcast %while3A_406 : i32 to vector<16xi32>
          %eq3A_418 = arith.cmpi eq, %iota3A, %eq3A_417 : vector<16xi32>
          %jit3A_419 = arith.constant 0 : i32
          %broadcast_in_dim3A_420 = vector.broadcast %reduce_sum3A_416 : i32 to vector<16xi32>
          %broadcast_in_dim3A_421 = vector.broadcast %jit3A_419 : i32 to vector<16xi32>
          %select_n3A_422 = arith.select %eq3A_418, %broadcast_in_dim3A_420, %broadcast_in_dim3A_421 : vector<16xi1>, vector<16xi32>
          %add3A_423 = arith.addi %while3A_407, %select_n3A_422 : vector<16xi32>
          scf.yield %add3A_423 : vector<16xi32>
        }
        scf.yield %parallel_loop3A_385#0, %parallel_loop3A_385#1, %while3A_405 : vector<16xf32>, vector<16xf32>, vector<16xi32>
      } else {
        scf.yield %parallel_loop3A_343#0, %parallel_loop3A_343#1, %while3A_362 : vector<16xf32>, vector<16xf32>, vector<16xi32>
      }
      scf.yield %cond3A_373#0, %cond3A_373#1, %cond3A_373#2 : vector<16xf32>, vector<16xf32>, vector<16xi32>
    }
    "tpu.trace_stop"() : () -> ()
    %swap3A = arith.constant 0 : index
    %swap3A_74 = tpu.vector_load %arg13[%swap3A] {strides = array<i32>} : memref<4000xf32, #tpu.memory_space<vmem>>, vector<16xf32>,
    tpu.vector_store %arg13[%swap3A], %while3A_73#0 {strides = array<i32>} : memref<4000xf32, #tpu.memory_space<vmem>>, vector<16xf32>,
    %swap3A_75 = arith.constant 16 : index
    %swap3A_76 = tpu.vector_load %arg13[%swap3A_75] {strides = array<i32>} : memref<4000xf32, #tpu.memory_space<vmem>>, vector<16xf32>,
    tpu.vector_store %arg13[%swap3A_75], %while3A_73#1 {strides = array<i32>} : memref<4000xf32, #tpu.memory_space<vmem>>, vector<16xf32>,
    %swap3A_77 = arith.constant 0 : index
    %swap3A_78 = tpu.vector_load %arg14[%swap3A_77] {strides = array<i32>} : memref<2000xi32, #tpu.memory_space<vmem>>, vector<16xi32>,
    tpu.vector_store %arg14[%swap3A_77], %while3A_73#2 {strides = array<i32>} : memref<2000xi32, #tpu.memory_space<vmem>>, vector<16xi32>,
    "tpu.region"() ({
      %run_scoped3A = tpu.sem_alloc : memref<!tpu.dma_semaphore, #tpu.memory_space<semaphore_mem>>
      %dma_start3A = arith.constant 0 : i32
      %dma_start3A_321 = tpu.memref_slice %arg13[%dma_start3A] : memref<4000xf32, #tpu.memory_space<vmem>> -> memref<16xf32, #tpu.memory_space<vmem>>
      %dma_start3A_322 = arith.constant 0 : i32
      %dma_start3A_323 = tpu.memref_slice %arg20[%arg1, %dma_start3A_322] : memref<16x16xf32, #tpu.memory_space<vmem_shared>> -> memref<1x16xf32, #tpu.memory_space<vmem_shared>>
      %dma_start3A_324 = tpu.memref_squeeze %dma_start3A_323 : memref<1x16xf32, #tpu.memory_space<vmem_shared>> -> memref<16xf32, #tpu.memory_space<vmem_shared>>
      %dma_start3A_325 = arith.constant 0 : i32
      %dma_start3A_326 = tpu.memref_slice %arg20[%arg1, %dma_start3A_325] : memref<16x16xf32, #tpu.memory_space<vmem_shared>> -> memref<1x16xf32, #tpu.memory_space<vmem_shared>>
      %dma_start3A_327 = tpu.memref_squeeze %dma_start3A_326 : memref<1x16xf32, #tpu.memory_space<vmem_shared>> -> memref<16xf32, #tpu.memory_space<vmem_shared>>
      %dma_start3A_328 = arith.constant 0 : i32
      %dma_start3A_329 = tpu.memref_slice %arg13[%dma_start3A_328] : memref<4000xf32, #tpu.memory_space<vmem>> -> memref<16xf32, #tpu.memory_space<vmem>>
      tpu.enqueue_dma source(%dma_start3A_329 : memref<16xf32, #tpu.memory_space<vmem>>) target(%dma_start3A_327 : memref<16xf32, #tpu.memory_space<vmem_shared>>) target_semaphore(%run_scoped3A : memref<!tpu.dma_semaphore, #tpu.memory_space<semaphore_mem>>)
      %dma_wait3A = arith.constant 0 : i32
      %dma_wait3A_330 = tpu.memref_slice %arg13[%dma_wait3A] : memref<4000xf32, #tpu.memory_space<vmem>> -> memref<16xf32, #tpu.memory_space<vmem>>
      %dma_wait3A_331 = arith.constant 0 : i32
      %dma_wait3A_332 = tpu.memref_slice %arg20[%arg1, %dma_wait3A_331] : memref<16x16xf32, #tpu.memory_space<vmem_shared>> -> memref<1x16xf32, #tpu.memory_space<vmem_shared>>
      %dma_wait3A_333 = tpu.memref_squeeze %dma_wait3A_332 : memref<1x16xf32, #tpu.memory_space<vmem_shared>> -> memref<16xf32, #tpu.memory_space<vmem_shared>>
      %dma_wait3A_334 = arith.constant 0 : i32
      %dma_wait3A_335 = tpu.memref_slice %arg20[%arg1, %dma_wait3A_334] : memref<16x16xf32, #tpu.memory_space<vmem_shared>> -> memref<1x16xf32, #tpu.memory_space<vmem_shared>>
      %dma_wait3A_336 = tpu.memref_squeeze %dma_wait3A_335 : memref<1x16xf32, #tpu.memory_space<vmem_shared>> -> memref<16xf32, #tpu.memory_space<vmem_shared>>
      %dma_wait3A_337 = arith.constant 0 : i32
      %dma_wait3A_338 = tpu.memref_slice %arg13[%dma_wait3A_337] : memref<4000xf32, #tpu.memory_space<vmem>> -> memref<16xf32, #tpu.memory_space<vmem>>
      tpu.wait_dma2 semaphore(%run_scoped3A : memref<!tpu.dma_semaphore, #tpu.memory_space<semaphore_mem>>) src(%dma_wait3A_338 : memref<16xf32, #tpu.memory_space<vmem>>) dst(%dma_wait3A_336 : memref<16xf32, #tpu.memory_space<vmem_shared>>)
      tpu.yield
    }) : () -> ()
    "tpu.region"() ({
      %run_scoped3A = tpu.sem_alloc : memref<!tpu.dma_semaphore, #tpu.memory_space<semaphore_mem>>
      %dma_start3A = arith.constant 16 : i32
      %dma_start3A_321 = tpu.memref_slice %arg13[%dma_start3A] : memref<4000xf32, #tpu.memory_space<vmem>> -> memref<16xf32, #tpu.memory_space<vmem>>
      %dma_start3A_322 = arith.constant 0 : i32
      %dma_start3A_323 = tpu.memref_slice %arg21[%arg1, %dma_start3A_322] : memref<16x16xf32, #tpu.memory_space<vmem_shared>> -> memref<1x16xf32, #tpu.memory_space<vmem_shared>>
      %dma_start3A_324 = tpu.memref_squeeze %dma_start3A_323 : memref<1x16xf32, #tpu.memory_space<vmem_shared>> -> memref<16xf32, #tpu.memory_space<vmem_shared>>
      %dma_start3A_325 = arith.constant 0 : i32
      %dma_start3A_326 = tpu.memref_slice %arg21[%arg1, %dma_start3A_325] : memref<16x16xf32, #tpu.memory_space<vmem_shared>> -> memref<1x16xf32, #tpu.memory_space<vmem_shared>>
      %dma_start3A_327 = tpu.memref_squeeze %dma_start3A_326 : memref<1x16xf32, #tpu.memory_space<vmem_shared>> -> memref<16xf32, #tpu.memory_space<vmem_shared>>
      %dma_start3A_328 = arith.constant 16 : i32
      %dma_start3A_329 = tpu.memref_slice %arg13[%dma_start3A_328] : memref<4000xf32, #tpu.memory_space<vmem>> -> memref<16xf32, #tpu.memory_space<vmem>>
      tpu.enqueue_dma source(%dma_start3A_329 : memref<16xf32, #tpu.memory_space<vmem>>) target(%dma_start3A_327 : memref<16xf32, #tpu.memory_space<vmem_shared>>) target_semaphore(%run_scoped3A : memref<!tpu.dma_semaphore, #tpu.memory_space<semaphore_mem>>)
      %dma_wait3A = arith.constant 16 : i32
      %dma_wait3A_330 = tpu.memref_slice %arg13[%dma_wait3A] : memref<4000xf32, #tpu.memory_space<vmem>> -> memref<16xf32, #tpu.memory_space<vmem>>
      %dma_wait3A_331 = arith.constant 0 : i32
      %dma_wait3A_332 = tpu.memref_slice %arg21[%arg1, %dma_wait3A_331] : memref<16x16xf32, #tpu.memory_space<vmem_shared>> -> memref<1x16xf32, #tpu.memory_space<vmem_shared>>
      %dma_wait3A_333 = tpu.memref_squeeze %dma_wait3A_332 : memref<1x16xf32, #tpu.memory_space<vmem_shared>> -> memref<16xf32, #tpu.memory_space<vmem_shared>>
      %dma_wait3A_334 = arith.constant 0 : i32
      %dma_wait3A_335 = tpu.memref_slice %arg21[%arg1, %dma_wait3A_334] : memref<16x16xf32, #tpu.memory_space<vmem_shared>> -> memref<1x16xf32, #tpu.memory_space<vmem_shared>>
      %dma_wait3A_336 = tpu.memref_squeeze %dma_wait3A_335 : memref<1x16xf32, #tpu.memory_space<vmem_shared>> -> memref<16xf32, #tpu.memory_space<vmem_shared>>
      %dma_wait3A_337 = arith.constant 16 : i32
      %dma_wait3A_338 = tpu.memref_slice %arg13[%dma_wait3A_337] : memref<4000xf32, #tpu.memory_space<vmem>> -> memref<16xf32, #tpu.memory_space<vmem>>
      tpu.wait_dma2 semaphore(%run_scoped3A : memref<!tpu.dma_semaphore, #tpu.memory_space<semaphore_mem>>) src(%dma_wait3A_338 : memref<16xf32, #tpu.memory_space<vmem>>) dst(%dma_wait3A_336 : memref<16xf32, #tpu.memory_space<vmem_shared>>)
      tpu.yield
    }) : () -> ()
    "tpu.region"() ({
      %run_scoped3A = tpu.sem_alloc : memref<!tpu.dma_semaphore, #tpu.memory_space<semaphore_mem>>
      %dma_start3A = arith.constant 0 : i32
      %dma_start3A_321 = tpu.memref_slice %arg14[%dma_start3A] : memref<2000xi32, #tpu.memory_space<vmem>> -> memref<16xi32, #tpu.memory_space<vmem>>
      %dma_start3A_322 = arith.constant 0 : i32
      %dma_start3A_323 = tpu.memref_slice %arg22[%arg1, %dma_start3A_322] : memref<16x16xi32, #tpu.memory_space<vmem_shared>> -> memref<1x16xi32, #tpu.memory_space<vmem_shared>>
      %dma_start3A_324 = tpu.memref_squeeze %dma_start3A_323 : memref<1x16xi32, #tpu.memory_space<vmem_shared>> -> memref<16xi32, #tpu.memory_space<vmem_shared>>
      %dma_start3A_325 = arith.constant 0 : i32
      %dma_start3A_326 = tpu.memref_slice %arg22[%arg1, %dma_start3A_325] : memref<16x16xi32, #tpu.memory_space<vmem_shared>> -> memref<1x16xi32, #tpu.memory_space<vmem_shared>>
      %dma_start3A_327 = tpu.memref_squeeze %dma_start3A_326 : memref<1x16xi32, #tpu.memory_space<vmem_shared>> -> memref<16xi32, #tpu.memory_space<vmem_shared>>
      %dma_start3A_328 = arith.constant 0 : i32
      %dma_start3A_329 = tpu.memref_slice %arg14[%dma_start3A_328] : memref<2000xi32, #tpu.memory_space<vmem>> -> memref<16xi32, #tpu.memory_space<vmem>>
      tpu.enqueue_dma source(%dma_start3A_329 : memref<16xi32, #tpu.memory_space<vmem>>) target(%dma_start3A_327 : memref<16xi32, #tpu.memory_space<vmem_shared>>) target_semaphore(%run_scoped3A : memref<!tpu.dma_semaphore, #tpu.memory_space<semaphore_mem>>)
      %dma_wait3A = arith.constant 0 : i32
      %dma_wait3A_330 = tpu.memref_slice %arg14[%dma_wait3A] : memref<2000xi32, #tpu.memory_space<vmem>> -> memref<16xi32, #tpu.memory_space<vmem>>
      %dma_wait3A_331 = arith.constant 0 : i32
      %dma_wait3A_332 = tpu.memref_slice %arg22[%arg1, %dma_wait3A_331] : memref<16x16xi32, #tpu.memory_space<vmem_shared>> -> memref<1x16xi32, #tpu.memory_space<vmem_shared>>
      %dma_wait3A_333 = tpu.memref_squeeze %dma_wait3A_332 : memref<1x16xi32, #tpu.memory_space<vmem_shared>> -> memref<16xi32, #tpu.memory_space<vmem_shared>>
      %dma_wait3A_334 = arith.constant 0 : i32
      %dma_wait3A_335 = tpu.memref_slice %arg22[%arg1, %dma_wait3A_334] : memref<16x16xi32, #tpu.memory_space<vmem_shared>> -> memref<1x16xi32, #tpu.memory_space<vmem_shared>>
      %dma_wait3A_336 = tpu.memref_squeeze %dma_wait3A_335 : memref<1x16xi32, #tpu.memory_space<vmem_shared>> -> memref<16xi32, #tpu.memory_space<vmem_shared>>
      %dma_wait3A_337 = arith.constant 0 : i32
      %dma_wait3A_338 = tpu.memref_slice %arg14[%dma_wait3A_337] : memref<2000xi32, #tpu.memory_space<vmem>> -> memref<16xi32, #tpu.memory_space<vmem>>
      tpu.wait_dma2 semaphore(%run_scoped3A : memref<!tpu.dma_semaphore, #tpu.memory_space<semaphore_mem>>) src(%dma_wait3A_338 : memref<16xi32, #tpu.memory_space<vmem>>) dst(%dma_wait3A_336 : memref<16xi32, #tpu.memory_space<vmem_shared>>)
      tpu.yield
    }) : () -> ()
    %barrier3A = arith.constant 0 : index
    tpu.barrier barrier_id(%barrier3A)
    "tpu.region"() ({
      %run_scoped3A = tpu.sem_alloc : memref<!tpu.dma_semaphore, #tpu.memory_space<semaphore_mem>>
      tpu.enqueue_dma source(%arg20 : memref<16x16xf32, #tpu.memory_space<vmem_shared>>) target(%arg17 : memref<16x16xf32, #tpu.memory_space<vmem>>) target_semaphore(%run_scoped3A : memref<!tpu.dma_semaphore, #tpu.memory_space<semaphore_mem>>)
      tpu.wait_dma2 semaphore(%run_scoped3A : memref<!tpu.dma_semaphore, #tpu.memory_space<semaphore_mem>>) src(%arg20 : memref<16x16xf32, #tpu.memory_space<vmem_shared>>) dst(%arg17 : memref<16x16xf32, #tpu.memory_space<vmem>>)
      tpu.yield
    }) : () -> ()
    "tpu.region"() ({
      %run_scoped3A = tpu.sem_alloc : memref<!tpu.dma_semaphore, #tpu.memory_space<semaphore_mem>>
      tpu.enqueue_dma source(%arg21 : memref<16x16xf32, #tpu.memory_space<vmem_shared>>) target(%arg18 : memref<16x16xf32, #tpu.memory_space<vmem>>) target_semaphore(%run_scoped3A : memref<!tpu.dma_semaphore, #tpu.memory_space<semaphore_mem>>)
      tpu.wait_dma2 semaphore(%run_scoped3A : memref<!tpu.dma_semaphore, #tpu.memory_space<semaphore_mem>>) src(%arg21 : memref<16x16xf32, #tpu.memory_space<vmem_shared>>) dst(%arg18 : memref<16x16xf32, #tpu.memory_space<vmem>>)
      tpu.yield
    }) : () -> ()
    "tpu.region"() ({
      %run_scoped3A = tpu.sem_alloc : memref<!tpu.dma_semaphore, #tpu.memory_space<semaphore_mem>>
      tpu.enqueue_dma source(%arg22 : memref<16x16xi32, #tpu.memory_space<vmem_shared>>) target(%arg19 : memref<16x16xi32, #tpu.memory_space<vmem>>) target_semaphore(%run_scoped3A : memref<!tpu.dma_semaphore, #tpu.memory_space<semaphore_mem>>)
      tpu.wait_dma2 semaphore(%run_scoped3A : memref<!tpu.dma_semaphore, #tpu.memory_space<semaphore_mem>>) src(%arg22 : memref<16x16xi32, #tpu.memory_space<vmem_shared>>) dst(%arg19 : memref<16x16xi32, #tpu.memory_space<vmem>>)
      tpu.yield
    }) : () -> ()
    %neg3A_79 = arith.constant 0.000000e+00 : f32
    %neg3A_80 = vector.broadcast %neg3A_79 : f32 to vector<16xf32>
    %neg3A_81 = arith.subf %neg3A_80, %broadcast_in_dim3A_11 : vector<16xf32>
    %broadcast_in_dim3A_82 = arith.constant 0 : i32
    %broadcast_in_dim3A_83 = vector.broadcast %broadcast_in_dim3A_82 : i32 to vector<16xi32>
    %scan3A = arith.constant 0 : i32
    %scan3A_84 = arith.constant 16 : i32
    %scan3A_85 = arith.addi %scan3A, %scan3A_84 : i32
    %scan3A_86 = arith.constant 1 : i32
    %scan3A_87:3 = scf.for %scan3A_321 = %scan3A to %scan3A_85 step %scan3A_86 iter_args(%scan3A_322 = %broadcast_in_dim3A_11, %scan3A_323 = %neg3A_81, %scan3A_324 = %broadcast_in_dim3A_83) -> (vector<16xf32>, vector<16xf32>, vector<16xi32>)  : i32 {
      %get3A = arith.index_cast %scan3A_321 : i32 to index
      %get3A_325 = arith.constant 0 : index
      %get3A_326 = tpu.vector_load %arg17[%get3A, %get3A_325] {strides = array<i32>} : memref<16x16xf32, #tpu.memory_space<vmem>>, vector<16xf32>,
      %min3A = arith.minimumf %scan3A_322, %get3A_326 : vector<16xf32>
      %get3A_327 = arith.index_cast %scan3A_321 : i32 to index
      %get3A_328 = arith.constant 0 : index
      %get3A_329 = tpu.vector_load %arg18[%get3A_327, %get3A_328] {strides = array<i32>} : memref<16x16xf32, #tpu.memory_space<vmem>>, vector<16xf32>,
      %max3A = arith.maximumf %scan3A_323, %get3A_329 : vector<16xf32>
      %get3A_330 = arith.index_cast %scan3A_321 : i32 to index
      %get3A_331 = arith.constant 0 : index
      %get3A_332 = tpu.vector_load %arg19[%get3A_330, %get3A_331] {strides = array<i32>} : memref<16x16xi32, #tpu.memory_space<vmem>>, vector<16xi32>,
      %add3A_333 = arith.addi %scan3A_324, %get3A_332 : vector<16xi32>
      scf.yield %min3A, %max3A, %add3A_333 : vector<16xf32>, vector<16xf32>, vector<16xi32>
    }
    %scan3A_88 = arith.constant 16 : i32
    %sub3A_89 = arith.subf %scan3A_87#1, %scan3A_87#0 : vector<16xf32>
    %div3A_90 = arith.constant 5.000000e-02 : f32
    %div3A_91 = vector.broadcast %div3A_90 : f32 to vector<16xf32>
    %div3A_92 = arith.divf %sub3A_89, %div3A_91 : vector<16xf32>
    %convert_element_type3A_93 = arith.fptosi %div3A_92 : vector<16xf32> to vector<16xi32>
    %add3A_94 = arith.constant 1 : i32
    %add3A_95 = vector.broadcast %add3A_94 : i32 to vector<16xi32>
    %add3A_96 = arith.addi %convert_element_type3A_93, %add3A_95 : vector<16xi32>
    %jit3A_97 = arith.constant 0 : i32
    %broadcast_in_dim3A_98 = vector.broadcast %jit3A_97 : i32 to vector<16xi32>
    %select_n3A_99 = arith.select %eq3A_4, %add3A_96, %broadcast_in_dim3A_98 : vector<16xi1>, vector<16xi32>
    %reduce_max3A = arith.constant true
    %reduce_max3A_100 = vector.broadcast %reduce_max3A : i1 to vector<16xi1>
    %reduce_max3A_101 = arith.constant -2147483648 : i32
    %reduce_max3A_102 = vector.broadcast %reduce_max3A_101 : i32 to vector<16xi32>
    %reduce_max3A_103 = arith.xori %select_n3A_99, %reduce_max3A_102 : vector<16xi32>
    %reduce_max3A_104 = tpu.scan <max>, %reduce_max3A_103 masked %reduce_max3A_100 : vector<16xi32>, vector<16xi1> -> vector<16xi32>
    %reduce_max3A_105 = arith.xori %reduce_max3A_104, %reduce_max3A_102 : vector<16xi32>
    %reduce_max3A_106 = vector.extract %reduce_max3A_105[15] : i32 from vector<16xi32>
    %jit3A_107 = arith.constant 0 : i32
    %broadcast_in_dim3A_108 = vector.broadcast %jit3A_107 : i32 to vector<16xi32>
    %select_n3A_109 = arith.select %eq3A_4, %broadcast_in_dim3A_108, %add3A_96 : vector<16xi1>, vector<16xi32>
    %reduce_max3A_110 = arith.constant true
    %reduce_max3A_111 = vector.broadcast %reduce_max3A_110 : i1 to vector<16xi1>
    %reduce_max3A_112 = arith.constant -2147483648 : i32
    %reduce_max3A_113 = vector.broadcast %reduce_max3A_112 : i32 to vector<16xi32>
    %reduce_max3A_114 = arith.xori %select_n3A_109, %reduce_max3A_113 : vector<16xi32>
    %reduce_max3A_115 = tpu.scan <max>, %reduce_max3A_114 masked %reduce_max3A_111 : vector<16xi32>, vector<16xi1> -> vector<16xi32>
    %reduce_max3A_116 = arith.xori %reduce_max3A_115, %reduce_max3A_113 : vector<16xi32>
    %reduce_max3A_117 = vector.extract %reduce_max3A_116[15] : i32 from vector<16xi32>
    %mul3A_118 = arith.muli %reduce_max3A_106, %reduce_max3A_117 : i32
    %sub3A_119 = arith.constant 1 : i32
    %sub3A_120 = vector.broadcast %sub3A_119 : i32 to vector<16xi32>
    %sub3A_121 = arith.subi %add3A_96, %sub3A_120 : vector<16xi32>
    %jit3A_122 = arith.constant 1 : i32
    %broadcast_in_dim3A_123 = vector.broadcast %jit3A_122 : i32 to vector<16xi32>
    %broadcast_in_dim3A_124 = vector.broadcast %reduce_max3A_106 : i32 to vector<16xi32>
    %select_n3A_125 = arith.select %eq3A_4, %broadcast_in_dim3A_123, %broadcast_in_dim3A_124 : vector<16xi1>, vector<16xi32>
    %select_n3A_126 = arith.select %eq3A_4, %scan3A_87#0, %broadcast_in_dim3A_11 : vector<16xi1>, vector<16xf32>
    %reduce_min3A = arith.constant true
    %reduce_min3A_127 = vector.broadcast %reduce_min3A : i1 to vector<16xi1>
    %reduce_min3A_128 = tpu.scan <min>, %select_n3A_126 masked %reduce_min3A_127 : vector<16xf32>, vector<16xi1> -> vector<16xf32>
    %reduce_min3A_129 = vector.extract %reduce_min3A_128[15] : f32 from vector<16xf32>
    %select_n3A_130 = arith.select %eq3A_4, %broadcast_in_dim3A_11, %scan3A_87#0 : vector<16xi1>, vector<16xf32>
    %reduce_min3A_131 = arith.constant true
    %reduce_min3A_132 = vector.broadcast %reduce_min3A_131 : i1 to vector<16xi1>
    %reduce_min3A_133 = tpu.scan <min>, %select_n3A_130 masked %reduce_min3A_132 : vector<16xf32>, vector<16xi1> -> vector<16xf32>
    %reduce_min3A_134 = vector.extract %reduce_min3A_133[15] : f32 from vector<16xf32>
    %broadcast_in_dim3A_135 = vector.broadcast %reduce_min3A_129 : f32 to vector<16xf32>
    %broadcast_in_dim3A_136 = vector.broadcast %reduce_min3A_134 : f32 to vector<16xf32>
    %select_n3A_137 = arith.select %eq3A_4, %broadcast_in_dim3A_135, %broadcast_in_dim3A_136 : vector<16xi1>, vector<16xf32>
    %gt3A_138 = arith.constant 0 : i32
    %gt3A_139 = vector.broadcast %gt3A_138 : i32 to vector<16xi32>
    %gt3A_140 = arith.cmpi sgt, %scan3A_87#2, %gt3A_139 : vector<16xi32>
    %jit3A_141 = arith.constant 16 : i32
    %broadcast_in_dim3A_142 = vector.broadcast %jit3A_141 : i32 to vector<16xi32>
    %select_n3A_143 = arith.select %gt3A_140, %iota3A, %broadcast_in_dim3A_142 : vector<16xi1>, vector<16xi32>
    %reduce_min3A_144 = arith.constant true
    %reduce_min3A_145 = vector.broadcast %reduce_min3A_144 : i1 to vector<16xi1>
    %reduce_min3A_146 = arith.constant -2147483648 : i32
    %reduce_min3A_147 = vector.broadcast %reduce_min3A_146 : i32 to vector<16xi32>
    %reduce_min3A_148 = arith.xori %select_n3A_143, %reduce_min3A_147 : vector<16xi32>
    %reduce_min3A_149 = tpu.scan <min>, %reduce_min3A_148 masked %reduce_min3A_145 : vector<16xi32>, vector<16xi1> -> vector<16xi32>
    %reduce_min3A_150 = arith.xori %reduce_min3A_149, %reduce_min3A_147 : vector<16xi32>
    %reduce_min3A_151 = vector.extract %reduce_min3A_150[15] : i32 from vector<16xi32>
    %gt3A_152 = arith.constant 0 : i32
    %gt3A_153 = vector.broadcast %gt3A_152 : i32 to vector<16xi32>
    %gt3A_154 = arith.cmpi sgt, %scan3A_87#2, %gt3A_153 : vector<16xi32>
    %jit3A_155 = arith.constant -1 : i32
    %broadcast_in_dim3A_156 = vector.broadcast %jit3A_155 : i32 to vector<16xi32>
    %select_n3A_157 = arith.select %gt3A_154, %iota3A, %broadcast_in_dim3A_156 : vector<16xi1>, vector<16xi32>
    %reduce_max3A_158 = arith.constant true
    %reduce_max3A_159 = vector.broadcast %reduce_max3A_158 : i1 to vector<16xi1>
    %reduce_max3A_160 = arith.constant -2147483648 : i32
    %reduce_max3A_161 = vector.broadcast %reduce_max3A_160 : i32 to vector<16xi32>
    %reduce_max3A_162 = arith.xori %select_n3A_157, %reduce_max3A_161 : vector<16xi32>
    %reduce_max3A_163 = tpu.scan <max>, %reduce_max3A_162 masked %reduce_max3A_159 : vector<16xi32>, vector<16xi1> -> vector<16xi32>
    %reduce_max3A_164 = arith.xori %reduce_max3A_163, %reduce_max3A_161 : vector<16xi32>
    %reduce_max3A_165 = vector.extract %reduce_max3A_164[15] : i32 from vector<16xi32>
    %broadcast_in_dim3A_166 = arith.constant true
    %broadcast_in_dim3A_167 = vector.broadcast %broadcast_in_dim3A_166 : i1 to vector<16xi1>
    %masked_cumsum3A = tpu.scan <sum>, %scan3A_87#2 masked %broadcast_in_dim3A_167 : vector<16xi32>, vector<16xi1> -> vector<16xi32>
    %add3A_168 = arith.addi %reduce_min3A_151, %arg1 : i32
    %eq3A_169 = vector.broadcast %add3A_168 : i32 to vector<16xi32>
    %eq3A_170 = arith.cmpi eq, %iota3A, %eq3A_169 : vector<16xi32>
    %jit3A_171 = arith.constant 0 : i32
    %broadcast_in_dim3A_172 = vector.broadcast %jit3A_171 : i32 to vector<16xi32>
    %select_n3A_173 = arith.select %eq3A_170, %scan3A_87#2, %broadcast_in_dim3A_172 : vector<16xi1>, vector<16xi32>
    %reduce_max3A_174 = arith.constant true
    %reduce_max3A_175 = vector.broadcast %reduce_max3A_174 : i1 to vector<16xi1>
    %reduce_max3A_176 = arith.constant -2147483648 : i32
    %reduce_max3A_177 = vector.broadcast %reduce_max3A_176 : i32 to vector<16xi32>
    %reduce_max3A_178 = arith.xori %select_n3A_173, %reduce_max3A_177 : vector<16xi32>
    %reduce_max3A_179 = tpu.scan <max>, %reduce_max3A_178 masked %reduce_max3A_175 : vector<16xi32>, vector<16xi1> -> vector<16xi32>
    %reduce_max3A_180 = arith.xori %reduce_max3A_179, %reduce_max3A_177 : vector<16xi32>
    %reduce_max3A_181 = vector.extract %reduce_max3A_180[15] : i32 from vector<16xi32>
    %sub3A_182 = arith.subi %masked_cumsum3A, %scan3A_87#2 : vector<16xi32>
    %jit3A_183 = arith.constant 0 : i32
    %broadcast_in_dim3A_184 = vector.broadcast %jit3A_183 : i32 to vector<16xi32>
    %select_n3A_185 = arith.select %eq3A_170, %sub3A_182, %broadcast_in_dim3A_184 : vector<16xi1>, vector<16xi32>
    %reduce_max3A_186 = arith.constant true
    %reduce_max3A_187 = vector.broadcast %reduce_max3A_186 : i1 to vector<16xi1>
    %reduce_max3A_188 = arith.constant -2147483648 : i32
    %reduce_max3A_189 = vector.broadcast %reduce_max3A_188 : i32 to vector<16xi32>
    %reduce_max3A_190 = arith.xori %select_n3A_185, %reduce_max3A_189 : vector<16xi32>
    %reduce_max3A_191 = tpu.scan <max>, %reduce_max3A_190 masked %reduce_max3A_187 : vector<16xi32>, vector<16xi1> -> vector<16xi32>
    %reduce_max3A_192 = arith.xori %reduce_max3A_191, %reduce_max3A_189 : vector<16xi32>
    %reduce_max3A_193 = vector.extract %reduce_max3A_192[15] : i32 from vector<16xi32>
    %parallel_loop3A = arith.constant 0 : i32
    %parallel_loop3A_194 = arith.constant 400 : i32
    %parallel_loop3A_195 = arith.constant 1 : i32
    "tpu.trace_start"() <{level = 10 : i32, message = "phase_b_init"}> : () -> ()
    scf.for %parallel_loop3A_321 = %parallel_loop3A to %parallel_loop3A_194 step %parallel_loop3A_195  : i32 {
      %parallel_loop3A_322 = arith.constant 0xFF800000 : f32
      %parallel_loop3A_323 = vector.broadcast %parallel_loop3A_322 : f32 to vector<16xf32>
      %parallel_loop3A_324 = arith.index_cast %parallel_loop3A_321 : i32 to index
      %parallel_loop3A_325 = arith.constant 0 : index
      %parallel_loop3A_326 = tpu.vector_load %arg6[%parallel_loop3A_324, %parallel_loop3A_325] {strides = array<i32>} : memref<400x64xf32, #tpu.memory_space<vmem>>, vector<16xf32>,
      tpu.vector_store %arg6[%parallel_loop3A_324, %parallel_loop3A_325], %parallel_loop3A_323 {strides = array<i32>} : memref<400x64xf32, #tpu.memory_space<vmem>>, vector<16xf32>,
      %parallel_loop3A_327 = arith.constant 0xFF800000 : f32
      %parallel_loop3A_328 = vector.broadcast %parallel_loop3A_327 : f32 to vector<16xf32>
      %parallel_loop3A_329 = arith.index_cast %parallel_loop3A_321 : i32 to index
      %parallel_loop3A_330 = arith.constant 16 : index
      %parallel_loop3A_331 = tpu.vector_load %arg6[%parallel_loop3A_329, %parallel_loop3A_330] {strides = array<i32>} : memref<400x64xf32, #tpu.memory_space<vmem>>, vector<16xf32>,
      tpu.vector_store %arg6[%parallel_loop3A_329, %parallel_loop3A_330], %parallel_loop3A_328 {strides = array<i32>} : memref<400x64xf32, #tpu.memory_space<vmem>>, vector<16xf32>,
      %parallel_loop3A_332 = arith.constant 0xFF800000 : f32
      %parallel_loop3A_333 = vector.broadcast %parallel_loop3A_332 : f32 to vector<16xf32>
      %parallel_loop3A_334 = arith.index_cast %parallel_loop3A_321 : i32 to index
      %parallel_loop3A_335 = arith.constant 32 : index
      %parallel_loop3A_336 = tpu.vector_load %arg6[%parallel_loop3A_334, %parallel_loop3A_335] {strides = array<i32>} : memref<400x64xf32, #tpu.memory_space<vmem>>, vector<16xf32>,
      tpu.vector_store %arg6[%parallel_loop3A_334, %parallel_loop3A_335], %parallel_loop3A_333 {strides = array<i32>} : memref<400x64xf32, #tpu.memory_space<vmem>>, vector<16xf32>,
      %parallel_loop3A_337 = arith.constant 0xFF800000 : f32
      %parallel_loop3A_338 = vector.broadcast %parallel_loop3A_337 : f32 to vector<16xf32>
      %parallel_loop3A_339 = arith.index_cast %parallel_loop3A_321 : i32 to index
      %parallel_loop3A_340 = arith.constant 48 : index
      %parallel_loop3A_341 = tpu.vector_load %arg6[%parallel_loop3A_339, %parallel_loop3A_340] {strides = array<i32>} : memref<400x64xf32, #tpu.memory_space<vmem>>, vector<16xf32>,
      tpu.vector_store %arg6[%parallel_loop3A_339, %parallel_loop3A_340], %parallel_loop3A_338 {strides = array<i32>} : memref<400x64xf32, #tpu.memory_space<vmem>>, vector<16xf32>,
    } {sc.loop_unroll_factor = 4 : i64, sc.parallel_access}
    "tpu.trace_stop"() : () -> ()
    %mul3A_196 = arith.constant 0 : i32
    %mul3A_197 = vector.broadcast %mul3A_196 : i32 to vector<16xi32>
    %mul3A_198 = arith.muli %iota3A, %mul3A_197 : vector<16xi32>
    %swap3A_199 = arith.constant 800 : index
    %swap3A_200 = tpu.vector_load %arg11[%swap3A_199] {strides = array<i32>} : memref<832xi32, #tpu.memory_space<vmem>>, vector<16xi32>,
    tpu.vector_store %arg11[%swap3A_199], %mul3A_198 {strides = array<i32>} : memref<832xi32, #tpu.memory_space<vmem>>, vector<16xi32>,
    %mul3A_201 = arith.constant 0 : i32
    %mul3A_202 = vector.broadcast %mul3A_201 : i32 to vector<16xi32>
    %mul3A_203 = arith.muli %iota3A, %mul3A_202 : vector<16xi32>
    %swap3A_204 = arith.constant 816 : index
    %swap3A_205 = tpu.vector_load %arg11[%swap3A_204] {strides = array<i32>} : memref<832xi32, #tpu.memory_space<vmem>>, vector<16xi32>,
    tpu.vector_store %arg11[%swap3A_204], %mul3A_203 {strides = array<i32>} : memref<832xi32, #tpu.memory_space<vmem>>, vector<16xi32>,
    %jit3A_206 = arith.constant 400 : i32
    %div3A_207 = arith.divsi %reduce_max3A_193, %jit3A_206 : i32
    %sign3A_208 = arith.constant 0 : i32
    %sign3A_209 = arith.cmpi sgt, %reduce_max3A_193, %sign3A_208 : i32
    %sign3A_210 = arith.extui %sign3A_209 : i1 to i32
    %sign3A_211 = arith.constant 0 : i32
    %sign3A_212 = arith.cmpi slt, %reduce_max3A_193, %sign3A_211 : i32
    %sign3A_213 = arith.extui %sign3A_212 : i1 to i32
    %sign3A_214 = arith.subi %sign3A_210, %sign3A_213 : i32
    %sign3A_215 = arith.constant 0 : i32
    %sign3A_216 = arith.cmpi sgt, %jit3A_206, %sign3A_215 : i32
    %sign3A_217 = arith.extui %sign3A_216 : i1 to i32
    %sign3A_218 = arith.constant 0 : i32
    %sign3A_219 = arith.cmpi slt, %jit3A_206, %sign3A_218 : i32
    %sign3A_220 = arith.extui %sign3A_219 : i1 to i32
    %sign3A_221 = arith.subi %sign3A_217, %sign3A_220 : i32
    %ne3A_222 = arith.cmpi ne, %sign3A_214, %sign3A_221 : i32
    %rem3A_223 = arith.remsi %reduce_max3A_193, %jit3A_206 : i32
    %ne3A_224 = arith.constant 0 : i32
    %ne3A_225 = arith.cmpi ne, %rem3A_223, %ne3A_224 : i32
    %and3A_226 = arith.andi %ne3A_222, %ne3A_225 : i1
    %sub3A_227 = arith.constant 1 : i32
    %sub3A_228 = arith.subi %div3A_207, %sub3A_227 : i32
    %select_n3A_229 = arith.select %and3A_226, %sub3A_228, %div3A_207 : i32
    %add3A_230 = arith.addi %reduce_max3A_193, %reduce_max3A_181 : i32
    %sub3A_231 = arith.constant 1 : i32
    %sub3A_232 = arith.subi %add3A_230, %sub3A_231 : i32
    %jit3A_233 = arith.constant 400 : i32
    %div3A_234 = arith.divsi %sub3A_232, %jit3A_233 : i32
    %sign3A_235 = arith.constant 0 : i32
    %sign3A_236 = arith.cmpi sgt, %sub3A_232, %sign3A_235 : i32
    %sign3A_237 = arith.extui %sign3A_236 : i1 to i32
    %sign3A_238 = arith.constant 0 : i32
    %sign3A_239 = arith.cmpi slt, %sub3A_232, %sign3A_238 : i32
    %sign3A_240 = arith.extui %sign3A_239 : i1 to i32
    %sign3A_241 = arith.subi %sign3A_237, %sign3A_240 : i32
    %sign3A_242 = arith.constant 0 : i32
    %sign3A_243 = arith.cmpi sgt, %jit3A_233, %sign3A_242 : i32
    %sign3A_244 = arith.extui %sign3A_243 : i1 to i32
    %sign3A_245 = arith.constant 0 : i32
    %sign3A_246 = arith.cmpi slt, %jit3A_233, %sign3A_245 : i32
    %sign3A_247 = arith.extui %sign3A_246 : i1 to i32
    %sign3A_248 = arith.subi %sign3A_244, %sign3A_247 : i32
    %ne3A_249 = arith.cmpi ne, %sign3A_241, %sign3A_248 : i32
    %rem3A_250 = arith.remsi %sub3A_232, %jit3A_233 : i32
    %ne3A_251 = arith.constant 0 : i32
    %ne3A_252 = arith.cmpi ne, %rem3A_250, %ne3A_251 : i32
    %and3A_253 = arith.andi %ne3A_249, %ne3A_252 : i1
    %sub3A_254 = arith.constant 1 : i32
    %sub3A_255 = arith.subi %div3A_234, %sub3A_254 : i32
    %select_n3A_256 = arith.select %and3A_253, %sub3A_255, %div3A_234 : i32
    %gt3A_257 = arith.constant 0 : i32
    %gt3A_258 = arith.cmpi sgt, %reduce_max3A_181, %gt3A_257 : i32
    %add3A_259 = arith.constant 1 : i32
    %add3A_260 = arith.addi %select_n3A_256, %add3A_259 : i32
    %sub3A_261 = arith.subi %add3A_260, %select_n3A_229 : i32
    %jit3A_262 = arith.constant 0 : i32
    %select_n3A_263 = arith.select %gt3A_258, %sub3A_261, %jit3A_262 : i32
    %gt3A_264 = arith.constant 0 : i32
    %gt3A_265 = arith.cmpi sgt, %select_n3A_263, %gt3A_264 : i32
    %convert_element_type3A_266 = arith.extui %gt3A_265 : i1 to i32
    %cond3A_267 = arith.constant 0 : i32
    %cond3A_268 = arith.cmpi ne, %convert_element_type3A_266, %cond3A_267 : i32
    scf.if %cond3A_268 {
      %add3A_321 = arith.constant 0 : i32
      %add3A_322 = arith.addi %select_n3A_229, %add3A_321 : i32
      %mul3A_323 = arith.constant 400 : i32
      %mul3A_324 = arith.muli %add3A_322, %mul3A_323 : i32
      %dma_start3A = arith.constant 0 : i32
      %dma_start3A_325 = arith.constant 0 : i32
      %dma_start3A_326 = tpu.memref_slice %arg7[%dma_start3A, %dma_start3A_325] : memref<416x64xf32, #tpu.memory_space<vmem>> -> memref<400x64xf32, #tpu.memory_space<vmem>>
      %dma_start3A_327 = tpu.memref_slice %arg2[%mul3A_324, %mul3A_0] : memref<100000x128xf32, #tpu.memory_space<hbm>> -> memref<400x64xf32, #tpu.memory_space<hbm>>
      %dma_start3A_328 = arith.constant 0 : i32
      %dma_start3A_329 = arith.constant 0 : i32
      %dma_start3A_330 = tpu.memref_slice %arg7[%dma_start3A_328, %dma_start3A_329] : memref<416x64xf32, #tpu.memory_space<vmem>> -> memref<400x64xf32, #tpu.memory_space<vmem>>
      %dma_start3A_331 = tpu.memref_slice %arg2[%mul3A_324, %mul3A_0] : memref<100000x128xf32, #tpu.memory_space<hbm>> -> memref<400x64xf32, #tpu.memory_space<hbm>>
      tpu.enqueue_dma source(%dma_start3A_331 : memref<400x64xf32, #tpu.memory_space<hbm>>) target(%dma_start3A_330 : memref<400x64xf32, #tpu.memory_space<vmem>>) target_semaphore(%arg23 : memref<!tpu.dma_semaphore, #tpu.memory_space<semaphore_mem>>)
      %mul3A_332 = arith.constant 2 : i32
      %mul3A_333 = arith.muli %mul3A_324, %mul3A_332 : i32
      %dma_start3A_334 = tpu.memref_slice %arg3[%mul3A_333] : memref<200000xf32, #tpu.memory_space<hbm>> -> memref<800xf32, #tpu.memory_space<hbm>>
      %dma_start3A_335 = tpu.memref_slice %arg3[%mul3A_333] : memref<200000xf32, #tpu.memory_space<hbm>> -> memref<800xf32, #tpu.memory_space<hbm>>
      tpu.enqueue_dma source(%dma_start3A_335 : memref<800xf32, #tpu.memory_space<hbm>>) target(%arg9 : memref<800xf32, #tpu.memory_space<vmem>>) target_semaphore(%arg23 : memref<!tpu.dma_semaphore, #tpu.memory_space<semaphore_mem>>)
    } else {
    }
    "tpu.trace_start"() <{level = 10 : i32, message = "phase_b_main"}> : () -> ()
    %add3A_269 = arith.constant 1 : i32
    %add3A_270 = arith.addi %select_n3A_263, %add3A_269 : i32
    %jit3A_271 = arith.constant 2 : i32
    %div3A_272 = arith.divsi %add3A_270, %jit3A_271 : i32
    %sign3A_273 = arith.constant 0 : i32
    %sign3A_274 = arith.cmpi sgt, %add3A_270, %sign3A_273 : i32
    %sign3A_275 = arith.extui %sign3A_274 : i1 to i32
    %sign3A_276 = arith.constant 0 : i32
    %sign3A_277 = arith.cmpi slt, %add3A_270, %sign3A_276 : i32
    %sign3A_278 = arith.extui %sign3A_277 : i1 to i32
    %sign3A_279 = arith.subi %sign3A_275, %sign3A_278 : i32
    %sign3A_280 = arith.constant 0 : i32
    %sign3A_281 = arith.cmpi sgt, %jit3A_271, %sign3A_280 : i32
    %sign3A_282 = arith.extui %sign3A_281 : i1 to i32
    %sign3A_283 = arith.constant 0 : i32
    %sign3A_284 = arith.cmpi slt, %jit3A_271, %sign3A_283 : i32
    %sign3A_285 = arith.extui %sign3A_284 : i1 to i32
    %sign3A_286 = arith.subi %sign3A_282, %sign3A_285 : i32
    %ne3A_287 = arith.cmpi ne, %sign3A_279, %sign3A_286 : i32
    %rem3A_288 = arith.remsi %add3A_270, %jit3A_271 : i32
    %ne3A_289 = arith.constant 0 : i32
    %ne3A_290 = arith.cmpi ne, %rem3A_288, %ne3A_289 : i32
    %and3A_291 = arith.andi %ne3A_287, %ne3A_290 : i1
    %sub3A_292 = arith.constant 1 : i32
    %sub3A_293 = arith.subi %div3A_272, %sub3A_292 : i32
    %select_n3A_294 = arith.select %and3A_291, %sub3A_293, %div3A_272 : i32
    %while3A_295 = arith.constant 0 : i32
    %while3A_296 = arith.constant 0 : i32
    %while3A_297 = arith.subi %select_n3A_294, %while3A_295 : i32
    %while3A_298 = arith.addi %while3A_295, %while3A_297 : i32
    %while3A_299 = arith.constant 1 : i32
    %while3A_300 = arith.divsi %while3A_297, %while3A_299 : i32
    %while3A_301 = arith.muli %while3A_300, %while3A_299 : i32
    %while3A_302 = arith.addi %while3A_295, %while3A_301 : i32
    %while3A_303 = arith.constant 1 : i32
    %while3A_304 = scf.for %while3A_321 = %while3A_295 to %while3A_302 step %while3A_303 iter_args(%while3A_322 = %while3A_296) -> (i32)  : i32 {
      %mul3A_323 = arith.constant 2 : i32
      %mul3A_324 = arith.muli %mul3A_323, %while3A_321 : i32
      %add3A_325 = arith.constant 1 : i32
      %add3A_326 = arith.addi %mul3A_324, %add3A_325 : i32
      %lt3A_327 = arith.cmpi slt, %add3A_326, %select_n3A_263 : i32
      %convert_element_type3A_328 = arith.extui %lt3A_327 : i1 to i32
      %cond3A_329 = arith.constant 0 : i32
      %cond3A_330 = arith.cmpi ne, %convert_element_type3A_328, %cond3A_329 : i32
      scf.if %cond3A_330 {
        %add3A_407 = arith.addi %select_n3A_229, %add3A_326 : i32
        %mul3A_408 = arith.constant 400 : i32
        %mul3A_409 = arith.muli %add3A_407, %mul3A_408 : i32
        %dma_start3A = arith.constant 0 : i32
        %dma_start3A_410 = arith.constant 0 : i32
        %dma_start3A_411 = tpu.memref_slice %arg8[%dma_start3A, %dma_start3A_410] : memref<416x64xf32, #tpu.memory_space<vmem>> -> memref<400x64xf32, #tpu.memory_space<vmem>>
        %dma_start3A_412 = tpu.memref_slice %arg2[%mul3A_409, %mul3A_0] : memref<100000x128xf32, #tpu.memory_space<hbm>> -> memref<400x64xf32, #tpu.memory_space<hbm>>
        %dma_start3A_413 = arith.constant 0 : i32
        %dma_start3A_414 = arith.constant 0 : i32
        %dma_start3A_415 = tpu.memref_slice %arg8[%dma_start3A_413, %dma_start3A_414] : memref<416x64xf32, #tpu.memory_space<vmem>> -> memref<400x64xf32, #tpu.memory_space<vmem>>
        %dma_start3A_416 = tpu.memref_slice %arg2[%mul3A_409, %mul3A_0] : memref<100000x128xf32, #tpu.memory_space<hbm>> -> memref<400x64xf32, #tpu.memory_space<hbm>>
        tpu.enqueue_dma source(%dma_start3A_416 : memref<400x64xf32, #tpu.memory_space<hbm>>) target(%dma_start3A_415 : memref<400x64xf32, #tpu.memory_space<vmem>>) target_semaphore(%arg24 : memref<!tpu.dma_semaphore, #tpu.memory_space<semaphore_mem>>)
        %mul3A_417 = arith.constant 2 : i32
        %mul3A_418 = arith.muli %mul3A_409, %mul3A_417 : i32
        %dma_start3A_419 = tpu.memref_slice %arg3[%mul3A_418] : memref<200000xf32, #tpu.memory_space<hbm>> -> memref<800xf32, #tpu.memory_space<hbm>>
        %dma_start3A_420 = tpu.memref_slice %arg3[%mul3A_418] : memref<200000xf32, #tpu.memory_space<hbm>> -> memref<800xf32, #tpu.memory_space<hbm>>
        tpu.enqueue_dma source(%dma_start3A_420 : memref<800xf32, #tpu.memory_space<hbm>>) target(%arg10 : memref<800xf32, #tpu.memory_space<vmem>>) target_semaphore(%arg24 : memref<!tpu.dma_semaphore, #tpu.memory_space<semaphore_mem>>)
      } else {
      }
      %dma_wait3A = arith.constant 0 : i32
      %dma_wait3A_331 = arith.constant 0 : i32
      %dma_wait3A_332 = tpu.memref_slice %arg7[%dma_wait3A, %dma_wait3A_331] : memref<416x64xf32, #tpu.memory_space<vmem>> -> memref<400x64xf32, #tpu.memory_space<vmem>>
      %dma_wait3A_333 = arith.constant 0 : i32
      %dma_wait3A_334 = tpu.memref_slice %arg2[%dma_wait3A_333, %mul3A_0] : memref<100000x128xf32, #tpu.memory_space<hbm>> -> memref<400x64xf32, #tpu.memory_space<hbm>>
      %dma_wait3A_335 = arith.constant 0 : i32
      %dma_wait3A_336 = arith.constant 0 : i32
      %dma_wait3A_337 = tpu.memref_slice %arg7[%dma_wait3A_335, %dma_wait3A_336] : memref<416x64xf32, #tpu.memory_space<vmem>> -> memref<400x64xf32, #tpu.memory_space<vmem>>
      %dma_wait3A_338 = arith.constant 0 : i32
      %dma_wait3A_339 = tpu.memref_slice %arg2[%dma_wait3A_338, %mul3A_0] : memref<100000x128xf32, #tpu.memory_space<hbm>> -> memref<400x64xf32, #tpu.memory_space<hbm>>
      tpu.wait_dma2 semaphore(%arg23 : memref<!tpu.dma_semaphore, #tpu.memory_space<semaphore_mem>>) src(%dma_wait3A_339 : memref<400x64xf32, #tpu.memory_space<hbm>>) dst(%dma_wait3A_337 : memref<400x64xf32, #tpu.memory_space<vmem>>)
      %dma_wait3A_340 = arith.constant 0 : i32
      %dma_wait3A_341 = tpu.memref_slice %arg3[%dma_wait3A_340] : memref<200000xf32, #tpu.memory_space<hbm>> -> memref<800xf32, #tpu.memory_space<hbm>>
      %dma_wait3A_342 = arith.constant 0 : i32
      %dma_wait3A_343 = tpu.memref_slice %arg3[%dma_wait3A_342] : memref<200000xf32, #tpu.memory_space<hbm>> -> memref<800xf32, #tpu.memory_space<hbm>>
      tpu.wait_dma2 semaphore(%arg23 : memref<!tpu.dma_semaphore, #tpu.memory_space<semaphore_mem>>) src(%dma_wait3A_343 : memref<800xf32, #tpu.memory_space<hbm>>) dst(%arg9 : memref<800xf32, #tpu.memory_space<vmem>>)
      %add3A_344 = arith.addi %select_n3A_229, %mul3A_324 : i32
      %mul3A_345 = arith.constant 400 : i32
      %mul3A_346 = arith.muli %add3A_344, %mul3A_345 : i32
      %parallel_loop3A_347 = arith.constant 0 : i32
      %parallel_loop3A_348 = arith.constant 50 : i32
      %parallel_loop3A_349 = arith.constant 1 : i32
      scf.for %parallel_loop3A_407 = %parallel_loop3A_347 to %parallel_loop3A_348 step %parallel_loop3A_349  : i32 {
        %parallel_loop3A_408 = arith.constant 16 : i32
        %parallel_loop3A_409 = arith.muli %parallel_loop3A_407, %parallel_loop3A_408 : i32
        %parallel_loop3A_410 = arith.index_cast %parallel_loop3A_409 : i32 to index
        %parallel_loop3A_411 = tpu.vector_load %arg9[%parallel_loop3A_410] {strides = array<i32>} : memref<800xf32, #tpu.memory_space<vmem>>, vector<16xf32>,
        %parallel_loop3A_412 = arith.subf %parallel_loop3A_411, %select_n3A_137 : vector<16xf32>
        %parallel_loop3A_413 = arith.constant 5.000000e-02 : f32
        %parallel_loop3A_414 = vector.broadcast %parallel_loop3A_413 : f32 to vector<16xf32>
        %parallel_loop3A_415 = arith.divf %parallel_loop3A_412, %parallel_loop3A_414 : vector<16xf32>
        %parallel_loop3A_416 = arith.fptosi %parallel_loop3A_415 : vector<16xf32> to vector<16xi32>
        %parallel_loop3A_417 = arith.minsi %parallel_loop3A_416, %sub3A_121 : vector<16xi32>
        %parallel_loop3A_418 = arith.muli %parallel_loop3A_417, %select_n3A_125 : vector<16xi32>
        %parallel_loop3A_419 = arith.constant 16 : i32
        %parallel_loop3A_420 = arith.muli %parallel_loop3A_407, %parallel_loop3A_419 : i32
        %parallel_loop3A_421 = arith.index_cast %parallel_loop3A_420 : i32 to index
        %parallel_loop3A_422 = tpu.vector_load %arg11[%parallel_loop3A_421] {strides = array<i32>} : memref<832xi32, #tpu.memory_space<vmem>>, vector<16xi32>,
        tpu.vector_store %arg11[%parallel_loop3A_421], %parallel_loop3A_418 {strides = array<i32>} : memref<832xi32, #tpu.memory_space<vmem>>, vector<16xi32>,
        %parallel_loop3A_423 = arith.constant 16 : i32
        %parallel_loop3A_424 = arith.muli %parallel_loop3A_407, %parallel_loop3A_423 : i32
        %parallel_loop3A_425 = arith.constant 1 : i32
        %parallel_loop3A_426 = vector.broadcast %parallel_loop3A_425 : i32 to vector<16xi32>
        %parallel_loop3A_427 = arith.xori %iota3A, %parallel_loop3A_426 : vector<16xi32>
        %parallel_loop3A_428 = vector.broadcast %parallel_loop3A_424 : i32 to vector<16xi32>
        %parallel_loop3A_429 = arith.addi %parallel_loop3A_428, %parallel_loop3A_427 : vector<16xi32>
        %parallel_loop3A_430 = tpu.vector_load_idx %arg11[%parallel_loop3A_429] : memref<832xi32, #tpu.memory_space<vmem>>[vector<16xi32>], vector<16xi32>,
        %parallel_loop3A_431 = arith.addi %parallel_loop3A_418, %parallel_loop3A_430 : vector<16xi32>
        %parallel_loop3A_432 = arith.constant 16 : i32
        %parallel_loop3A_433 = arith.muli %parallel_loop3A_407, %parallel_loop3A_432 : i32
        %parallel_loop3A_434 = arith.index_cast %parallel_loop3A_433 : i32 to index
        %parallel_loop3A_435 = tpu.vector_load %arg11[%parallel_loop3A_434] {strides = array<i32>} : memref<832xi32, #tpu.memory_space<vmem>>, vector<16xi32>,
        tpu.vector_store %arg11[%parallel_loop3A_434], %parallel_loop3A_431 {strides = array<i32>} : memref<832xi32, #tpu.memory_space<vmem>>, vector<16xi32>,
      } {sc.loop_unroll_factor = 4 : i64, sc.parallel_access}
      %sub3A_350 = arith.subi %reduce_max3A_193, %mul3A_346 : i32
      %max3A = arith.constant 0 : i32
      %max3A_351 = arith.maxsi %max3A, %sub3A_350 : i32
      %add3A_352 = arith.addi %reduce_max3A_193, %reduce_max3A_181 : i32
      %sub3A_353 = arith.subi %add3A_352, %mul3A_346 : i32
      %min3A = arith.constant 400 : i32
      %min3A_354 = arith.minsi %min3A, %sub3A_353 : i32
      %sub3A_355 = arith.subi %min3A_354, %max3A_351 : i32
      %add3A_356 = arith.constant 16 : i32
      %add3A_357 = arith.addi %sub3A_355, %add3A_356 : i32
      %sub3A_358 = arith.constant 1 : i32
      %sub3A_359 = arith.subi %add3A_357, %sub3A_358 : i32
      %jit3A_360 = arith.constant 16 : i32
      %div3A_361 = arith.divsi %sub3A_359, %jit3A_360 : i32
      %sign3A_362 = arith.constant 0 : i32
      %sign3A_363 = arith.cmpi sgt, %sub3A_359, %sign3A_362 : i32
      %sign3A_364 = arith.extui %sign3A_363 : i1 to i32
      %sign3A_365 = arith.constant 0 : i32
      %sign3A_366 = arith.cmpi slt, %sub3A_359, %sign3A_365 : i32
      %sign3A_367 = arith.extui %sign3A_366 : i1 to i32
      %sign3A_368 = arith.subi %sign3A_364, %sign3A_367 : i32
      %sign3A_369 = arith.constant 0 : i32
      %sign3A_370 = arith.cmpi sgt, %jit3A_360, %sign3A_369 : i32
      %sign3A_371 = arith.extui %sign3A_370 : i1 to i32
      %sign3A_372 = arith.constant 0 : i32
      %sign3A_373 = arith.cmpi slt, %jit3A_360, %sign3A_372 : i32
      %sign3A_374 = arith.extui %sign3A_373 : i1 to i32
      %sign3A_375 = arith.subi %sign3A_371, %sign3A_374 : i32
      %ne3A_376 = arith.cmpi ne, %sign3A_368, %sign3A_375 : i32
      %rem3A_377 = arith.remsi %sub3A_359, %jit3A_360 : i32
      %ne3A_378 = arith.constant 0 : i32
      %ne3A_379 = arith.cmpi ne, %rem3A_377, %ne3A_378 : i32
      %and3A_380 = arith.andi %ne3A_376, %ne3A_379 : i1
      %sub3A_381 = arith.constant 1 : i32
      %sub3A_382 = arith.subi %div3A_361, %sub3A_381 : i32
      %select_n3A_383 = arith.select %and3A_380, %sub3A_382, %div3A_361 : i32
      %while3A_384 = arith.constant 0 : i32
      %while3A_385 = arith.constant 0 : i32
      %while3A_386 = arith.subi %select_n3A_383, %while3A_384 : i32
      %while3A_387 = arith.addi %while3A_384, %while3A_386 : i32
      %while3A_388 = arith.constant 1 : i32
      %while3A_389 = arith.divsi %while3A_386, %while3A_388 : i32
      %while3A_390 = arith.muli %while3A_389, %while3A_388 : i32
      %while3A_391 = arith.addi %while3A_384, %while3A_390 : i32
      %while3A_392 = arith.constant 1 : i32
      %while3A_393 = scf.for %while3A_407 = %while3A_384 to %while3A_391 step %while3A_392 iter_args(%while3A_408 = %while3A_385) -> (i32)  : i32 {
        %mul3A_409 = arith.constant 16 : i32
        %mul3A_410 = arith.muli %while3A_407, %mul3A_409 : i32
        %add3A_411 = arith.addi %max3A_351, %mul3A_410 : i32
        %add3A_412 = vector.broadcast %add3A_411 : i32 to vector<16xi32>
        %add3A_413 = arith.addi %add3A_412, %iota3A : vector<16xi32>
        %lt3A_414 = vector.broadcast %min3A_354 : i32 to vector<16xi32>
        %lt3A_415 = arith.cmpi slt, %add3A_413, %lt3A_414 : vector<16xi32>
        %mul3A_416 = arith.constant 2 : i32
        %mul3A_417 = vector.broadcast %mul3A_416 : i32 to vector<16xi32>
        %mul3A_418 = arith.muli %mul3A_417, %add3A_413 : vector<16xi32>
        %gather3A = tpu.vector_load_idx %arg11[%mul3A_418] : memref<832xi32, #tpu.memory_space<vmem>>[vector<16xi32>], vector<16xi32>,
        %unique3A_419, %unique3A_420 = tpu.scan_count mask(%lt3A_415 : vector<16xi1>) value(%gather3A : vector<16xi32>) : vector<16xi1>, vector<16xi32>
        %sub3A_421 = arith.constant 1 : i32
        %sub3A_422 = arith.subi %squeeze3A, %sub3A_421 : i32
        %broadcast_in_dim3A_423 = vector.broadcast %sub3A_422 : i32 to vector<16xi32>
        %select_n3A_424 = arith.select %lt3A_415, %unique3A_420, %broadcast_in_dim3A_423 : vector<16xi1>, vector<16xi32>
        %reduce_max3A_425 = arith.constant true
        %reduce_max3A_426 = vector.broadcast %reduce_max3A_425 : i1 to vector<16xi1>
        %reduce_max3A_427 = arith.constant -2147483648 : i32
        %reduce_max3A_428 = vector.broadcast %reduce_max3A_427 : i32 to vector<16xi32>
        %reduce_max3A_429 = arith.xori %select_n3A_424, %reduce_max3A_428 : vector<16xi32>
        %reduce_max3A_430 = tpu.scan <max>, %reduce_max3A_429 masked %reduce_max3A_426 : vector<16xi32>, vector<16xi1> -> vector<16xi32>
        %reduce_max3A_431 = arith.xori %reduce_max3A_430, %reduce_max3A_428 : vector<16xi32>
        %reduce_max3A_432 = vector.extract %reduce_max3A_431[15] : i32 from vector<16xi32>
        %add3A_433 = arith.constant 1 : i32
        %add3A_434 = arith.addi %reduce_max3A_432, %add3A_433 : i32
        %while3A_435 = arith.constant 0 : i32
        %while3A_436 = arith.subi %add3A_434, %squeeze3A : i32
        %while3A_437 = arith.addi %squeeze3A, %while3A_436 : i32
        %while3A_438 = arith.constant 1 : i32
        %while3A_439 = arith.divsi %while3A_436, %while3A_438 : i32
        %while3A_440 = arith.muli %while3A_439, %while3A_438 : i32
        %while3A_441 = arith.addi %squeeze3A, %while3A_440 : i32
        %while3A_442 = arith.constant 1 : i32
        %while3A_443 = scf.for %while3A_447 = %squeeze3A to %while3A_441 step %while3A_442 iter_args(%while3A_448 = %while3A_435) -> (i32)  : i32 {
          %eq3A_449 = vector.broadcast %while3A_447 : i32 to vector<16xi32>
          %eq3A_450 = arith.cmpi eq, %select_n3A_424, %eq3A_449 : vector<16xi32>
          %and3A_451 = arith.andi %lt3A_415, %eq3A_450 : vector<16xi1>
          %parallel_loop3A_452 = arith.constant 0 : i32
          %parallel_loop3A_453 = arith.constant 64 : i32
          %parallel_loop3A_454 = arith.constant 1 : i32
          scf.for %parallel_loop3A_456 = %parallel_loop3A_452 to %parallel_loop3A_453 step %parallel_loop3A_454  : i32 {
            %parallel_loop3A_457 = vector.broadcast %parallel_loop3A_456 : i32 to vector<16xi32>
            %parallel_loop3A_458 = arith.addi %parallel_loop3A_457, %iota3A : vector<16xi32>
            %parallel_loop3A_459 = arith.constant 63 : i32
            %parallel_loop3A_460 = vector.broadcast %parallel_loop3A_459 : i32 to vector<16xi32>
            %parallel_loop3A_461 = arith.andi %parallel_loop3A_458, %parallel_loop3A_460 : vector<16xi32>
            %parallel_loop3A_462 = tpu.vector_load_idx %arg7[%add3A_413, %parallel_loop3A_461] masked %and3A_451 : memref<416x64xf32, #tpu.memory_space<vmem>>[vector<16xi32>, vector<16xi32>], vector<16xf32>, vector<16xi1>
            %parallel_loop3A_463 = tpu.vector_load_idx %arg6[%gather3A, %parallel_loop3A_461] masked %and3A_451 : memref<400x64xf32, #tpu.memory_space<vmem>>[vector<16xi32>, vector<16xi32>], vector<16xf32>, vector<16xi1>
            %parallel_loop3A_464 = arith.maximumf %parallel_loop3A_463, %parallel_loop3A_462 : vector<16xf32>
            tpu.vector_store_idx %arg6[%gather3A, %parallel_loop3A_461], %parallel_loop3A_464 masked %and3A_451 : memref<400x64xf32, #tpu.memory_space<vmem>>[vector<16xi32>, vector<16xi32>], vector<16xf32>, vector<16xi1>
          } {sc.loop_unroll_factor = 16 : i64, sc.parallel_access}
          %while3A_455 = arith.constant 0 : i32
          scf.yield %while3A_455 : i32
        }
        %while3A_444 = arith.constant 1 : i32
        %while3A_445 = scf.for %while3A_447 = %while3A_441 to %while3A_437 step %while3A_444 iter_args(%while3A_448 = %while3A_443) -> (i32)  : i32 {
          %eq3A_449 = vector.broadcast %while3A_447 : i32 to vector<16xi32>
          %eq3A_450 = arith.cmpi eq, %select_n3A_424, %eq3A_449 : vector<16xi32>
          %and3A_451 = arith.andi %lt3A_415, %eq3A_450 : vector<16xi1>
          %parallel_loop3A_452 = arith.constant 0 : i32
          %parallel_loop3A_453 = arith.constant 64 : i32
          %parallel_loop3A_454 = arith.constant 1 : i32
          scf.for %parallel_loop3A_456 = %parallel_loop3A_452 to %parallel_loop3A_453 step %parallel_loop3A_454  : i32 {
            %parallel_loop3A_457 = vector.broadcast %parallel_loop3A_456 : i32 to vector<16xi32>
            %parallel_loop3A_458 = arith.addi %parallel_loop3A_457, %iota3A : vector<16xi32>
            %parallel_loop3A_459 = arith.constant 63 : i32
            %parallel_loop3A_460 = vector.broadcast %parallel_loop3A_459 : i32 to vector<16xi32>
            %parallel_loop3A_461 = arith.andi %parallel_loop3A_458, %parallel_loop3A_460 : vector<16xi32>
            %parallel_loop3A_462 = tpu.vector_load_idx %arg7[%add3A_413, %parallel_loop3A_461] masked %and3A_451 : memref<416x64xf32, #tpu.memory_space<vmem>>[vector<16xi32>, vector<16xi32>], vector<16xf32>, vector<16xi1>
            %parallel_loop3A_463 = tpu.vector_load_idx %arg6[%gather3A, %parallel_loop3A_461] masked %and3A_451 : memref<400x64xf32, #tpu.memory_space<vmem>>[vector<16xi32>, vector<16xi32>], vector<16xf32>, vector<16xi1>
            %parallel_loop3A_464 = arith.maximumf %parallel_loop3A_463, %parallel_loop3A_462 : vector<16xf32>
            tpu.vector_store_idx %arg6[%gather3A, %parallel_loop3A_461], %parallel_loop3A_464 masked %and3A_451 : memref<400x64xf32, #tpu.memory_space<vmem>>[vector<16xi32>, vector<16xi32>], vector<16xf32>, vector<16xi1>
          } {sc.loop_unroll_factor = 16 : i64, sc.parallel_access}
          %while3A_455 = arith.constant 0 : i32
          scf.yield %while3A_455 : i32
        }
        %while3A_446 = arith.constant 0 : i32
        scf.yield %while3A_446 : i32
      }
      %while3A_394 = arith.constant 1 : i32
      %while3A_395 = scf.for %while3A_407 = %while3A_391 to %while3A_387 step %while3A_394 iter_args(%while3A_408 = %while3A_393) -> (i32)  : i32 {
        %mul3A_409 = arith.constant 16 : i32
        %mul3A_410 = arith.muli %while3A_407, %mul3A_409 : i32
        %add3A_411 = arith.addi %max3A_351, %mul3A_410 : i32
        %add3A_412 = vector.broadcast %add3A_411 : i32 to vector<16xi32>
        %add3A_413 = arith.addi %add3A_412, %iota3A : vector<16xi32>
        %lt3A_414 = vector.broadcast %min3A_354 : i32 to vector<16xi32>
        %lt3A_415 = arith.cmpi slt, %add3A_413, %lt3A_414 : vector<16xi32>
        %mul3A_416 = arith.constant 2 : i32
        %mul3A_417 = vector.broadcast %mul3A_416 : i32 to vector<16xi32>
        %mul3A_418 = arith.muli %mul3A_417, %add3A_413 : vector<16xi32>
        %gather3A = tpu.vector_load_idx %arg11[%mul3A_418] : memref<832xi32, #tpu.memory_space<vmem>>[vector<16xi32>], vector<16xi32>,
        %unique3A_419, %unique3A_420 = tpu.scan_count mask(%lt3A_415 : vector<16xi1>) value(%gather3A : vector<16xi32>) : vector<16xi1>, vector<16xi32>
        %sub3A_421 = arith.constant 1 : i32
        %sub3A_422 = arith.subi %squeeze3A, %sub3A_421 : i32
        %broadcast_in_dim3A_423 = vector.broadcast %sub3A_422 : i32 to vector<16xi32>
        %select_n3A_424 = arith.select %lt3A_415, %unique3A_420, %broadcast_in_dim3A_423 : vector<16xi1>, vector<16xi32>
        %reduce_max3A_425 = arith.constant true
        %reduce_max3A_426 = vector.broadcast %reduce_max3A_425 : i1 to vector<16xi1>
        %reduce_max3A_427 = arith.constant -2147483648 : i32
        %reduce_max3A_428 = vector.broadcast %reduce_max3A_427 : i32 to vector<16xi32>
        %reduce_max3A_429 = arith.xori %select_n3A_424, %reduce_max3A_428 : vector<16xi32>
        %reduce_max3A_430 = tpu.scan <max>, %reduce_max3A_429 masked %reduce_max3A_426 : vector<16xi32>, vector<16xi1> -> vector<16xi32>
        %reduce_max3A_431 = arith.xori %reduce_max3A_430, %reduce_max3A_428 : vector<16xi32>
        %reduce_max3A_432 = vector.extract %reduce_max3A_431[15] : i32 from vector<16xi32>
        %add3A_433 = arith.constant 1 : i32
        %add3A_434 = arith.addi %reduce_max3A_432, %add3A_433 : i32
        %while3A_435 = arith.constant 0 : i32
        %while3A_436 = arith.subi %add3A_434, %squeeze3A : i32
        %while3A_437 = arith.addi %squeeze3A, %while3A_436 : i32
        %while3A_438 = arith.constant 1 : i32
        %while3A_439 = arith.divsi %while3A_436, %while3A_438 : i32
        %while3A_440 = arith.muli %while3A_439, %while3A_438 : i32
        %while3A_441 = arith.addi %squeeze3A, %while3A_440 : i32
        %while3A_442 = arith.constant 1 : i32
        %while3A_443 = scf.for %while3A_447 = %squeeze3A to %while3A_441 step %while3A_442 iter_args(%while3A_448 = %while3A_435) -> (i32)  : i32 {
          %eq3A_449 = vector.broadcast %while3A_447 : i32 to vector<16xi32>
          %eq3A_450 = arith.cmpi eq, %select_n3A_424, %eq3A_449 : vector<16xi32>
          %and3A_451 = arith.andi %lt3A_415, %eq3A_450 : vector<16xi1>
          %parallel_loop3A_452 = arith.constant 0 : i32
          %parallel_loop3A_453 = arith.constant 64 : i32
          %parallel_loop3A_454 = arith.constant 1 : i32
          scf.for %parallel_loop3A_456 = %parallel_loop3A_452 to %parallel_loop3A_453 step %parallel_loop3A_454  : i32 {
            %parallel_loop3A_457 = vector.broadcast %parallel_loop3A_456 : i32 to vector<16xi32>
            %parallel_loop3A_458 = arith.addi %parallel_loop3A_457, %iota3A : vector<16xi32>
            %parallel_loop3A_459 = arith.constant 63 : i32
            %parallel_loop3A_460 = vector.broadcast %parallel_loop3A_459 : i32 to vector<16xi32>
            %parallel_loop3A_461 = arith.andi %parallel_loop3A_458, %parallel_loop3A_460 : vector<16xi32>
            %parallel_loop3A_462 = tpu.vector_load_idx %arg7[%add3A_413, %parallel_loop3A_461] masked %and3A_451 : memref<416x64xf32, #tpu.memory_space<vmem>>[vector<16xi32>, vector<16xi32>], vector<16xf32>, vector<16xi1>
            %parallel_loop3A_463 = tpu.vector_load_idx %arg6[%gather3A, %parallel_loop3A_461] masked %and3A_451 : memref<400x64xf32, #tpu.memory_space<vmem>>[vector<16xi32>, vector<16xi32>], vector<16xf32>, vector<16xi1>
            %parallel_loop3A_464 = arith.maximumf %parallel_loop3A_463, %parallel_loop3A_462 : vector<16xf32>
            tpu.vector_store_idx %arg6[%gather3A, %parallel_loop3A_461], %parallel_loop3A_464 masked %and3A_451 : memref<400x64xf32, #tpu.memory_space<vmem>>[vector<16xi32>, vector<16xi32>], vector<16xf32>, vector<16xi1>
          } {sc.loop_unroll_factor = 16 : i64, sc.parallel_access}
          %while3A_455 = arith.constant 0 : i32
          scf.yield %while3A_455 : i32
        }
        %while3A_444 = arith.constant 1 : i32
        %while3A_445 = scf.for %while3A_447 = %while3A_441 to %while3A_437 step %while3A_444 iter_args(%while3A_448 = %while3A_443) -> (i32)  : i32 {
          %eq3A_449 = vector.broadcast %while3A_447 : i32 to vector<16xi32>
          %eq3A_450 = arith.cmpi eq, %select_n3A_424, %eq3A_449 : vector<16xi32>
          %and3A_451 = arith.andi %lt3A_415, %eq3A_450 : vector<16xi1>
          %parallel_loop3A_452 = arith.constant 0 : i32
          %parallel_loop3A_453 = arith.constant 64 : i32
          %parallel_loop3A_454 = arith.constant 1 : i32
          scf.for %parallel_loop3A_456 = %parallel_loop3A_452 to %parallel_loop3A_453 step %parallel_loop3A_454  : i32 {
            %parallel_loop3A_457 = vector.broadcast %parallel_loop3A_456 : i32 to vector<16xi32>
            %parallel_loop3A_458 = arith.addi %parallel_loop3A_457, %iota3A : vector<16xi32>
            %parallel_loop3A_459 = arith.constant 63 : i32
            %parallel_loop3A_460 = vector.broadcast %parallel_loop3A_459 : i32 to vector<16xi32>
            %parallel_loop3A_461 = arith.andi %parallel_loop3A_458, %parallel_loop3A_460 : vector<16xi32>
            %parallel_loop3A_462 = tpu.vector_load_idx %arg7[%add3A_413, %parallel_loop3A_461] masked %and3A_451 : memref<416x64xf32, #tpu.memory_space<vmem>>[vector<16xi32>, vector<16xi32>], vector<16xf32>, vector<16xi1>
            %parallel_loop3A_463 = tpu.vector_load_idx %arg6[%gather3A, %parallel_loop3A_461] masked %and3A_451 : memref<400x64xf32, #tpu.memory_space<vmem>>[vector<16xi32>, vector<16xi32>], vector<16xf32>, vector<16xi1>
            %parallel_loop3A_464 = arith.maximumf %parallel_loop3A_463, %parallel_loop3A_462 : vector<16xf32>
            tpu.vector_store_idx %arg6[%gather3A, %parallel_loop3A_461], %parallel_loop3A_464 masked %and3A_451 : memref<400x64xf32, #tpu.memory_space<vmem>>[vector<16xi32>, vector<16xi32>], vector<16xf32>, vector<16xi1>
          } {sc.loop_unroll_factor = 16 : i64, sc.parallel_access}
          %while3A_455 = arith.constant 0 : i32
          scf.yield %while3A_455 : i32
        }
        %while3A_446 = arith.constant 0 : i32
        scf.yield %while3A_446 : i32
      }
      %add3A_396 = arith.constant 2 : i32
      %add3A_397 = arith.addi %mul3A_324, %add3A_396 : i32
      %lt3A_398 = arith.cmpi slt, %add3A_397, %select_n3A_263 : i32
      %convert_element_type3A_399 = arith.extui %lt3A_398 : i1 to i32
      %cond3A_400 = arith.constant 0 : i32
      %cond3A_401 = arith.cmpi ne, %convert_element_type3A_399, %cond3A_400 : i32
      scf.if %cond3A_401 {
        %add3A_407 = arith.constant 2 : i32
        %add3A_408 = arith.addi %mul3A_324, %add3A_407 : i32
        %add3A_409 = arith.addi %select_n3A_229, %add3A_408 : i32
        %mul3A_410 = arith.constant 400 : i32
        %mul3A_411 = arith.muli %add3A_409, %mul3A_410 : i32
        %dma_start3A = arith.constant 0 : i32
        %dma_start3A_412 = arith.constant 0 : i32
        %dma_start3A_413 = tpu.memref_slice %arg7[%dma_start3A, %dma_start3A_412] : memref<416x64xf32, #tpu.memory_space<vmem>> -> memref<400x64xf32, #tpu.memory_space<vmem>>
        %dma_start3A_414 = tpu.memref_slice %arg2[%mul3A_411, %mul3A_0] : memref<100000x128xf32, #tpu.memory_space<hbm>> -> memref<400x64xf32, #tpu.memory_space<hbm>>
        %dma_start3A_415 = arith.constant 0 : i32
        %dma_start3A_416 = arith.constant 0 : i32
        %dma_start3A_417 = tpu.memref_slice %arg7[%dma_start3A_415, %dma_start3A_416] : memref<416x64xf32, #tpu.memory_space<vmem>> -> memref<400x64xf32, #tpu.memory_space<vmem>>
        %dma_start3A_418 = tpu.memref_slice %arg2[%mul3A_411, %mul3A_0] : memref<100000x128xf32, #tpu.memory_space<hbm>> -> memref<400x64xf32, #tpu.memory_space<hbm>>
        tpu.enqueue_dma source(%dma_start3A_418 : memref<400x64xf32, #tpu.memory_space<hbm>>) target(%dma_start3A_417 : memref<400x64xf32, #tpu.memory_space<vmem>>) target_semaphore(%arg23 : memref<!tpu.dma_semaphore, #tpu.memory_space<semaphore_mem>>)
        %mul3A_419 = arith.constant 2 : i32
        %mul3A_420 = arith.muli %mul3A_411, %mul3A_419 : i32
        %dma_start3A_421 = tpu.memref_slice %arg3[%mul3A_420] : memref<200000xf32, #tpu.memory_space<hbm>> -> memref<800xf32, #tpu.memory_space<hbm>>
        %dma_start3A_422 = tpu.memref_slice %arg3[%mul3A_420] : memref<200000xf32, #tpu.memory_space<hbm>> -> memref<800xf32, #tpu.memory_space<hbm>>
        tpu.enqueue_dma source(%dma_start3A_422 : memref<800xf32, #tpu.memory_space<hbm>>) target(%arg9 : memref<800xf32, #tpu.memory_space<vmem>>) target_semaphore(%arg23 : memref<!tpu.dma_semaphore, #tpu.memory_space<semaphore_mem>>)
      } else {
      }
      %lt3A_402 = arith.cmpi slt, %add3A_326, %select_n3A_263 : i32
      %convert_element_type3A_403 = arith.extui %lt3A_402 : i1 to i32
      %cond3A_404 = arith.constant 0 : i32
      %cond3A_405 = arith.cmpi ne, %convert_element_type3A_403, %cond3A_404 : i32
      scf.if %cond3A_405 {
        %dma_wait3A_407 = arith.constant 0 : i32
        %dma_wait3A_408 = arith.constant 0 : i32
        %dma_wait3A_409 = tpu.memref_slice %arg8[%dma_wait3A_407, %dma_wait3A_408] : memref<416x64xf32, #tpu.memory_space<vmem>> -> memref<400x64xf32, #tpu.memory_space<vmem>>
        %dma_wait3A_410 = arith.constant 0 : i32
        %dma_wait3A_411 = tpu.memref_slice %arg2[%dma_wait3A_410, %mul3A_0] : memref<100000x128xf32, #tpu.memory_space<hbm>> -> memref<400x64xf32, #tpu.memory_space<hbm>>
        %dma_wait3A_412 = arith.constant 0 : i32
        %dma_wait3A_413 = arith.constant 0 : i32
        %dma_wait3A_414 = tpu.memref_slice %arg8[%dma_wait3A_412, %dma_wait3A_413] : memref<416x64xf32, #tpu.memory_space<vmem>> -> memref<400x64xf32, #tpu.memory_space<vmem>>
        %dma_wait3A_415 = arith.constant 0 : i32
        %dma_wait3A_416 = tpu.memref_slice %arg2[%dma_wait3A_415, %mul3A_0] : memref<100000x128xf32, #tpu.memory_space<hbm>> -> memref<400x64xf32, #tpu.memory_space<hbm>>
        tpu.wait_dma2 semaphore(%arg24 : memref<!tpu.dma_semaphore, #tpu.memory_space<semaphore_mem>>) src(%dma_wait3A_416 : memref<400x64xf32, #tpu.memory_space<hbm>>) dst(%dma_wait3A_414 : memref<400x64xf32, #tpu.memory_space<vmem>>)
        %dma_wait3A_417 = arith.constant 0 : i32
        %dma_wait3A_418 = tpu.memref_slice %arg3[%dma_wait3A_417] : memref<200000xf32, #tpu.memory_space<hbm>> -> memref<800xf32, #tpu.memory_space<hbm>>
        %dma_wait3A_419 = arith.constant 0 : i32
        %dma_wait3A_420 = tpu.memref_slice %arg3[%dma_wait3A_419] : memref<200000xf32, #tpu.memory_space<hbm>> -> memref<800xf32, #tpu.memory_space<hbm>>
        tpu.wait_dma2 semaphore(%arg24 : memref<!tpu.dma_semaphore, #tpu.memory_space<semaphore_mem>>) src(%dma_wait3A_420 : memref<800xf32, #tpu.memory_space<hbm>>) dst(%arg10 : memref<800xf32, #tpu.memory_space<vmem>>)
        %add3A_421 = arith.addi %select_n3A_229, %add3A_326 : i32
        %mul3A_422 = arith.constant 400 : i32
        %mul3A_423 = arith.muli %add3A_421, %mul3A_422 : i32
        %parallel_loop3A_424 = arith.constant 0 : i32
        %parallel_loop3A_425 = arith.constant 50 : i32
        %parallel_loop3A_426 = arith.constant 1 : i32
        scf.for %parallel_loop3A_475 = %parallel_loop3A_424 to %parallel_loop3A_425 step %parallel_loop3A_426  : i32 {
          %parallel_loop3A_476 = arith.constant 16 : i32
          %parallel_loop3A_477 = arith.muli %parallel_loop3A_475, %parallel_loop3A_476 : i32
          %parallel_loop3A_478 = arith.index_cast %parallel_loop3A_477 : i32 to index
          %parallel_loop3A_479 = tpu.vector_load %arg10[%parallel_loop3A_478] {strides = array<i32>} : memref<800xf32, #tpu.memory_space<vmem>>, vector<16xf32>,
          %parallel_loop3A_480 = arith.subf %parallel_loop3A_479, %select_n3A_137 : vector<16xf32>
          %parallel_loop3A_481 = arith.constant 5.000000e-02 : f32
          %parallel_loop3A_482 = vector.broadcast %parallel_loop3A_481 : f32 to vector<16xf32>
          %parallel_loop3A_483 = arith.divf %parallel_loop3A_480, %parallel_loop3A_482 : vector<16xf32>
          %parallel_loop3A_484 = arith.fptosi %parallel_loop3A_483 : vector<16xf32> to vector<16xi32>
          %parallel_loop3A_485 = arith.minsi %parallel_loop3A_484, %sub3A_121 : vector<16xi32>
          %parallel_loop3A_486 = arith.muli %parallel_loop3A_485, %select_n3A_125 : vector<16xi32>
          %parallel_loop3A_487 = arith.constant 16 : i32
          %parallel_loop3A_488 = arith.muli %parallel_loop3A_475, %parallel_loop3A_487 : i32
          %parallel_loop3A_489 = arith.index_cast %parallel_loop3A_488 : i32 to index
          %parallel_loop3A_490 = tpu.vector_load %arg11[%parallel_loop3A_489] {strides = array<i32>} : memref<832xi32, #tpu.memory_space<vmem>>, vector<16xi32>,
          tpu.vector_store %arg11[%parallel_loop3A_489], %parallel_loop3A_486 {strides = array<i32>} : memref<832xi32, #tpu.memory_space<vmem>>, vector<16xi32>,
          %parallel_loop3A_491 = arith.constant 16 : i32
          %parallel_loop3A_492 = arith.muli %parallel_loop3A_475, %parallel_loop3A_491 : i32
          %parallel_loop3A_493 = arith.constant 1 : i32
          %parallel_loop3A_494 = vector.broadcast %parallel_loop3A_493 : i32 to vector<16xi32>
          %parallel_loop3A_495 = arith.xori %iota3A, %parallel_loop3A_494 : vector<16xi32>
          %parallel_loop3A_496 = vector.broadcast %parallel_loop3A_492 : i32 to vector<16xi32>
          %parallel_loop3A_497 = arith.addi %parallel_loop3A_496, %parallel_loop3A_495 : vector<16xi32>
          %parallel_loop3A_498 = tpu.vector_load_idx %arg11[%parallel_loop3A_497] : memref<832xi32, #tpu.memory_space<vmem>>[vector<16xi32>], vector<16xi32>,
          %parallel_loop3A_499 = arith.addi %parallel_loop3A_486, %parallel_loop3A_498 : vector<16xi32>
          %parallel_loop3A_500 = arith.constant 16 : i32
          %parallel_loop3A_501 = arith.muli %parallel_loop3A_475, %parallel_loop3A_500 : i32
          %parallel_loop3A_502 = arith.index_cast %parallel_loop3A_501 : i32 to index
          %parallel_loop3A_503 = tpu.vector_load %arg11[%parallel_loop3A_502] {strides = array<i32>} : memref<832xi32, #tpu.memory_space<vmem>>, vector<16xi32>,
          tpu.vector_store %arg11[%parallel_loop3A_502], %parallel_loop3A_499 {strides = array<i32>} : memref<832xi32, #tpu.memory_space<vmem>>, vector<16xi32>,
        } {sc.loop_unroll_factor = 4 : i64, sc.parallel_access}
        %sub3A_427 = arith.subi %reduce_max3A_193, %mul3A_423 : i32
        %max3A_428 = arith.constant 0 : i32
        %max3A_429 = arith.maxsi %max3A_428, %sub3A_427 : i32
        %add3A_430 = arith.addi %reduce_max3A_193, %reduce_max3A_181 : i32
        %sub3A_431 = arith.subi %add3A_430, %mul3A_423 : i32
        %min3A_432 = arith.constant 400 : i32
        %min3A_433 = arith.minsi %min3A_432, %sub3A_431 : i32
        %sub3A_434 = arith.subi %min3A_433, %max3A_429 : i32
        %add3A_435 = arith.constant 16 : i32
        %add3A_436 = arith.addi %sub3A_434, %add3A_435 : i32
        %sub3A_437 = arith.constant 1 : i32
        %sub3A_438 = arith.subi %add3A_436, %sub3A_437 : i32
        %jit3A_439 = arith.constant 16 : i32
        %div3A_440 = arith.divsi %sub3A_438, %jit3A_439 : i32
        %sign3A_441 = arith.constant 0 : i32
        %sign3A_442 = arith.cmpi sgt, %sub3A_438, %sign3A_441 : i32
        %sign3A_443 = arith.extui %sign3A_442 : i1 to i32
        %sign3A_444 = arith.constant 0 : i32
        %sign3A_445 = arith.cmpi slt, %sub3A_438, %sign3A_444 : i32
        %sign3A_446 = arith.extui %sign3A_445 : i1 to i32
        %sign3A_447 = arith.subi %sign3A_443, %sign3A_446 : i32
        %sign3A_448 = arith.constant 0 : i32
        %sign3A_449 = arith.cmpi sgt, %jit3A_439, %sign3A_448 : i32
        %sign3A_450 = arith.extui %sign3A_449 : i1 to i32
        %sign3A_451 = arith.constant 0 : i32
        %sign3A_452 = arith.cmpi slt, %jit3A_439, %sign3A_451 : i32
        %sign3A_453 = arith.extui %sign3A_452 : i1 to i32
        %sign3A_454 = arith.subi %sign3A_450, %sign3A_453 : i32
        %ne3A_455 = arith.cmpi ne, %sign3A_447, %sign3A_454 : i32
        %rem3A_456 = arith.remsi %sub3A_438, %jit3A_439 : i32
        %ne3A_457 = arith.constant 0 : i32
        %ne3A_458 = arith.cmpi ne, %rem3A_456, %ne3A_457 : i32
        %and3A_459 = arith.andi %ne3A_455, %ne3A_458 : i1
        %sub3A_460 = arith.constant 1 : i32
        %sub3A_461 = arith.subi %div3A_440, %sub3A_460 : i32
        %select_n3A_462 = arith.select %and3A_459, %sub3A_461, %div3A_440 : i32
        %while3A_463 = arith.constant 0 : i32
        %while3A_464 = arith.constant 0 : i32
        %while3A_465 = arith.subi %select_n3A_462, %while3A_463 : i32
        %while3A_466 = arith.addi %while3A_463, %while3A_465 : i32
        %while3A_467 = arith.constant 1 : i32
        %while3A_468 = arith.divsi %while3A_465, %while3A_467 : i32
        %while3A_469 = arith.muli %while3A_468, %while3A_467 : i32
        %while3A_470 = arith.addi %while3A_463, %while3A_469 : i32
        %while3A_471 = arith.constant 1 : i32
        %while3A_472 = scf.for %while3A_475 = %while3A_463 to %while3A_470 step %while3A_471 iter_args(%while3A_476 = %while3A_464) -> (i32)  : i32 {
          %mul3A_477 = arith.constant 16 : i32
          %mul3A_478 = arith.muli %while3A_475, %mul3A_477 : i32
          %add3A_479 = arith.addi %max3A_429, %mul3A_478 : i32
          %add3A_480 = vector.broadcast %add3A_479 : i32 to vector<16xi32>
          %add3A_481 = arith.addi %add3A_480, %iota3A : vector<16xi32>
          %lt3A_482 = vector.broadcast %min3A_433 : i32 to vector<16xi32>
          %lt3A_483 = arith.cmpi slt, %add3A_481, %lt3A_482 : vector<16xi32>
          %mul3A_484 = arith.constant 2 : i32
          %mul3A_485 = vector.broadcast %mul3A_484 : i32 to vector<16xi32>
          %mul3A_486 = arith.muli %mul3A_485, %add3A_481 : vector<16xi32>
          %gather3A = tpu.vector_load_idx %arg11[%mul3A_486] : memref<832xi32, #tpu.memory_space<vmem>>[vector<16xi32>], vector<16xi32>,
          %unique3A_487, %unique3A_488 = tpu.scan_count mask(%lt3A_483 : vector<16xi1>) value(%gather3A : vector<16xi32>) : vector<16xi1>, vector<16xi32>
          %sub3A_489 = arith.constant 1 : i32
          %sub3A_490 = arith.subi %squeeze3A, %sub3A_489 : i32
          %broadcast_in_dim3A_491 = vector.broadcast %sub3A_490 : i32 to vector<16xi32>
          %select_n3A_492 = arith.select %lt3A_483, %unique3A_488, %broadcast_in_dim3A_491 : vector<16xi1>, vector<16xi32>
          %reduce_max3A_493 = arith.constant true
          %reduce_max3A_494 = vector.broadcast %reduce_max3A_493 : i1 to vector<16xi1>
          %reduce_max3A_495 = arith.constant -2147483648 : i32
          %reduce_max3A_496 = vector.broadcast %reduce_max3A_495 : i32 to vector<16xi32>
          %reduce_max3A_497 = arith.xori %select_n3A_492, %reduce_max3A_496 : vector<16xi32>
          %reduce_max3A_498 = tpu.scan <max>, %reduce_max3A_497 masked %reduce_max3A_494 : vector<16xi32>, vector<16xi1> -> vector<16xi32>
          %reduce_max3A_499 = arith.xori %reduce_max3A_498, %reduce_max3A_496 : vector<16xi32>
          %reduce_max3A_500 = vector.extract %reduce_max3A_499[15] : i32 from vector<16xi32>
          %add3A_501 = arith.constant 1 : i32
          %add3A_502 = arith.addi %reduce_max3A_500, %add3A_501 : i32
          %while3A_503 = arith.constant 0 : i32
          %while3A_504 = arith.subi %add3A_502, %squeeze3A : i32
          %while3A_505 = arith.addi %squeeze3A, %while3A_504 : i32
          %while3A_506 = arith.constant 1 : i32
          %while3A_507 = arith.divsi %while3A_504, %while3A_506 : i32
          %while3A_508 = arith.muli %while3A_507, %while3A_506 : i32
          %while3A_509 = arith.addi %squeeze3A, %while3A_508 : i32
          %while3A_510 = arith.constant 1 : i32
          %while3A_511 = scf.for %while3A_515 = %squeeze3A to %while3A_509 step %while3A_510 iter_args(%while3A_516 = %while3A_503) -> (i32)  : i32 {
            %eq3A_517 = vector.broadcast %while3A_515 : i32 to vector<16xi32>
            %eq3A_518 = arith.cmpi eq, %select_n3A_492, %eq3A_517 : vector<16xi32>
            %and3A_519 = arith.andi %lt3A_483, %eq3A_518 : vector<16xi1>
            %parallel_loop3A_520 = arith.constant 0 : i32
            %parallel_loop3A_521 = arith.constant 64 : i32
            %parallel_loop3A_522 = arith.constant 1 : i32
            scf.for %parallel_loop3A_524 = %parallel_loop3A_520 to %parallel_loop3A_521 step %parallel_loop3A_522  : i32 {
              %parallel_loop3A_525 = vector.broadcast %parallel_loop3A_524 : i32 to vector<16xi32>
              %parallel_loop3A_526 = arith.addi %parallel_loop3A_525, %iota3A : vector<16xi32>
              %parallel_loop3A_527 = arith.constant 63 : i32
              %parallel_loop3A_528 = vector.broadcast %parallel_loop3A_527 : i32 to vector<16xi32>
              %parallel_loop3A_529 = arith.andi %parallel_loop3A_526, %parallel_loop3A_528 : vector<16xi32>
              %parallel_loop3A_530 = tpu.vector_load_idx %arg8[%add3A_481, %parallel_loop3A_529] masked %and3A_519 : memref<416x64xf32, #tpu.memory_space<vmem>>[vector<16xi32>, vector<16xi32>], vector<16xf32>, vector<16xi1>
              %parallel_loop3A_531 = tpu.vector_load_idx %arg6[%gather3A, %parallel_loop3A_529] masked %and3A_519 : memref<400x64xf32, #tpu.memory_space<vmem>>[vector<16xi32>, vector<16xi32>], vector<16xf32>, vector<16xi1>
              %parallel_loop3A_532 = arith.maximumf %parallel_loop3A_531, %parallel_loop3A_530 : vector<16xf32>
              tpu.vector_store_idx %arg6[%gather3A, %parallel_loop3A_529], %parallel_loop3A_532 masked %and3A_519 : memref<400x64xf32, #tpu.memory_space<vmem>>[vector<16xi32>, vector<16xi32>], vector<16xf32>, vector<16xi1>
            } {sc.loop_unroll_factor = 16 : i64, sc.parallel_access}
            %while3A_523 = arith.constant 0 : i32
            scf.yield %while3A_523 : i32
          }
          %while3A_512 = arith.constant 1 : i32
          %while3A_513 = scf.for %while3A_515 = %while3A_509 to %while3A_505 step %while3A_512 iter_args(%while3A_516 = %while3A_511) -> (i32)  : i32 {
            %eq3A_517 = vector.broadcast %while3A_515 : i32 to vector<16xi32>
            %eq3A_518 = arith.cmpi eq, %select_n3A_492, %eq3A_517 : vector<16xi32>
            %and3A_519 = arith.andi %lt3A_483, %eq3A_518 : vector<16xi1>
            %parallel_loop3A_520 = arith.constant 0 : i32
            %parallel_loop3A_521 = arith.constant 64 : i32
            %parallel_loop3A_522 = arith.constant 1 : i32
            scf.for %parallel_loop3A_524 = %parallel_loop3A_520 to %parallel_loop3A_521 step %parallel_loop3A_522  : i32 {
              %parallel_loop3A_525 = vector.broadcast %parallel_loop3A_524 : i32 to vector<16xi32>
              %parallel_loop3A_526 = arith.addi %parallel_loop3A_525, %iota3A : vector<16xi32>
              %parallel_loop3A_527 = arith.constant 63 : i32
              %parallel_loop3A_528 = vector.broadcast %parallel_loop3A_527 : i32 to vector<16xi32>
              %parallel_loop3A_529 = arith.andi %parallel_loop3A_526, %parallel_loop3A_528 : vector<16xi32>
              %parallel_loop3A_530 = tpu.vector_load_idx %arg8[%add3A_481, %parallel_loop3A_529] masked %and3A_519 : memref<416x64xf32, #tpu.memory_space<vmem>>[vector<16xi32>, vector<16xi32>], vector<16xf32>, vector<16xi1>
              %parallel_loop3A_531 = tpu.vector_load_idx %arg6[%gather3A, %parallel_loop3A_529] masked %and3A_519 : memref<400x64xf32, #tpu.memory_space<vmem>>[vector<16xi32>, vector<16xi32>], vector<16xf32>, vector<16xi1>
              %parallel_loop3A_532 = arith.maximumf %parallel_loop3A_531, %parallel_loop3A_530 : vector<16xf32>
              tpu.vector_store_idx %arg6[%gather3A, %parallel_loop3A_529], %parallel_loop3A_532 masked %and3A_519 : memref<400x64xf32, #tpu.memory_space<vmem>>[vector<16xi32>, vector<16xi32>], vector<16xf32>, vector<16xi1>
            } {sc.loop_unroll_factor = 16 : i64, sc.parallel_access}
            %while3A_523 = arith.constant 0 : i32
            scf.yield %while3A_523 : i32
          }
          %while3A_514 = arith.constant 0 : i32
          scf.yield %while3A_514 : i32
        }
        %while3A_473 = arith.constant 1 : i32
        %while3A_474 = scf.for %while3A_475 = %while3A_470 to %while3A_466 step %while3A_473 iter_args(%while3A_476 = %while3A_472) -> (i32)  : i32 {
          %mul3A_477 = arith.constant 16 : i32
          %mul3A_478 = arith.muli %while3A_475, %mul3A_477 : i32
          %add3A_479 = arith.addi %max3A_429, %mul3A_478 : i32
          %add3A_480 = vector.broadcast %add3A_479 : i32 to vector<16xi32>
          %add3A_481 = arith.addi %add3A_480, %iota3A : vector<16xi32>
          %lt3A_482 = vector.broadcast %min3A_433 : i32 to vector<16xi32>
          %lt3A_483 = arith.cmpi slt, %add3A_481, %lt3A_482 : vector<16xi32>
          %mul3A_484 = arith.constant 2 : i32
          %mul3A_485 = vector.broadcast %mul3A_484 : i32 to vector<16xi32>
          %mul3A_486 = arith.muli %mul3A_485, %add3A_481 : vector<16xi32>
          %gather3A = tpu.vector_load_idx %arg11[%mul3A_486] : memref<832xi32, #tpu.memory_space<vmem>>[vector<16xi32>], vector<16xi32>,
          %unique3A_487, %unique3A_488 = tpu.scan_count mask(%lt3A_483 : vector<16xi1>) value(%gather3A : vector<16xi32>) : vector<16xi1>, vector<16xi32>
          %sub3A_489 = arith.constant 1 : i32
          %sub3A_490 = arith.subi %squeeze3A, %sub3A_489 : i32
          %broadcast_in_dim3A_491 = vector.broadcast %sub3A_490 : i32 to vector<16xi32>
          %select_n3A_492 = arith.select %lt3A_483, %unique3A_488, %broadcast_in_dim3A_491 : vector<16xi1>, vector<16xi32>
          %reduce_max3A_493 = arith.constant true
          %reduce_max3A_494 = vector.broadcast %reduce_max3A_493 : i1 to vector<16xi1>
          %reduce_max3A_495 = arith.constant -2147483648 : i32
          %reduce_max3A_496 = vector.broadcast %reduce_max3A_495 : i32 to vector<16xi32>
          %reduce_max3A_497 = arith.xori %select_n3A_492, %reduce_max3A_496 : vector<16xi32>
          %reduce_max3A_498 = tpu.scan <max>, %reduce_max3A_497 masked %reduce_max3A_494 : vector<16xi32>, vector<16xi1> -> vector<16xi32>
          %reduce_max3A_499 = arith.xori %reduce_max3A_498, %reduce_max3A_496 : vector<16xi32>
          %reduce_max3A_500 = vector.extract %reduce_max3A_499[15] : i32 from vector<16xi32>
          %add3A_501 = arith.constant 1 : i32
          %add3A_502 = arith.addi %reduce_max3A_500, %add3A_501 : i32
          %while3A_503 = arith.constant 0 : i32
          %while3A_504 = arith.subi %add3A_502, %squeeze3A : i32
          %while3A_505 = arith.addi %squeeze3A, %while3A_504 : i32
          %while3A_506 = arith.constant 1 : i32
          %while3A_507 = arith.divsi %while3A_504, %while3A_506 : i32
          %while3A_508 = arith.muli %while3A_507, %while3A_506 : i32
          %while3A_509 = arith.addi %squeeze3A, %while3A_508 : i32
          %while3A_510 = arith.constant 1 : i32
          %while3A_511 = scf.for %while3A_515 = %squeeze3A to %while3A_509 step %while3A_510 iter_args(%while3A_516 = %while3A_503) -> (i32)  : i32 {
            %eq3A_517 = vector.broadcast %while3A_515 : i32 to vector<16xi32>
            %eq3A_518 = arith.cmpi eq, %select_n3A_492, %eq3A_517 : vector<16xi32>
            %and3A_519 = arith.andi %lt3A_483, %eq3A_518 : vector<16xi1>
            %parallel_loop3A_520 = arith.constant 0 : i32
            %parallel_loop3A_521 = arith.constant 64 : i32
            %parallel_loop3A_522 = arith.constant 1 : i32
            scf.for %parallel_loop3A_524 = %parallel_loop3A_520 to %parallel_loop3A_521 step %parallel_loop3A_522  : i32 {
              %parallel_loop3A_525 = vector.broadcast %parallel_loop3A_524 : i32 to vector<16xi32>
              %parallel_loop3A_526 = arith.addi %parallel_loop3A_525, %iota3A : vector<16xi32>
              %parallel_loop3A_527 = arith.constant 63 : i32
              %parallel_loop3A_528 = vector.broadcast %parallel_loop3A_527 : i32 to vector<16xi32>
              %parallel_loop3A_529 = arith.andi %parallel_loop3A_526, %parallel_loop3A_528 : vector<16xi32>
              %parallel_loop3A_530 = tpu.vector_load_idx %arg8[%add3A_481, %parallel_loop3A_529] masked %and3A_519 : memref<416x64xf32, #tpu.memory_space<vmem>>[vector<16xi32>, vector<16xi32>], vector<16xf32>, vector<16xi1>
              %parallel_loop3A_531 = tpu.vector_load_idx %arg6[%gather3A, %parallel_loop3A_529] masked %and3A_519 : memref<400x64xf32, #tpu.memory_space<vmem>>[vector<16xi32>, vector<16xi32>], vector<16xf32>, vector<16xi1>
              %parallel_loop3A_532 = arith.maximumf %parallel_loop3A_531, %parallel_loop3A_530 : vector<16xf32>
              tpu.vector_store_idx %arg6[%gather3A, %parallel_loop3A_529], %parallel_loop3A_532 masked %and3A_519 : memref<400x64xf32, #tpu.memory_space<vmem>>[vector<16xi32>, vector<16xi32>], vector<16xf32>, vector<16xi1>
            } {sc.loop_unroll_factor = 16 : i64, sc.parallel_access}
            %while3A_523 = arith.constant 0 : i32
            scf.yield %while3A_523 : i32
          }
          %while3A_512 = arith.constant 1 : i32
          %while3A_513 = scf.for %while3A_515 = %while3A_509 to %while3A_505 step %while3A_512 iter_args(%while3A_516 = %while3A_511) -> (i32)  : i32 {
            %eq3A_517 = vector.broadcast %while3A_515 : i32 to vector<16xi32>
            %eq3A_518 = arith.cmpi eq, %select_n3A_492, %eq3A_517 : vector<16xi32>
            %and3A_519 = arith.andi %lt3A_483, %eq3A_518 : vector<16xi1>
            %parallel_loop3A_520 = arith.constant 0 : i32
            %parallel_loop3A_521 = arith.constant 64 : i32
            %parallel_loop3A_522 = arith.constant 1 : i32
            scf.for %parallel_loop3A_524 = %parallel_loop3A_520 to %parallel_loop3A_521 step %parallel_loop3A_522  : i32 {
              %parallel_loop3A_525 = vector.broadcast %parallel_loop3A_524 : i32 to vector<16xi32>
              %parallel_loop3A_526 = arith.addi %parallel_loop3A_525, %iota3A : vector<16xi32>
              %parallel_loop3A_527 = arith.constant 63 : i32
              %parallel_loop3A_528 = vector.broadcast %parallel_loop3A_527 : i32 to vector<16xi32>
              %parallel_loop3A_529 = arith.andi %parallel_loop3A_526, %parallel_loop3A_528 : vector<16xi32>
              %parallel_loop3A_530 = tpu.vector_load_idx %arg8[%add3A_481, %parallel_loop3A_529] masked %and3A_519 : memref<416x64xf32, #tpu.memory_space<vmem>>[vector<16xi32>, vector<16xi32>], vector<16xf32>, vector<16xi1>
              %parallel_loop3A_531 = tpu.vector_load_idx %arg6[%gather3A, %parallel_loop3A_529] masked %and3A_519 : memref<400x64xf32, #tpu.memory_space<vmem>>[vector<16xi32>, vector<16xi32>], vector<16xf32>, vector<16xi1>
              %parallel_loop3A_532 = arith.maximumf %parallel_loop3A_531, %parallel_loop3A_530 : vector<16xf32>
              tpu.vector_store_idx %arg6[%gather3A, %parallel_loop3A_529], %parallel_loop3A_532 masked %and3A_519 : memref<400x64xf32, #tpu.memory_space<vmem>>[vector<16xi32>, vector<16xi32>], vector<16xf32>, vector<16xi1>
            } {sc.loop_unroll_factor = 16 : i64, sc.parallel_access}
            %while3A_523 = arith.constant 0 : i32
            scf.yield %while3A_523 : i32
          }
          %while3A_514 = arith.constant 0 : i32
          scf.yield %while3A_514 : i32
        }
      } else {
      }
      %while3A_406 = arith.constant 0 : i32
      scf.yield %while3A_406 : i32
    }
    %while3A_305 = arith.constant 1 : i32
    %while3A_306 = scf.for %while3A_321 = %while3A_302 to %while3A_298 step %while3A_305 iter_args(%while3A_322 = %while3A_304) -> (i32)  : i32 {
      %mul3A_323 = arith.constant 2 : i32
      %mul3A_324 = arith.muli %mul3A_323, %while3A_321 : i32
      %add3A_325 = arith.constant 1 : i32
      %add3A_326 = arith.addi %mul3A_324, %add3A_325 : i32
      %lt3A_327 = arith.cmpi slt, %add3A_326, %select_n3A_263 : i32
      %convert_element_type3A_328 = arith.extui %lt3A_327 : i1 to i32
      %cond3A_329 = arith.constant 0 : i32
      %cond3A_330 = arith.cmpi ne, %convert_element_type3A_328, %cond3A_329 : i32
      scf.if %cond3A_330 {
        %add3A_407 = arith.addi %select_n3A_229, %add3A_326 : i32
        %mul3A_408 = arith.constant 400 : i32
        %mul3A_409 = arith.muli %add3A_407, %mul3A_408 : i32
        %dma_start3A = arith.constant 0 : i32
        %dma_start3A_410 = arith.constant 0 : i32
        %dma_start3A_411 = tpu.memref_slice %arg8[%dma_start3A, %dma_start3A_410] : memref<416x64xf32, #tpu.memory_space<vmem>> -> memref<400x64xf32, #tpu.memory_space<vmem>>
        %dma_start3A_412 = tpu.memref_slice %arg2[%mul3A_409, %mul3A_0] : memref<100000x128xf32, #tpu.memory_space<hbm>> -> memref<400x64xf32, #tpu.memory_space<hbm>>
        %dma_start3A_413 = arith.constant 0 : i32
        %dma_start3A_414 = arith.constant 0 : i32
        %dma_start3A_415 = tpu.memref_slice %arg8[%dma_start3A_413, %dma_start3A_414] : memref<416x64xf32, #tpu.memory_space<vmem>> -> memref<400x64xf32, #tpu.memory_space<vmem>>
        %dma_start3A_416 = tpu.memref_slice %arg2[%mul3A_409, %mul3A_0] : memref<100000x128xf32, #tpu.memory_space<hbm>> -> memref<400x64xf32, #tpu.memory_space<hbm>>
        tpu.enqueue_dma source(%dma_start3A_416 : memref<400x64xf32, #tpu.memory_space<hbm>>) target(%dma_start3A_415 : memref<400x64xf32, #tpu.memory_space<vmem>>) target_semaphore(%arg24 : memref<!tpu.dma_semaphore, #tpu.memory_space<semaphore_mem>>)
        %mul3A_417 = arith.constant 2 : i32
        %mul3A_418 = arith.muli %mul3A_409, %mul3A_417 : i32
        %dma_start3A_419 = tpu.memref_slice %arg3[%mul3A_418] : memref<200000xf32, #tpu.memory_space<hbm>> -> memref<800xf32, #tpu.memory_space<hbm>>
        %dma_start3A_420 = tpu.memref_slice %arg3[%mul3A_418] : memref<200000xf32, #tpu.memory_space<hbm>> -> memref<800xf32, #tpu.memory_space<hbm>>
        tpu.enqueue_dma source(%dma_start3A_420 : memref<800xf32, #tpu.memory_space<hbm>>) target(%arg10 : memref<800xf32, #tpu.memory_space<vmem>>) target_semaphore(%arg24 : memref<!tpu.dma_semaphore, #tpu.memory_space<semaphore_mem>>)
      } else {
      }
      %dma_wait3A = arith.constant 0 : i32
      %dma_wait3A_331 = arith.constant 0 : i32
      %dma_wait3A_332 = tpu.memref_slice %arg7[%dma_wait3A, %dma_wait3A_331] : memref<416x64xf32, #tpu.memory_space<vmem>> -> memref<400x64xf32, #tpu.memory_space<vmem>>
      %dma_wait3A_333 = arith.constant 0 : i32
      %dma_wait3A_334 = tpu.memref_slice %arg2[%dma_wait3A_333, %mul3A_0] : memref<100000x128xf32, #tpu.memory_space<hbm>> -> memref<400x64xf32, #tpu.memory_space<hbm>>
      %dma_wait3A_335 = arith.constant 0 : i32
      %dma_wait3A_336 = arith.constant 0 : i32
      %dma_wait3A_337 = tpu.memref_slice %arg7[%dma_wait3A_335, %dma_wait3A_336] : memref<416x64xf32, #tpu.memory_space<vmem>> -> memref<400x64xf32, #tpu.memory_space<vmem>>
      %dma_wait3A_338 = arith.constant 0 : i32
      %dma_wait3A_339 = tpu.memref_slice %arg2[%dma_wait3A_338, %mul3A_0] : memref<100000x128xf32, #tpu.memory_space<hbm>> -> memref<400x64xf32, #tpu.memory_space<hbm>>
      tpu.wait_dma2 semaphore(%arg23 : memref<!tpu.dma_semaphore, #tpu.memory_space<semaphore_mem>>) src(%dma_wait3A_339 : memref<400x64xf32, #tpu.memory_space<hbm>>) dst(%dma_wait3A_337 : memref<400x64xf32, #tpu.memory_space<vmem>>)
      %dma_wait3A_340 = arith.constant 0 : i32
      %dma_wait3A_341 = tpu.memref_slice %arg3[%dma_wait3A_340] : memref<200000xf32, #tpu.memory_space<hbm>> -> memref<800xf32, #tpu.memory_space<hbm>>
      %dma_wait3A_342 = arith.constant 0 : i32
      %dma_wait3A_343 = tpu.memref_slice %arg3[%dma_wait3A_342] : memref<200000xf32, #tpu.memory_space<hbm>> -> memref<800xf32, #tpu.memory_space<hbm>>
      tpu.wait_dma2 semaphore(%arg23 : memref<!tpu.dma_semaphore, #tpu.memory_space<semaphore_mem>>) src(%dma_wait3A_343 : memref<800xf32, #tpu.memory_space<hbm>>) dst(%arg9 : memref<800xf32, #tpu.memory_space<vmem>>)
      %add3A_344 = arith.addi %select_n3A_229, %mul3A_324 : i32
      %mul3A_345 = arith.constant 400 : i32
      %mul3A_346 = arith.muli %add3A_344, %mul3A_345 : i32
      %parallel_loop3A_347 = arith.constant 0 : i32
      %parallel_loop3A_348 = arith.constant 50 : i32
      %parallel_loop3A_349 = arith.constant 1 : i32
      scf.for %parallel_loop3A_407 = %parallel_loop3A_347 to %parallel_loop3A_348 step %parallel_loop3A_349  : i32 {
        %parallel_loop3A_408 = arith.constant 16 : i32
        %parallel_loop3A_409 = arith.muli %parallel_loop3A_407, %parallel_loop3A_408 : i32
        %parallel_loop3A_410 = arith.index_cast %parallel_loop3A_409 : i32 to index
        %parallel_loop3A_411 = tpu.vector_load %arg9[%parallel_loop3A_410] {strides = array<i32>} : memref<800xf32, #tpu.memory_space<vmem>>, vector<16xf32>,
        %parallel_loop3A_412 = arith.subf %parallel_loop3A_411, %select_n3A_137 : vector<16xf32>
        %parallel_loop3A_413 = arith.constant 5.000000e-02 : f32
        %parallel_loop3A_414 = vector.broadcast %parallel_loop3A_413 : f32 to vector<16xf32>
        %parallel_loop3A_415 = arith.divf %parallel_loop3A_412, %parallel_loop3A_414 : vector<16xf32>
        %parallel_loop3A_416 = arith.fptosi %parallel_loop3A_415 : vector<16xf32> to vector<16xi32>
        %parallel_loop3A_417 = arith.minsi %parallel_loop3A_416, %sub3A_121 : vector<16xi32>
        %parallel_loop3A_418 = arith.muli %parallel_loop3A_417, %select_n3A_125 : vector<16xi32>
        %parallel_loop3A_419 = arith.constant 16 : i32
        %parallel_loop3A_420 = arith.muli %parallel_loop3A_407, %parallel_loop3A_419 : i32
        %parallel_loop3A_421 = arith.index_cast %parallel_loop3A_420 : i32 to index
        %parallel_loop3A_422 = tpu.vector_load %arg11[%parallel_loop3A_421] {strides = array<i32>} : memref<832xi32, #tpu.memory_space<vmem>>, vector<16xi32>,
        tpu.vector_store %arg11[%parallel_loop3A_421], %parallel_loop3A_418 {strides = array<i32>} : memref<832xi32, #tpu.memory_space<vmem>>, vector<16xi32>,
        %parallel_loop3A_423 = arith.constant 16 : i32
        %parallel_loop3A_424 = arith.muli %parallel_loop3A_407, %parallel_loop3A_423 : i32
        %parallel_loop3A_425 = arith.constant 1 : i32
        %parallel_loop3A_426 = vector.broadcast %parallel_loop3A_425 : i32 to vector<16xi32>
        %parallel_loop3A_427 = arith.xori %iota3A, %parallel_loop3A_426 : vector<16xi32>
        %parallel_loop3A_428 = vector.broadcast %parallel_loop3A_424 : i32 to vector<16xi32>
        %parallel_loop3A_429 = arith.addi %parallel_loop3A_428, %parallel_loop3A_427 : vector<16xi32>
        %parallel_loop3A_430 = tpu.vector_load_idx %arg11[%parallel_loop3A_429] : memref<832xi32, #tpu.memory_space<vmem>>[vector<16xi32>], vector<16xi32>,
        %parallel_loop3A_431 = arith.addi %parallel_loop3A_418, %parallel_loop3A_430 : vector<16xi32>
        %parallel_loop3A_432 = arith.constant 16 : i32
        %parallel_loop3A_433 = arith.muli %parallel_loop3A_407, %parallel_loop3A_432 : i32
        %parallel_loop3A_434 = arith.index_cast %parallel_loop3A_433 : i32 to index
        %parallel_loop3A_435 = tpu.vector_load %arg11[%parallel_loop3A_434] {strides = array<i32>} : memref<832xi32, #tpu.memory_space<vmem>>, vector<16xi32>,
        tpu.vector_store %arg11[%parallel_loop3A_434], %parallel_loop3A_431 {strides = array<i32>} : memref<832xi32, #tpu.memory_space<vmem>>, vector<16xi32>,
      } {sc.loop_unroll_factor = 4 : i64, sc.parallel_access}
      %sub3A_350 = arith.subi %reduce_max3A_193, %mul3A_346 : i32
      %max3A = arith.constant 0 : i32
      %max3A_351 = arith.maxsi %max3A, %sub3A_350 : i32
      %add3A_352 = arith.addi %reduce_max3A_193, %reduce_max3A_181 : i32
      %sub3A_353 = arith.subi %add3A_352, %mul3A_346 : i32
      %min3A = arith.constant 400 : i32
      %min3A_354 = arith.minsi %min3A, %sub3A_353 : i32
      %sub3A_355 = arith.subi %min3A_354, %max3A_351 : i32
      %add3A_356 = arith.constant 16 : i32
      %add3A_357 = arith.addi %sub3A_355, %add3A_356 : i32
      %sub3A_358 = arith.constant 1 : i32
      %sub3A_359 = arith.subi %add3A_357, %sub3A_358 : i32
      %jit3A_360 = arith.constant 16 : i32
      %div3A_361 = arith.divsi %sub3A_359, %jit3A_360 : i32
      %sign3A_362 = arith.constant 0 : i32
      %sign3A_363 = arith.cmpi sgt, %sub3A_359, %sign3A_362 : i32
      %sign3A_364 = arith.extui %sign3A_363 : i1 to i32
      %sign3A_365 = arith.constant 0 : i32
      %sign3A_366 = arith.cmpi slt, %sub3A_359, %sign3A_365 : i32
      %sign3A_367 = arith.extui %sign3A_366 : i1 to i32
      %sign3A_368 = arith.subi %sign3A_364, %sign3A_367 : i32
      %sign3A_369 = arith.constant 0 : i32
      %sign3A_370 = arith.cmpi sgt, %jit3A_360, %sign3A_369 : i32
      %sign3A_371 = arith.extui %sign3A_370 : i1 to i32
      %sign3A_372 = arith.constant 0 : i32
      %sign3A_373 = arith.cmpi slt, %jit3A_360, %sign3A_372 : i32
      %sign3A_374 = arith.extui %sign3A_373 : i1 to i32
      %sign3A_375 = arith.subi %sign3A_371, %sign3A_374 : i32
      %ne3A_376 = arith.cmpi ne, %sign3A_368, %sign3A_375 : i32
      %rem3A_377 = arith.remsi %sub3A_359, %jit3A_360 : i32
      %ne3A_378 = arith.constant 0 : i32
      %ne3A_379 = arith.cmpi ne, %rem3A_377, %ne3A_378 : i32
      %and3A_380 = arith.andi %ne3A_376, %ne3A_379 : i1
      %sub3A_381 = arith.constant 1 : i32
      %sub3A_382 = arith.subi %div3A_361, %sub3A_381 : i32
      %select_n3A_383 = arith.select %and3A_380, %sub3A_382, %div3A_361 : i32
      %while3A_384 = arith.constant 0 : i32
      %while3A_385 = arith.constant 0 : i32
      %while3A_386 = arith.subi %select_n3A_383, %while3A_384 : i32
      %while3A_387 = arith.addi %while3A_384, %while3A_386 : i32
      %while3A_388 = arith.constant 1 : i32
      %while3A_389 = arith.divsi %while3A_386, %while3A_388 : i32
      %while3A_390 = arith.muli %while3A_389, %while3A_388 : i32
      %while3A_391 = arith.addi %while3A_384, %while3A_390 : i32
      %while3A_392 = arith.constant 1 : i32
      %while3A_393 = scf.for %while3A_407 = %while3A_384 to %while3A_391 step %while3A_392 iter_args(%while3A_408 = %while3A_385) -> (i32)  : i32 {
        %mul3A_409 = arith.constant 16 : i32
        %mul3A_410 = arith.muli %while3A_407, %mul3A_409 : i32
        %add3A_411 = arith.addi %max3A_351, %mul3A_410 : i32
        %add3A_412 = vector.broadcast %add3A_411 : i32 to vector<16xi32>
        %add3A_413 = arith.addi %add3A_412, %iota3A : vector<16xi32>
        %lt3A_414 = vector.broadcast %min3A_354 : i32 to vector<16xi32>
        %lt3A_415 = arith.cmpi slt, %add3A_413, %lt3A_414 : vector<16xi32>
        %mul3A_416 = arith.constant 2 : i32
        %mul3A_417 = vector.broadcast %mul3A_416 : i32 to vector<16xi32>
        %mul3A_418 = arith.muli %mul3A_417, %add3A_413 : vector<16xi32>
        %gather3A = tpu.vector_load_idx %arg11[%mul3A_418] : memref<832xi32, #tpu.memory_space<vmem>>[vector<16xi32>], vector<16xi32>,
        %unique3A_419, %unique3A_420 = tpu.scan_count mask(%lt3A_415 : vector<16xi1>) value(%gather3A : vector<16xi32>) : vector<16xi1>, vector<16xi32>
        %sub3A_421 = arith.constant 1 : i32
        %sub3A_422 = arith.subi %squeeze3A, %sub3A_421 : i32
        %broadcast_in_dim3A_423 = vector.broadcast %sub3A_422 : i32 to vector<16xi32>
        %select_n3A_424 = arith.select %lt3A_415, %unique3A_420, %broadcast_in_dim3A_423 : vector<16xi1>, vector<16xi32>
        %reduce_max3A_425 = arith.constant true
        %reduce_max3A_426 = vector.broadcast %reduce_max3A_425 : i1 to vector<16xi1>
        %reduce_max3A_427 = arith.constant -2147483648 : i32
        %reduce_max3A_428 = vector.broadcast %reduce_max3A_427 : i32 to vector<16xi32>
        %reduce_max3A_429 = arith.xori %select_n3A_424, %reduce_max3A_428 : vector<16xi32>
        %reduce_max3A_430 = tpu.scan <max>, %reduce_max3A_429 masked %reduce_max3A_426 : vector<16xi32>, vector<16xi1> -> vector<16xi32>
        %reduce_max3A_431 = arith.xori %reduce_max3A_430, %reduce_max3A_428 : vector<16xi32>
        %reduce_max3A_432 = vector.extract %reduce_max3A_431[15] : i32 from vector<16xi32>
        %add3A_433 = arith.constant 1 : i32
        %add3A_434 = arith.addi %reduce_max3A_432, %add3A_433 : i32
        %while3A_435 = arith.constant 0 : i32
        %while3A_436 = arith.subi %add3A_434, %squeeze3A : i32
        %while3A_437 = arith.addi %squeeze3A, %while3A_436 : i32
        %while3A_438 = arith.constant 1 : i32
        %while3A_439 = arith.divsi %while3A_436, %while3A_438 : i32
        %while3A_440 = arith.muli %while3A_439, %while3A_438 : i32
        %while3A_441 = arith.addi %squeeze3A, %while3A_440 : i32
        %while3A_442 = arith.constant 1 : i32
        %while3A_443 = scf.for %while3A_447 = %squeeze3A to %while3A_441 step %while3A_442 iter_args(%while3A_448 = %while3A_435) -> (i32)  : i32 {
          %eq3A_449 = vector.broadcast %while3A_447 : i32 to vector<16xi32>
          %eq3A_450 = arith.cmpi eq, %select_n3A_424, %eq3A_449 : vector<16xi32>
          %and3A_451 = arith.andi %lt3A_415, %eq3A_450 : vector<16xi1>
          %parallel_loop3A_452 = arith.constant 0 : i32
          %parallel_loop3A_453 = arith.constant 64 : i32
          %parallel_loop3A_454 = arith.constant 1 : i32
          scf.for %parallel_loop3A_456 = %parallel_loop3A_452 to %parallel_loop3A_453 step %parallel_loop3A_454  : i32 {
            %parallel_loop3A_457 = vector.broadcast %parallel_loop3A_456 : i32 to vector<16xi32>
            %parallel_loop3A_458 = arith.addi %parallel_loop3A_457, %iota3A : vector<16xi32>
            %parallel_loop3A_459 = arith.constant 63 : i32
            %parallel_loop3A_460 = vector.broadcast %parallel_loop3A_459 : i32 to vector<16xi32>
            %parallel_loop3A_461 = arith.andi %parallel_loop3A_458, %parallel_loop3A_460 : vector<16xi32>
            %parallel_loop3A_462 = tpu.vector_load_idx %arg7[%add3A_413, %parallel_loop3A_461] masked %and3A_451 : memref<416x64xf32, #tpu.memory_space<vmem>>[vector<16xi32>, vector<16xi32>], vector<16xf32>, vector<16xi1>
            %parallel_loop3A_463 = tpu.vector_load_idx %arg6[%gather3A, %parallel_loop3A_461] masked %and3A_451 : memref<400x64xf32, #tpu.memory_space<vmem>>[vector<16xi32>, vector<16xi32>], vector<16xf32>, vector<16xi1>
            %parallel_loop3A_464 = arith.maximumf %parallel_loop3A_463, %parallel_loop3A_462 : vector<16xf32>
            tpu.vector_store_idx %arg6[%gather3A, %parallel_loop3A_461], %parallel_loop3A_464 masked %and3A_451 : memref<400x64xf32, #tpu.memory_space<vmem>>[vector<16xi32>, vector<16xi32>], vector<16xf32>, vector<16xi1>
          } {sc.loop_unroll_factor = 16 : i64, sc.parallel_access}
          %while3A_455 = arith.constant 0 : i32
          scf.yield %while3A_455 : i32
        }
        %while3A_444 = arith.constant 1 : i32
        %while3A_445 = scf.for %while3A_447 = %while3A_441 to %while3A_437 step %while3A_444 iter_args(%while3A_448 = %while3A_443) -> (i32)  : i32 {
          %eq3A_449 = vector.broadcast %while3A_447 : i32 to vector<16xi32>
          %eq3A_450 = arith.cmpi eq, %select_n3A_424, %eq3A_449 : vector<16xi32>
          %and3A_451 = arith.andi %lt3A_415, %eq3A_450 : vector<16xi1>
          %parallel_loop3A_452 = arith.constant 0 : i32
          %parallel_loop3A_453 = arith.constant 64 : i32
          %parallel_loop3A_454 = arith.constant 1 : i32
          scf.for %parallel_loop3A_456 = %parallel_loop3A_452 to %parallel_loop3A_453 step %parallel_loop3A_454  : i32 {
            %parallel_loop3A_457 = vector.broadcast %parallel_loop3A_456 : i32 to vector<16xi32>
            %parallel_loop3A_458 = arith.addi %parallel_loop3A_457, %iota3A : vector<16xi32>
            %parallel_loop3A_459 = arith.constant 63 : i32
            %parallel_loop3A_460 = vector.broadcast %parallel_loop3A_459 : i32 to vector<16xi32>
            %parallel_loop3A_461 = arith.andi %parallel_loop3A_458, %parallel_loop3A_460 : vector<16xi32>
            %parallel_loop3A_462 = tpu.vector_load_idx %arg7[%add3A_413, %parallel_loop3A_461] masked %and3A_451 : memref<416x64xf32, #tpu.memory_space<vmem>>[vector<16xi32>, vector<16xi32>], vector<16xf32>, vector<16xi1>
            %parallel_loop3A_463 = tpu.vector_load_idx %arg6[%gather3A, %parallel_loop3A_461] masked %and3A_451 : memref<400x64xf32, #tpu.memory_space<vmem>>[vector<16xi32>, vector<16xi32>], vector<16xf32>, vector<16xi1>
            %parallel_loop3A_464 = arith.maximumf %parallel_loop3A_463, %parallel_loop3A_462 : vector<16xf32>
            tpu.vector_store_idx %arg6[%gather3A, %parallel_loop3A_461], %parallel_loop3A_464 masked %and3A_451 : memref<400x64xf32, #tpu.memory_space<vmem>>[vector<16xi32>, vector<16xi32>], vector<16xf32>, vector<16xi1>
          } {sc.loop_unroll_factor = 16 : i64, sc.parallel_access}
          %while3A_455 = arith.constant 0 : i32
          scf.yield %while3A_455 : i32
        }
        %while3A_446 = arith.constant 0 : i32
        scf.yield %while3A_446 : i32
      }
      %while3A_394 = arith.constant 1 : i32
      %while3A_395 = scf.for %while3A_407 = %while3A_391 to %while3A_387 step %while3A_394 iter_args(%while3A_408 = %while3A_393) -> (i32)  : i32 {
        %mul3A_409 = arith.constant 16 : i32
        %mul3A_410 = arith.muli %while3A_407, %mul3A_409 : i32
        %add3A_411 = arith.addi %max3A_351, %mul3A_410 : i32
        %add3A_412 = vector.broadcast %add3A_411 : i32 to vector<16xi32>
        %add3A_413 = arith.addi %add3A_412, %iota3A : vector<16xi32>
        %lt3A_414 = vector.broadcast %min3A_354 : i32 to vector<16xi32>
        %lt3A_415 = arith.cmpi slt, %add3A_413, %lt3A_414 : vector<16xi32>
        %mul3A_416 = arith.constant 2 : i32
        %mul3A_417 = vector.broadcast %mul3A_416 : i32 to vector<16xi32>
        %mul3A_418 = arith.muli %mul3A_417, %add3A_413 : vector<16xi32>
        %gather3A = tpu.vector_load_idx %arg11[%mul3A_418] : memref<832xi32, #tpu.memory_space<vmem>>[vector<16xi32>], vector<16xi32>,
        %unique3A_419, %unique3A_420 = tpu.scan_count mask(%lt3A_415 : vector<16xi1>) value(%gather3A : vector<16xi32>) : vector<16xi1>, vector<16xi32>
        %sub3A_421 = arith.constant 1 : i32
        %sub3A_422 = arith.subi %squeeze3A, %sub3A_421 : i32
        %broadcast_in_dim3A_423 = vector.broadcast %sub3A_422 : i32 to vector<16xi32>
        %select_n3A_424 = arith.select %lt3A_415, %unique3A_420, %broadcast_in_dim3A_423 : vector<16xi1>, vector<16xi32>
        %reduce_max3A_425 = arith.constant true
        %reduce_max3A_426 = vector.broadcast %reduce_max3A_425 : i1 to vector<16xi1>
        %reduce_max3A_427 = arith.constant -2147483648 : i32
        %reduce_max3A_428 = vector.broadcast %reduce_max3A_427 : i32 to vector<16xi32>
        %reduce_max3A_429 = arith.xori %select_n3A_424, %reduce_max3A_428 : vector<16xi32>
        %reduce_max3A_430 = tpu.scan <max>, %reduce_max3A_429 masked %reduce_max3A_426 : vector<16xi32>, vector<16xi1> -> vector<16xi32>
        %reduce_max3A_431 = arith.xori %reduce_max3A_430, %reduce_max3A_428 : vector<16xi32>
        %reduce_max3A_432 = vector.extract %reduce_max3A_431[15] : i32 from vector<16xi32>
        %add3A_433 = arith.constant 1 : i32
        %add3A_434 = arith.addi %reduce_max3A_432, %add3A_433 : i32
        %while3A_435 = arith.constant 0 : i32
        %while3A_436 = arith.subi %add3A_434, %squeeze3A : i32
        %while3A_437 = arith.addi %squeeze3A, %while3A_436 : i32
        %while3A_438 = arith.constant 1 : i32
        %while3A_439 = arith.divsi %while3A_436, %while3A_438 : i32
        %while3A_440 = arith.muli %while3A_439, %while3A_438 : i32
        %while3A_441 = arith.addi %squeeze3A, %while3A_440 : i32
        %while3A_442 = arith.constant 1 : i32
        %while3A_443 = scf.for %while3A_447 = %squeeze3A to %while3A_441 step %while3A_442 iter_args(%while3A_448 = %while3A_435) -> (i32)  : i32 {
          %eq3A_449 = vector.broadcast %while3A_447 : i32 to vector<16xi32>
          %eq3A_450 = arith.cmpi eq, %select_n3A_424, %eq3A_449 : vector<16xi32>
          %and3A_451 = arith.andi %lt3A_415, %eq3A_450 : vector<16xi1>
          %parallel_loop3A_452 = arith.constant 0 : i32
          %parallel_loop3A_453 = arith.constant 64 : i32
          %parallel_loop3A_454 = arith.constant 1 : i32
          scf.for %parallel_loop3A_456 = %parallel_loop3A_452 to %parallel_loop3A_453 step %parallel_loop3A_454  : i32 {
            %parallel_loop3A_457 = vector.broadcast %parallel_loop3A_456 : i32 to vector<16xi32>
            %parallel_loop3A_458 = arith.addi %parallel_loop3A_457, %iota3A : vector<16xi32>
            %parallel_loop3A_459 = arith.constant 63 : i32
            %parallel_loop3A_460 = vector.broadcast %parallel_loop3A_459 : i32 to vector<16xi32>
            %parallel_loop3A_461 = arith.andi %parallel_loop3A_458, %parallel_loop3A_460 : vector<16xi32>
            %parallel_loop3A_462 = tpu.vector_load_idx %arg7[%add3A_413, %parallel_loop3A_461] masked %and3A_451 : memref<416x64xf32, #tpu.memory_space<vmem>>[vector<16xi32>, vector<16xi32>], vector<16xf32>, vector<16xi1>
            %parallel_loop3A_463 = tpu.vector_load_idx %arg6[%gather3A, %parallel_loop3A_461] masked %and3A_451 : memref<400x64xf32, #tpu.memory_space<vmem>>[vector<16xi32>, vector<16xi32>], vector<16xf32>, vector<16xi1>
            %parallel_loop3A_464 = arith.maximumf %parallel_loop3A_463, %parallel_loop3A_462 : vector<16xf32>
            tpu.vector_store_idx %arg6[%gather3A, %parallel_loop3A_461], %parallel_loop3A_464 masked %and3A_451 : memref<400x64xf32, #tpu.memory_space<vmem>>[vector<16xi32>, vector<16xi32>], vector<16xf32>, vector<16xi1>
          } {sc.loop_unroll_factor = 16 : i64, sc.parallel_access}
          %while3A_455 = arith.constant 0 : i32
          scf.yield %while3A_455 : i32
        }
        %while3A_444 = arith.constant 1 : i32
        %while3A_445 = scf.for %while3A_447 = %while3A_441 to %while3A_437 step %while3A_444 iter_args(%while3A_448 = %while3A_443) -> (i32)  : i32 {
          %eq3A_449 = vector.broadcast %while3A_447 : i32 to vector<16xi32>
          %eq3A_450 = arith.cmpi eq, %select_n3A_424, %eq3A_449 : vector<16xi32>
          %and3A_451 = arith.andi %lt3A_415, %eq3A_450 : vector<16xi1>
          %parallel_loop3A_452 = arith.constant 0 : i32
          %parallel_loop3A_453 = arith.constant 64 : i32
          %parallel_loop3A_454 = arith.constant 1 : i32
          scf.for %parallel_loop3A_456 = %parallel_loop3A_452 to %parallel_loop3A_453 step %parallel_loop3A_454  : i32 {
            %parallel_loop3A_457 = vector.broadcast %parallel_loop3A_456 : i32 to vector<16xi32>
            %parallel_loop3A_458 = arith.addi %parallel_loop3A_457, %iota3A : vector<16xi32>
            %parallel_loop3A_459 = arith.constant 63 : i32
            %parallel_loop3A_460 = vector.broadcast %parallel_loop3A_459 : i32 to vector<16xi32>
            %parallel_loop3A_461 = arith.andi %parallel_loop3A_458, %parallel_loop3A_460 : vector<16xi32>
            %parallel_loop3A_462 = tpu.vector_load_idx %arg7[%add3A_413, %parallel_loop3A_461] masked %and3A_451 : memref<416x64xf32, #tpu.memory_space<vmem>>[vector<16xi32>, vector<16xi32>], vector<16xf32>, vector<16xi1>
            %parallel_loop3A_463 = tpu.vector_load_idx %arg6[%gather3A, %parallel_loop3A_461] masked %and3A_451 : memref<400x64xf32, #tpu.memory_space<vmem>>[vector<16xi32>, vector<16xi32>], vector<16xf32>, vector<16xi1>
            %parallel_loop3A_464 = arith.maximumf %parallel_loop3A_463, %parallel_loop3A_462 : vector<16xf32>
            tpu.vector_store_idx %arg6[%gather3A, %parallel_loop3A_461], %parallel_loop3A_464 masked %and3A_451 : memref<400x64xf32, #tpu.memory_space<vmem>>[vector<16xi32>, vector<16xi32>], vector<16xf32>, vector<16xi1>
          } {sc.loop_unroll_factor = 16 : i64, sc.parallel_access}
          %while3A_455 = arith.constant 0 : i32
          scf.yield %while3A_455 : i32
        }
        %while3A_446 = arith.constant 0 : i32
        scf.yield %while3A_446 : i32
      }
      %add3A_396 = arith.constant 2 : i32
      %add3A_397 = arith.addi %mul3A_324, %add3A_396 : i32
      %lt3A_398 = arith.cmpi slt, %add3A_397, %select_n3A_263 : i32
      %convert_element_type3A_399 = arith.extui %lt3A_398 : i1 to i32
      %cond3A_400 = arith.constant 0 : i32
      %cond3A_401 = arith.cmpi ne, %convert_element_type3A_399, %cond3A_400 : i32
      scf.if %cond3A_401 {
        %add3A_407 = arith.constant 2 : i32
        %add3A_408 = arith.addi %mul3A_324, %add3A_407 : i32
        %add3A_409 = arith.addi %select_n3A_229, %add3A_408 : i32
        %mul3A_410 = arith.constant 400 : i32
        %mul3A_411 = arith.muli %add3A_409, %mul3A_410 : i32
        %dma_start3A = arith.constant 0 : i32
        %dma_start3A_412 = arith.constant 0 : i32
        %dma_start3A_413 = tpu.memref_slice %arg7[%dma_start3A, %dma_start3A_412] : memref<416x64xf32, #tpu.memory_space<vmem>> -> memref<400x64xf32, #tpu.memory_space<vmem>>
        %dma_start3A_414 = tpu.memref_slice %arg2[%mul3A_411, %mul3A_0] : memref<100000x128xf32, #tpu.memory_space<hbm>> -> memref<400x64xf32, #tpu.memory_space<hbm>>
        %dma_start3A_415 = arith.constant 0 : i32
        %dma_start3A_416 = arith.constant 0 : i32
        %dma_start3A_417 = tpu.memref_slice %arg7[%dma_start3A_415, %dma_start3A_416] : memref<416x64xf32, #tpu.memory_space<vmem>> -> memref<400x64xf32, #tpu.memory_space<vmem>>
        %dma_start3A_418 = tpu.memref_slice %arg2[%mul3A_411, %mul3A_0] : memref<100000x128xf32, #tpu.memory_space<hbm>> -> memref<400x64xf32, #tpu.memory_space<hbm>>
        tpu.enqueue_dma source(%dma_start3A_418 : memref<400x64xf32, #tpu.memory_space<hbm>>) target(%dma_start3A_417 : memref<400x64xf32, #tpu.memory_space<vmem>>) target_semaphore(%arg23 : memref<!tpu.dma_semaphore, #tpu.memory_space<semaphore_mem>>)
        %mul3A_419 = arith.constant 2 : i32
        %mul3A_420 = arith.muli %mul3A_411, %mul3A_419 : i32
        %dma_start3A_421 = tpu.memref_slice %arg3[%mul3A_420] : memref<200000xf32, #tpu.memory_space<hbm>> -> memref<800xf32, #tpu.memory_space<hbm>>
        %dma_start3A_422 = tpu.memref_slice %arg3[%mul3A_420] : memref<200000xf32, #tpu.memory_space<hbm>> -> memref<800xf32, #tpu.memory_space<hbm>>
        tpu.enqueue_dma source(%dma_start3A_422 : memref<800xf32, #tpu.memory_space<hbm>>) target(%arg9 : memref<800xf32, #tpu.memory_space<vmem>>) target_semaphore(%arg23 : memref<!tpu.dma_semaphore, #tpu.memory_space<semaphore_mem>>)
      } else {
      }
      %lt3A_402 = arith.cmpi slt, %add3A_326, %select_n3A_263 : i32
      %convert_element_type3A_403 = arith.extui %lt3A_402 : i1 to i32
      %cond3A_404 = arith.constant 0 : i32
      %cond3A_405 = arith.cmpi ne, %convert_element_type3A_403, %cond3A_404 : i32
      scf.if %cond3A_405 {
        %dma_wait3A_407 = arith.constant 0 : i32
        %dma_wait3A_408 = arith.constant 0 : i32
        %dma_wait3A_409 = tpu.memref_slice %arg8[%dma_wait3A_407, %dma_wait3A_408] : memref<416x64xf32, #tpu.memory_space<vmem>> -> memref<400x64xf32, #tpu.memory_space<vmem>>
        %dma_wait3A_410 = arith.constant 0 : i32
        %dma_wait3A_411 = tpu.memref_slice %arg2[%dma_wait3A_410, %mul3A_0] : memref<100000x128xf32, #tpu.memory_space<hbm>> -> memref<400x64xf32, #tpu.memory_space<hbm>>
        %dma_wait3A_412 = arith.constant 0 : i32
        %dma_wait3A_413 = arith.constant 0 : i32
        %dma_wait3A_414 = tpu.memref_slice %arg8[%dma_wait3A_412, %dma_wait3A_413] : memref<416x64xf32, #tpu.memory_space<vmem>> -> memref<400x64xf32, #tpu.memory_space<vmem>>
        %dma_wait3A_415 = arith.constant 0 : i32
        %dma_wait3A_416 = tpu.memref_slice %arg2[%dma_wait3A_415, %mul3A_0] : memref<100000x128xf32, #tpu.memory_space<hbm>> -> memref<400x64xf32, #tpu.memory_space<hbm>>
        tpu.wait_dma2 semaphore(%arg24 : memref<!tpu.dma_semaphore, #tpu.memory_space<semaphore_mem>>) src(%dma_wait3A_416 : memref<400x64xf32, #tpu.memory_space<hbm>>) dst(%dma_wait3A_414 : memref<400x64xf32, #tpu.memory_space<vmem>>)
        %dma_wait3A_417 = arith.constant 0 : i32
        %dma_wait3A_418 = tpu.memref_slice %arg3[%dma_wait3A_417] : memref<200000xf32, #tpu.memory_space<hbm>> -> memref<800xf32, #tpu.memory_space<hbm>>
        %dma_wait3A_419 = arith.constant 0 : i32
        %dma_wait3A_420 = tpu.memref_slice %arg3[%dma_wait3A_419] : memref<200000xf32, #tpu.memory_space<hbm>> -> memref<800xf32, #tpu.memory_space<hbm>>
        tpu.wait_dma2 semaphore(%arg24 : memref<!tpu.dma_semaphore, #tpu.memory_space<semaphore_mem>>) src(%dma_wait3A_420 : memref<800xf32, #tpu.memory_space<hbm>>) dst(%arg10 : memref<800xf32, #tpu.memory_space<vmem>>)
        %add3A_421 = arith.addi %select_n3A_229, %add3A_326 : i32
        %mul3A_422 = arith.constant 400 : i32
        %mul3A_423 = arith.muli %add3A_421, %mul3A_422 : i32
        %parallel_loop3A_424 = arith.constant 0 : i32
        %parallel_loop3A_425 = arith.constant 50 : i32
        %parallel_loop3A_426 = arith.constant 1 : i32
        scf.for %parallel_loop3A_475 = %parallel_loop3A_424 to %parallel_loop3A_425 step %parallel_loop3A_426  : i32 {
          %parallel_loop3A_476 = arith.constant 16 : i32
          %parallel_loop3A_477 = arith.muli %parallel_loop3A_475, %parallel_loop3A_476 : i32
          %parallel_loop3A_478 = arith.index_cast %parallel_loop3A_477 : i32 to index
          %parallel_loop3A_479 = tpu.vector_load %arg10[%parallel_loop3A_478] {strides = array<i32>} : memref<800xf32, #tpu.memory_space<vmem>>, vector<16xf32>,
          %parallel_loop3A_480 = arith.subf %parallel_loop3A_479, %select_n3A_137 : vector<16xf32>
          %parallel_loop3A_481 = arith.constant 5.000000e-02 : f32
          %parallel_loop3A_482 = vector.broadcast %parallel_loop3A_481 : f32 to vector<16xf32>
          %parallel_loop3A_483 = arith.divf %parallel_loop3A_480, %parallel_loop3A_482 : vector<16xf32>
          %parallel_loop3A_484 = arith.fptosi %parallel_loop3A_483 : vector<16xf32> to vector<16xi32>
          %parallel_loop3A_485 = arith.minsi %parallel_loop3A_484, %sub3A_121 : vector<16xi32>
          %parallel_loop3A_486 = arith.muli %parallel_loop3A_485, %select_n3A_125 : vector<16xi32>
          %parallel_loop3A_487 = arith.constant 16 : i32
          %parallel_loop3A_488 = arith.muli %parallel_loop3A_475, %parallel_loop3A_487 : i32
          %parallel_loop3A_489 = arith.index_cast %parallel_loop3A_488 : i32 to index
          %parallel_loop3A_490 = tpu.vector_load %arg11[%parallel_loop3A_489] {strides = array<i32>} : memref<832xi32, #tpu.memory_space<vmem>>, vector<16xi32>,
          tpu.vector_store %arg11[%parallel_loop3A_489], %parallel_loop3A_486 {strides = array<i32>} : memref<832xi32, #tpu.memory_space<vmem>>, vector<16xi32>,
          %parallel_loop3A_491 = arith.constant 16 : i32
          %parallel_loop3A_492 = arith.muli %parallel_loop3A_475, %parallel_loop3A_491 : i32
          %parallel_loop3A_493 = arith.constant 1 : i32
          %parallel_loop3A_494 = vector.broadcast %parallel_loop3A_493 : i32 to vector<16xi32>
          %parallel_loop3A_495 = arith.xori %iota3A, %parallel_loop3A_494 : vector<16xi32>
          %parallel_loop3A_496 = vector.broadcast %parallel_loop3A_492 : i32 to vector<16xi32>
          %parallel_loop3A_497 = arith.addi %parallel_loop3A_496, %parallel_loop3A_495 : vector<16xi32>
          %parallel_loop3A_498 = tpu.vector_load_idx %arg11[%parallel_loop3A_497] : memref<832xi32, #tpu.memory_space<vmem>>[vector<16xi32>], vector<16xi32>,
          %parallel_loop3A_499 = arith.addi %parallel_loop3A_486, %parallel_loop3A_498 : vector<16xi32>
          %parallel_loop3A_500 = arith.constant 16 : i32
          %parallel_loop3A_501 = arith.muli %parallel_loop3A_475, %parallel_loop3A_500 : i32
          %parallel_loop3A_502 = arith.index_cast %parallel_loop3A_501 : i32 to index
          %parallel_loop3A_503 = tpu.vector_load %arg11[%parallel_loop3A_502] {strides = array<i32>} : memref<832xi32, #tpu.memory_space<vmem>>, vector<16xi32>,
          tpu.vector_store %arg11[%parallel_loop3A_502], %parallel_loop3A_499 {strides = array<i32>} : memref<832xi32, #tpu.memory_space<vmem>>, vector<16xi32>,
        } {sc.loop_unroll_factor = 4 : i64, sc.parallel_access}
        %sub3A_427 = arith.subi %reduce_max3A_193, %mul3A_423 : i32
        %max3A_428 = arith.constant 0 : i32
        %max3A_429 = arith.maxsi %max3A_428, %sub3A_427 : i32
        %add3A_430 = arith.addi %reduce_max3A_193, %reduce_max3A_181 : i32
        %sub3A_431 = arith.subi %add3A_430, %mul3A_423 : i32
        %min3A_432 = arith.constant 400 : i32
        %min3A_433 = arith.minsi %min3A_432, %sub3A_431 : i32
        %sub3A_434 = arith.subi %min3A_433, %max3A_429 : i32
        %add3A_435 = arith.constant 16 : i32
        %add3A_436 = arith.addi %sub3A_434, %add3A_435 : i32
        %sub3A_437 = arith.constant 1 : i32
        %sub3A_438 = arith.subi %add3A_436, %sub3A_437 : i32
        %jit3A_439 = arith.constant 16 : i32
        %div3A_440 = arith.divsi %sub3A_438, %jit3A_439 : i32
        %sign3A_441 = arith.constant 0 : i32
        %sign3A_442 = arith.cmpi sgt, %sub3A_438, %sign3A_441 : i32
        %sign3A_443 = arith.extui %sign3A_442 : i1 to i32
        %sign3A_444 = arith.constant 0 : i32
        %sign3A_445 = arith.cmpi slt, %sub3A_438, %sign3A_444 : i32
        %sign3A_446 = arith.extui %sign3A_445 : i1 to i32
        %sign3A_447 = arith.subi %sign3A_443, %sign3A_446 : i32
        %sign3A_448 = arith.constant 0 : i32
        %sign3A_449 = arith.cmpi sgt, %jit3A_439, %sign3A_448 : i32
        %sign3A_450 = arith.extui %sign3A_449 : i1 to i32
        %sign3A_451 = arith.constant 0 : i32
        %sign3A_452 = arith.cmpi slt, %jit3A_439, %sign3A_451 : i32
        %sign3A_453 = arith.extui %sign3A_452 : i1 to i32
        %sign3A_454 = arith.subi %sign3A_450, %sign3A_453 : i32
        %ne3A_455 = arith.cmpi ne, %sign3A_447, %sign3A_454 : i32
        %rem3A_456 = arith.remsi %sub3A_438, %jit3A_439 : i32
        %ne3A_457 = arith.constant 0 : i32
        %ne3A_458 = arith.cmpi ne, %rem3A_456, %ne3A_457 : i32
        %and3A_459 = arith.andi %ne3A_455, %ne3A_458 : i1
        %sub3A_460 = arith.constant 1 : i32
        %sub3A_461 = arith.subi %div3A_440, %sub3A_460 : i32
        %select_n3A_462 = arith.select %and3A_459, %sub3A_461, %div3A_440 : i32
        %while3A_463 = arith.constant 0 : i32
        %while3A_464 = arith.constant 0 : i32
        %while3A_465 = arith.subi %select_n3A_462, %while3A_463 : i32
        %while3A_466 = arith.addi %while3A_463, %while3A_465 : i32
        %while3A_467 = arith.constant 1 : i32
        %while3A_468 = arith.divsi %while3A_465, %while3A_467 : i32
        %while3A_469 = arith.muli %while3A_468, %while3A_467 : i32
        %while3A_470 = arith.addi %while3A_463, %while3A_469 : i32
        %while3A_471 = arith.constant 1 : i32
        %while3A_472 = scf.for %while3A_475 = %while3A_463 to %while3A_470 step %while3A_471 iter_args(%while3A_476 = %while3A_464) -> (i32)  : i32 {
          %mul3A_477 = arith.constant 16 : i32
          %mul3A_478 = arith.muli %while3A_475, %mul3A_477 : i32
          %add3A_479 = arith.addi %max3A_429, %mul3A_478 : i32
          %add3A_480 = vector.broadcast %add3A_479 : i32 to vector<16xi32>
          %add3A_481 = arith.addi %add3A_480, %iota3A : vector<16xi32>
          %lt3A_482 = vector.broadcast %min3A_433 : i32 to vector<16xi32>
          %lt3A_483 = arith.cmpi slt, %add3A_481, %lt3A_482 : vector<16xi32>
          %mul3A_484 = arith.constant 2 : i32
          %mul3A_485 = vector.broadcast %mul3A_484 : i32 to vector<16xi32>
          %mul3A_486 = arith.muli %mul3A_485, %add3A_481 : vector<16xi32>
          %gather3A = tpu.vector_load_idx %arg11[%mul3A_486] : memref<832xi32, #tpu.memory_space<vmem>>[vector<16xi32>], vector<16xi32>,
          %unique3A_487, %unique3A_488 = tpu.scan_count mask(%lt3A_483 : vector<16xi1>) value(%gather3A : vector<16xi32>) : vector<16xi1>, vector<16xi32>
          %sub3A_489 = arith.constant 1 : i32
          %sub3A_490 = arith.subi %squeeze3A, %sub3A_489 : i32
          %broadcast_in_dim3A_491 = vector.broadcast %sub3A_490 : i32 to vector<16xi32>
          %select_n3A_492 = arith.select %lt3A_483, %unique3A_488, %broadcast_in_dim3A_491 : vector<16xi1>, vector<16xi32>
          %reduce_max3A_493 = arith.constant true
          %reduce_max3A_494 = vector.broadcast %reduce_max3A_493 : i1 to vector<16xi1>
          %reduce_max3A_495 = arith.constant -2147483648 : i32
          %reduce_max3A_496 = vector.broadcast %reduce_max3A_495 : i32 to vector<16xi32>
          %reduce_max3A_497 = arith.xori %select_n3A_492, %reduce_max3A_496 : vector<16xi32>
          %reduce_max3A_498 = tpu.scan <max>, %reduce_max3A_497 masked %reduce_max3A_494 : vector<16xi32>, vector<16xi1> -> vector<16xi32>
          %reduce_max3A_499 = arith.xori %reduce_max3A_498, %reduce_max3A_496 : vector<16xi32>
          %reduce_max3A_500 = vector.extract %reduce_max3A_499[15] : i32 from vector<16xi32>
          %add3A_501 = arith.constant 1 : i32
          %add3A_502 = arith.addi %reduce_max3A_500, %add3A_501 : i32
          %while3A_503 = arith.constant 0 : i32
          %while3A_504 = arith.subi %add3A_502, %squeeze3A : i32
          %while3A_505 = arith.addi %squeeze3A, %while3A_504 : i32
          %while3A_506 = arith.constant 1 : i32
          %while3A_507 = arith.divsi %while3A_504, %while3A_506 : i32
          %while3A_508 = arith.muli %while3A_507, %while3A_506 : i32
          %while3A_509 = arith.addi %squeeze3A, %while3A_508 : i32
          %while3A_510 = arith.constant 1 : i32
          %while3A_511 = scf.for %while3A_515 = %squeeze3A to %while3A_509 step %while3A_510 iter_args(%while3A_516 = %while3A_503) -> (i32)  : i32 {
            %eq3A_517 = vector.broadcast %while3A_515 : i32 to vector<16xi32>
            %eq3A_518 = arith.cmpi eq, %select_n3A_492, %eq3A_517 : vector<16xi32>
            %and3A_519 = arith.andi %lt3A_483, %eq3A_518 : vector<16xi1>
            %parallel_loop3A_520 = arith.constant 0 : i32
            %parallel_loop3A_521 = arith.constant 64 : i32
            %parallel_loop3A_522 = arith.constant 1 : i32
            scf.for %parallel_loop3A_524 = %parallel_loop3A_520 to %parallel_loop3A_521 step %parallel_loop3A_522  : i32 {
              %parallel_loop3A_525 = vector.broadcast %parallel_loop3A_524 : i32 to vector<16xi32>
              %parallel_loop3A_526 = arith.addi %parallel_loop3A_525, %iota3A : vector<16xi32>
              %parallel_loop3A_527 = arith.constant 63 : i32
              %parallel_loop3A_528 = vector.broadcast %parallel_loop3A_527 : i32 to vector<16xi32>
              %parallel_loop3A_529 = arith.andi %parallel_loop3A_526, %parallel_loop3A_528 : vector<16xi32>
              %parallel_loop3A_530 = tpu.vector_load_idx %arg8[%add3A_481, %parallel_loop3A_529] masked %and3A_519 : memref<416x64xf32, #tpu.memory_space<vmem>>[vector<16xi32>, vector<16xi32>], vector<16xf32>, vector<16xi1>
              %parallel_loop3A_531 = tpu.vector_load_idx %arg6[%gather3A, %parallel_loop3A_529] masked %and3A_519 : memref<400x64xf32, #tpu.memory_space<vmem>>[vector<16xi32>, vector<16xi32>], vector<16xf32>, vector<16xi1>
              %parallel_loop3A_532 = arith.maximumf %parallel_loop3A_531, %parallel_loop3A_530 : vector<16xf32>
              tpu.vector_store_idx %arg6[%gather3A, %parallel_loop3A_529], %parallel_loop3A_532 masked %and3A_519 : memref<400x64xf32, #tpu.memory_space<vmem>>[vector<16xi32>, vector<16xi32>], vector<16xf32>, vector<16xi1>
            } {sc.loop_unroll_factor = 16 : i64, sc.parallel_access}
            %while3A_523 = arith.constant 0 : i32
            scf.yield %while3A_523 : i32
          }
          %while3A_512 = arith.constant 1 : i32
          %while3A_513 = scf.for %while3A_515 = %while3A_509 to %while3A_505 step %while3A_512 iter_args(%while3A_516 = %while3A_511) -> (i32)  : i32 {
            %eq3A_517 = vector.broadcast %while3A_515 : i32 to vector<16xi32>
            %eq3A_518 = arith.cmpi eq, %select_n3A_492, %eq3A_517 : vector<16xi32>
            %and3A_519 = arith.andi %lt3A_483, %eq3A_518 : vector<16xi1>
            %parallel_loop3A_520 = arith.constant 0 : i32
            %parallel_loop3A_521 = arith.constant 64 : i32
            %parallel_loop3A_522 = arith.constant 1 : i32
            scf.for %parallel_loop3A_524 = %parallel_loop3A_520 to %parallel_loop3A_521 step %parallel_loop3A_522  : i32 {
              %parallel_loop3A_525 = vector.broadcast %parallel_loop3A_524 : i32 to vector<16xi32>
              %parallel_loop3A_526 = arith.addi %parallel_loop3A_525, %iota3A : vector<16xi32>
              %parallel_loop3A_527 = arith.constant 63 : i32
              %parallel_loop3A_528 = vector.broadcast %parallel_loop3A_527 : i32 to vector<16xi32>
              %parallel_loop3A_529 = arith.andi %parallel_loop3A_526, %parallel_loop3A_528 : vector<16xi32>
              %parallel_loop3A_530 = tpu.vector_load_idx %arg8[%add3A_481, %parallel_loop3A_529] masked %and3A_519 : memref<416x64xf32, #tpu.memory_space<vmem>>[vector<16xi32>, vector<16xi32>], vector<16xf32>, vector<16xi1>
              %parallel_loop3A_531 = tpu.vector_load_idx %arg6[%gather3A, %parallel_loop3A_529] masked %and3A_519 : memref<400x64xf32, #tpu.memory_space<vmem>>[vector<16xi32>, vector<16xi32>], vector<16xf32>, vector<16xi1>
              %parallel_loop3A_532 = arith.maximumf %parallel_loop3A_531, %parallel_loop3A_530 : vector<16xf32>
              tpu.vector_store_idx %arg6[%gather3A, %parallel_loop3A_529], %parallel_loop3A_532 masked %and3A_519 : memref<400x64xf32, #tpu.memory_space<vmem>>[vector<16xi32>, vector<16xi32>], vector<16xf32>, vector<16xi1>
            } {sc.loop_unroll_factor = 16 : i64, sc.parallel_access}
            %while3A_523 = arith.constant 0 : i32
            scf.yield %while3A_523 : i32
          }
          %while3A_514 = arith.constant 0 : i32
          scf.yield %while3A_514 : i32
        }
        %while3A_473 = arith.constant 1 : i32
        %while3A_474 = scf.for %while3A_475 = %while3A_470 to %while3A_466 step %while3A_473 iter_args(%while3A_476 = %while3A_472) -> (i32)  : i32 {
          %mul3A_477 = arith.constant 16 : i32
          %mul3A_478 = arith.muli %while3A_475, %mul3A_477 : i32
          %add3A_479 = arith.addi %max3A_429, %mul3A_478 : i32
          %add3A_480 = vector.broadcast %add3A_479 : i32 to vector<16xi32>
          %add3A_481 = arith.addi %add3A_480, %iota3A : vector<16xi32>
          %lt3A_482 = vector.broadcast %min3A_433 : i32 to vector<16xi32>
          %lt3A_483 = arith.cmpi slt, %add3A_481, %lt3A_482 : vector<16xi32>
          %mul3A_484 = arith.constant 2 : i32
          %mul3A_485 = vector.broadcast %mul3A_484 : i32 to vector<16xi32>
          %mul3A_486 = arith.muli %mul3A_485, %add3A_481 : vector<16xi32>
          %gather3A = tpu.vector_load_idx %arg11[%mul3A_486] : memref<832xi32, #tpu.memory_space<vmem>>[vector<16xi32>], vector<16xi32>,
          %unique3A_487, %unique3A_488 = tpu.scan_count mask(%lt3A_483 : vector<16xi1>) value(%gather3A : vector<16xi32>) : vector<16xi1>, vector<16xi32>
          %sub3A_489 = arith.constant 1 : i32
          %sub3A_490 = arith.subi %squeeze3A, %sub3A_489 : i32
          %broadcast_in_dim3A_491 = vector.broadcast %sub3A_490 : i32 to vector<16xi32>
          %select_n3A_492 = arith.select %lt3A_483, %unique3A_488, %broadcast_in_dim3A_491 : vector<16xi1>, vector<16xi32>
          %reduce_max3A_493 = arith.constant true
          %reduce_max3A_494 = vector.broadcast %reduce_max3A_493 : i1 to vector<16xi1>
          %reduce_max3A_495 = arith.constant -2147483648 : i32
          %reduce_max3A_496 = vector.broadcast %reduce_max3A_495 : i32 to vector<16xi32>
          %reduce_max3A_497 = arith.xori %select_n3A_492, %reduce_max3A_496 : vector<16xi32>
          %reduce_max3A_498 = tpu.scan <max>, %reduce_max3A_497 masked %reduce_max3A_494 : vector<16xi32>, vector<16xi1> -> vector<16xi32>
          %reduce_max3A_499 = arith.xori %reduce_max3A_498, %reduce_max3A_496 : vector<16xi32>
          %reduce_max3A_500 = vector.extract %reduce_max3A_499[15] : i32 from vector<16xi32>
          %add3A_501 = arith.constant 1 : i32
          %add3A_502 = arith.addi %reduce_max3A_500, %add3A_501 : i32
          %while3A_503 = arith.constant 0 : i32
          %while3A_504 = arith.subi %add3A_502, %squeeze3A : i32
          %while3A_505 = arith.addi %squeeze3A, %while3A_504 : i32
          %while3A_506 = arith.constant 1 : i32
          %while3A_507 = arith.divsi %while3A_504, %while3A_506 : i32
          %while3A_508 = arith.muli %while3A_507, %while3A_506 : i32
          %while3A_509 = arith.addi %squeeze3A, %while3A_508 : i32
          %while3A_510 = arith.constant 1 : i32
          %while3A_511 = scf.for %while3A_515 = %squeeze3A to %while3A_509 step %while3A_510 iter_args(%while3A_516 = %while3A_503) -> (i32)  : i32 {
            %eq3A_517 = vector.broadcast %while3A_515 : i32 to vector<16xi32>
            %eq3A_518 = arith.cmpi eq, %select_n3A_492, %eq3A_517 : vector<16xi32>
            %and3A_519 = arith.andi %lt3A_483, %eq3A_518 : vector<16xi1>
            %parallel_loop3A_520 = arith.constant 0 : i32
            %parallel_loop3A_521 = arith.constant 64 : i32
            %parallel_loop3A_522 = arith.constant 1 : i32
            scf.for %parallel_loop3A_524 = %parallel_loop3A_520 to %parallel_loop3A_521 step %parallel_loop3A_522  : i32 {
              %parallel_loop3A_525 = vector.broadcast %parallel_loop3A_524 : i32 to vector<16xi32>
              %parallel_loop3A_526 = arith.addi %parallel_loop3A_525, %iota3A : vector<16xi32>
              %parallel_loop3A_527 = arith.constant 63 : i32
              %parallel_loop3A_528 = vector.broadcast %parallel_loop3A_527 : i32 to vector<16xi32>
              %parallel_loop3A_529 = arith.andi %parallel_loop3A_526, %parallel_loop3A_528 : vector<16xi32>
              %parallel_loop3A_530 = tpu.vector_load_idx %arg8[%add3A_481, %parallel_loop3A_529] masked %and3A_519 : memref<416x64xf32, #tpu.memory_space<vmem>>[vector<16xi32>, vector<16xi32>], vector<16xf32>, vector<16xi1>
              %parallel_loop3A_531 = tpu.vector_load_idx %arg6[%gather3A, %parallel_loop3A_529] masked %and3A_519 : memref<400x64xf32, #tpu.memory_space<vmem>>[vector<16xi32>, vector<16xi32>], vector<16xf32>, vector<16xi1>
              %parallel_loop3A_532 = arith.maximumf %parallel_loop3A_531, %parallel_loop3A_530 : vector<16xf32>
              tpu.vector_store_idx %arg6[%gather3A, %parallel_loop3A_529], %parallel_loop3A_532 masked %and3A_519 : memref<400x64xf32, #tpu.memory_space<vmem>>[vector<16xi32>, vector<16xi32>], vector<16xf32>, vector<16xi1>
            } {sc.loop_unroll_factor = 16 : i64, sc.parallel_access}
            %while3A_523 = arith.constant 0 : i32
            scf.yield %while3A_523 : i32
          }
          %while3A_512 = arith.constant 1 : i32
          %while3A_513 = scf.for %while3A_515 = %while3A_509 to %while3A_505 step %while3A_512 iter_args(%while3A_516 = %while3A_511) -> (i32)  : i32 {
            %eq3A_517 = vector.broadcast %while3A_515 : i32 to vector<16xi32>
            %eq3A_518 = arith.cmpi eq, %select_n3A_492, %eq3A_517 : vector<16xi32>
            %and3A_519 = arith.andi %lt3A_483, %eq3A_518 : vector<16xi1>
            %parallel_loop3A_520 = arith.constant 0 : i32
            %parallel_loop3A_521 = arith.constant 64 : i32
            %parallel_loop3A_522 = arith.constant 1 : i32
            scf.for %parallel_loop3A_524 = %parallel_loop3A_520 to %parallel_loop3A_521 step %parallel_loop3A_522  : i32 {
              %parallel_loop3A_525 = vector.broadcast %parallel_loop3A_524 : i32 to vector<16xi32>
              %parallel_loop3A_526 = arith.addi %parallel_loop3A_525, %iota3A : vector<16xi32>
              %parallel_loop3A_527 = arith.constant 63 : i32
              %parallel_loop3A_528 = vector.broadcast %parallel_loop3A_527 : i32 to vector<16xi32>
              %parallel_loop3A_529 = arith.andi %parallel_loop3A_526, %parallel_loop3A_528 : vector<16xi32>
              %parallel_loop3A_530 = tpu.vector_load_idx %arg8[%add3A_481, %parallel_loop3A_529] masked %and3A_519 : memref<416x64xf32, #tpu.memory_space<vmem>>[vector<16xi32>, vector<16xi32>], vector<16xf32>, vector<16xi1>
              %parallel_loop3A_531 = tpu.vector_load_idx %arg6[%gather3A, %parallel_loop3A_529] masked %and3A_519 : memref<400x64xf32, #tpu.memory_space<vmem>>[vector<16xi32>, vector<16xi32>], vector<16xf32>, vector<16xi1>
              %parallel_loop3A_532 = arith.maximumf %parallel_loop3A_531, %parallel_loop3A_530 : vector<16xf32>
              tpu.vector_store_idx %arg6[%gather3A, %parallel_loop3A_529], %parallel_loop3A_532 masked %and3A_519 : memref<400x64xf32, #tpu.memory_space<vmem>>[vector<16xi32>, vector<16xi32>], vector<16xf32>, vector<16xi1>
            } {sc.loop_unroll_factor = 16 : i64, sc.parallel_access}
            %while3A_523 = arith.constant 0 : i32
            scf.yield %while3A_523 : i32
          }
          %while3A_514 = arith.constant 0 : i32
          scf.yield %while3A_514 : i32
        }
      } else {
      }
      %while3A_406 = arith.constant 0 : i32
      scf.yield %while3A_406 : i32
    }
    "tpu.trace_stop"() : () -> ()
    %scan3A_307 = arith.constant 0 : i32
    %scan3A_308 = arith.constant 0 : i32
    %scan3A_309 = arith.constant 129 : i32
    %scan3A_310 = arith.addi %scan3A_308, %scan3A_309 : i32
    %scan3A_311 = arith.constant 1 : i32
    %scan3A_312 = scf.for %scan3A_321 = %scan3A_308 to %scan3A_310 step %scan3A_311 iter_args(%scan3A_322 = %scan3A_307) -> (i32)  : i32 {
      %broadcast_in_dim3A_323 = arith.constant 0.000000e+00 : f32
      %broadcast_in_dim3A_324 = vector.broadcast %broadcast_in_dim3A_323 : f32 to vector<16xf32>
      %swap3A_325 = arith.index_cast %scan3A_321 : i32 to index
      %swap3A_326 = arith.constant 0 : index
      %swap3A_327 = tpu.vector_load %arg12[%swap3A_325, %swap3A_326] {strides = array<i32>} : memref<129x64xf32, #tpu.memory_space<vmem>>, vector<16xf32>,
      tpu.vector_store %arg12[%swap3A_325, %swap3A_326], %broadcast_in_dim3A_324 {strides = array<i32>} : memref<129x64xf32, #tpu.memory_space<vmem>>, vector<16xf32>,
      %broadcast_in_dim3A_328 = arith.constant 0.000000e+00 : f32
      %broadcast_in_dim3A_329 = vector.broadcast %broadcast_in_dim3A_328 : f32 to vector<16xf32>
      %swap3A_330 = arith.index_cast %scan3A_321 : i32 to index
      %swap3A_331 = arith.constant 16 : index
      %swap3A_332 = tpu.vector_load %arg12[%swap3A_330, %swap3A_331] {strides = array<i32>} : memref<129x64xf32, #tpu.memory_space<vmem>>, vector<16xf32>,
      tpu.vector_store %arg12[%swap3A_330, %swap3A_331], %broadcast_in_dim3A_329 {strides = array<i32>} : memref<129x64xf32, #tpu.memory_space<vmem>>, vector<16xf32>,
      %broadcast_in_dim3A_333 = arith.constant 0.000000e+00 : f32
      %broadcast_in_dim3A_334 = vector.broadcast %broadcast_in_dim3A_333 : f32 to vector<16xf32>
      %swap3A_335 = arith.index_cast %scan3A_321 : i32 to index
      %swap3A_336 = arith.constant 32 : index
      %swap3A_337 = tpu.vector_load %arg12[%swap3A_335, %swap3A_336] {strides = array<i32>} : memref<129x64xf32, #tpu.memory_space<vmem>>, vector<16xf32>,
      tpu.vector_store %arg12[%swap3A_335, %swap3A_336], %broadcast_in_dim3A_334 {strides = array<i32>} : memref<129x64xf32, #tpu.memory_space<vmem>>, vector<16xf32>,
      %broadcast_in_dim3A_338 = arith.constant 0.000000e+00 : f32
      %broadcast_in_dim3A_339 = vector.broadcast %broadcast_in_dim3A_338 : f32 to vector<16xf32>
      %swap3A_340 = arith.index_cast %scan3A_321 : i32 to index
      %swap3A_341 = arith.constant 48 : index
      %swap3A_342 = tpu.vector_load %arg12[%swap3A_340, %swap3A_341] {strides = array<i32>} : memref<129x64xf32, #tpu.memory_space<vmem>>, vector<16xf32>,
      tpu.vector_store %arg12[%swap3A_340, %swap3A_341], %broadcast_in_dim3A_339 {strides = array<i32>} : memref<129x64xf32, #tpu.memory_space<vmem>>, vector<16xf32>,
      %scan3A_343 = arith.constant 0 : i32
      scf.yield %scan3A_343 : i32
    }
    %scan3A_313 = arith.constant 129 : i32
    %lt3A = arith.cmpi slt, %arg1, %reduce_min3A_151 : i32
    %gt3A_314 = arith.cmpi sgt, %arg1, %reduce_max3A_165 : i32
    %or3A = arith.ori %lt3A, %gt3A_314 : i1
    %convert_element_type3A_315 = arith.extui %or3A : i1 to i32
    %cond3A_316 = arith.constant 0 : i32
    %cond3A_317 = arith.cmpi ne, %convert_element_type3A_315, %cond3A_316 : i32
    scf.if %cond3A_317 {
      %mul3A_321 = arith.constant 128 : i32
      %mul3A_322 = arith.muli %arg1, %mul3A_321 : i32
      "tpu.region"() ({
        %run_scoped3A = tpu.sem_alloc : memref<!tpu.dma_semaphore, #tpu.memory_space<semaphore_mem>>
        %dma_start3A = arith.constant 0 : i32
        %dma_start3A_323 = arith.constant 0 : i32
        %dma_start3A_324 = tpu.memref_slice %arg12[%dma_start3A, %dma_start3A_323] : memref<129x64xf32, #tpu.memory_space<vmem>> -> memref<128x64xf32, #tpu.memory_space<vmem>>
        %dma_start3A_325 = tpu.memref_slice %arg5[%mul3A_322, %mul3A_0] : memref<2048x128xf32, #tpu.memory_space<hbm>> -> memref<128x64xf32, #tpu.memory_space<hbm>>
        %dma_start3A_326 = tpu.memref_slice %arg5[%mul3A_322, %mul3A_0] : memref<2048x128xf32, #tpu.memory_space<hbm>> -> memref<128x64xf32, #tpu.memory_space<hbm>>
        %dma_start3A_327 = arith.constant 0 : i32
        %dma_start3A_328 = arith.constant 0 : i32
        %dma_start3A_329 = tpu.memref_slice %arg12[%dma_start3A_327, %dma_start3A_328] : memref<129x64xf32, #tpu.memory_space<vmem>> -> memref<128x64xf32, #tpu.memory_space<vmem>>
        tpu.enqueue_dma source(%dma_start3A_329 : memref<128x64xf32, #tpu.memory_space<vmem>>) target(%dma_start3A_326 : memref<128x64xf32, #tpu.memory_space<hbm>>) target_semaphore(%run_scoped3A : memref<!tpu.dma_semaphore, #tpu.memory_space<semaphore_mem>>)
        %dma_wait3A = arith.constant 0 : i32
        %dma_wait3A_330 = arith.constant 0 : i32
        %dma_wait3A_331 = tpu.memref_slice %arg12[%dma_wait3A, %dma_wait3A_330] : memref<129x64xf32, #tpu.memory_space<vmem>> -> memref<128x64xf32, #tpu.memory_space<vmem>>
        %dma_wait3A_332 = tpu.memref_slice %arg5[%mul3A_322, %mul3A_0] : memref<2048x128xf32, #tpu.memory_space<hbm>> -> memref<128x64xf32, #tpu.memory_space<hbm>>
        %dma_wait3A_333 = tpu.memref_slice %arg5[%mul3A_322, %mul3A_0] : memref<2048x128xf32, #tpu.memory_space<hbm>> -> memref<128x64xf32, #tpu.memory_space<hbm>>
        %dma_wait3A_334 = arith.constant 0 : i32
        %dma_wait3A_335 = arith.constant 0 : i32
        %dma_wait3A_336 = tpu.memref_slice %arg12[%dma_wait3A_334, %dma_wait3A_335] : memref<129x64xf32, #tpu.memory_space<vmem>> -> memref<128x64xf32, #tpu.memory_space<vmem>>
        tpu.wait_dma2 semaphore(%run_scoped3A : memref<!tpu.dma_semaphore, #tpu.memory_space<semaphore_mem>>) src(%dma_wait3A_336 : memref<128x64xf32, #tpu.memory_space<vmem>>) dst(%dma_wait3A_333 : memref<128x64xf32, #tpu.memory_space<hbm>>)
        tpu.yield
      }) : () -> ()
    } else {
    }
    %le3A = arith.cmpi sle, %add3A_168, %reduce_max3A_165 : i32
    %convert_element_type3A_318 = arith.extui %le3A : i1 to i32
    %cond3A_319 = arith.constant 0 : i32
    %cond3A_320 = arith.cmpi ne, %convert_element_type3A_318, %cond3A_319 : i32
    scf.if %cond3A_320 {
      %while3A_321 = arith.constant 0 : i32
      %while3A_322 = arith.constant 0 : i32
      %while3A_323 = arith.subi %mul3A_118, %while3A_321 : i32
      %while3A_324 = arith.addi %while3A_321, %while3A_323 : i32
      %while3A_325 = arith.constant 1 : i32
      %while3A_326 = arith.divsi %while3A_323, %while3A_325 : i32
      %while3A_327 = arith.muli %while3A_326, %while3A_325 : i32
      %while3A_328 = arith.addi %while3A_321, %while3A_327 : i32
      %while3A_329 = arith.constant 1 : i32
      %while3A_330 = scf.for %while3A_335 = %while3A_321 to %while3A_328 step %while3A_329 iter_args(%while3A_336 = %while3A_322) -> (i32)  : i32 {
        %get3A = arith.index_cast %while3A_335 : i32 to index
        %get3A_337 = arith.constant 0 : index
        %get3A_338 = tpu.vector_load %arg6[%get3A, %get3A_337] {strides = array<i32>} : memref<400x64xf32, #tpu.memory_space<vmem>>, vector<16xf32>,
        %ne3A_339 = arith.constant 0xFF800000 : f32
        %ne3A_340 = vector.broadcast %ne3A_339 : f32 to vector<16xf32>
        %ne3A_341 = arith.cmpf one, %get3A_338, %ne3A_340 : vector<16xf32>
        %convert_element_type3A_342 = arith.extui %ne3A_341 : vector<16xi1> to vector<16xi32>
        %reduce_max3A_343 = arith.constant true
        %reduce_max3A_344 = vector.broadcast %reduce_max3A_343 : i1 to vector<16xi1>
        %reduce_max3A_345 = arith.constant -2147483648 : i32
        %reduce_max3A_346 = vector.broadcast %reduce_max3A_345 : i32 to vector<16xi32>
        %reduce_max3A_347 = arith.xori %convert_element_type3A_342, %reduce_max3A_346 : vector<16xi32>
        %reduce_max3A_348 = tpu.scan <max>, %reduce_max3A_347 masked %reduce_max3A_344 : vector<16xi32>, vector<16xi1> -> vector<16xi32>
        %reduce_max3A_349 = arith.xori %reduce_max3A_348, %reduce_max3A_346 : vector<16xi32>
        %reduce_max3A_350 = vector.extract %reduce_max3A_349[15] : i32 from vector<16xi32>
        %eq3A_351 = arith.constant 0 : i32
        %eq3A_352 = arith.cmpi eq, %add3A_168, %eq3A_351 : i32
        %select_n3A_353 = arith.select %eq3A_352, %while3A_335, %while3A_336 : i32
        %gt3A_354 = arith.constant 0 : i32
        %gt3A_355 = arith.cmpi sgt, %reduce_max3A_350, %gt3A_354 : i32
        %lt3A_356 = arith.constant 128 : i32
        %lt3A_357 = arith.cmpi slt, %select_n3A_353, %lt3A_356 : i32
        %and3A_358 = arith.andi %gt3A_355, %lt3A_357 : i1
        %jit3A_359 = arith.constant 128 : i32
        %select_n3A_360 = arith.select %and3A_358, %select_n3A_353, %jit3A_359 : i32
        %get3A_361 = arith.index_cast %while3A_335 : i32 to index
        %get3A_362 = arith.constant 0 : index
        %get3A_363 = tpu.vector_load %arg6[%get3A_361, %get3A_362] {strides = array<i32>} : memref<400x64xf32, #tpu.memory_space<vmem>>, vector<16xf32>,
        %swap3A_364 = arith.index_cast %select_n3A_360 : i32 to index
        %swap3A_365 = arith.constant 0 : index
        %swap3A_366 = tpu.vector_load %arg12[%swap3A_364, %swap3A_365] {strides = array<i32>} : memref<129x64xf32, #tpu.memory_space<vmem>>, vector<16xf32>,
        tpu.vector_store %arg12[%swap3A_364, %swap3A_365], %get3A_363 {strides = array<i32>} : memref<129x64xf32, #tpu.memory_space<vmem>>, vector<16xf32>,
        %get3A_367 = arith.index_cast %while3A_335 : i32 to index
        %get3A_368 = arith.constant 16 : index
        %get3A_369 = tpu.vector_load %arg6[%get3A_367, %get3A_368] {strides = array<i32>} : memref<400x64xf32, #tpu.memory_space<vmem>>, vector<16xf32>,
        %swap3A_370 = arith.index_cast %select_n3A_360 : i32 to index
        %swap3A_371 = arith.constant 16 : index
        %swap3A_372 = tpu.vector_load %arg12[%swap3A_370, %swap3A_371] {strides = array<i32>} : memref<129x64xf32, #tpu.memory_space<vmem>>, vector<16xf32>,
        tpu.vector_store %arg12[%swap3A_370, %swap3A_371], %get3A_369 {strides = array<i32>} : memref<129x64xf32, #tpu.memory_space<vmem>>, vector<16xf32>,
        %get3A_373 = arith.index_cast %while3A_335 : i32 to index
        %get3A_374 = arith.constant 32 : index
        %get3A_375 = tpu.vector_load %arg6[%get3A_373, %get3A_374] {strides = array<i32>} : memref<400x64xf32, #tpu.memory_space<vmem>>, vector<16xf32>,
        %swap3A_376 = arith.index_cast %select_n3A_360 : i32 to index
        %swap3A_377 = arith.constant 32 : index
        %swap3A_378 = tpu.vector_load %arg12[%swap3A_376, %swap3A_377] {strides = array<i32>} : memref<129x64xf32, #tpu.memory_space<vmem>>, vector<16xf32>,
        tpu.vector_store %arg12[%swap3A_376, %swap3A_377], %get3A_375 {strides = array<i32>} : memref<129x64xf32, #tpu.memory_space<vmem>>, vector<16xf32>,
        %get3A_379 = arith.index_cast %while3A_335 : i32 to index
        %get3A_380 = arith.constant 48 : index
        %get3A_381 = tpu.vector_load %arg6[%get3A_379, %get3A_380] {strides = array<i32>} : memref<400x64xf32, #tpu.memory_space<vmem>>, vector<16xf32>,
        %swap3A_382 = arith.index_cast %select_n3A_360 : i32 to index
        %swap3A_383 = arith.constant 48 : index
        %swap3A_384 = tpu.vector_load %arg12[%swap3A_382, %swap3A_383] {strides = array<i32>} : memref<129x64xf32, #tpu.memory_space<vmem>>, vector<16xf32>,
        tpu.vector_store %arg12[%swap3A_382, %swap3A_383], %get3A_381 {strides = array<i32>} : memref<129x64xf32, #tpu.memory_space<vmem>>, vector<16xf32>,
        %add3A_385 = arith.addi %while3A_336, %reduce_max3A_350 : i32
        scf.yield %add3A_385 : i32
      }
      %while3A_331 = arith.constant 1 : i32
      %while3A_332 = scf.for %while3A_335 = %while3A_328 to %while3A_324 step %while3A_331 iter_args(%while3A_336 = %while3A_330) -> (i32)  : i32 {
        %get3A = arith.index_cast %while3A_335 : i32 to index
        %get3A_337 = arith.constant 0 : index
        %get3A_338 = tpu.vector_load %arg6[%get3A, %get3A_337] {strides = array<i32>} : memref<400x64xf32, #tpu.memory_space<vmem>>, vector<16xf32>,
        %ne3A_339 = arith.constant 0xFF800000 : f32
        %ne3A_340 = vector.broadcast %ne3A_339 : f32 to vector<16xf32>
        %ne3A_341 = arith.cmpf one, %get3A_338, %ne3A_340 : vector<16xf32>
        %convert_element_type3A_342 = arith.extui %ne3A_341 : vector<16xi1> to vector<16xi32>
        %reduce_max3A_343 = arith.constant true
        %reduce_max3A_344 = vector.broadcast %reduce_max3A_343 : i1 to vector<16xi1>
        %reduce_max3A_345 = arith.constant -2147483648 : i32
        %reduce_max3A_346 = vector.broadcast %reduce_max3A_345 : i32 to vector<16xi32>
        %reduce_max3A_347 = arith.xori %convert_element_type3A_342, %reduce_max3A_346 : vector<16xi32>
        %reduce_max3A_348 = tpu.scan <max>, %reduce_max3A_347 masked %reduce_max3A_344 : vector<16xi32>, vector<16xi1> -> vector<16xi32>
        %reduce_max3A_349 = arith.xori %reduce_max3A_348, %reduce_max3A_346 : vector<16xi32>
        %reduce_max3A_350 = vector.extract %reduce_max3A_349[15] : i32 from vector<16xi32>
        %eq3A_351 = arith.constant 0 : i32
        %eq3A_352 = arith.cmpi eq, %add3A_168, %eq3A_351 : i32
        %select_n3A_353 = arith.select %eq3A_352, %while3A_335, %while3A_336 : i32
        %gt3A_354 = arith.constant 0 : i32
        %gt3A_355 = arith.cmpi sgt, %reduce_max3A_350, %gt3A_354 : i32
        %lt3A_356 = arith.constant 128 : i32
        %lt3A_357 = arith.cmpi slt, %select_n3A_353, %lt3A_356 : i32
        %and3A_358 = arith.andi %gt3A_355, %lt3A_357 : i1
        %jit3A_359 = arith.constant 128 : i32
        %select_n3A_360 = arith.select %and3A_358, %select_n3A_353, %jit3A_359 : i32
        %get3A_361 = arith.index_cast %while3A_335 : i32 to index
        %get3A_362 = arith.constant 0 : index
        %get3A_363 = tpu.vector_load %arg6[%get3A_361, %get3A_362] {strides = array<i32>} : memref<400x64xf32, #tpu.memory_space<vmem>>, vector<16xf32>,
        %swap3A_364 = arith.index_cast %select_n3A_360 : i32 to index
        %swap3A_365 = arith.constant 0 : index
        %swap3A_366 = tpu.vector_load %arg12[%swap3A_364, %swap3A_365] {strides = array<i32>} : memref<129x64xf32, #tpu.memory_space<vmem>>, vector<16xf32>,
        tpu.vector_store %arg12[%swap3A_364, %swap3A_365], %get3A_363 {strides = array<i32>} : memref<129x64xf32, #tpu.memory_space<vmem>>, vector<16xf32>,
        %get3A_367 = arith.index_cast %while3A_335 : i32 to index
        %get3A_368 = arith.constant 16 : index
        %get3A_369 = tpu.vector_load %arg6[%get3A_367, %get3A_368] {strides = array<i32>} : memref<400x64xf32, #tpu.memory_space<vmem>>, vector<16xf32>,
        %swap3A_370 = arith.index_cast %select_n3A_360 : i32 to index
        %swap3A_371 = arith.constant 16 : index
        %swap3A_372 = tpu.vector_load %arg12[%swap3A_370, %swap3A_371] {strides = array<i32>} : memref<129x64xf32, #tpu.memory_space<vmem>>, vector<16xf32>,
        tpu.vector_store %arg12[%swap3A_370, %swap3A_371], %get3A_369 {strides = array<i32>} : memref<129x64xf32, #tpu.memory_space<vmem>>, vector<16xf32>,
        %get3A_373 = arith.index_cast %while3A_335 : i32 to index
        %get3A_374 = arith.constant 32 : index
        %get3A_375 = tpu.vector_load %arg6[%get3A_373, %get3A_374] {strides = array<i32>} : memref<400x64xf32, #tpu.memory_space<vmem>>, vector<16xf32>,
        %swap3A_376 = arith.index_cast %select_n3A_360 : i32 to index
        %swap3A_377 = arith.constant 32 : index
        %swap3A_378 = tpu.vector_load %arg12[%swap3A_376, %swap3A_377] {strides = array<i32>} : memref<129x64xf32, #tpu.memory_space<vmem>>, vector<16xf32>,
        tpu.vector_store %arg12[%swap3A_376, %swap3A_377], %get3A_375 {strides = array<i32>} : memref<129x64xf32, #tpu.memory_space<vmem>>, vector<16xf32>,
        %get3A_379 = arith.index_cast %while3A_335 : i32 to index
        %get3A_380 = arith.constant 48 : index
        %get3A_381 = tpu.vector_load %arg6[%get3A_379, %get3A_380] {strides = array<i32>} : memref<400x64xf32, #tpu.memory_space<vmem>>, vector<16xf32>,
        %swap3A_382 = arith.index_cast %select_n3A_360 : i32 to index
        %swap3A_383 = arith.constant 48 : index
        %swap3A_384 = tpu.vector_load %arg12[%swap3A_382, %swap3A_383] {strides = array<i32>} : memref<129x64xf32, #tpu.memory_space<vmem>>, vector<16xf32>,
        tpu.vector_store %arg12[%swap3A_382, %swap3A_383], %get3A_381 {strides = array<i32>} : memref<129x64xf32, #tpu.memory_space<vmem>>, vector<16xf32>,
        %add3A_385 = arith.addi %while3A_336, %reduce_max3A_350 : i32
        scf.yield %add3A_385 : i32
      }
      %mul3A_333 = arith.constant 128 : i32
      %mul3A_334 = arith.muli %add3A_168, %mul3A_333 : i32
      "tpu.region"() ({
        %run_scoped3A = tpu.sem_alloc : memref<!tpu.dma_semaphore, #tpu.memory_space<semaphore_mem>>
        %dma_start3A = arith.constant 0 : i32
        %dma_start3A_335 = arith.constant 0 : i32
        %dma_start3A_336 = tpu.memref_slice %arg12[%dma_start3A, %dma_start3A_335] : memref<129x64xf32, #tpu.memory_space<vmem>> -> memref<128x64xf32, #tpu.memory_space<vmem>>
        %dma_start3A_337 = tpu.memref_slice %arg5[%mul3A_334, %mul3A_0] : memref<2048x128xf32, #tpu.memory_space<hbm>> -> memref<128x64xf32, #tpu.memory_space<hbm>>
        %dma_start3A_338 = tpu.memref_slice %arg5[%mul3A_334, %mul3A_0] : memref<2048x128xf32, #tpu.memory_space<hbm>> -> memref<128x64xf32, #tpu.memory_space<hbm>>
        %dma_start3A_339 = arith.constant 0 : i32
        %dma_start3A_340 = arith.constant 0 : i32
        %dma_start3A_341 = tpu.memref_slice %arg12[%dma_start3A_339, %dma_start3A_340] : memref<129x64xf32, #tpu.memory_space<vmem>> -> memref<128x64xf32, #tpu.memory_space<vmem>>
        tpu.enqueue_dma source(%dma_start3A_341 : memref<128x64xf32, #tpu.memory_space<vmem>>) target(%dma_start3A_338 : memref<128x64xf32, #tpu.memory_space<hbm>>) target_semaphore(%run_scoped3A : memref<!tpu.dma_semaphore, #tpu.memory_space<semaphore_mem>>)
        %dma_wait3A = arith.constant 0 : i32
        %dma_wait3A_342 = arith.constant 0 : i32
        %dma_wait3A_343 = tpu.memref_slice %arg12[%dma_wait3A, %dma_wait3A_342] : memref<129x64xf32, #tpu.memory_space<vmem>> -> memref<128x64xf32, #tpu.memory_space<vmem>>
        %dma_wait3A_344 = tpu.memref_slice %arg5[%mul3A_334, %mul3A_0] : memref<2048x128xf32, #tpu.memory_space<hbm>> -> memref<128x64xf32, #tpu.memory_space<hbm>>
        %dma_wait3A_345 = tpu.memref_slice %arg5[%mul3A_334, %mul3A_0] : memref<2048x128xf32, #tpu.memory_space<hbm>> -> memref<128x64xf32, #tpu.memory_space<hbm>>
        %dma_wait3A_346 = arith.constant 0 : i32
        %dma_wait3A_347 = arith.constant 0 : i32
        %dma_wait3A_348 = tpu.memref_slice %arg12[%dma_wait3A_346, %dma_wait3A_347] : memref<129x64xf32, #tpu.memory_space<vmem>> -> memref<128x64xf32, #tpu.memory_space<vmem>>
        tpu.wait_dma2 semaphore(%run_scoped3A : memref<!tpu.dma_semaphore, #tpu.memory_space<semaphore_mem>>) src(%dma_wait3A_348 : memref<128x64xf32, #tpu.memory_space<vmem>>) dst(%dma_wait3A_345 : memref<128x64xf32, #tpu.memory_space<hbm>>)
        tpu.yield
      }) : () -> ()
    } else {
    }
    return
  }
}

</mosaic_0001>

<sc_bundles>
// kernel: kernel.3.cloned.1.call-start
scs
__scs_entry_jumppad:
0x0: {  	(pc) =	sbr.rel $0x88, $3  }
0x1: {  	(tag) =	ssettag $0x0;
	lr =	simm.s32 $0x1  }
0x2: {  	[smem:$0x3F9E] =	sst lr;
	_ =	strace $0xD0000000  }
0x3: {  	_ = 	snop  }
0x4: {  	_ = 	snop  }
0x5: {  	_ = 	snop  }
0x6: {  	_ = 	snop  }
0x7: {  	_ = 	snop  }
__scs_overlays_trampoline_lowered:
0x8: {  	[smem:$0x3FAD] =	sst s0  }
0x9: {  	[smem:$0x3FAE] =	sst s1  }
0xa: {  	[smem:$0x3FAF] =	sst s2  }
0xb: {  	[smem:$0x3FB0] =	sst s3  }
0xc: {  	[smem:$0x3FB1] =	sst s4  }
0xd: {  	[smem:$0x3FB2] =	sst s5  }
0xe: {  	[smem:$0x3FB3] =	sst s6  }
0xf: {  	[smem:$0x3FB4] =	sst s7  }
0x10: {  	[smem:$0x3FB5] =	sst s8  }
0x11: {  	[smem:$0x3FB6] =	sst s9;
	s0 =	simm.s32 @!p0 $0x0  }
0x12: {  	s1 =	sld [smem:$0x3F9C];
	s0 =	simm.s32 @p0 $0x1  }
0x13: {  	[smem:$0x3FB7] =	sst s0;
	s0 =	simm.s32 @!p1 $0x0  }
0x14: {  	s2 =	sld [smem:$0x3F9B];
	s0 =	simm.s32 @p1 $0x1  }
0x15: {  	[smem:$0x3FB8] =	sst s0;
	s0 =	simm.s32 @!p2 $0x0  }
0x16: {  	s3 =	sld [smem:$0x3FDB];
	s0 =	simm.s32 @p2 $0x1  }
0x17: {  	s4 =	simm.s32 $0x1BF5;
	[smem:$0x3FBA] =	sst s0  }
0x18: {  	s0 =	sld [smem:$0x3F9D];
	_ =	swait.ge [sflag:s4], $0x0  }
0x19: {  	s7 =	sld [smem:$0x3F9E]  }
0x1a: {  	s8 =	sadd.s32 $0xFFFFE003, lr  }
0x1b: {  	s9 =	sadd.s32 $0xFFFFFEF7, lr;
	s5 =	simm.s32 $0xFFFFFFFF;
	p2 =	slt.u32 s8, $0xFFFFF086  }
0x1c: {  	p1 =	slt.u32 s9, $0xF7A;
	s5 =	simm.s32 @!p2 $0x0  }
0x1d: {  	s5 =	simm.s32 @p1 $0x1;
	p0 =	seq.s32 s7, s2  }
0x1e: {  	s7 =	smul.u32 @!p0 $0xF7A, s2;
	p2 =	seq.s32 @!p0 s5, $0x0  }
0x1f: {  	s9 =	smul.u32 $0xF7A, s1;
	s8 =	simm.s32 @!p0 $0x1BF5;
	p2 =	por !p2, p0  }
0x20: {  	[sflag:s8] =	ssyncset.s32 @!p0 $0xFFFFF086;
	s6 =	sadd.s32 @!p0 s3, s7;
	s7 =	simm.s32 @!p0 $0x108  }
0x21: {  	s3 =	sadd.s32 s3, s9;
	s6 =	sadd.s32 @!p0 $0x88, s6;
	s7 =	simm.s32 @p2 $0x1082  }
0x22: {  	[simem:s7], [sflag:s8] =	dma.local @!p0 [hbm:s6], $0xF7A  }
0x23: {  	s9 =	sor.u32 $0xD0000000, s2;
	s6 =	simm.s32 $0x108;
	_ =	swait.ge @!p0 [sflag:s8], $0x0  }
0x24: {  	s3 =	sadd.s32 $0x88, s3;
	s6 =	simm.s32 @!p1 $0x1082;
	[sflag:s4] =	ssyncset.s32 $0xFFFFF086  }
0x25: {  	[simem:s6], [sflag:s4] =	dma.local [hbm:s3], $0xF7A  }
0x26: {  	[smem:$0x3F9E] =	sst s1;
	(tag) =	ssettag s2;
	_ =	strace s9  }
0x27: {  	s1 =	sld [smem:$0x3FAE]  }
0x28: {  	s2 =	sld [smem:$0x3FAF]  }
0x29: {  	s4 =	sld [smem:$0x3FB1]  }
0x2a: {  	p0 =	seq.s32 s5, $0x0;
	s5 =	sld [smem:$0x3FB2]  }
0x2b: {  	s6 =	sld [smem:$0x3FB3]  }
0x2c: {  	s7 =	sld [smem:$0x3FB4]  }
0x2d: {  	s3 =	simm.s32 $0x108;
	s8 =	sld [smem:$0x3FB5]  }
0x2e: {  	s3 =	simm.s32 @!p0 $0x1082;
	s9 =	sld [smem:$0x3FB6]  }
0x2f: {  	lr =	sadd.s32 s0, s3;
	s0 =	sld [smem:$0x3FAD]  }
0x30: {  	s3 =	sld [smem:$0x3FB0]  }
0x31: {  	[smem:$0x3FB9] =	sst s10  }
0x32: {  	s10 =	sld [smem:$0x3FB7];
	_ =	sdelay $0x3  }
0x33: {  	p0 =	seq.s32 s10, $0x1;
	s10 =	sld [smem:$0x3FB9];
	_ =	sdelay $0x3  }
0x34: {  	[smem:$0x3FB9] =	sst s10  }
0x35: {  	s10 =	sld [smem:$0x3FB8];
	_ =	sdelay $0x3  }
0x36: {  	p1 =	seq.s32 s10, $0x1;
	s10 =	sld [smem:$0x3FB9];
	_ =	sdelay $0x3  }
0x37: {  	[smem:$0x3FB9] =	sst s10  }
0x38: {  	s10 =	sld [smem:$0x3FBA]  }
0x39: {  	_ = 	snop;
	(pc) =	sbr.ind lr, $3  }
0x3a: {  	_ = 	snop  }
0x3b: {  	_ = 	snop  }
0x3c: {  	p2 =	seq.s32 s10, $0x1;
	s10 =	sld [smem:$0x3FB9]  }
0x3d: {  	_ =	shalt  }
0x3e: {  	_ =	shalt  }
0x3f: {  	_ =	shalt  }
0x40: {  	_ =	shalt  }
0x41: {  	_ =	shalt  }
0x42: {  	_ =	shalt  }
0x43: {  	_ =	shalt  }
0x44: {  	_ =	shalt  }
0x45: {  	_ =	shalt  }
0x46: {  	_ =	shalt  }
0x47: {  	_ =	shalt  }
0x48: {  	_ =	shalt  }
0x49: {  	_ =	shalt  }
0x4a: {  	_ =	shalt  }
0x4b: {  	_ =	shalt  }
0x4c: {  	_ =	shalt  }
0x4d: {  	_ =	shalt  }
0x4e: {  	_ =	shalt  }
0x4f: {  	_ =	shalt  }
0x50: {  	_ =	shalt  }
0x51: {  	_ =	shalt  }
0x52: {  	_ =	shalt  }
0x53: {  	_ =	shalt  }
0x54: {  	_ =	shalt  }
0x55: {  	_ =	shalt  }
0x56: {  	_ =	shalt  }
0x57: {  	_ =	shalt  }
0x58: {  	_ =	shalt  }
0x59: {  	_ =	shalt  }
0x5a: {  	_ =	shalt  }
0x5b: {  	_ =	shalt  }
0x5c: {  	_ =	shalt  }
0x5d: {  	_ =	shalt  }
0x5e: {  	_ =	shalt  }
0x5f: {  	_ =	shalt  }
0x60: {  	_ =	shalt  }
0x61: {  	_ =	shalt  }
0x62: {  	_ =	shalt  }
0x63: {  	_ =	shalt  }
0x64: {  	_ =	shalt  }
0x65: {  	_ =	shalt  }
0x66: {  	_ =	shalt  }
0x67: {  	_ =	shalt  }
0x68: {  	_ =	shalt  }
0x69: {  	_ =	shalt  }
0x6a: {  	_ =	shalt  }
0x6b: {  	_ =	shalt  }
0x6c: {  	_ =	shalt  }
0x6d: {  	_ =	shalt  }
0x6e: {  	_ =	shalt  }
0x6f: {  	_ =	shalt  }
0x70: {  	_ =	shalt  }
0x71: {  	_ =	shalt  }
0x72: {  	_ =	shalt  }
0x73: {  	_ =	shalt  }
0x74: {  	_ =	shalt  }
0x75: {  	_ =	shalt  }
0x76: {  	_ =	shalt  }
0x77: {  	_ =	shalt  }
0x78: {  	_ =	shalt  }
0x79: {  	_ =	shalt  }
0x7a: {  	_ =	shalt  }
0x7b: {  	_ =	shalt  }
0x7c: {  	_ =	shalt  }
0x7d: {  	_ =	shalt  }
0x7e: {  	_ =	shalt  }
0x7f: {  	_ =	shalt  }
0x80: {  	_ =	shalt  }
0x81: {  	_ =	shalt  }
0x82: {  	_ =	shalt  }
0x83: {  	_ =	shalt  }
0x84: {  	_ =	shalt  }
0x85: {  	_ =	shalt  }
0x86: {  	_ =	shalt  }
0x87: {  	_ =	shalt  }
.Lfunc_end0:
.L_simem_size_0:
called_computation_lowered:
.L_overlay_start_0:
0x88: {  	s2 =	sld [smem:$0x3FD9]  }
0x89: {  	s3 =	sld [smem:$0x3FFE];
	_ =	sdelay $0x1  }
0x8a: {  	s1 =	srdreg.scid  }
0x8b: {  	s0 =	sand.u32 $0x1, s1  }
0x8c: {  	s17 =	sshll.u32 s0, $0xA;
	s2 =	sadd.s32 s3, s2  }
0x8d: {  	s2 =	sadd.s32 s2, s17  }
0x8e: {  	[smem:$0x3FC5] =	sst s2  }
0x8f: {  	_ = 	snop  }
0x90: {  	s2 =	sld [smem:$0x3FC9]  }
0x91: {  	s18 =	sld [smem:$0x3FC7]  }
0x92: {  	s4 =	sld [smem:$0x3FD0];
	(tm) =	ssettm $0x1  }
0x93: {  	s5 =	sld [smem:$0x3FFB];
	_ =	sdelay $0x3  }
0x94: {  	_ =	strace s5  }
0x95: {  	s5 =	sld [smem:$0x3FFC];
	_ =	sdelay $0x3  }
0x96: {  	_ =	strace s5  }
0x97: {  	s5 =	sld [smem:$0x3FFD];
	_ =	sdelay $0x3  }
0x98: {  	_ =	strace s5  }
0x99: {  	_ =	strace $0x8FFFFFFF  }
0x9a: {  	s19 =	sld [smem:$0x3FDB];
	_ =	sdelay $0x1  }
0x9b: {  	s6 =	simm.s32 $_scs_section_size  }
0x9c: {  	s7 =	simm.s32 $_size__tile_overlayer_lowered;
	s8 =	simm.s32 $_tile_overlayer_lowered  }
0x9d: {  	s22 =	simm.s32 $0x1BFF;
	s21 =	sshll.u32 s8, $0x1;
	s5 =	sadd.s32 s6, s19  }
0x9e: {  	s9 =	simm.s32 $0x0;
	s20 =	sshll.u32 s7, $0x1;
	s7 =	sadd.s32 s21, s5  }
0x9f: {  	[timem:s9], [sflag:s22] =	dma.local [hbm:s7], s20  }
0xa0: {  	_ =	swait.ge [sflag:s22], s20  }
0xa1: {  	s6 =	ssub.s32 $0x0, s20;
	[sflag:s22] =	ssyncset.done $0x0  }
0xa2: {  	[sflag:s22] =	ssyncadd.s32 s6;
	_ =	sdelay $0x1  }
0xa3: {  	s23 =	simm.s32 $0x1B8B  }
0xa4: {  	_ =	swait.ge [sflag:s23], $0x1  }
0xa5: {  	[sflag:s23] =	ssyncset.done $0x0  }
0xa6: {  	s25 =	simm.s32 $0x1B8E;
	s24 =	sld [smem:$0x3FFE];
	[sflag:s23] =	ssyncadd.s32 $0xFFFFFFFF  }
0xa7: {  	s26 =	simm.s32 $execute0_lowered;
	[smem:$0x3FD2] =	sst s25  }
0xa8: {  	s7 =	sshll.u32 s26, $0x1;
	_ =	strace $0x80000046;
	[dreg:$0x1] =	wrdreg $0xFFFFFFFF  }
0xa9: {  	s28 =	simm.s32 $_size_execute0_lowered;
	s5 =	sadd.s32 s5, s7;
	[dreg:$0x0] =	wrdreg $0x0  }
0xaa: {  	s7 =	sshll.u32 s28, $0x1;
	[dreg:$0x2] =	wrdreg s5  }
0xab: {  	[dreg:$0x3] =	wrdreg s7  }
0xac: {  	[dreg:$0x4] =	wrdreg $0xC0  }
0xad: {  	_ =	task [dreg:s9], $0x5FFFF  }
0xae: {  	[dreg:$0x1] =	wrdreg $0xFFFFFFFF  }
0xaf: {  	[dreg:$0x0] =	wrdreg $0x60  }
0xb0: {  	[dreg:$0x2] =	wrdreg s2  }
0xb1: {  	[dreg:$0x3] =	wrdreg s24  }
0xb2: {  	[dreg:$0x4] =	wrdreg s18  }
0xb3: {  	[dreg:$0x5] =	wrdreg s4  }
0xb4: {  	[dreg:$0x6] =	wrdreg $0x18FA00  }
0xb5: {  	[dreg:$0x7] =	wrdreg $0x18FB00  }
0xb6: {  	[dreg:$0x8] =	wrdreg $0x18FC00  }
0xb7: {  	[dreg:$0x9] =	wrdreg $0x9  }
0xb8: {  	_ =	task.clear_ibuf [dreg:s9], $0xAFFFF;
	_ =	strace $0x90000046  }
0xb9: {  	s29 =	simm.s32 $0x9;
	_ =	strace $0x8000004B  }
0xba: {  	_ =	swait.ge [sflag:s29], $0x1  }
0xbb: {  	[sflag:s29] =	ssyncadd.s32 $0xFFFFFFFF  }
0xbc: {  	_ =	strace $0x9000004B  }
0xbd: {  	_ =	sfence  }
0xbe: {  	s30 =	sld [smem:$0x0];
	_ =	sdelay $0x2  }
0xbf: {  	s31 =	sshll.u32 s1, $0xD;
	s1 =	sshrl.u32 s1, $0x2  }
0xc0: {  	s3 =	sand.u32 $0x4000, s31;
	s1 =	sadd.s32 s1, s30  }
0xc1: {  	s0 =	sor.u32 s3, s0;
	s1 =	sshll.u32 s1, $0x11  }
0xc2: {  	s0 =	sor.u32 s1, s0  }
0xc3: {  	s0 =	sadd.s32 $0x8F2B, s0  }
0xc4: {  	[sflag:s0] =	ssyncadd.remote.s32 $0x1  }
0xc5: {  	_ =	sfence.sel $0xFFFF  }
0xc6: {  	[dreg:$0x0] =	wrdreg $0xFFFFFFFF;
	(pc) =	sbr.abs _section_cstart, $3  }
0xc7: {  	[dreg:$0x1] =	wrdreg $0xFFFFFFFF  }
0xc8: {  	_ =	task.clear_ibuf [dreg:s9], $0x2FFFF;
	_ =	strace $0x9FFFFFFF  }
0xc9: {  	(tm) =	ssettm $0x7FFFFFFF  }
tec
execute0_lowered:
.L_overlay_start_1:
0x0: {  	(tag) =	ssettag $0x1  }
0x1: {  	s29 =	rddreg [dreg:$0x0]  }
0x2: {  	s0 =	rddreg [dreg:$0x1]  }
0x3: {  	s8 =	rddreg [dreg:$0x2]  }
0x4: {  	s2 =	rddreg [dreg:$0x3]  }
0x5: {  	s9 =	rddreg [dreg:$0x4]  }
0x6: {  	s11 =	rddreg [dreg:$0x5];
	s7 =	simm.s32 $0x0  }
0x7: {  	[smem:$0x7FF] =	sst s7  }
0x8: {  	s13 =	rddreg [dreg:$0x6];
	v0 =	vimm.s32 $0x0;
	_ =	strace $0x80000047  }
0x9: {  	(xrf1) =	vunique.msk.u32 $0xffff, v0;
	_ =	sdelay $0xd  }
0xa: {  	_, v1, _ =	vpop (xrf1)  }
0xb: {  	(v2sf) =	vpush v1, $0x0;
	_ =	sdelay $0x4  }
0xc: {  	vm0 =	vcmask $0xB08;
	vm1 =	vcmask $0x300  }
0xd: {  	s1 =	srdreg.scid;
	s14 =	stileid.u32;
	vm2 =	vcmask $0xF0C;
	vm3 =	vcmask $0x704;
	v2 =	vimm.s32 $0xEFCDAB89;
	s15 =	simm.s32 $0x16D60  }
0xe: {  	v3 =	vimm.s32 $0x67452301;
	s30 =	simm.s32 $0x1;
	s31 =	simm.s32 $0x13A40;
	s1 =	sand.u32 $0x1, s1;
	vm0 =	vmor vm1, vm0;
	vm1 =	vcmask $0x1310  }
0xf: {  	s10 =	sadd.s32 $0x186E00, s0;
	s18 =	smul.u32 $0x1F4, s14;
	s19 =	ssub.s32 $0x41, s14;
	v2 =	vunpack.c.l.s4.s8 v2;
	vm0 =	vmor vm0, vm1;
	vm1 =	vcmask $0x1B18  }
0x10: {  	s20 =	smul.u32 $0xFA, s14;
	s22 =	sshll.u32 s14, $0xE;
	s24 =	sshll.u32 s14, $0x4;
	v3 =	vunpack.c.l.s4.s8 v3;
	vm0 =	vmor vm0, vm1;
	v1 =	vimm.f32 $5.000000070e-02  }
0x11: {  	s3 =	ssub.s32 $0x2, s1;
	s28 =	sshll.u32 s1, $0x6;
	s25 =	sadd.s32 s24, s9;
	vm1 =	vcmask $0x2320;
	v2 =	vunpack.c.0.s8.s32 v2;
	(erf) = vrcp.f32 v1  }
0x12: {  	s12 =	sshrl.u32 s19, $0x4;
	s26 =	sadd.s32 s24, s11;
	[dreg:$0xa] =	wrdreg s25;
	v3 =	vunpack.c.0.s8.s32 v3;
	vm0 =	vmor vm0, vm1;
	vm1 =	vcmask $0x2B28  }
0x13: {  	s11 =	simm.s32 $0x15DC0;
	s21 =	sadd.s32 s10, s18;
	[dreg:$0xb] =	wrdreg s26;
	vm0 =	vmor vm0, vm1;
	vm1 =	vmor vm3, vm2;
	vm2 =	vcmask $0x1714  }
0x14: {  	s5 =	sshrl.u32 s3, $0x1;
	s23 =	sadd.s32 s8, s20;
	[dreg:$0x8] =	wrdreg s21;
	vm3 =	vcmask $0x3330;
	v6 =	vcombine.low v3, v2;
	v2 =	vlaneseq.u32  }
0x15: {  	s1 =	sor.u32 s28, s22;
	s22 =	simm.s32 $0x3;
	[dreg:$0x9] =	wrdreg s23;
	v3 =	vimm.f32 $-Inf;
	vm1 =	vmor vm1, vm2;
	vm2 =	vcmask $0x1F1C  }
.Ltmp0:
0x16: {  	s17 =	ssub.s32 s3, s5;
	vm0 =	vmor vm0, vm3;
	vm1 =	vmor vm1, vm2;
	vm2 =	vcmask $0x2724;
	s4 =	spop (v2sf);
	(pc) =	sbr.rel .LBB2_1-.Ltmp0, $4  }
0x17: {  	s1 =	sshrl.u32 s1, $0x3;
	s3 =	sadd.s32 s24, s13;
	vm3 =	vcmask $0x3B38;
	vm1 =	vmor vm1, vm2;
	vm2 =	vcmask $0x2F2C;
	s6 =	sadd.s32 $0xFFFFFFFF, s4  }
0x18: {  	s18 =	simm.s32 $0xCC00;
	[dreg:$0xc] =	wrdreg s3;
	s1 =	sadd.s32 s2, s1;
	vm1 =	vmor vm1, vm2;
	vm2 =	vcmask $0x3734;
	v1 =	vmov s6  }
0x19: {  	s0 =	smax.u32 s17, $0x1;
	s2 =	simm.s32 $0x4;
	[dreg:$0xd] =	wrdreg s1;
	vm1 =	vmor vm1, vm2;
	vm2 =	vcmask $0x3F3C;
	[tilespmem:$0x1FFE0] =	vst v1;
	v1 =	vor.u32 $0x80000000, v2  }
0x1a: {  	s3 =	simm.s32 $0x0;
	[dreg:$0xe] =	wrdreg s0;
	s1 =	simm.s32 $0x6400;
	vm0 =	vmor vm0, vm3;
	v6 =	vand.u32 $0xF, v6;
	vm1 =	vmor vm1, vm2;
	v4 =	vpop (erf);
	[tilespmem:$0x1FFF0] =	vst v1  }
.LBB2_62:
0x1b: {  	[tilespmem:s0+$0x13DB0] =	vst v8  }
.LBB2_63:
0x1c: {  	s0 =	sshll.u32 s16, $0xE  }
0x1d: {  	s2 =	rddreg [dreg:$0x3];
	s0 =	sor.u32 s28, s0  }
0x1e: {  	s25 =	simm.s32 $0x40;
	s3 =	simm.s32 $0x80;
	s0 =	sshrl.u32 s0, $0x3  }
0x1f: {  	s5 =	simm.s32 $0x13D80;
	s26 =	simm.s32 $0x5;
	s0 =	sadd.s32 s2, s0  }
0x20: {  	[hbm4b:s0+s25] =	stream.strided.scatter [tilespmem:s5], [sflag:$0x5], $0x2000, s3, s25, $0x38;
	[tilespmem:$0x18FD0] =	vst v63  }
0x21: {  	_ =	swait.ge [sflag:s26], $0x2000  }
0x22: {  	[sflag:s26] =	ssyncset.done $0x0  }
0x23: {  	s3 =	rddreg [dreg:$0xf];
	[sflag:s26] =	ssyncadd.s32 $0xFFFFE000  }
.LBB2_64:
0x24: {  	s3 =	sadd.s32 $0x1, s3;
	s0 =	rddreg [dreg:$0xe]  }
0x25: {  	p0 =	sne.s32 s3, s0  }
.Ltmp1:
0x26: {  	_ = 	snop;
	(pc) =	sbr.rel @!p0 .LBB2_65-.Ltmp1, $2  }
0x27: {  	_ =	sdelay $0x2  }
0x28: {  	s2 =	simm.s32 $0x4  }
.LBB2_1:
0x29: {  	[dreg:$0xf] =	wrdreg s3  }
.Ltmp2:
0x2a: {  	_ =	strace $0x80000048;
	(pc) =	sbr.rel .LBB2_2-.Ltmp2, $4  }
0x2b: {  	s0 =	rddreg [dreg:$0x8]  }
0x2c: {  	[tilespmem:s11], [sflag:$0x3] =	stream.linear.gather [hbm4b:s0+s7], $0xFA0, $0x200038;
	[tilespmem:$0x18FD0] =	vst v63  }
0x2d: {  	p2 =	por $0x1, $0x1;
	s5 =	simm.s32 $0x0;
	s26 =	rddreg [dreg:$0x9]  }
0x2e: {  	v9 =	vimm.f32 $+Inf;
	v8 =	vimm.s32 $0x0;
	v10 =	vimm.f32 $-Inf;
	[tilespmem:s15], [sflag:$0x3] =	stream.linear.gather [hbm4b:s26+s7], $0x7D0, $0x200038;
	[tilespmem:$0x18FD0] =	vst v63  }
.LBB2_23:
.Ltmp3:
0x2f: {  	(pc) =	sbr.rel @!p0 .LBB2_24-.Ltmp3, $2  }
0x30: {  	_ =	sdelay $0x2  }
0x31: {  	s5 =	simm.s32 $0x2;
	p2 =	por $0x0, $0x0  }
.LBB2_2:
0x32: {  	s0 =	sor.u32 $0x1, s5  }
0x33: {  	p1 =	sge.u32 s0, s12  }
0x34: {  	s0 =	sshll.u32 @!p1 s0, $0x4  }
0x35: {  	s0 =	sor.u32 @!p1 s14, s0  }
0x36: {  	s3 =	smul.u32 @!p1 $0x1F4, s0  }
0x37: {  	s6 =	simm.s32 @!p1 $0x0  }
0x38: {  	s9 =	simm.s32 @!p1 $0x17530;
	s0 =	smul.u32 @!p1 $0xFA, s0;
	s3 =	sadd.s32 @!p1 s10, s3  }
0x39: {  	[tilespmem:s9], [sflag:$0x4] =	stream.linear.gather @!p1 [hbm4b:s3+s6], $0xFA0, $0x200038;
	[tilespmem:$0x18FD0] =	vst v63  }
0x3a: {  	s0 =	sadd.s32 @!p1 s8, s0;
	s3 =	simm.s32 @!p1 $0x184D0  }
0x3b: {  	[tilespmem:s3], [sflag:$0x4] =	stream.linear.gather @!p1 [hbm4b:s0+s6], $0x7D0, $0x200038;
	[tilespmem:$0x18FD0] =	vst v63  }
0x3c: {  	_ =	swait.ge [sflag:s22], $0xFA0  }
0x3d: {  	[sflag:s22] =	ssyncset.done $0x0  }
0x3e: {  	[sflag:s22] =	ssyncadd.s32 $0xFFFFF060  }
0x3f: {  	_ =	swait.ge [sflag:s22], $0x7D0  }
0x40: {  	[sflag:s22] =	ssyncset.done $0x0  }
0x41: {  	s26 =	simm.s32 $0x15E00;
	[sflag:s22] =	ssyncadd.s32 $0xFFFFF830  }
0x42: {  	v13 =	vld [tilespmem:s26+$0xFFFFFFC0]  }
0x43: {  	v14 =	vld [tilespmem:s26+$0xFFFFFFD0]  }
0x44: {  	v15 =	vld [tilespmem:s26+$0xFFFFFFE0]  }
0x45: {  	v12 =	vld [tilespmem:s26+$0xFFFFFFF0]  }
0x46: {  	v11 =	vld [tilespmem:s26+$0x0]  }
0x47: {  	v16 =	vmin.f32 v9, v13;
	v10 =	vmax.f32 v10, v13;
	v9 =	vld [tilespmem:s26+$0x10]  }
0x48: {  	v13 =	vmin.f32 v16, v14;
	v16 =	vmax.f32 v10, v14;
	v10 =	vld [tilespmem:s26+$0x20]  }
0x49: {  	p0 =	por p2, p2;
	s0 =	simm.s32 $0x0;
	s3 =	simm.s32 $0x15E80;
	v14 =	vmin.f32 v13, v15;
	v15 =	vmax.f32 v16, v15;
	v13 =	vld [tilespmem:s26+$0x30]  }
.LBB2_3:
0x4a: {  	v16 =	vld [tilespmem:s3+$0xFFFFFFC0];
	s0 =	sadd.s32 $0x8, s0;
	v14 =	vmin.f32 v14, v12;
	v12 =	vmax.f32 v15, v12  }
0x4b: {  	v15 =	vld [tilespmem:s3+$0xFFFFFFD0];
	p2 =	slt.u32 s0, $0xF0;
	v14 =	vmin.f32 v14, v11;
	v11 =	vmax.f32 v12, v11  }
0x4c: {  	v17 =	vld [tilespmem:s3+$0xFFFFFFE0];
	v14 =	vmin.f32 v14, v9;
	v9 =	vmax.f32 v11, v9  }
.Ltmp4:
0x4d: {  	v12 =	vld [tilespmem:s3+$0xFFFFFFF0];
	v14 =	vmin.f32 v14, v10;
	v9 =	vmax.f32 v9, v10;
	(pc) =	sbr.rel @p2 .LBB2_3-.Ltmp4, $4  }
0x4e: {  	v11 =	vld [tilespmem:s3+$0x0];
	v10 =	vmin.f32 v14, v13;
	v9 =	vmax.f32 v9, v13  }
0x4f: {  	v10 =	vmin.f32 v10, v16;
	v13 =	vmax.f32 v9, v16;
	v9 =	vld [tilespmem:s3+$0x10]  }
0x50: {  	v14 =	vmin.f32 v10, v15;
	v13 =	vmax.f32 v13, v15;
	v10 =	vld [tilespmem:s3+$0x20]  }
0x51: {  	v14 =	vmin.f32 v14, v17;
	v15 =	vmax.f32 v13, v17;
	v13 =	vld [tilespmem:s3+$0x30];
	s3 =	sadd.s32 $0x80, s3  }
0x52: {  	v14 =	vmin.f32 v14, v12;
	v62 =	vmax.f32 v15, v12  }
0x53: {  	v14 =	vmin.f32 v14, v11;
	v11 =	vmax.f32 v62, v11  }
0x54: {  	v63 =	vmin.f32 v14, v9;
	v9 =	vmax.f32 v11, v9  }
0x55: {  	v11 =	vmin.f32 v63, v10;
	v10 =	vmax.f32 v9, v10  }
0x56: {  	s0 =	simm.s32 $0x0;
	v9 =	vmin.f32 v11, v13;
	v10 =	vmax.f32 v10, v13  }
.LBB2_5:
0x57: {  	s3 =	sshra.s32 s0, $0x2  }
0x58: {  	p2 =	sne.s32 s0, $0x40;
	v11 =	vld [tilespmem:s3+$0x16D40]  }
.Ltmp5:
0x59: {  	_ = 	snop;
	(pc) =	sbr.rel @p2 .LBB2_5-.Ltmp5, $2  }
0x5a: {  	_ =	sdelay $0x2  }
0x5b: {  	s0 =	sadd.s32 $0x40, s0;
	v9 =	vmin.f32 v9, v11;
	v10 =	vmax.f32 v10, v11  }
0x5c: {  	v11 =	vld [tilespmem:$0x16D60]  }
0x5d: {  	v12 =	vld [tilespmem:$0x17520];
	_ =	sdelay $0x3  }
0x5e: {  	(v2sf) =	vpush v11, $0x0  }
0x5f: {  	(v2sf) =	vpush v12, $0xF;
	_ =	sdelay $0xd  }
0x60: {  	s9 =	spop (v2sf)  }
0x61: {  	s6 =	spop (v2sf)  }
0x62: {  	s0 =	sadd.s32 $0x1, s6  }
0x63: {  	p2 =	sge.s32 s9, s0  }
.Ltmp6:
0x64: {  	_ = 	snop;
	(pc) =	sbr.rel @p2 .LBB2_12-.Ltmp6, $1  }
0x65: {  	_ =	sdelay $0x3  }
.LBB2_7:
0x66: {  	s3 =	simm.s32 $0x16DA0  }
0x67: {  	v13 =	vld [tilespmem:s3+$0xFFFFFFC0]  }
0x68: {  	v15 =	vld [tilespmem:s3+$0xFFFFFFD0]  }
0x69: {  	v16 =	vld [tilespmem:s3+$0xFFFFFFE0]  }
0x6a: {  	v14 =	vld [tilespmem:s3+$0xFFFFFFF0]  }
0x6b: {  	v11 =	vmov s9;
	v12 =	vld [tilespmem:s3+$0x0]  }
0x6c: {  	vm2 =	veq.s32 v13, v11;
	v13 =	vld [tilespmem:s3+$0x10]  }
0x6d: {  	v17 =	vimm.s32 $0x0;
	v18 =	vsel vm2, $0x1, v0;
	vm2 =	veq.s32 v15, v11;
	v15 =	vld [tilespmem:s3+$0x20]  }
0x6e: {  	s0 =	simm.s32 $0x0;
	v17 =	vadd.s32 v18, v17;
	v18 =	vsel vm2, $0x1, v0;
	vm2 =	veq.s32 v16, v11;
	v16 =	vld [tilespmem:s3+$0x30];
	s3 =	simm.s32 $0x16E20  }
.LBB2_8:
0x6f: {  	v19 =	vld [tilespmem:s3+$0xFFFFFFC0];
	s0 =	sadd.s32 $0x8, s0;
	v17 =	vadd.s32 v18, v17;
	v18 =	vsel vm2, $0x1, v0;
	vm2 =	veq.s32 v14, v11  }
0x70: {  	v20 =	vld [tilespmem:s3+$0xFFFFFFD0];
	p2 =	slt.u32 s0, $0x70;
	v14 =	vadd.s32 v18, v17;
	v17 =	vsel vm2, $0x1, v0;
	vm2 =	veq.s32 v12, v11  }
0x71: {  	v21 =	vld [tilespmem:s3+$0xFFFFFFE0];
	v12 =	vadd.s32 v17, v14;
	v17 =	vsel vm2, $0x1, v0;
	vm2 =	veq.s32 v13, v11  }
.Ltmp7:
0x72: {  	v14 =	vld [tilespmem:s3+$0xFFFFFFF0];
	v13 =	vadd.s32 v17, v12;
	v17 =	vsel vm2, $0x1, v0;
	vm2 =	veq.s32 v15, v11;
	(pc) =	sbr.rel @p2 .LBB2_8-.Ltmp7, $4  }
0x73: {  	v12 =	vld [tilespmem:s3+$0x0];
	v15 =	vadd.s32 v17, v13;
	v17 =	vsel vm2, $0x1, v0;
	vm2 =	veq.s32 v16, v11  }
0x74: {  	vm3 =	veq.s32 v19, v11;
	v13 =	vld [tilespmem:s3+$0x10];
	v16 =	vadd.s32 v17, v15;
	v17 =	vsel vm2, $0x1, v0  }
0x75: {  	v18 =	vsel vm3, $0x1, v0;
	vm2 =	veq.s32 v20, v11;
	v15 =	vld [tilespmem:s3+$0x20];
	v16 =	vadd.s32 v17, v16  }
0x76: {  	v17 =	vadd.s32 v18, v16;
	v18 =	vsel vm2, $0x1, v0;
	vm2 =	veq.s32 v21, v11;
	v16 =	vld [tilespmem:s3+$0x30];
	s3 =	sadd.s32 $0x80, s3  }
0x77: {  	v17 =	vadd.s32 v18, v17;
	v62 =	vsel vm2, $0x1, v0;
	vm2 =	veq.s32 v14, v11  }
0x78: {  	v14 =	vadd.s32 v62, v17;
	v63 =	vsel vm2, $0x1, v0;
	vm2 =	veq.s32 v12, v11  }
0x79: {  	v12 =	vadd.s32 v63, v14;
	v14 =	vsel vm2, $0x1, v0;
	vm2 =	veq.s32 v13, v11  }
0x7a: {  	v12 =	vadd.s32 v14, v12;
	v13 =	vsel vm2, $0x1, v0;
	vm2 =	veq.s32 v15, v11  }
0x7b: {  	v12 =	vadd.s32 v13, v12;
	v13 =	vsel vm2, $0x1, v0;
	vm2 =	veq.s32 v16, v11  }
0x7c: {  	v12 =	vadd.s32 v13, v12;
	v13 =	vsel vm2, $0x1, v0  }
0x7d: {  	s0 =	simm.s32 $0x0;
	v12 =	vadd.s32 v13, v12  }
.LBB2_10:
0x7e: {  	s3 =	sshra.s32 s0, $0x2  }
0x7f: {  	v13 =	vld [tilespmem:s3+$0x174E0];
	_ =	sdelay $0x1  }
0x80: {  	p2 =	sne.s32 s0, $0x100  }
.Ltmp8:
0x81: {  	_ = 	snop;
	(pc) =	sbr.rel @p2 .LBB2_10-.Ltmp8, $4  }
0x82: {  	_ = 	snop  }
0x83: {  	vm2 =	veq.s32 v13, v11  }
0x84: {  	v13 =	vsel vm2, $0x1, v0  }
0x85: {  	s0 =	sadd.s32 $0x40, s0;
	v12 =	vadd.s32 v13, v12  }
0x86: {  	(xrf0) =	vadd.scan.msk.s32 $0xffff, v12;
	_ =	sdelay $0x4  }
0x87: {  	p2 =	sne.s32 s9, s6  }
.Ltmp9:
0x88: {  	v12, _, _ =	vpop (xrf0);
	(pc) =	sbr.rel @p2 .LBB2_7-.Ltmp9, $4  }
0x89: {  	v12 =	vbroadcast v12, $0xF  }
0x8a: {  	vm2 =	veq.s32 v11, v2  }
0x8b: {  	s0 =	sadd.s32 $0x1, s9;
	v11 =	vnsel vm2, $0x0, v12  }
0x8c: {  	s9 =	smov.u32 s0;
	v8 =	vadd.s32 v8, v11  }
.LBB2_12:
0x8d: {  	s0 =	sadd.s32 $0x2, s5  }
0x8e: {  	p2 =	sge.u32 s0, s12  }
0x8f: {  	s0 =	sshll.u32 @!p2 s0, $0x4  }
0x90: {  	s0 =	sor.u32 @!p2 s14, s0  }
0x91: {  	s3 =	smul.u32 @!p2 $0x1F4, s0  }
.Ltmp10:
0x92: {  	s5 =	simm.s32 @!p2 $0x0;
	(pc) =	sbr.rel @p1 .LBB2_23-.Ltmp10, $4  }
0x93: {  	s6 =	simm.s32 @!p2 $0x15DC0;
	s0 =	smul.u32 @!p2 $0xFA, s0;
	s3 =	sadd.s32 @!p2 s10, s3  }
0x94: {  	[tilespmem:s6], [sflag:$0x3] =	stream.linear.gather @!p2 [hbm4b:s3+s5], $0xFA0, $0x200038;
	[tilespmem:$0x18FD0] =	vst v63  }
0x95: {  	s0 =	sadd.s32 @!p2 s8, s0;
	s3 =	simm.s32 @!p2 $0x16D60  }
0x96: {  	[tilespmem:s3], [sflag:$0x3] =	stream.linear.gather @!p2 [hbm4b:s0+s5], $0x7D0, $0x200038;
	[tilespmem:$0x18FD0] =	vst v63  }
0x97: {  	_ =	swait.ge [sflag:s2], $0xFA0  }
0x98: {  	[sflag:s2] =	ssyncset.done $0x0  }
0x99: {  	[sflag:s2] =	ssyncadd.s32 $0xFFFFF060  }
0x9a: {  	_ =	swait.ge [sflag:s2], $0x7D0  }
0x9b: {  	[sflag:s2] =	ssyncset.done $0x0  }
0x9c: {  	s3 =	simm.s32 $0x17570;
	[sflag:s2] =	ssyncadd.s32 $0xFFFFF830  }
0x9d: {  	v13 =	vld [tilespmem:s3+$0xFFFFFFC0]  }
0x9e: {  	v14 =	vld [tilespmem:s3+$0xFFFFFFD0]  }
0x9f: {  	v15 =	vld [tilespmem:s3+$0xFFFFFFE0]  }
0xa0: {  	v12 =	vld [tilespmem:s3+$0xFFFFFFF0]  }
0xa1: {  	v11 =	vld [tilespmem:s3+$0x0]  }
0xa2: {  	v16 =	vmin.f32 v9, v13;
	v10 =	vmax.f32 v10, v13;
	v9 =	vld [tilespmem:s3+$0x10]  }
0xa3: {  	v13 =	vmin.f32 v16, v14;
	v16 =	vmax.f32 v10, v14;
	v10 =	vld [tilespmem:s3+$0x20]  }
0xa4: {  	s0 =	simm.s32 $0x0;
	v14 =	vmin.f32 v13, v15;
	v15 =	vmax.f32 v16, v15;
	v13 =	vld [tilespmem:s3+$0x30];
	s3 =	simm.s32 $0x175F0  }
.LBB2_14:
0xa5: {  	v16 =	vld [tilespmem:s3+$0xFFFFFFC0];
	s0 =	sadd.s32 $0x8, s0;
	v14 =	vmin.f32 v14, v12;
	v12 =	vmax.f32 v15, v12  }
0xa6: {  	v15 =	vld [tilespmem:s3+$0xFFFFFFD0];
	p1 =	slt.u32 s0, $0xF0;
	v14 =	vmin.f32 v14, v11;
	v11 =	vmax.f32 v12, v11  }
0xa7: {  	v17 =	vld [tilespmem:s3+$0xFFFFFFE0];
	v14 =	vmin.f32 v14, v9;
	v9 =	vmax.f32 v11, v9  }
.Ltmp11:
0xa8: {  	v12 =	vld [tilespmem:s3+$0xFFFFFFF0];
	v14 =	vmin.f32 v14, v10;
	v9 =	vmax.f32 v9, v10;
	(pc) =	sbr.rel @p1 .LBB2_14-.Ltmp11, $4  }
0xa9: {  	v11 =	vld [tilespmem:s3+$0x0];
	v10 =	vmin.f32 v14, v13;
	v9 =	vmax.f32 v9, v13  }
0xaa: {  	v10 =	vmin.f32 v10, v16;
	v13 =	vmax.f32 v9, v16;
	v9 =	vld [tilespmem:s3+$0x10]  }
0xab: {  	v14 =	vmin.f32 v10, v15;
	v13 =	vmax.f32 v13, v15;
	v10 =	vld [tilespmem:s3+$0x20]  }
0xac: {  	v14 =	vmin.f32 v14, v17;
	v15 =	vmax.f32 v13, v17;
	v13 =	vld [tilespmem:s3+$0x30];
	s3 =	sadd.s32 $0x80, s3  }
0xad: {  	v14 =	vmin.f32 v14, v12;
	v62 =	vmax.f32 v15, v12  }
0xae: {  	v14 =	vmin.f32 v14, v11;
	v11 =	vmax.f32 v62, v11  }
0xaf: {  	v63 =	vmin.f32 v14, v9;
	v9 =	vmax.f32 v11, v9  }
0xb0: {  	v11 =	vmin.f32 v63, v10;
	v10 =	vmax.f32 v9, v10  }
0xb1: {  	s0 =	simm.s32 $0x0;
	v9 =	vmin.f32 v11, v13;
	v10 =	vmax.f32 v10, v13  }
.LBB2_16:
0xb2: {  	s3 =	sshra.s32 s0, $0x2  }
0xb3: {  	p1 =	sne.s32 s0, $0x40;
	v11 =	vld [tilespmem:s3+$0x184B0]  }
.Ltmp12:
0xb4: {  	_ = 	snop;
	(pc) =	sbr.rel @p1 .LBB2_16-.Ltmp12, $2  }
0xb5: {  	_ =	sdelay $0x2  }
0xb6: {  	s0 =	sadd.s32 $0x40, s0;
	v9 =	vmin.f32 v9, v11;
	v10 =	vmax.f32 v10, v11  }
0xb7: {  	v11 =	vld [tilespmem:$0x184D0]  }
0xb8: {  	v12 =	vld [tilespmem:$0x18C90];
	_ =	sdelay $0x3  }
0xb9: {  	(v2sf) =	vpush v11, $0x0  }
0xba: {  	(v2sf) =	vpush v12, $0xF;
	_ =	sdelay $0xd  }
0xbb: {  	s6 =	spop (v2sf)  }
0xbc: {  	s5 =	spop (v2sf)  }
0xbd: {  	s0 =	sadd.s32 $0x1, s5  }
0xbe: {  	p1 =	sge.s32 s6, s0  }
.Ltmp13:
0xbf: {  	_ = 	snop;
	(pc) =	sbr.rel @p1 .LBB2_23-.Ltmp13, $1  }
0xc0: {  	_ =	sdelay $0x3  }
.LBB2_18:
0xc1: {  	s3 =	simm.s32 $0x18510  }
0xc2: {  	v13 =	vld [tilespmem:s3+$0xFFFFFFC0]  }
0xc3: {  	v15 =	vld [tilespmem:s3+$0xFFFFFFD0]  }
0xc4: {  	v16 =	vld [tilespmem:s3+$0xFFFFFFE0]  }
0xc5: {  	v14 =	vld [tilespmem:s3+$0xFFFFFFF0]  }
0xc6: {  	v11 =	vmov s6;
	v12 =	vld [tilespmem:s3+$0x0]  }
0xc7: {  	vm2 =	veq.s32 v13, v11;
	v13 =	vld [tilespmem:s3+$0x10]  }
0xc8: {  	v17 =	vimm.s32 $0x0;
	v18 =	vsel vm2, $0x1, v0;
	vm2 =	veq.s32 v15, v11;
	v15 =	vld [tilespmem:s3+$0x20]  }
0xc9: {  	s0 =	simm.s32 $0x0;
	v17 =	vadd.s32 v18, v17;
	v18 =	vsel vm2, $0x1, v0;
	vm2 =	veq.s32 v16, v11;
	v16 =	vld [tilespmem:s3+$0x30];
	s3 =	simm.s32 $0x18590  }
.LBB2_19:
0xca: {  	v19 =	vld [tilespmem:s3+$0xFFFFFFC0];
	s0 =	sadd.s32 $0x8, s0;
	v17 =	vadd.s32 v18, v17;
	v18 =	vsel vm2, $0x1, v0;
	vm2 =	veq.s32 v14, v11  }
0xcb: {  	v20 =	vld [tilespmem:s3+$0xFFFFFFD0];
	p1 =	slt.u32 s0, $0x70;
	v14 =	vadd.s32 v18, v17;
	v17 =	vsel vm2, $0x1, v0;
	vm2 =	veq.s32 v12, v11  }
0xcc: {  	v21 =	vld [tilespmem:s3+$0xFFFFFFE0];
	v12 =	vadd.s32 v17, v14;
	v17 =	vsel vm2, $0x1, v0;
	vm2 =	veq.s32 v13, v11  }
.Ltmp14:
0xcd: {  	v14 =	vld [tilespmem:s3+$0xFFFFFFF0];
	v13 =	vadd.s32 v17, v12;
	v17 =	vsel vm2, $0x1, v0;
	vm2 =	veq.s32 v15, v11;
	(pc) =	sbr.rel @p1 .LBB2_19-.Ltmp14, $4  }
0xce: {  	v12 =	vld [tilespmem:s3+$0x0];
	v15 =	vadd.s32 v17, v13;
	v17 =	vsel vm2, $0x1, v0;
	vm2 =	veq.s32 v16, v11  }
0xcf: {  	vm3 =	veq.s32 v19, v11;
	v13 =	vld [tilespmem:s3+$0x10];
	v16 =	vadd.s32 v17, v15;
	v17 =	vsel vm2, $0x1, v0  }
0xd0: {  	v18 =	vsel vm3, $0x1, v0;
	vm2 =	veq.s32 v20, v11;
	v15 =	vld [tilespmem:s3+$0x20];
	v16 =	vadd.s32 v17, v16  }
0xd1: {  	v17 =	vadd.s32 v18, v16;
	v18 =	vsel vm2, $0x1, v0;
	vm2 =	veq.s32 v21, v11;
	v16 =	vld [tilespmem:s3+$0x30];
	s3 =	sadd.s32 $0x80, s3  }
0xd2: {  	v17 =	vadd.s32 v18, v17;
	v62 =	vsel vm2, $0x1, v0;
	vm2 =	veq.s32 v14, v11  }
0xd3: {  	v14 =	vadd.s32 v62, v17;
	v63 =	vsel vm2, $0x1, v0;
	vm2 =	veq.s32 v12, v11  }
0xd4: {  	v12 =	vadd.s32 v63, v14;
	v14 =	vsel vm2, $0x1, v0;
	vm2 =	veq.s32 v13, v11  }
0xd5: {  	v12 =	vadd.s32 v14, v12;
	v13 =	vsel vm2, $0x1, v0;
	vm2 =	veq.s32 v15, v11  }
0xd6: {  	v12 =	vadd.s32 v13, v12;
	v13 =	vsel vm2, $0x1, v0;
	vm2 =	veq.s32 v16, v11  }
0xd7: {  	v12 =	vadd.s32 v13, v12;
	v13 =	vsel vm2, $0x1, v0  }
0xd8: {  	s0 =	simm.s32 $0x0;
	v12 =	vadd.s32 v13, v12  }
.LBB2_21:
0xd9: {  	s3 =	sshra.s32 s0, $0x2  }
0xda: {  	v13 =	vld [tilespmem:s3+$0x18C50];
	_ =	sdelay $0x1  }
0xdb: {  	p1 =	sne.s32 s0, $0x100  }
.Ltmp15:
0xdc: {  	_ = 	snop;
	(pc) =	sbr.rel @p1 .LBB2_21-.Ltmp15, $4  }
0xdd: {  	_ = 	snop  }
0xde: {  	vm2 =	veq.s32 v13, v11  }
0xdf: {  	v13 =	vsel vm2, $0x1, v0  }
0xe0: {  	s0 =	sadd.s32 $0x40, s0;
	v12 =	vadd.s32 v13, v12  }
0xe1: {  	(xrf0) =	vadd.scan.msk.s32 $0xffff, v12;
	_ =	sdelay $0x4  }
0xe2: {  	p1 =	sne.s32 s6, s5  }
.Ltmp16:
0xe3: {  	v12, _, _ =	vpop (xrf0);
	(pc) =	sbr.rel @p1 .LBB2_18-.Ltmp16, $4  }
.Ltmp17:
0xe4: {  	v12 =	vbroadcast v12, $0xF;
	(pc) =	sbr.rel @!p1 .LBB2_23-.Ltmp17, $4  }
0xe5: {  	vm2 =	veq.s32 v11, v2  }
0xe6: {  	s0 =	sadd.s32 $0x1, s6;
	v11 =	vnsel vm2, $0x0, v12  }
0xe7: {  	s6 =	smov.u32 s0;
	v8 =	vadd.s32 v8, v11  }
0xe8: {  	_ = 	snop  }
.LBB2_24:
0xe9: {  	_ =	strace $0x90000048;
	[tilespmem:$0x15DC0] =	vst v9  }
0xea: {  	[tilespmem:$0x15DD0] =	vst v10  }
0xeb: {  	[tilespmem:$0x16D60] =	vst v8;
	s2 =	simm.s32 $0x5;
	s0 =	rddreg [dreg:$0xa]  }
0xec: {  	[spmem:s0] =	stream.linear.scatter [tilespmem:s11], [sflag:$0x5], $0x10, $0x38;
	[tilespmem:$0x18FD0] =	vst v63  }
0xed: {  	_ =	swait.ge [sflag:s2], $0x10  }
0xee: {  	[sflag:s2] =	ssyncset.done $0x0  }
0xef: {  	s3 =	simm.s32 $0x15DD0;
	s16 =	rddreg [dreg:$0xb];
	[sflag:s2] =	ssyncadd.s32 $0xFFFFFFF0  }
0xf0: {  	[spmem:s16] =	stream.linear.scatter [tilespmem:s3], [sflag:$0x5], $0x10, $0x38;
	[tilespmem:$0x18FD0] =	vst v63  }
0xf1: {  	_ =	swait.ge [sflag:s2], $0x10  }
0xf2: {  	[sflag:s2] =	ssyncset.done $0x0  }
0xf3: {  	s17 =	rddreg [dreg:$0xc];
	[sflag:s2] =	ssyncadd.s32 $0xFFFFFFF0  }
0xf4: {  	[spmem:s17] =	stream.linear.scatter [tilespmem:s15], [sflag:$0x5], $0x10, $0x38;
	[tilespmem:$0x18FD0] =	vst v63  }
0xf5: {  	_ =	swait.ge [sflag:s2], $0x10  }
0xf6: {  	[sflag:s2] =	ssyncset.done $0x0  }
0xf7: {  	[sflag:s2] =	ssyncadd.s32 $0xFFFFFFF0  }
0xf8: {  	[bflag:$0x0] =	sbarrier.arrive $0xFFFF  }
0xf9: {  	s20 =	simm.s32 $0x18CA0;
	s19 =	rddreg [dreg:$0x4]  }
0xfa: {  	[tilespmem:s20], [sflag:$0x5] =	stream.linear.gather [spmem:s19], $0x100, $0x38;
	[tilespmem:$0x18FD0] =	vst v63  }
0xfb: {  	_ =	swait.ge [sflag:s2], $0x100  }
0xfc: {  	[sflag:s2] =	ssyncset.done $0x0  }
0xfd: {  	[sflag:s2] =	ssyncadd.s32 $0xFFFFFF00  }
0xfe: {  	s23 =	simm.s32 $0x18DA0;
	s21 =	rddreg [dreg:$0x5]  }
0xff: {  	[tilespmem:s23], [sflag:$0x5] =	stream.linear.gather [spmem:s21], $0x100, $0x38;
	[tilespmem:$0x18FD0] =	vst v63  }
0x100: {  	_ =	swait.ge [sflag:s2], $0x100  }
0x101: {  	[sflag:s2] =	ssyncset.done $0x0  }
0x102: {  	[sflag:s2] =	ssyncadd.s32 $0xFFFFFF00  }
0x103: {  	s25 =	simm.s32 $0x18EA0;
	s24 =	rddreg [dreg:$0x6]  }
0x104: {  	[tilespmem:s25], [sflag:$0x5] =	stream.linear.gather [spmem:s24], $0x100, $0x38;
	[tilespmem:$0x18FD0] =	vst v63  }
0x105: {  	_ =	swait.ge [sflag:s2], $0x100  }
0x106: {  	[sflag:s2] =	ssyncset.done $0x0  }
0x107: {  	s26 =	simm.s32 $0x0;
	[sflag:s2] =	ssyncadd.s32 $0xFFFFFF00  }
0x108: {  	v9 =	vld [tilespmem:s26+$0x18EA0]  }
0x109: {  	v12 =	vld [tilespmem:s26+$0x18CA0]  }
0x10a: {  	v8 =	vimm.f32 $+Inf;
	v10 =	vimm.f32 $-Inf;
	v11 =	vimm.s32 $0x0;
	s0 =	simm.s32 $0x40;
	v13 =	vld [tilespmem:s26+$0x18DA0]  }
.LBB2_25:
0x10b: {  	p0 =	sne.s32 s0, $0x3C0  }
.Ltmp18:
0x10c: {  	_ = 	snop;
	(pc) =	sbr.rel @p0 .LBB2_25-.Ltmp18, $4  }
0x10d: {  	s3 =	sshra.s32 s0, $0x2  }
0x10e: {  	v11 =	vadd.s32 v11, v9;
	v9 =	vld [tilespmem:s3+$0x18EA0]  }
0x10f: {  	v8 =	vmin.f32 v8, v12;
	v12 =	vld [tilespmem:s3+$0x18CA0]  }
0x110: {  	s0 =	sadd.s32 $0x40, s0;
	v10 =	vmax.f32 v10, v13;
	v13 =	vld [tilespmem:s3+$0x18DA0]  }
0x111: {  	s5 =	simm.s32 $0x80  }
0x112: {  	_ =	strace $0x80000049;
	[tilespmem:s5+$0xFFFFFF80] =	vst v3  }
0x113: {  	[tilespmem:s5+$0x70] =	vst v3  }
0x114: {  	[tilespmem:s5+$0x60] =	vst v3  }
0x115: {  	[tilespmem:s5+$0x50] =	vst v3  }
0x116: {  	[tilespmem:s5+$0x40] =	vst v3  }
0x117: {  	[tilespmem:s5+$0x30] =	vst v3  }
0x118: {  	[tilespmem:s5+$0x20] =	vst v3  }
0x119: {  	[tilespmem:s5+$0x10] =	vst v3  }
0x11a: {  	[tilespmem:s5+$0x0] =	vst v3  }
0x11b: {  	[tilespmem:s5+$0xFFFFFFF0] =	vst v3  }
0x11c: {  	[tilespmem:s5+$0xFFFFFFE0] =	vst v3  }
0x11d: {  	[tilespmem:s5+$0xFFFFFFD0] =	vst v3  }
0x11e: {  	[tilespmem:s5+$0xFFFFFFC0] =	vst v3  }
0x11f: {  	[tilespmem:s5+$0xFFFFFFB0] =	vst v3  }
0x120: {  	s0 =	simm.s32 $0x0;
	[tilespmem:s5+$0xFFFFFFA0] =	vst v3;
	v11 =	vadd.s32 v11, v9;
	v9 =	vmin.f32 v8, v12;
	v8 =	vmax.f32 v10, v13  }
.LBB2_27:
0x121: {  	s0 =	sadd.s32 $0x4, s0;
	[tilespmem:s5+$0xFFFFFF90] =	vst v3;
	s5 =	sadd.s32 $0x100, s5  }
0x122: {  	[tilespmem:s5+$0xFFFFFF80] =	vst v3;
	p0 =	slt.u32 s0, $0x18C  }
0x123: {  	[tilespmem:s5+$0x70] =	vst v3  }
0x124: {  	[tilespmem:s5+$0x60] =	vst v3  }
0x125: {  	[tilespmem:s5+$0x50] =	vst v3  }
0x126: {  	[tilespmem:s5+$0x40] =	vst v3  }
0x127: {  	[tilespmem:s5+$0x30] =	vst v3  }
0x128: {  	[tilespmem:s5+$0x20] =	vst v3  }
0x129: {  	[tilespmem:s5+$0x10] =	vst v3  }
0x12a: {  	[tilespmem:s5+$0x0] =	vst v3  }
0x12b: {  	[tilespmem:s5+$0xFFFFFFF0] =	vst v3  }
.Ltmp19:
0x12c: {  	[tilespmem:s5+$0xFFFFFFE0] =	vst v3;
	(pc) =	sbr.rel @p0 .LBB2_27-.Ltmp19, $4  }
0x12d: {  	[tilespmem:s5+$0xFFFFFFD0] =	vst v3  }
0x12e: {  	[tilespmem:s5+$0xFFFFFFC0] =	vst v3  }
0x12f: {  	[tilespmem:s5+$0xFFFFFFB0] =	vst v3  }
0x130: {  	[tilespmem:s5+$0xFFFFFFA0] =	vst v3  }
0x131: {  	v8 =	vsub.f32 v8, v9;
	_ =	sdelay $0x1  }
0x132: {  	v8 =	vmul.f32 v8, v4;
	_ =	sdelay $0x1  }
0x133: {  	v8 =	vtrunc.f32 v8  }
0x134: {  	v8 =	vcvt.f32.s32 v8;
	_ =	sdelay $0x1  }
0x135: {  	v10 =	vadd.s32 $0x1, v8  }
0x136: {  	v1 =	vld [tilespmem:$0x1FFF0];
	v12 =	vnsel vm0, $0x0, v10  }
0x137: {  	v10 =	vsel vm0, $0x0, v10;
	v12 =	vxor.u32 $0x80000000, v12  }
0x138: {  	v10 =	vxor.u32 $0x80000000, v10;
	(xrf0) =	vmax.scan.msk.u32 $0xffff, v12  }
0x139: {  	(xrf0) =	vmax.scan.msk.u32 $0xffff, v10;
	v10 =	vnsel vm0, $0x7F800000, v9  }
0x13a: {  	vm2 =	vgt.s32 v11, $0x0;
	v9 =	vsel vm0, $0x7F800000, v9;
	(xrf0) =	vmin.scan.msk.f32 $0xffff, v10  }
0x13b: {  	(xrf0) =	vmin.scan.msk.f32 $0xffff, v9;
	v9 =	vnsel vm2, $0x80000010, v1  }
0x13c: {  	(xrf0) =	vmin.scan.msk.u32 $0xffff, v9;
	_ =	sdelay $0x1  }
0x13d: {  	v10, _, _ =	vpop (xrf0)  }
0x13e: {  	v61, _, _ =	vpop (xrf0)  }
0x13f: {  	v9, _, _ =	vpop (xrf0)  }
0x140: {  	(v2sf) =	vpush v10, $0xF;
	v10, _, _ =	vpop (xrf0)  }
0x141: {  	(v2sf) =	vpush v61, $0xF;
	v62, _, _ =	vpop (xrf0)  }
0x142: {  	(v2sf) =	vpush v62, $0xF;
	_ =	sdelay $0x9  }
0x143: {  	v63 =	vnsel vm2, $0x7FFFFFFF, v1  }
0x144: {  	(xrf0) =	vmax.scan.msk.u32 $0xffff, v63  }
0x145: {  	(xrf0) =	vadd.scan.msk.s32 $0xffff, v11  }
0x146: {  	s6 =	spop (v2sf)  }
0x147: {  	s0 =	spop (v2sf)  }
0x148: {  	s21 =	spop (v2sf)  }
0x149: {  	[dreg:$0x12] =	wrdreg s0;
	s0 =	sxor.u32 $0x80000000, s21  }
0x14a: {  	v12, _, _ =	vpop (xrf0);
	[dreg:$0x11] =	wrdreg s0;
	s0 =	sadd.s32 s14, s0  }
0x14b: {  	v13, _, _ =	vpop (xrf0);
	v14 =	vmov s0  }
0x14c: {  	v13 =	vsub.s32 v13, v11;
	v11 =	vxor.u32 $0x80000000, v11;
	vm2 =	veq.s32 v14, v2  }
0x14d: {  	v13 =	vxor.u32 $0x80000000, v13;
	v11 =	vnsel vm2, $0x80000000, v11  }
0x14e: {  	(xrf0) =	vmax.scan.msk.u32 $0xffff, v11;
	v11 =	vnsel vm2, $0x80000000, v13  }
0x14f: {  	(xrf0) =	vmax.scan.msk.u32 $0xffff, v11;
	_ =	sdelay $0x4  }
0x150: {  	(v2sf) =	vpush v12, $0xF;
	v11, _, _ =	vpop (xrf0)  }
0x151: {  	(v2sf) =	vpush v11, $0xF;
	v11, _, _ =	vpop (xrf0)  }
0x152: {  	(v2sf) =	vpush v11, $0xF;
	_ =	sdelay $0xc  }
0x153: {  	s23 =	spop (v2sf)  }
0x154: {  	s24 =	spop (v2sf)  }
0x155: {  	s3 =	spop (v2sf)  }
0x156: {  	[dreg:$0x10] =	wrdreg s0;
	s0 =	sxor.u32 $0x80000000, s24;
	s2 =	sxor.u32 $0x80000000, s3  }
0x157: {  	s9 =	smulhi.u32 $0x51EB851F, s2;
	s13 =	sshra.s32 s2, $0x1F;
	s8 =	sadd.s32 s0, s2  }
0x158: {  	s13 =	smul.u32 $0x51EB851F, s13;
	s25 =	sadd.s32 $0xFFFFFFFF, s8  }
0x159: {  	s26 =	smulhi.u32 $0x51EB851F, s25;
	s15 =	sshra.s32 s25, $0x1F  }
0x15a: {  	s9 =	sadd.s32 s13, s9;
	s15 =	smul.u32 $0x51EB851F, s15  }
0x15b: {  	s16 =	sshrl.u32 s9, $0x1F;
	s9 =	sshra.s32 s9, $0x7  }
0x15c: {  	p1 =	sgt.s32 s3, $0xFFFFFFFF;
	s9 =	sadd.s32 s16, s9;
	s13 =	sadd.s32 s15, s26  }
0x15d: {  	s11 =	smul.u32 $0xFFFFFE70, s9;
	s17 =	sshrl.u32 s13, $0x1F;
	s13 =	sshra.s32 s13, $0x7  }
0x15e: {  	p0 =	slt.s32 s2, $0x1;
	s16 =	ssub.s32 $0x0, s2;
	s19 =	sadd.s32 s17, s13  }
0x15f: {  	p0 =	por p1, p0;
	p2 =	sne.s32 s11, s16;
	s13 =	smul.u32 $0xFFFFFE70, s19  }
0x160: {  	s14 =	simm.s32 $0x1;
	s21 =	ssub.s32 $0x1, s8;
	p0 =	por !p0, !p2  }
0x161: {  	p2 =	slt.s32 s25, $0x1;
	p0 =	por !p0, !p0;
	p3 =	sne.s32 s13, s21  }
0x162: {  	s14 =	simm.s32 @!p0 $0x0;
	p4 =	por !p2, !p3  }
0x163: {  	s20 =	ssub.s32 s9, s14;
	p0 =	por !p4, !p4;
	s9 =	simm.s32 $0x1  }
0x164: {  	s3 =	ssub.s32 s19, s20;
	s9 =	simm.s32 @!p0 $0x0  }
0x165: {  	s3 =	ssub.s32 s3, s9  }
0x166: {  	[dreg:$0x13] =	wrdreg s23;
	p0 =	sgt.s32 s0, $0x0;
	s21 =	sadd.s32 $0x1, s3  }
0x167: {  	[dreg:$0x14] =	wrdreg s2;
	s21 =	simm.s32 @!p0 $0x0  }
0x168: {  	[dreg:$0x15] =	wrdreg s8;
	p0 =	slt.s32 s21, $0x1  }
0x169: {  	[tilespmem:s5+$0xFFFFFF90] =	vst v3;
	s0 =	smul.u32 @!p0 $0xC800, s20  }
0x16a: {  	_ =	strace $0x90000049  }
0x16b: {  	s23 =	sadd.s32 $0x1, s21;
	s3 =	simm.s32 @!p0 $0x40;
	s0 =	sor.u32 @!p0 s28, s0  }
0x16c: {  	[tilespmem:$0x13D60] =	vst v0;
	s5 =	simm.s32 @!p0 $0x80;
	s9 =	simm.s32 @!p0 $0x6400;
	s0 =	sshrl.u32 @!p0 s0, $0x3  }
0x16d: {  	[tilespmem:$0x13D70] =	vst v0;
	s13 =	smul.u32 @!p0 $0x320, s20;
	s24 =	sand.u32 $0x1, s23;
	s0 =	sadd.s32 @!p0 s29, s0  }
0x16e: {  	[tilespmem:s9], [sflag:$0x1] =	stream.strided.gather @!p0 [hbm4b:s0+s3], $0x6400, s5, s3, $0x38;
	[tilespmem:$0x18FD0] =	vst v63  }
0x16f: {  	p5 =	slt.s32 s21, $0x0;
	p6 =	seq.s32 s24, $0x1;
	s0 =	sshrl.u32 @!p0 s13, $0x3  }
0x170: {  	s3 =	simm.s32 @!p0 $0x0;
	s5 =	simm.s32 @!p0 $0x13400;
	s0 =	sadd.s32 @!p0 s10, s0  }
0x171: {  	[tilespmem:s5], [sflag:$0x1] =	stream.linear.gather @!p0 [hbm4b:s0+s3], $0x320, $0x38;
	[tilespmem:$0x18FD0] =	vst v63  }
0x172: {  	s25 =	sshrl.u32 s23, $0x1F;
	p0 =	por !p5, !p6  }
0x173: {  	s0 =	sadd.s32 s25, s23;
	s3 =	simm.s32 $0x1;
	p0 =	por !p0, !p0  }
0x174: {  	s0 =	sshra.s32 s0, $0x1;
	s3 =	simm.s32 @!p0 $0x0  }
0x175: {  	s0 =	ssub.s32 s0, s3  }
0x176: {  	p0 =	slt.s32 s0, $0x1  }
.Ltmp20:
0x177: {  	_ = 	snop;
	(pc) =	sbr.rel @p0 .LBB2_56-.Ltmp20, $4  }
0x178: {  	s26 =	sxor.u32 $0x80000000, s6  }
0x179: {  	[dreg:$0x16] =	wrdreg s26  }
0x17a: {  	[dreg:$0x17] =	wrdreg s0  }
0x17b: {  	_ =	strace $0x8000004A  }
.Ltmp21:
0x17c: {  	(pc) =	sbr.rel .LBB2_30-.Ltmp21, $4  }
0x17d: {  	_ = 	snop  }
0x17e: {  	v11 =	vbroadcast v9, $0xF;
	v10 =	vbroadcast v10, $0xF;
	s0 =	rddreg [dreg:$0x16]  }
0x17f: {  	v9 =	vmov s0  }
0x180: {  	s16 =	simm.s32 $0x0;
	v9 =	vnsel vm1, $0x1, v9;
	v10 =	vsel vm0, v11, v10  }
.LBB2_55:
0x181: {  	s16 =	sadd.s32 $0x1, s16;
	s0 =	rddreg [dreg:$0x17]  }
0x182: {  	p0 =	sne.s32 s16, s0  }
.Ltmp22:
0x183: {  	_ = 	snop;
	(pc) =	sbr.rel @!p0 .LBB2_56-.Ltmp22, $1  }
0x184: {  	_ =	sdelay $0x3  }
.LBB2_30:
0x185: {  	s17 =	sshllo.u32 s16, $0x1  }
0x186: {  	p0 =	sge.s32 s17, s21  }
0x187: {  	s0 =	sadd.s32 @!p0 s20, s17  }
0x188: {  	s3 =	smul.u32 @!p0 $0xC800, s0;
	_ =	sdelay $0x1  }
0x189: {  	s0 =	smul.u32 @!p0 $0x320, s0;
	s3 =	sor.u32 @!p0 s28, s3  }
0x18a: {  	s5 =	simm.s32 @!p0 $0x40;
	s6 =	simm.s32 @!p0 $0x80;
	s3 =	sshrl.u32 @!p0 s3, $0x3  }
0x18b: {  	s9 =	simm.s32 @!p0 $0xCC00;
	s0 =	sshrl.u32 @!p0 s0, $0x3;
	s3 =	sadd.s32 @!p0 s29, s3  }
0x18c: {  	[tilespmem:s9], [sflag:$0x2] =	stream.strided.gather @!p0 [hbm4b:s3+s5], $0x6400, s6, s5, $0x200038;
	[tilespmem:$0x18FD0] =	vst v63  }
0x18d: {  	s0 =	sadd.s32 @!p0 s10, s0;
	s3 =	simm.s32 @!p0 $0x0;
	s5 =	simm.s32 @!p0 $0x13720  }
0x18e: {  	[tilespmem:s5], [sflag:$0x2] =	stream.linear.gather @!p0 [hbm4b:s0+s3], $0x320, $0x200038;
	[tilespmem:$0x18FD0] =	vst v63  }
0x18f: {  	_ =	swait.ge [sflag:s30], $0x6400  }
0x190: {  	[sflag:s30] =	ssyncset.done $0x0  }
0x191: {  	[sflag:s30] =	ssyncadd.s32 $0xFFFF9C00  }
0x192: {  	_ =	swait.ge [sflag:s30], $0x320  }
0x193: {  	[sflag:s30] =	ssyncset.done $0x0  }
0x194: {  	s8 =	simm.s32 $0x13420;
	[sflag:s30] =	ssyncadd.s32 $0xFFFFFCE0  }
0x195: {  	v11 =	vld [tilespmem:s8+$0x10]  }
0x196: {  	v12 =	vld [tilespmem:s8+$0xFFFFFFF0]  }
0x197: {  	v14 =	vld [tilespmem:s8+$0xFFFFFFE0]  }
0x198: {  	v13 =	vld [tilespmem:s8+$0x0];
	_ =	sdelay $0x2  }
0x199: {  	v11 =	vsub.f32 v11, v10  }
0x19a: {  	v12 =	vsub.f32 v12, v10;
	v14 =	vsub.f32 v14, v10  }
0x19b: {  	s11 =	simm.s32 $0x30;
	v13 =	vsub.f32 v13, v10;
	v11 =	vmul.f32 v11, v4  }
0x19c: {  	s13 =	simm.s32 $0x10;
	v17 =	vor.u32 s11, v6;
	v12 =	vmul.f32 v12, v4;
	v14 =	vmul.f32 v14, v4  }
0x19d: {  	s14 =	simm.s32 $0x20;
	v19 =	vor.u32 s13, v6;
	s9 =	simm.s32 $0x13460;
	v13 =	vmul.f32 v13, v4;
	v11 =	vtrunc.f32 v11  }
0x19e: {  	s24 =	simm.s32 $0x50;
	v22 =	vor.u32 s14, v6;
	v15 =	vld [tilespmem:s9+$0x10];
	v12 =	vtrunc.f32 v12;
	v14 =	vtrunc.f32 v14  }
0x19f: {  	s25 =	simm.s32 $0x60;
	v26 =	vor.u32 s24, v6;
	v16 =	vld [tilespmem:s9+$0xFFFFFFF0];
	v11 =	vcvt.f32.s32 v11;
	v12 =	vcvt.f32.s32 v12  }
0x1a0: {  	v29 =	vor.u32 s25, v6;
	v20 =	vld [tilespmem:s9+$0xFFFFFFE0];
	v13 =	vtrunc.f32 v13;
	v14 =	vcvt.f32.s32 v14  }
0x1a1: {  	v13 =	vcvt.f32.s32 v13;
	vm2 =	vlt.s32 v11, v8;
	vm3 =	vlt.s32 v12, v8  }
0x1a2: {  	v18 =	vld [tilespmem:s9+$0x0];
	v11 =	vsel vm2, v11, v8;
	vm2 =	vlt.s32 v14, v8;
	v12 =	vsel vm3, v12, v8  }
0x1a3: {  	v21 =	vmul.u32 v9, v11;
	v11 =	vsel vm2, v14, v8;
	v14 =	vsub.f32 v15, v10  }
0x1a4: {  	s23 =	simm.s32 $0x70;
	s5 =	simm.s32 $0x13A60;
	vm2 =	vlt.s32 v13, v8;
	v15 =	vsub.f32 v16, v10;
	v23 =	vmul.u32 v9, v12  }
0x1a5: {  	v12 =	vsub.f32 v20, v10;
	v20 =	vor.u32 s23, v6;
	[tilespmem:s5+$0x10] =	vst v21;
	v14 =	vmul.f32 v14, v4  }
0x1a6: {  	v11 =	vmul.u32 v9, v11;
	v13 =	vsel vm2, v13, v8;
	v15 =	vmul.f32 v15, v4;
	v16 =	vld.idx.msk [tilespmem:v17+s31+$0x0], $0xffff  }
0x1a7: {  	s19 =	simm.s32 $0x134A0;
	v12 =	vmul.f32 v12, v4;
	v17 =	vsub.f32 v18, v10;
	v14 =	vtrunc.f32 v14  }
0x1a8: {  	s15 =	simm.s32 $0x0;
	v24 =	vmul.u32 v9, v13;
	[tilespmem:s5+$0xFFFFFFF0] =	vst v23;
	v18 =	vld [tilespmem:s19+$0x10];
	v15 =	vtrunc.f32 v15;
	v13 =	vcvt.f32.s32 v14  }
0x1a9: {  	v19 =	vld.idx.msk [tilespmem:v19+s31+$0x0], $0xffff;
	v12 =	vtrunc.f32 v12;
	v17 =	vmul.f32 v17, v4;
	v14 =	vor.u32 s15, v6  }
0x1aa: {  	v25 =	vld [tilespmem:s19+$0x0];
	v12 =	vcvt.f32.s32 v12;
	v15 =	vcvt.f32.s32 v15;
	vm2 =	vlt.s32 v13, v8  }
0x1ab: {  	[tilespmem:s5+$0xFFFFFFE0] =	vst v11;
	v17 =	vtrunc.f32 v17;
	v16 =	vadd.s32 v16, v21;
	v21 =	vld [tilespmem:s19+$0xFFFFFFF0];
	v13 =	vsel vm2, v13, v8  }
0x1ac: {  	v28 =	vld [tilespmem:s19+$0xFFFFFFE0];
	[tilespmem:s5+$0x0] =	vst v24;
	vm3 =	vlt.s32 v15, v8;
	v17 =	vcvt.f32.s32 v17;
	v27 =	vmul.u32 v9, v13  }
0x1ad: {  	s6 =	simm.s32 $0x13AA0;
	v22 =	vld.idx.msk [tilespmem:v22+s31+$0x0], $0xffff;
	vm2 =	vlt.s32 v12, v8;
	v13 =	vsel vm3, v15, v8;
	v15 =	vsub.f32 v18, v10  }
0x1ae: {  	v31 =	vadd.s32 v19, v23;
	v12 =	vsel vm2, v12, v8;
	vm2 =	vlt.s32 v17, v8;
	[tilespmem:s6+$0x10] =	vst v27  }
0x1af: {  	v12 =	vmul.u32 v9, v12;
	v18 =	vsel vm2, v17, v8;
	v15 =	vmul.f32 v15, v4;
	v30 =	vld.idx.msk [tilespmem:v20+s31+$0x0], $0xffff  }
0x1b0: {  	[tilespmem:s5+$0x10] =	vst v16;
	v17 =	vmul.u32 v9, v13;
	v20 =	vsub.f32 v21, v10;
	v21 =	vsub.f32 v25, v10  }
0x1b1: {  	[tilespmem:s5+$0xFFFFFFF0] =	vst v31;
	v16 =	vmul.u32 v9, v18;
	v18 =	vld.idx.msk [tilespmem:v14+s31+$0x0], $0xffff;
	v25 =	vsub.f32 v28, v10;
	v15 =	vtrunc.f32 v15  }
0x1b2: {  	s26 =	simm.s32 $0x40;
	v19 =	vadd.s32 v22, v24;
	[tilespmem:s6+$0xFFFFFFF0] =	vst v17;
	v63 =	vmul.f32 v20, v4;
	v21 =	vmul.f32 v21, v4  }
0x1b3: {  	s13 =	simm.s32 $0x8;
	s0 =	simm.s32 $0x90;
	s3 =	simm.s32 $0xB0;
	v13 =	vor.u32 s26, v6;
	v14 =	vld.idx.msk [tilespmem:v26+s31+$0x0], $0xffff;
	[tilespmem:s6+$0x0] =	vst v16;
	v23 =	vmul.f32 v25, v4;
	v20 =	vcvt.f32.s32 v15  }
0x1b4: {  	s9 =	simm.s32 $0x80;
	s15 =	simm.s32 $0x134E0;
	s19 =	sshll.u32 s16, $0x1;
	[tilespmem:s6+$0xFFFFFFE0] =	vst v12;
	v15 =	vld.idx.msk [tilespmem:v29+s31+$0x0], $0xffff;
	v22 =	vtrunc.f32 v63;
	v21 =	vtrunc.f32 v21;
	v24 =	vadd.s32 v30, v27  }
.LBB2_31:
0x1b5: {  	v25 =	vld [tilespmem:s15+$0x10];
	s13 =	sadd.s32 $0x4, s13;
	v23 =	vtrunc.f32 v23;
	s24 =	sadd.s32 $0x20, s9;
	vm2 =	vlt.s32 v20, v8;
	v26 =	vor.u32 s3, v6;
	[tilespmem:s6+$0x10] =	vst v24;
	v24 =	vmovc v17;
	v27 =	vmovc v16  }
0x1b6: {  	v22 =	vcvt.f32.s32 v22;
	s3 =	smov.u32 s5;
	v16 =	vld [tilespmem:s15+$0xFFFFFFF0];
	p1 =	slt.u32 s13, $0x2C;
	v17 =	vcvt.f32.s32 v23;
	v20 =	vsel vm2, v20, v8;
	[tilespmem:s5+$0x0] =	vst v19;
	v19 =	vmovc v18;
	s5 =	smov.u32 s6  }
0x1b7: {  	v28 =	vor.u32 s0, v6;
	v18 =	vcvt.f32.s32 v21;
	v23 =	vld [tilespmem:s15+$0x0];
	v29 =	vmul.u32 v9, v20  }
0x1b8: {  	v21 =	vor.u32 s24, v6;
	s6 =	sadd.s32 $0x40, s6;
	vm3 =	vlt.s32 v22, v8;
	v20 =	vld [tilespmem:s15+$0xFFFFFFE0];
	vm2 =	vlt.s32 v17, v8  }
0x1b9: {  	v22 =	vsel vm3, v22, v8;
	v17 =	vsel vm2, v17, v8;
	vm2 =	vlt.s32 v18, v8;
	[tilespmem:s6+$0x10] =	vst v29  }
0x1ba: {  	v25 =	vsub.f32 v25, v10;
	v30 =	vmul.u32 v9, v17;
	v18 =	vsel vm2, v18, v8;
	v26 =	vld.idx.msk [tilespmem:v26+s31+$0x0], $0xffff  }
0x1bb: {  	v17 =	vmul.u32 v9, v22;
	v31 =	vsub.f32 v16, v10;
	v16 =	vmul.u32 v9, v18;
	v18 =	vld.idx.msk [tilespmem:v13+s31+$0x0], $0xffff  }
.Ltmp23:
0x1bc: {  	v13 =	vor.u32 s9, v6;
	v22 =	vsub.f32 v23, v10;
	v23 =	vmul.f32 v25, v4;
	[tilespmem:s6+$0xFFFFFFE0] =	vst v30;
	(pc) =	sbr.rel @p1 .LBB2_31-.Ltmp23, $4  }
0x1bd: {  	v11 =	vadd.s32 v19, v11;
	v20 =	vsub.f32 v20, v10;
	v25 =	vmul.f32 v31, v4;
	[tilespmem:s6+$0xFFFFFFF0] =	vst v17  }
0x1be: {  	v32 =	vadd.s32 v14, v24;
	v31 =	vmul.f32 v22, v4;
	v19 =	vtrunc.f32 v23;
	[tilespmem:s6+$0x0] =	vst v16;
	v14 =	vld.idx.msk [tilespmem:v28+s31+$0x0], $0xffff  }
0x1bf: {  	s9 =	sadd.s32 $0x40, s9;
	v23 =	vmul.f32 v20, v4;
	v20 =	vcvt.f32.s32 v19;
	v19 =	vadd.s32 v15, v27;
	v15 =	vld.idx.msk [tilespmem:v21+s31+$0x0], $0xffff;
	[tilespmem:s3+$0xFFFFFFE0] =	vst v11  }
0x1c0: {  	s15 =	sadd.s32 $0x40, s15;
	s0 =	sadd.s32 $0x10, s9;
	v22 =	vtrunc.f32 v25;
	s3 =	sadd.s32 $0x30, s9;
	v24 =	vadd.s32 v26, v29;
	v11 =	vmovc v12;
	v12 =	vmovc v30;
	v21 =	vtrunc.f32 v31;
	[tilespmem:s5+$0xFFFFFFF0] =	vst v32  }
0x1c1: {  	v23 =	vtrunc.f32 v23  }
0x1c2: {  	vm2 =	vlt.s32 v20, v8;
	v25 =	vor.u32 s3, v6;
	v22 =	vcvt.f32.s32 v22  }
0x1c3: {  	v26 =	vor.u32 s0, v6;
	s26 =	sadd.s32 $0x20, s9;
	v21 =	vcvt.f32.s32 v21;
	v23 =	vcvt.f32.s32 v23  }
0x1c4: {  	v59 =	vor.u32 s9, v6;
	v20 =	vsel vm2, v20, v8;
	v56 =	vor.u32 s26, v6  }
0x1c5: {  	[tilespmem:s6+$0x10] =	vst v24;
	v20 =	vmul.u32 v9, v20;
	vm3 =	vlt.s32 v22, v8;
	vm2 =	vlt.s32 v23, v8  }
0x1c6: {  	s13 =	sadd.s32 $0x40, s6;
	[tilespmem:s5+$0x0] =	vst v19;
	v22 =	vsel vm3, v22, v8;
	v23 =	vsel vm2, v23, v8;
	vm2 =	vlt.s32 v21, v8  }
0x1c7: {  	v11 =	vadd.s32 v18, v11;
	[tilespmem:s13+$0x10] =	vst v20;
	v22 =	vmul.u32 v9, v22;
	v57 =	vsel vm2, v21, v8  }
0x1c8: {  	[tilespmem:s5+$0xFFFFFFE0] =	vst v11;
	v58 =	vld.idx.msk [tilespmem:v25+s31+$0x0], $0xffff;
	v19 =	vmul.u32 v9, v57  }
0x1c9: {  	v13 =	vld.idx.msk [tilespmem:v13+s31+$0x0], $0xffff;
	v23 =	vmul.u32 v9, v23;
	[tilespmem:s13+$0xFFFFFFF0] =	vst v22  }
0x1ca: {  	v60 =	vld.idx.msk [tilespmem:v26+s31+$0x0], $0xffff;
	[tilespmem:s13+$0x0] =	vst v19  }
0x1cb: {  	v14 =	vadd.s32 v14, v17;
	[tilespmem:s13+$0xFFFFFFE0] =	vst v23;
	v61 =	vld.idx.msk [tilespmem:v56+s31+$0x0], $0xffff  }
0x1cc: {  	[tilespmem:s6+$0xFFFFFFF0] =	vst v14;
	v15 =	vadd.s32 v15, v16;
	v62 =	vld.idx.msk [tilespmem:v59+s31+$0x0], $0xffff  }
0x1cd: {  	[tilespmem:s6+$0x0] =	vst v15;
	v11 =	vadd.s32 v58, v20  }
0x1ce: {  	[tilespmem:s13+$0x10] =	vst v11;
	v11 =	vadd.s32 v13, v12  }
0x1cf: {  	v63 =	vadd.s32 v60, v22;
	[tilespmem:s6+$0xFFFFFFE0] =	vst v11  }
0x1d0: {  	[tilespmem:s13+$0xFFFFFFF0] =	vst v63;
	v11 =	vadd.s32 v61, v19  }
0x1d1: {  	[tilespmem:s13+$0x0] =	vst v11;
	v11 =	vadd.s32 v62, v23  }
0x1d2: {  	s0 =	simm.s32 $0x13700;
	s3 =	simm.s32 $0x13D40;
	s5 =	simm.s32 $0x300;
	[tilespmem:s13+$0xFFFFFFE0] =	vst v11  }
.LBB2_33:
0x1d3: {  	v11 =	vld [tilespmem:s0+$0x0];
	_ =	sdelay $0x4  }
0x1d4: {  	v11 =	vsub.f32 v11, v10;
	_ =	sdelay $0x1  }
0x1d5: {  	v11 =	vmul.f32 v11, v4;
	_ =	sdelay $0x1  }
0x1d6: {  	v11 =	vtrunc.f32 v11  }
0x1d7: {  	v11 =	vcvt.f32.s32 v11;
	_ =	sdelay $0x1  }
0x1d8: {  	v12 =	vor.u32 s5, v6;
	vm2 =	vlt.s32 v11, v8  }
0x1d9: {  	v11 =	vsel vm2, v11, v8  }
0x1da: {  	v11 =	vmul.u32 v9, v11;
	_ =	sdelay $0x1  }
0x1db: {  	[tilespmem:s3+$0x0] =	vst v11  }
0x1dc: {  	v12 =	vld.idx.msk [tilespmem:v12+s31+$0x0], $0xffff  }
0x1dd: {  	p1 =	sne.s32 s5, $0x310  }
.Ltmp24:
0x1de: {  	_ = 	snop;
	(pc) =	sbr.rel @p1 .LBB2_33-.Ltmp24, $3  }
0x1df: {  	_ =	sdelay $0x1  }
0x1e0: {  	v11 =	vadd.s32 v12, v11  }
0x1e1: {  	s0 =	sadd.s32 $0x10, s0;
	s5 =	sadd.s32 $0x10, s5;
	[tilespmem:s3+$0x0] =	vst v11;
	s3 =	sadd.s32 $0x10, s3  }
0x1e2: {  	s0 =	sadd.s32 s20, s19  }
0x1e3: {  	s2 =	rddreg [dreg:$0x14];
	s0 =	smul.u32 $0x190, s0  }
0x1e4: {  	s25 =	rddreg [dreg:$0x15]  }
0x1e5: {  	s6 =	ssub.s32 s2, s0;
	s0 =	ssub.s32 s25, s0  }
0x1e6: {  	p1 =	sgt.s32 s6, $0x0;
	p2 =	slt.s32 s0, $0x190  }
0x1e7: {  	s6 =	simm.s32 @!p1 $0x0;
	s0 =	simm.s32 @!p2 $0x190  }
0x1e8: {  	s3 =	ssub.s32 s0, s6  }
0x1e9: {  	s3 =	sadd.s32 $0xF, s3  }
0x1ea: {  	s5 =	sand.u32 $0xF, s3  }
0x1eb: {  	s26 =	sshra.s32 s3, $0x1F;
	p6 =	slt.s32 s3, $0x1;
	p5 =	sne.s32 s5, $0x0  }
0x1ec: {  	s5 =	sshrl.u32 s26, $0x1C;
	p1 =	por !p6, !p5  }
0x1ed: {  	s3 =	sadd.s32 s5, s3;
	s5 =	simm.s32 $0x1;
	p1 =	por !p1, !p1  }
0x1ee: {  	s3 =	sshra.s32 s3, $0x4;
	s5 =	simm.s32 @!p1 $0x0  }
0x1ef: {  	s26 =	ssub.s32 s3, s5  }
0x1f0: {  	p1 =	slt.s32 s26, $0x1  }
.Ltmp25:
0x1f1: {  	_ = 	snop;
	(pc) =	sbr.rel @p1 .LBB2_42-.Ltmp25, $1  }
0x1f2: {  	_ =	sdelay $0x3  }
.Ltmp26:
0x1f3: {  	(pc) =	sbr.rel .LBB2_36-.Ltmp26, $2  }
0x1f4: {  	_ =	sdelay $0x2  }
0x1f5: {  	v11 =	vmov s0;
	s13 =	simm.s32 $0x0  }
.LBB2_41:
0x1f6: {  	s13 =	sadd.s32 $0x1, s13  }
0x1f7: {  	p1 =	sne.s32 s13, s26  }
.Ltmp27:
0x1f8: {  	_ = 	snop;
	(pc) =	sbr.rel @!p1 .LBB2_42-.Ltmp27, $1  }
0x1f9: {  	_ =	sdelay $0x3  }
.LBB2_36:
0x1fa: {  	s0 =	sshll.u32 s13, $0x4  }
0x1fb: {  	s0 =	sadd.s32 s6, s0  }
0x1fc: {  	v13 =	vadd.s32 s0, v2  }
0x1fd: {  	v12 =	vshll.u32 v13, $0x1;
	_ =	sdelay $0x4  }
0x1fe: {  	v15 =	vld.idx.msk [tilespmem:v12+s31+$0x0], $0xffff;
	_ =	sdelay $0x3  }
0x1ff: {  	vm2 =	vlt.s32 v13, v11  }
0x200: {  	(xrf1) =	vunique.msk.u32 vm2, v15;
	_ =	sdelay $0x9  }
0x201: {  	v1 =	vld [tilespmem:$0x1FFE0];
	_ =	sdelay $0x3  }
0x202: {  	_, v12, _ =	vpop (xrf1)  }
0x203: {  	v12 =	vsel vm2, v12, v1  }
0x204: {  	v14 =	vxor.u32 $0x80000000, v12  }
0x205: {  	(xrf0) =	vmax.scan.msk.u32 $0xffff, v14;
	_ =	sdelay $0x5  }
0x206: {  	v14, _, _ =	vpop (xrf0)  }
0x207: {  	(v2sf) =	vpush v14, $0xF;
	_ =	sdelay $0xe  }
0x208: {  	s25 =	spop (v2sf)  }
0x209: {  	s5 =	sadd.s32 $0x80000001, s25  }
0x20a: {  	p1 =	sge.s32 s4, s5  }
.Ltmp28:
0x20b: {  	_ = 	snop;
	(pc) =	sbr.rel @p1 .LBB2_41-.Ltmp28, $1  }
0x20c: {  	_ =	sdelay $0x3  }
0x20d: {  	v13 =	vshll.u32 v13, $0x6  }
0x20e: {  	v15 =	vshll.u32 v15, $0x6;
	v18 =	vand.u32 $0x7, v2;
	v14 =	vor.u32 v2, v13  }
0x20f: {  	s9 =	smov.u32 s4;
	v16 =	vor.u32 v2, v15;
	v17 =	vor.u32 v18, v13;
	v18 =	vor.u32 v18, v15  }
.LBB2_38:
0x210: {  	vm3 =	veq.s32 v12, s9  }
0x211: {  	s0 =	simm.s32 $0x0;
	s3 =	simm.s32 $0x2;
	vm3 =	vmand vm2, vm3  }
0x212: {  	v19 =	vor.u32 s0, v14;
	v20 =	vadd.s32 s3, v2  }
0x213: {  	s2 =	simm.s32 $0x7;
	v26 =	vor.u32 s0, v16;
	v20 =	vand.u32 $0x3F, v20  }
0x214: {  	s14 =	simm.s32 $0x3;
	v28 =	vadd.s32 s2, v2;
	v21 =	vor.u32 v13, v20  }
0x215: {  	v22 =	vadd.s32 s14, v2;
	v35 =	vand.u32 $0x3F, v28;
	v29 =	vor.u32 v15, v20  }
0x216: {  	s24 =	simm.s32 $0xC;
	v20 =	vand.u32 $0x3F, v22;
	v32 =	vor.u32 v13, v35  }
0x217: {  	v22 =	vor.u32 v13, v20;
	v31 =	vor.u32 v15, v20;
	v20 =	vadd.s32 s24, v2;
	v25 =	vld.idx.msk [tilespmem:v19+s1+$0x0], vm3  }
0x218: {  	s15 =	simm.s32 $0xF;
	v20 =	vand.u32 $0x3F, v20;
	v30 =	vld.idx.msk [tilespmem:v26+s7+$0x0], vm3  }
0x219: {  	s23 =	simm.s32 $0x6;
	v23 =	vadd.s32 s15, v2;
	v27 =	vor.u32 v13, v20;
	v33 =	vld.idx.msk [tilespmem:v21+s1+$0x0], vm3  }
0x21a: {  	v24 =	vand.u32 $0x3F, v23;
	v41 =	vor.u32 v15, v20;
	v19 =	vadd.s32 s23, v2;
	v34 =	vld.idx.msk [tilespmem:v29+s7+$0x0], vm3  }
0x21b: {  	v23 =	vand.u32 $0x3F, v19;
	v19 =	vor.u32 v15, v24;
	v32 =	vld.idx.msk [tilespmem:v32+s1+$0x0], vm3  }
0x21c: {  	s25 =	simm.s32 $0x9;
	v37 =	vor.u32 v15, v23;
	v39 =	vld.idx.msk [tilespmem:v22+s1+$0x0], vm3  }
0x21d: {  	s11 =	simm.s32 $0x4;
	v21 =	vadd.s32 s25, v2;
	v43 =	vld.idx.msk [tilespmem:v31+s7+$0x0], vm3;
	v36 =	vor.u32 v13, v23  }
0x21e: {  	s15 =	simm.s32 $0x5;
	v28 =	vadd.s32 s11, v2;
	v35 =	vor.u32 v15, v35;
	v40 =	vand.u32 $0x3F, v21;
	v42 =	vld.idx.msk [tilespmem:v27+s1+$0x0], vm3  }
0x21f: {  	s8 =	simm.s32 $0xA;
	v46 =	vadd.s32 s15, v2;
	s15 =	simm.s32 $0xE;
	v23 =	vand.u32 $0x3F, v28;
	v21 =	vor.u32 v13, v40;
	v47 =	vld.idx.msk [tilespmem:v41+s7+$0x0], vm3  }
0x220: {  	s14 =	simm.s32 $0x1;
	v52 =	vadd.s32 s15, v2;
	v22 =	vadd.s32 s8, v2;
	v45 =	vor.u32 v13, v23;
	v20 =	vld.idx.msk [tilespmem:v19+s7+$0x0], vm3  }
0x221: {  	v22 =	vand.u32 $0x3F, v22;
	v28 =	vor.u32 v15, v23;
	v27 =	vadd.s32 s14, v2;
	v44 =	vld.idx.msk [tilespmem:v37+s7+$0x0], vm3  }
0x222: {  	v38 =	vor.u32 v13, v22;
	v48 =	vand.u32 $0x3F, v27;
	v27 =	vand.u32 $0x3F, v46;
	v49 =	vld.idx.msk [tilespmem:v36+s1+$0x0], vm3  }
0x223: {  	s23 =	simm.s32 $0xB;
	v24 =	vor.u32 v13, v24;
	v46 =	vor.u32 v13, v27;
	v43 =	vmax.f32 v43, v39;
	v39 =	vld.idx.msk [tilespmem:v35+s7+$0x0], vm3  }
0x224: {  	v60 =	vadd.s32 s23, v2;
	v30 =	vmax.f32 v30, v25;
	v27 =	vor.u32 v15, v27;
	v21 =	vld.idx.msk [tilespmem:v21+s1+$0x0], vm3  }
0x225: {  	s24 =	simm.s32 $0xD;
	s25 =	simm.s32 $0x8;
	v23 =	vor.u32 v15, v48;
	v33 =	vmax.f32 v34, v33;
	v34 =	vand.u32 $0x3F, v60;
	v51 =	vld.idx.msk [tilespmem:v45+s1+$0x0], vm3  }
0x226: {  	v50 =	vadd.s32 s24, v2;
	v61 =	vadd.s32 s25, v2;
	[tilespmem:v26+s7+$0x0] =	vst.idx.msk vm3, v30;
	v63 =	vor.u32 v13, v34;
	v62 =	vld.idx.msk [tilespmem:v28+s7+$0x0], vm3  }
0x227: {  	v22 =	vor.u32 v15, v22;
	[tilespmem:v29+s7+$0x0] =	vst.idx.msk vm3, v33;
	v36 =	vor.u32 v15, v34;
	v25 =	vld.idx.msk [tilespmem:v38+s1+$0x0], vm3  }
0x228: {  	v29 =	vand.u32 $0x3F, v50;
	v45 =	vand.u32 $0x38, v61;
	[tilespmem:v31+s7+$0x0] =	vst.idx.msk vm3, v43;
	v26 =	vmax.f32 v47, v42;
	v38 =	vld.idx.msk [tilespmem:v46+s1+$0x0], vm3  }
0x229: {  	v30 =	vor.u32 v15, v29;
	[tilespmem:v41+s7+$0x0] =	vst.idx.msk vm3, v26;
	v41 =	vld.idx.msk [tilespmem:v27+s7+$0x0], vm3;
	v46 =	vor.u32 v13, v29  }
0x22a: {  	v42 =	vand.u32 $0x3F, v52;
	v34 =	vld.idx.msk [tilespmem:v23+s7+$0x0], vm3;
	v29 =	vor.u32 v45, v18;
	v26 =	vmax.f32 v44, v49  }
0x22b: {  	v44 =	vor.u32 v13, v48;
	v43 =	vld.idx.msk [tilespmem:v63+s1+$0x0], vm3;
	[tilespmem:v37+s7+$0x0] =	vst.idx.msk vm3, v26;
	v26 =	vor.u32 v15, v40  }
0x22c: {  	s25 =	simm.s32 $0x10;
	v37 =	vor.u32 v45, v17;
	v40 =	vld.idx.msk [tilespmem:v36+s7+$0x0], vm3;
	v45 =	vor.u32 v13, v42;
	v31 =	vmax.f32 v62, v51  }
.LBB2_39:
0x22d: {  	s0 =	sadd.s32 $0x1, s25  }
0x22e: {  	v47 =	vor.u32 s25, v14;
	v33 =	vor.u32 s25, v16;
	s3 =	sadd.s32 $0x4, s25;
	s15 =	sadd.s32 $0xA, s25;
	[tilespmem:v28+s7+$0x0] =	vst.idx.msk vm3, v31;
	v46 =	vld.idx.msk [tilespmem:v46+s1+$0x0], vm3;
	v42 =	vor.u32 v15, v42;
	s2 =	smov.u32 s25  }
0x22f: {  	s8 =	sadd.s32 $0x6, s25;
	s14 =	sadd.s32 $0xF, s25;
	v28 =	vadd.s32 s0, v2;
	v48 =	vadd.s32 s3, v2;
	s0 =	sadd.s32 $0x7, s25;
	v49 =	vadd.s32 s15, v2;
	v50 =	vld.idx.msk [tilespmem:v30+s7+$0x0], vm3  }
0x230: {  	s24 =	sadd.s32 $0x8, s25;
	s11 =	sadd.s32 $0xC, s25;
	v38 =	vmax.f32 v41, v38;
	s3 =	sadd.s32 $0x2, s25;
	v31 =	vand.u32 $0x3F, v28;
	v28 =	vand.u32 $0x3F, v48;
	v41 =	vld.idx.msk [tilespmem:v26+s7+$0x0], vm3  }
0x231: {  	p1 =	slt.u32 s25, $0x30;
	s25 =	sadd.s32 $0x10, s25;
	v48 =	vadd.s32 s3, v2;
	v51 =	vadd.s32 s0, v2;
	v49 =	vand.u32 $0x3F, v49;
	s0 =	sadd.s32 $0xB, s2;
	[tilespmem:v27+s7+$0x0] =	vst.idx.msk vm3, v38;
	v38 =	vld.idx.msk [tilespmem:v45+s1+$0x0], vm3  }
0x232: {  	s23 =	sadd.s32 $0x3, s2;
	s15 =	sadd.s32 $0xE, s2;
	s3 =	sadd.s32 $0xD, s2;
	v32 =	vmax.f32 v39, v32;
	v45 =	vor.u32 v15, v31;
	v27 =	vand.u32 $0x3F, v48;
	v44 =	vld.idx.msk [tilespmem:v44+s1+$0x0], vm3  }
0x233: {  	v48 =	vadd.s32 s23, v2;
	s23 =	sadd.s32 $0x9, s2;
	v40 =	vmax.f32 v40, v43;
	v39 =	vld.idx.msk [tilespmem:v47+s1+$0x0], vm3;
	v47 =	vor.u32 v13, v27  }
0x234: {  	v52 =	vor.u32 v15, v27;
	v27 =	vand.u32 $0x3F, v48;
	v48 =	vadd.s32 s11, v2;
	v43 =	vld.idx.msk [tilespmem:v33+s7+$0x0], vm3;
	[tilespmem:v36+s7+$0x0] =	vst.idx.msk vm3, v40  }
0x235: {  	v36 =	vor.u32 v13, v27;
	v40 =	vadd.s32 s8, v2;
	v48 =	vand.u32 $0x3F, v48;
	[tilespmem:v35+s7+$0x0] =	vst.idx.msk vm3, v32;
	v32 =	vld.idx.msk [tilespmem:v42+s7+$0x0], vm3  }
0x236: {  	s2 =	sadd.s32 $0x5, s2;
	v53 =	vor.u32 v15, v27;
	v27 =	vadd.s32 s14, v2;
	v35 =	vand.u32 $0x3F, v40;
	v37 =	vld.idx.msk [tilespmem:v37+s1+$0x0], vm3  }
0x237: {  	v54 =	vadd.s32 s2, v2;
	v55 =	vadd.s32 s23, v2;
	v40 =	vor.u32 v13, v28;
	v56 =	vld.idx.msk [tilespmem:v29+s7+$0x0], vm3  }
0x238: {  	v54 =	vand.u32 $0x3F, v54;
	v28 =	vor.u32 v15, v28;
	v57 =	vand.u32 $0x3F, v27;
	v47 =	vld.idx.msk [tilespmem:v47+s1+$0x0], vm3  }
0x239: {  	v59 =	vor.u32 v13, v54;
	v60 =	vor.u32 v15, v35;
	v61 =	vor.u32 v15, v57;
	v58 =	vld.idx.msk [tilespmem:v52+s7+$0x0], vm3  }
0x23a: {  	v27 =	vor.u32 v15, v54;
	v35 =	vor.u32 v13, v35;
	v34 =	vmax.f32 v34, v44;
	v62 =	vld.idx.msk [tilespmem:v36+s1+$0x0], vm3  }
0x23b: {  	v44 =	vor.u32 v15, v49;
	v36 =	vand.u32 $0x3F, v51;
	v51 =	vor.u32 v13, v48;
	v54 =	vld.idx.msk [tilespmem:v22+s7+$0x0], vm3  }
0x23c: {  	v55 =	vand.u32 $0x3F, v55;
	v48 =	vor.u32 v15, v48;
	v63 =	vor.u32 v13, v36;
	v5 =	vld.idx.msk [tilespmem:v24+s1+$0x0], vm3  }
0x23d: {  	v7 =	vor.u32 v13, v55;
	v46 =	vmax.f32 v50, v46;
	v24 =	vor.u32 v13, v57;
	v1 =	vld.idx.msk [tilespmem:v53+s7+$0x0], vm3  }
0x23e: {  	v37 =	vmax.f32 v56, v37;
	v50 =	vld.idx.msk [tilespmem:v61+s7+$0x0], vm3;
	[tilespmem:v30+s7+$0x0] =	vst.idx.msk vm3, v46;
	v30 =	vmax.f32 v32, v38  }
0x23f: {  	v38 =	vmax.f32 v58, v47;
	v46 =	vor.u32 v13, v49;
	v47 =	vld.idx.msk [tilespmem:v60+s7+$0x0], vm3;
	[tilespmem:v42+s7+$0x0] =	vst.idx.msk vm3, v30  }
0x240: {  	v32 =	vadd.s32 s0, v2;
	v30 =	vmax.f32 v43, v39;
	v42 =	vadd.s32 s3, v2;
	v39 =	vld.idx.msk [tilespmem:v51+s1+$0x0], vm3;
	[tilespmem:v23+s7+$0x0] =	vst.idx.msk vm3, v34  }
0x241: {  	v34 =	vand.u32 $0x3F, v32;
	v49 =	vand.u32 $0x3F, v42;
	v43 =	vld.idx.msk [tilespmem:v48+s7+$0x0], vm3;
	[tilespmem:v29+s7+$0x0] =	vst.idx.msk vm3, v37;
	v29 =	vmax.f32 v54, v25  }
0x242: {  	v25 =	vmax.f32 v41, v21;
	v5 =	vmax.f32 v20, v5;
	v21 =	vld.idx.msk [tilespmem:v7+s1+$0x0], vm3;
	[tilespmem:v22+s7+$0x0] =	vst.idx.msk vm3, v29  }
0x243: {  	v23 =	vmovc v45;
	v7 =	vadd.s32 s24, v2;
	v29 =	vadd.s32 s15, v2;
	v32 =	vld.idx.msk [tilespmem:v63+s1+$0x0], vm3;
	[tilespmem:v19+s7+$0x0] =	vst.idx.msk vm3, v5;
	v19 =	vmov v61  }
0x244: {  	v22 =	vmovc v44;
	v7 =	vand.u32 $0x38, v7;
	v42 =	vand.u32 $0x3F, v29;
	v20 =	vmov v50;
	v5 =	vld.idx.msk [tilespmem:v35+s1+$0x0], vm3;
	[tilespmem:v26+s7+$0x0] =	vst.idx.msk vm3, v25  }
0x245: {  	[tilespmem:v52+s7+$0x0] =	vst.idx.msk vm3, v38;
	v25 =	vld.idx.msk [tilespmem:v46+s1+$0x0], vm3  }
0x246: {  	v35 =	vor.u32 v15, v36;
	[tilespmem:v33+s7+$0x0] =	vst.idx.msk vm3, v30;
	v33 =	vld.idx.msk [tilespmem:v40+s1+$0x0], vm3  }
0x247: {  	v36 =	vor.u32 v15, v34;
	v26 =	vmax.f32 v43, v39;
	v50 =	vld.idx.msk [tilespmem:v28+s7+$0x0], vm3  }
0x248: {  	v43 =	vor.u32 v13, v34;
	v38 =	vld.idx.msk [tilespmem:v59+s1+$0x0], vm3;
	[tilespmem:v48+s7+$0x0] =	vst.idx.msk vm3, v26  }
.Ltmp29:
0x249: {  	v46 =	vor.u32 v13, v49;
	v41 =	vld.idx.msk [tilespmem:v27+s7+$0x0], vm3;
	(pc) =	sbr.rel @p1 .LBB2_39-.Ltmp29, $4  }
0x24a: {  	v30 =	vor.u32 v15, v49;
	v5 =	vmax.f32 v47, v5;
	v34 =	vld.idx.msk [tilespmem:v45+s7+$0x0], vm3  }
0x24b: {  	v1 =	vmax.f32 v1, v62;
	v26 =	vor.u32 v15, v55;
	[tilespmem:v60+s7+$0x0] =	vst.idx.msk vm3, v5;
	v39 =	vld.idx.msk [tilespmem:v35+s7+$0x0], vm3  }
0x24c: {  	v37 =	vor.u32 v7, v17;
	v29 =	vor.u32 v7, v18;
	v45 =	vor.u32 v13, v42;
	v40 =	vld.idx.msk [tilespmem:v36+s7+$0x0], vm3  }
0x24d: {  	v44 =	vor.u32 v13, v31;
	v31 =	vmax.f32 v50, v33;
	[tilespmem:v53+s7+$0x0] =	vst.idx.msk vm3, v1;
	v43 =	vld.idx.msk [tilespmem:v43+s1+$0x0], vm3  }
0x24e: {  	_ =	sdelay $0x4  }
0x24f: {  	v1 =	vor.u32 v15, v42;
	v5 =	vld.idx.msk [tilespmem:v46+s1+$0x0], vm3  }
0x250: {  	v7 =	vld.idx.msk [tilespmem:v30+s7+$0x0], vm3  }
0x251: {  	v33 =	vld.idx.msk [tilespmem:v45+s1+$0x0], vm3  }
0x252: {  	v56 =	vld.idx.msk [tilespmem:v44+s1+$0x0], vm3  }
0x253: {  	v59 =	vld.idx.msk [tilespmem:v37+s1+$0x0], vm3  }
0x254: {  	[tilespmem:v28+s7+$0x0] =	vst.idx.msk vm3, v31;
	v58 =	vmax.f32 v41, v38;
	v57 =	vld.idx.msk [tilespmem:v1+s7+$0x0], vm3  }
0x255: {  	v61 =	vld.idx.msk [tilespmem:v29+s7+$0x0], vm3;
	[tilespmem:v27+s7+$0x0] =	vst.idx.msk vm3, v58;
	v32 =	vmax.f32 v39, v32  }
0x256: {  	[tilespmem:v35+s7+$0x0] =	vst.idx.msk vm3, v32;
	v60 =	vmax.f32 v40, v43;
	v5 =	vmax.f32 v7, v5;
	v7 =	vld.idx.msk [tilespmem:v26+s7+$0x0], vm3  }
0x257: {  	v62 =	vld.idx.msk [tilespmem:v22+s7+$0x0], vm3;
	[tilespmem:v36+s7+$0x0] =	vst.idx.msk vm3, v60  }
0x258: {  	v24 =	vld.idx.msk [tilespmem:v24+s1+$0x0], vm3;
	s9 =	sadd.s32 $0x1, s9;
	v63 =	vmax.f32 v34, v56;
	[tilespmem:v30+s7+$0x0] =	vst.idx.msk vm3, v5  }
0x259: {  	p1 =	sne.s32 s9, s5;
	[tilespmem:v23+s7+$0x0] =	vst.idx.msk vm3, v63;
	v5 =	vmax.f32 v57, v33  }
.Ltmp30:
0x25a: {  	[tilespmem:v1+s7+$0x0] =	vst.idx.msk vm3, v5;
	v1 =	vmax.f32 v61, v59;
	(pc) =	sbr.rel @p1 .LBB2_38-.Ltmp30, $4  }
.Ltmp31:
0x25b: {  	v5 =	vmax.f32 v7, v21;
	[tilespmem:v29+s7+$0x0] =	vst.idx.msk vm3, v1;
	(pc) =	sbr.rel @!p1 .LBB2_41-.Ltmp31, $4  }
0x25c: {  	v1 =	vmax.f32 v62, v25;
	[tilespmem:v26+s7+$0x0] =	vst.idx.msk vm3, v5  }
0x25d: {  	[tilespmem:v22+s7+$0x0] =	vst.idx.msk vm3, v1;
	v1 =	vmax.f32 v20, v24  }
0x25e: {  	[tilespmem:v19+s7+$0x0] =	vst.idx.msk vm3, v1  }
0x25f: {  	_ = 	snop  }
.LBB2_42:
0x260: {  	s0 =	sadd.s32 $0x2, s19  }
0x261: {  	p1 =	sge.s32 s0, s21  }
0x262: {  	s0 =	sadd.s32 @!p1 s20, s0  }
0x263: {  	s2 =	smul.u32 @!p1 $0xC800, s0;
	_ =	sdelay $0x1  }
0x264: {  	s3 =	simm.s32 @!p1 $0x40;
	s0 =	smul.u32 @!p1 $0x320, s0;
	s2 =	sor.u32 @!p1 s28, s2  }
.Ltmp32:
0x265: {  	s5 =	simm.s32 @!p1 $0x80;
	s2 =	sshrl.u32 @!p1 s2, $0x3;
	(pc) =	sbr.rel @p0 .LBB2_55-.Ltmp32, $4  }
0x266: {  	s6 =	simm.s32 @!p1 $0x6400;
	s0 =	sshrl.u32 @!p1 s0, $0x3;
	s2 =	sadd.s32 @!p1 s29, s2  }
0x267: {  	[tilespmem:s6], [sflag:$0x1] =	stream.strided.gather @!p1 [hbm4b:s2+s3], $0x6400, s5, s3, $0x200038;
	[tilespmem:$0x18FD0] =	vst v63  }
0x268: {  	s0 =	sadd.s32 @!p1 s10, s0;
	s2 =	simm.s32 @!p1 $0x0;
	s3 =	simm.s32 @!p1 $0x13400  }
0x269: {  	[tilespmem:s3], [sflag:$0x1] =	stream.linear.gather @!p1 [hbm4b:s0+s2], $0x320, $0x200038;
	[tilespmem:$0x18FD0] =	vst v63  }
0x26a: {  	s0 =	simm.s32 $0x2  }
0x26b: {  	_ =	swait.ge [sflag:s0], $0x6400  }
0x26c: {  	[sflag:s0] =	ssyncset.done $0x0  }
0x26d: {  	[sflag:s0] =	ssyncadd.s32 $0xFFFF9C00  }
0x26e: {  	_ =	swait.ge [sflag:s0], $0x320  }
0x26f: {  	[sflag:s0] =	ssyncset.done $0x0  }
0x270: {  	s11 =	simm.s32 $0x13740;
	[sflag:s0] =	ssyncadd.s32 $0xFFFFFCE0  }
0x271: {  	v1 =	vld [tilespmem:s11+$0x10]  }
0x272: {  	v5 =	vld [tilespmem:s11+$0xFFFFFFF0]  }
0x273: {  	v7 =	vld [tilespmem:s11+$0x0]  }
0x274: {  	s13 =	simm.s32 $0x13780;
	v11 =	vld [tilespmem:s11+$0xFFFFFFE0]  }
0x275: {  	v12 =	vld [tilespmem:s13+$0x10]  }
0x276: {  	v13 =	vld [tilespmem:s13+$0xFFFFFFF0]  }
0x277: {  	v15 =	vld [tilespmem:s13+$0x0];
	v1 =	vsub.f32 v1, v10  }
0x278: {  	v17 =	vld [tilespmem:s13+$0xFFFFFFE0]  }
0x279: {  	s2 =	simm.s32 $0x30;
	s3 =	simm.s32 $0x10;
	v1 =	vmul.f32 v1, v4  }
0x27a: {  	v14 =	vor.u32 s2, v6;
	v16 =	vor.u32 s3, v6;
	v5 =	vsub.f32 v5, v10  }
0x27b: {  	v7 =	vsub.f32 v7, v10;
	v11 =	vsub.f32 v11, v10;
	v1 =	vtrunc.f32 v1  }
0x27c: {  	v12 =	vsub.f32 v12, v10;
	v13 =	vsub.f32 v13, v10;
	v1 =	vcvt.f32.s32 v1  }
0x27d: {  	v15 =	vsub.f32 v15, v10;
	v17 =	vsub.f32 v17, v10;
	v5 =	vmul.f32 v5, v4  }
0x27e: {  	v7 =	vmul.f32 v7, v4;
	v11 =	vmul.f32 v11, v4;
	vm2 =	vlt.s32 v1, v8  }
0x27f: {  	v12 =	vmul.f32 v12, v4;
	v13 =	vmul.f32 v13, v4;
	v1 =	vsel vm2, v1, v8  }
0x280: {  	s14 =	simm.s32 $0x20;
	v15 =	vmul.f32 v15, v4;
	v17 =	vmul.f32 v17, v4;
	v1 =	vmul.u32 v9, v1  }
0x281: {  	s5 =	simm.s32 $0x13A60;
	s15 =	simm.s32 $0x0;
	v18 =	vor.u32 s14, v6;
	v5 =	vtrunc.f32 v5;
	v7 =	vtrunc.f32 v7  }
0x282: {  	s24 =	simm.s32 $0x50;
	v19 =	vor.u32 s15, v6;
	v11 =	vtrunc.f32 v11;
	v5 =	vcvt.f32.s32 v5;
	[tilespmem:s5+$0x10] =	vst v1  }
0x283: {  	v23 =	vor.u32 s24, v6;
	v12 =	vtrunc.f32 v12;
	v13 =	vtrunc.f32 v13;
	v14 =	vld.idx.msk [tilespmem:v14+s31+$0x0], $0xffff  }
0x284: {  	v15 =	vtrunc.f32 v15;
	v11 =	vcvt.f32.s32 v11;
	vm3 =	vlt.s32 v5, v8  }
0x285: {  	v7 =	vcvt.f32.s32 v7;
	v13 =	vcvt.f32.s32 v13;
	v5 =	vsel vm3, v5, v8  }
0x286: {  	s19 =	simm.s32 $0x137C0;
	v12 =	vcvt.f32.s32 v12;
	vm2 =	vlt.s32 v11, v8;
	v5 =	vmul.u32 v9, v5  }
0x287: {  	v21 =	vld [tilespmem:s19+$0xFFFFFFF0];
	vm3 =	vlt.s32 v13, v8;
	v11 =	vsel vm2, v11, v8;
	vm2 =	vlt.s32 v7, v8  }
0x288: {  	s23 =	simm.s32 $0x70;
	v7 =	vsel vm2, v7, v8;
	vm2 =	vlt.s32 v12, v8;
	[tilespmem:s5+$0xFFFFFFF0] =	vst v5;
	v1 =	vadd.s32 v14, v1;
	v14 =	vld [tilespmem:s19+$0x10]  }
0x289: {  	v7 =	vmul.u32 v9, v7;
	v20 =	vld.idx.msk [tilespmem:v16+s31+$0x0], $0xffff;
	v16 =	vtrunc.f32 v17;
	v17 =	vor.u32 s23, v6  }
0x28a: {  	v22 =	vld [tilespmem:s19+$0x0];
	v11 =	vmul.u32 v9, v11;
	v12 =	vsel vm2, v12, v8;
	v16 =	vcvt.f32.s32 v16  }
0x28b: {  	s25 =	simm.s32 $0x60;
	v25 =	vld [tilespmem:s19+$0xFFFFFFE0];
	v15 =	vcvt.f32.s32 v15;
	v13 =	vsel vm3, v13, v8;
	v24 =	vmul.u32 v9, v12;
	[tilespmem:s5+$0x0] =	vst v7  }
0x28c: {  	s6 =	simm.s32 $0x13AA0;
	v27 =	vor.u32 s25, v6;
	[tilespmem:s5+$0xFFFFFFE0] =	vst v11;
	v26 =	vld.idx.msk [tilespmem:v18+s31+$0x0], $0xffff;
	v18 =	vsub.f32 v21, v10;
	vm2 =	vlt.s32 v16, v8  }
0x28d: {  	[tilespmem:s6+$0x10] =	vst v24;
	v12 =	vsel vm2, v16, v8;
	vm2 =	vlt.s32 v15, v8;
	v14 =	vsub.f32 v14, v10  }
0x28e: {  	v21 =	vmul.f32 v18, v4;
	v15 =	vsel vm2, v15, v8;
	v28 =	vld.idx.msk [tilespmem:v17+s31+$0x0], $0xffff;
	v17 =	vmul.u32 v9, v13  }
0x28f: {  	v5 =	vadd.s32 v20, v5;
	[tilespmem:s5+$0x10] =	vst v1;
	v1 =	vsub.f32 v22, v10;
	v14 =	vmul.f32 v14, v4  }
0x290: {  	v18 =	vld.idx.msk [tilespmem:v19+s31+$0x0], $0xffff;
	v16 =	vmul.u32 v9, v15;
	v15 =	vsub.f32 v25, v10;
	v22 =	vtrunc.f32 v21;
	[tilespmem:s5+$0xFFFFFFF0] =	vst v5  }
0x291: {  	s26 =	simm.s32 $0x40;
	v12 =	vmul.u32 v9, v12;
	[tilespmem:s6+$0xFFFFFFF0] =	vst v17;
	v1 =	vmul.f32 v1, v4;
	v19 =	vtrunc.f32 v14  }
0x292: {  	s9 =	simm.s32 $0x80;
	s3 =	simm.s32 $0xB0;
	v13 =	vor.u32 s26, v6;
	[tilespmem:s6+$0x0] =	vst v16;
	v14 =	vld.idx.msk [tilespmem:v23+s31+$0x0], $0xffff;
	v23 =	vmul.f32 v15, v4;
	v20 =	vcvt.f32.s32 v19  }
0x293: {  	s15 =	simm.s32 $0x13800;
	s0 =	simm.s32 $0x90;
	s13 =	simm.s32 $0x8;
	[tilespmem:s6+$0xFFFFFFE0] =	vst v12;
	v21 =	vtrunc.f32 v1;
	v24 =	vadd.s32 v28, v24;
	v15 =	vld.idx.msk [tilespmem:v27+s31+$0x0], $0xffff;
	v19 =	vadd.s32 v26, v7  }
.LBB2_44:
0x294: {  	v1 =	vld [tilespmem:s15+$0x10];
	s13 =	sadd.s32 $0x4, s13;
	v5 =	vtrunc.f32 v23;
	s2 =	sadd.s32 $0x20, s9;
	vm2 =	vlt.s32 v20, v8;
	v7 =	vor.u32 s3, v6;
	[tilespmem:s6+$0x10] =	vst v24;
	v23 =	vmovc v17;
	v24 =	vmovc v16  }
0x295: {  	v17 =	vcvt.f32.s32 v22;
	s3 =	smov.u32 s5;
	v16 =	vld [tilespmem:s15+$0xFFFFFFF0];
	p0 =	slt.u32 s13, $0x2C;
	v5 =	vcvt.f32.s32 v5;
	v20 =	vsel vm2, v20, v8;
	[tilespmem:s5+$0x0] =	vst v19;
	v19 =	vmovc v18;
	s5 =	smov.u32 s6  }
0x296: {  	v25 =	vor.u32 s0, v6;
	v18 =	vcvt.f32.s32 v21;
	v22 =	vld [tilespmem:s15+$0x0];
	v26 =	vmul.u32 v9, v20  }
0x297: {  	v21 =	vor.u32 s2, v6;
	s6 =	sadd.s32 $0x40, s6;
	vm3 =	vlt.s32 v17, v8;
	v20 =	vld [tilespmem:s15+$0xFFFFFFE0];
	vm2 =	vlt.s32 v5, v8  }
0x298: {  	v17 =	vsel vm3, v17, v8;
	v5 =	vsel vm2, v5, v8;
	vm2 =	vlt.s32 v18, v8;
	[tilespmem:s6+$0x10] =	vst v26  }
0x299: {  	v1 =	vsub.f32 v1, v10;
	v5 =	vmul.u32 v9, v5;
	v18 =	vsel vm2, v18, v8;
	v7 =	vld.idx.msk [tilespmem:v7+s31+$0x0], $0xffff  }
0x29a: {  	v17 =	vmul.u32 v9, v17;
	v27 =	vsub.f32 v16, v10;
	v16 =	vmul.u32 v9, v18;
	v18 =	vld.idx.msk [tilespmem:v13+s31+$0x0], $0xffff  }
.Ltmp33:
0x29b: {  	v13 =	vor.u32 s9, v6;
	v22 =	vsub.f32 v22, v10;
	v1 =	vmul.f32 v1, v4;
	[tilespmem:s6+$0xFFFFFFE0] =	vst v5;
	(pc) =	sbr.rel @p0 .LBB2_44-.Ltmp33, $4  }
0x29c: {  	v11 =	vadd.s32 v19, v11;
	v20 =	vsub.f32 v20, v10;
	v27 =	vmul.f32 v27, v4;
	[tilespmem:s6+$0xFFFFFFF0] =	vst v17  }
0x29d: {  	v29 =	vadd.s32 v14, v23;
	v28 =	vmul.f32 v22, v4;
	v1 =	vtrunc.f32 v1;
	[tilespmem:s6+$0x0] =	vst v16;
	v14 =	vld.idx.msk [tilespmem:v25+s31+$0x0], $0xffff  }
0x29e: {  	v19 =	vadd.s32 v15, v24;
	s9 =	sadd.s32 $0x40, s9;
	v23 =	vmul.f32 v20, v4;
	v20 =	vcvt.f32.s32 v1;
	v15 =	vld.idx.msk [tilespmem:v21+s31+$0x0], $0xffff;
	[tilespmem:s3+$0xFFFFFFE0] =	vst v11  }
0x29f: {  	s15 =	sadd.s32 $0x40, s15;
	s0 =	sadd.s32 $0x10, s9;
	v22 =	vtrunc.f32 v27;
	s3 =	sadd.s32 $0x30, s9;
	v24 =	vadd.s32 v7, v26;
	v11 =	vmovc v12;
	v12 =	vmovc v5;
	v21 =	vtrunc.f32 v28;
	[tilespmem:s5+$0xFFFFFFF0] =	vst v29  }
0x2a0: {  	v1 =	vtrunc.f32 v23;
	vm2 =	vlt.s32 v20, v8;
	v5 =	vor.u32 s3, v6  }
0x2a1: {  	v7 =	vcvt.f32.s32 v22;
	v57 =	vor.u32 s0, v6;
	v21 =	vcvt.f32.s32 v21  }
0x2a2: {  	v60 =	vor.u32 s9, v6;
	v1 =	vcvt.f32.s32 v1;
	v20 =	vsel vm2, v20, v8  }
0x2a3: {  	s26 =	sadd.s32 $0x20, s9;
	[tilespmem:s6+$0x10] =	vst v24;
	v11 =	vadd.s32 v18, v11;
	v20 =	vmul.u32 v9, v20;
	vm3 =	vlt.s32 v7, v8  }
0x2a4: {  	s2 =	sadd.s32 $0x40, s6;
	[tilespmem:s5+$0x0] =	vst v19;
	v58 =	vor.u32 s26, v6;
	vm2 =	vlt.s32 v1, v8;
	v7 =	vsel vm3, v7, v8  }
0x2a5: {  	v1 =	vsel vm2, v1, v8;
	vm2 =	vlt.s32 v21, v8;
	[tilespmem:s2+$0x10] =	vst v20;
	v7 =	vmul.u32 v9, v7  }
0x2a6: {  	[tilespmem:s5+$0xFFFFFFE0] =	vst v11;
	v1 =	vmul.u32 v9, v1;
	v59 =	vsel vm2, v21, v8;
	v5 =	vld.idx.msk [tilespmem:v5+s31+$0x0], $0xffff  }
0x2a7: {  	v13 =	vld.idx.msk [tilespmem:v13+s31+$0x0], $0xffff;
	v19 =	vmul.u32 v9, v59;
	[tilespmem:s2+$0xFFFFFFF0] =	vst v7  }
0x2a8: {  	[tilespmem:s2+$0xFFFFFFE0] =	vst v1;
	v61 =	vld.idx.msk [tilespmem:v57+s31+$0x0], $0xffff  }
0x2a9: {  	v14 =	vadd.s32 v14, v17;
	[tilespmem:s2+$0x0] =	vst v19;
	v11 =	vld.idx.msk [tilespmem:v60+s31+$0x0], $0xffff  }
0x2aa: {  	[tilespmem:s6+$0xFFFFFFF0] =	vst v14;
	v63 =	vadd.s32 v15, v16;
	v62 =	vld.idx.msk [tilespmem:v58+s31+$0x0], $0xffff  }
0x2ab: {  	[tilespmem:s6+$0x0] =	vst v63;
	v5 =	vadd.s32 v5, v20  }
0x2ac: {  	[tilespmem:s2+$0x10] =	vst v5;
	v5 =	vadd.s32 v13, v12  }
0x2ad: {  	v7 =	vadd.s32 v61, v7;
	[tilespmem:s6+$0xFFFFFFE0] =	vst v5  }
0x2ae: {  	[tilespmem:s2+$0xFFFFFFF0] =	vst v7;
	v1 =	vadd.s32 v11, v1  }
0x2af: {  	v5 =	vadd.s32 v62, v19;
	[tilespmem:s2+$0xFFFFFFE0] =	vst v1  }
0x2b0: {  	s0 =	simm.s32 $0x13A20;
	s3 =	simm.s32 $0x13D40;
	s5 =	simm.s32 $0x300;
	[tilespmem:s2+$0x0] =	vst v5  }
.LBB2_46:
0x2b1: {  	v1 =	vld [tilespmem:s0+$0x0];
	_ =	sdelay $0x4  }
0x2b2: {  	v1 =	vsub.f32 v1, v10;
	_ =	sdelay $0x1  }
0x2b3: {  	v1 =	vmul.f32 v1, v4;
	_ =	sdelay $0x1  }
0x2b4: {  	v1 =	vtrunc.f32 v1  }
0x2b5: {  	v1 =	vcvt.f32.s32 v1;
	_ =	sdelay $0x1  }
0x2b6: {  	v5 =	vor.u32 s5, v6;
	vm2 =	vlt.s32 v1, v8  }
0x2b7: {  	v1 =	vsel vm2, v1, v8  }
0x2b8: {  	v1 =	vmul.u32 v9, v1;
	_ =	sdelay $0x1  }
0x2b9: {  	[tilespmem:s3+$0x0] =	vst v1  }
0x2ba: {  	v5 =	vld.idx.msk [tilespmem:v5+s31+$0x0], $0xffff  }
0x2bb: {  	p0 =	sne.s32 s5, $0x310  }
.Ltmp34:
0x2bc: {  	_ = 	snop;
	(pc) =	sbr.rel @p0 .LBB2_46-.Ltmp34, $3  }
0x2bd: {  	_ =	sdelay $0x1  }
0x2be: {  	v1 =	vadd.s32 v5, v1  }
0x2bf: {  	s0 =	sadd.s32 $0x10, s0;
	s5 =	sadd.s32 $0x10, s5;
	[tilespmem:s3+$0x0] =	vst v1;
	s3 =	sadd.s32 $0x10, s3  }
0x2c0: {  	s0 =	sadd.s32 s20, s17  }
0x2c1: {  	s2 =	rddreg [dreg:$0x14];
	s0 =	smul.u32 $0x190, s0  }
0x2c2: {  	s24 =	rddreg [dreg:$0x15]  }
0x2c3: {  	s6 =	ssub.s32 s2, s0;
	s0 =	ssub.s32 s24, s0  }
0x2c4: {  	p0 =	sgt.s32 s6, $0x0;
	p1 =	slt.s32 s0, $0x190  }
0x2c5: {  	s6 =	simm.s32 @!p0 $0x0;
	s0 =	simm.s32 @!p1 $0x190  }
0x2c6: {  	s25 =	ssub.s32 s0, s6  }
0x2c7: {  	s2 =	sadd.s32 $0xF, s25  }
0x2c8: {  	s3 =	sand.u32 $0xF, s2  }
0x2c9: {  	s26 =	sshra.s32 s2, $0x1F;
	p6 =	slt.s32 s2, $0x1;
	p5 =	sne.s32 s3, $0x0  }
0x2ca: {  	s3 =	sshrl.u32 s26, $0x1C;
	p0 =	por !p6, !p5  }
0x2cb: {  	s2 =	sadd.s32 s3, s2;
	s3 =	simm.s32 $0x1;
	p0 =	por !p0, !p0  }
0x2cc: {  	s2 =	sshra.s32 s2, $0x4;
	s3 =	simm.s32 @!p0 $0x0  }
0x2cd: {  	s17 =	ssub.s32 s2, s3  }
0x2ce: {  	p0 =	slt.s32 s17, $0x1  }
.Ltmp35:
0x2cf: {  	_ = 	snop;
	(pc) =	sbr.rel @p0 .LBB2_55-.Ltmp35, $1  }
0x2d0: {  	_ =	sdelay $0x3  }
.Ltmp36:
0x2d1: {  	(pc) =	sbr.rel .LBB2_49-.Ltmp36, $2  }
0x2d2: {  	_ =	sdelay $0x2  }
0x2d3: {  	v11 =	vmov s0;
	s13 =	simm.s32 $0x0  }
.LBB2_54:
0x2d4: {  	s13 =	sadd.s32 $0x1, s13  }
0x2d5: {  	p0 =	sne.s32 s13, s17  }
.Ltmp37:
0x2d6: {  	_ = 	snop;
	(pc) =	sbr.rel @!p0 .LBB2_55-.Ltmp37, $1  }
0x2d7: {  	_ =	sdelay $0x3  }
.LBB2_49:
0x2d8: {  	s0 =	sshll.u32 s13, $0x4  }
0x2d9: {  	s0 =	sadd.s32 s6, s0  }
0x2da: {  	v13 =	vadd.s32 s0, v2  }
0x2db: {  	v1 =	vshll.u32 v13, $0x1;
	_ =	sdelay $0x4  }
0x2dc: {  	v15 =	vld.idx.msk [tilespmem:v1+s31+$0x0], $0xffff;
	_ =	sdelay $0x3  }
0x2dd: {  	vm2 =	vlt.s32 v13, v11  }
0x2de: {  	(xrf1) =	vunique.msk.u32 vm2, v15;
	_ =	sdelay $0x9  }
0x2df: {  	v5 =	vld [tilespmem:$0x1FFE0];
	_ =	sdelay $0x3  }
0x2e0: {  	_, v1, _ =	vpop (xrf1)  }
0x2e1: {  	v12 =	vsel vm2, v1, v5  }
0x2e2: {  	v1 =	vxor.u32 $0x80000000, v12  }
0x2e3: {  	(xrf0) =	vmax.scan.msk.u32 $0xffff, v1;
	_ =	sdelay $0x5  }
0x2e4: {  	v1, _, _ =	vpop (xrf0)  }
0x2e5: {  	(v2sf) =	vpush v1, $0xF;
	_ =	sdelay $0xe  }
0x2e6: {  	s26 =	spop (v2sf)  }
0x2e7: {  	s5 =	sadd.s32 $0x80000001, s26  }
0x2e8: {  	p0 =	sge.s32 s4, s5  }
.Ltmp38:
0x2e9: {  	_ = 	snop;
	(pc) =	sbr.rel @p0 .LBB2_54-.Ltmp38, $1  }
0x2ea: {  	_ =	sdelay $0x3  }
0x2eb: {  	v13 =	vshll.u32 v13, $0x6  }
0x2ec: {  	v15 =	vshll.u32 v15, $0x6;
	v1 =	vand.u32 $0x7, v2;
	v14 =	vor.u32 v2, v13  }
0x2ed: {  	s9 =	smov.u32 s4;
	v16 =	vor.u32 v2, v15;
	v17 =	vor.u32 v1, v13;
	v18 =	vor.u32 v1, v15  }
.LBB2_51:
0x2ee: {  	vm3 =	veq.s32 v12, s9  }
0x2ef: {  	s0 =	simm.s32 $0x0;
	s2 =	simm.s32 $0x2;
	vm3 =	vmand vm2, vm3  }
0x2f0: {  	v1 =	vor.u32 s0, v14;
	v5 =	vadd.s32 s2, v2  }
0x2f1: {  	s24 =	simm.s32 $0x3;
	v7 =	vor.u32 s0, v16;
	v5 =	vand.u32 $0x3F, v5  }
0x2f2: {  	v19 =	vadd.s32 s24, v2;
	v20 =	vor.u32 v13, v5  }
0x2f3: {  	s26 =	simm.s32 $0x6;
	v19 =	vand.u32 $0x3F, v19;
	v5 =	vor.u32 v15, v5  }
0x2f4: {  	s11 =	simm.s32 $0x7;
	v23 =	vadd.s32 s26, v2;
	v21 =	vor.u32 v13, v19  }
0x2f5: {  	v28 =	vadd.s32 s11, v2;
	v23 =	vand.u32 $0x3F, v23;
	v31 =	vor.u32 v15, v19;
	v1 =	vld.idx.msk [tilespmem:v1+s18+$0x0], vm3  }
0x2f6: {  	s25 =	simm.s32 $0xF;
	v35 =	vand.u32 $0x3F, v28;
	v29 =	vor.u32 v15, v23;
	v25 =	vld.idx.msk [tilespmem:v7+s7+$0x0], vm3  }
0x2f7: {  	s3 =	simm.s32 $0xC;
	v22 =	vadd.s32 s25, v2;
	v32 =	vor.u32 v13, v35;
	v26 =	vld.idx.msk [tilespmem:v20+s18+$0x0], vm3  }
0x2f8: {  	v24 =	vand.u32 $0x3F, v22;
	v22 =	vadd.s32 s3, v2;
	v36 =	vor.u32 v13, v23;
	v30 =	vld.idx.msk [tilespmem:v5+s7+$0x0], vm3  }
0x2f9: {  	s15 =	simm.s32 $0x4;
	v19 =	vor.u32 v15, v24;
	v22 =	vand.u32 $0x3F, v22;
	v33 =	vld.idx.msk [tilespmem:v21+s18+$0x0], vm3  }
0x2fa: {  	s14 =	simm.s32 $0xA;
	v28 =	vadd.s32 s15, v2;
	v27 =	vor.u32 v13, v22;
	v39 =	vld.idx.msk [tilespmem:v31+s7+$0x0], vm3  }
0x2fb: {  	v23 =	vand.u32 $0x3F, v28;
	v34 =	vor.u32 v15, v22;
	v22 =	vadd.s32 s14, v2;
	v40 =	vld.idx.msk [tilespmem:v29+s7+$0x0], vm3  }
0x2fc: {  	s8 =	simm.s32 $0x9;
	s23 =	simm.s32 $0x5;
	v42 =	vor.u32 v13, v23;
	v22 =	vand.u32 $0x3F, v22;
	v32 =	vld.idx.msk [tilespmem:v32+s18+$0x0], vm3  }
0x2fd: {  	v43 =	vadd.s32 s23, v2;
	s25 =	simm.s32 $0xD;
	v38 =	vor.u32 v13, v22;
	v20 =	vadd.s32 s8, v2;
	v45 =	vld.idx.msk [tilespmem:v36+s18+$0x0], vm3  }
0x2fe: {  	s19 =	simm.s32 $0x1;
	s26 =	simm.s32 $0x8;
	v46 =	vadd.s32 s25, v2;
	v35 =	vor.u32 v15, v35;
	v37 =	vand.u32 $0x3F, v20;
	v20 =	vld.idx.msk [tilespmem:v19+s7+$0x0], vm3  }
0x2ff: {  	v62 =	vadd.s32 s26, v2;
	v28 =	vor.u32 v15, v23;
	v41 =	vld.idx.msk [tilespmem:v27+s18+$0x0], vm3;
	v27 =	vadd.s32 s19, v2  }
0x300: {  	v44 =	vld.idx.msk [tilespmem:v34+s7+$0x0], vm3;
	v21 =	vor.u32 v13, v37;
	v47 =	vand.u32 $0x3F, v27;
	v27 =	vand.u32 $0x3F, v43  }
0x301: {  	s24 =	simm.s32 $0xB;
	v24 =	vor.u32 v13, v24;
	v48 =	vld.idx.msk [tilespmem:v42+s18+$0x0], vm3;
	v43 =	vor.u32 v13, v27;
	v27 =	vor.u32 v15, v27  }
0x302: {  	v1 =	vmax.f32 v25, v1;
	v25 =	vld.idx.msk [tilespmem:v38+s18+$0x0], vm3;
	v26 =	vmax.f32 v30, v26;
	v30 =	vadd.s32 s24, v2  }
0x303: {  	s3 =	simm.s32 $0xE;
	v23 =	vor.u32 v15, v47;
	v33 =	vmax.f32 v39, v33;
	v39 =	vld.idx.msk [tilespmem:v35+s7+$0x0], vm3;
	v30 =	vand.u32 $0x3F, v30  }
0x304: {  	v49 =	vadd.s32 s3, v2;
	v63 =	vand.u32 $0x38, v62;
	[tilespmem:v5+s7+$0x0] =	vst.idx.msk vm3, v26;
	v5 =	vld.idx.msk [tilespmem:v28+s7+$0x0], vm3;
	v36 =	vor.u32 v15, v30  }
0x305: {  	v22 =	vor.u32 v15, v22;
	[tilespmem:v7+s7+$0x0] =	vst.idx.msk vm3, v1;
	v21 =	vld.idx.msk [tilespmem:v21+s18+$0x0], vm3;
	v7 =	vor.u32 v13, v30  }
0x306: {  	v42 =	vand.u32 $0x3F, v49;
	v1 =	vmax.f32 v44, v41;
	v26 =	vand.u32 $0x3F, v46;
	v38 =	vld.idx.msk [tilespmem:v43+s18+$0x0], vm3  }
0x307: {  	v44 =	vor.u32 v13, v47;
	[tilespmem:v31+s7+$0x0] =	vst.idx.msk vm3, v33;
	v46 =	vor.u32 v13, v26;
	v41 =	vld.idx.msk [tilespmem:v27+s7+$0x0], vm3  }
0x308: {  	[tilespmem:v34+s7+$0x0] =	vst.idx.msk vm3, v1;
	v1 =	vmax.f32 v40, v45;
	v30 =	vor.u32 v15, v26;
	v34 =	vld.idx.msk [tilespmem:v23+s7+$0x0], vm3  }
0x309: {  	v26 =	vor.u32 v15, v37;
	v37 =	vor.u32 v63, v17;
	v45 =	vor.u32 v13, v42;
	v40 =	vld.idx.msk [tilespmem:v36+s7+$0x0], vm3  }
0x30a: {  	s19 =	simm.s32 $0x10;
	[tilespmem:v29+s7+$0x0] =	vst.idx.msk vm3, v1;
	v29 =	vor.u32 v63, v18;
	v31 =	vmax.f32 v5, v48;
	v43 =	vld.idx.msk [tilespmem:v7+s18+$0x0], vm3  }
.LBB2_52:
0x30b: {  	s0 =	sadd.s32 $0x1, s19  }
0x30c: {  	v1 =	vor.u32 s19, v14;
	v33 =	vor.u32 s19, v16;
	s2 =	sadd.s32 $0x4, s19;
	s3 =	sadd.s32 $0xA, s19;
	[tilespmem:v28+s7+$0x0] =	vst.idx.msk vm3, v31;
	v5 =	vld.idx.msk [tilespmem:v46+s18+$0x0], vm3;
	v7 =	vor.u32 v15, v42;
	s8 =	smov.u32 s19  }
0x30d: {  	s11 =	sadd.s32 $0xF, s19;
	v28 =	vadd.s32 s0, v2;
	v42 =	vadd.s32 s2, v2;
	s2 =	sadd.s32 $0x6, s19;
	s0 =	sadd.s32 $0x7, s19;
	v46 =	vadd.s32 s3, v2;
	v47 =	vld.idx.msk [tilespmem:v30+s7+$0x0], vm3  }
0x30e: {  	s24 =	sadd.s32 $0x8, s19;
	s14 =	sadd.s32 $0xC, s19;
	v38 =	vmax.f32 v41, v38;
	s3 =	sadd.s32 $0x2, s19;
	v31 =	vand.u32 $0x3F, v28;
	v28 =	vand.u32 $0x3F, v42;
	v41 =	vld.idx.msk [tilespmem:v26+s7+$0x0], vm3  }
0x30f: {  	p0 =	slt.u32 s19, $0x30;
	s19 =	sadd.s32 $0x10, s19;
	v42 =	vadd.s32 s3, v2;
	v48 =	vadd.s32 s0, v2;
	v46 =	vand.u32 $0x3F, v46;
	s0 =	sadd.s32 $0xB, s8;
	[tilespmem:v27+s7+$0x0] =	vst.idx.msk vm3, v38;
	v38 =	vld.idx.msk [tilespmem:v45+s18+$0x0], vm3  }
0x310: {  	s23 =	sadd.s32 $0x3, s8;
	s15 =	sadd.s32 $0xE, s8;
	s3 =	sadd.s32 $0xD, s8;
	v32 =	vmax.f32 v39, v32;
	v45 =	vor.u32 v15, v31;
	v27 =	vand.u32 $0x3F, v42;
	v42 =	vld.idx.msk [tilespmem:v44+s18+$0x0], vm3  }
0x311: {  	v39 =	vor.u32 v13, v27;
	v44 =	vadd.s32 s23, v2;
	s23 =	sadd.s32 $0x9, s8;
	v40 =	vmax.f32 v40, v43;
	v1 =	vld.idx.msk [tilespmem:v1+s18+$0x0], vm3  }
0x312: {  	v49 =	vor.u32 v15, v27;
	v27 =	vand.u32 $0x3F, v44;
	v44 =	vadd.s32 s14, v2;
	v43 =	vld.idx.msk [tilespmem:v33+s7+$0x0], vm3;
	[tilespmem:v36+s7+$0x0] =	vst.idx.msk vm3, v40  }
0x313: {  	v36 =	vor.u32 v13, v27;
	v40 =	vadd.s32 s2, v2;
	v44 =	vand.u32 $0x3F, v44;
	[tilespmem:v35+s7+$0x0] =	vst.idx.msk vm3, v32;
	v32 =	vld.idx.msk [tilespmem:v7+s7+$0x0], vm3  }
0x314: {  	v50 =	vor.u32 v15, v27;
	s2 =	sadd.s32 $0x5, s8;
	v27 =	vadd.s32 s11, v2;
	v35 =	vand.u32 $0x3F, v40;
	v37 =	vld.idx.msk [tilespmem:v37+s18+$0x0], vm3  }
0x315: {  	v52 =	vadd.s32 s23, v2;
	v40 =	vor.u32 v13, v28;
	v51 =	vadd.s32 s2, v2;
	v53 =	vld.idx.msk [tilespmem:v29+s7+$0x0], vm3  }
0x316: {  	v28 =	vor.u32 v15, v28;
	v54 =	vand.u32 $0x3F, v27;
	v51 =	vand.u32 $0x3F, v51;
	v39 =	vld.idx.msk [tilespmem:v39+s18+$0x0], vm3  }
0x317: {  	v57 =	vor.u32 v15, v35;
	v58 =	vor.u32 v15, v54;
	v56 =	vor.u32 v13, v51;
	v55 =	vld.idx.msk [tilespmem:v49+s7+$0x0], vm3  }
0x318: {  	v35 =	vor.u32 v13, v35;
	v27 =	vor.u32 v15, v51;
	v34 =	vmax.f32 v34, v42;
	v59 =	vld.idx.msk [tilespmem:v36+s18+$0x0], vm3  }
0x319: {  	v42 =	vor.u32 v13, v44;
	v36 =	vand.u32 $0x3F, v48;
	v48 =	vor.u32 v15, v46;
	v51 =	vld.idx.msk [tilespmem:v22+s7+$0x0], vm3  }
0x31a: {  	v52 =	vand.u32 $0x3F, v52;
	v44 =	vor.u32 v15, v44;
	v60 =	vor.u32 v13, v36;
	v61 =	vld.idx.msk [tilespmem:v24+s18+$0x0], vm3  }
0x31b: {  	v5 =	vmax.f32 v47, v5;
	v63 =	vor.u32 v13, v52;
	v24 =	vor.u32 v13, v54;
	v62 =	vld.idx.msk [tilespmem:v50+s7+$0x0], vm3  }
0x31c: {  	v37 =	vmax.f32 v53, v37;
	v47 =	vld.idx.msk [tilespmem:v58+s7+$0x0], vm3;
	[tilespmem:v30+s7+$0x0] =	vst.idx.msk vm3, v5;
	v5 =	vmax.f32 v32, v38  }
0x31d: {  	v30 =	vmax.f32 v55, v39;
	v38 =	vor.u32 v13, v46;
	v39 =	vld.idx.msk [tilespmem:v57+s7+$0x0], vm3;
	[tilespmem:v7+s7+$0x0] =	vst.idx.msk vm3, v5  }
0x31e: {  	v1 =	vmax.f32 v43, v1;
	v32 =	vadd.s32 s3, v2;
	v5 =	vadd.s32 s0, v2;
	v7 =	vld.idx.msk [tilespmem:v42+s18+$0x0], vm3;
	[tilespmem:v23+s7+$0x0] =	vst.idx.msk vm3, v34  }
0x31f: {  	v43 =	vand.u32 $0x3F, v32;
	v5 =	vand.u32 $0x3F, v5;
	v34 =	vld.idx.msk [tilespmem:v44+s7+$0x0], vm3;
	[tilespmem:v29+s7+$0x0] =	vst.idx.msk vm3, v37;
	v37 =	vmax.f32 v51, v25  }
0x320: {  	v25 =	vmax.f32 v41, v21;
	v46 =	vmax.f32 v20, v61;
	v21 =	vld.idx.msk [tilespmem:v63+s18+$0x0], vm3;
	[tilespmem:v22+s7+$0x0] =	vst.idx.msk vm3, v37  }
0x321: {  	v23 =	vmovc v45;
	v41 =	vadd.s32 s24, v2;
	v29 =	vadd.s32 s15, v2;
	v32 =	vld.idx.msk [tilespmem:v60+s18+$0x0], vm3;
	[tilespmem:v19+s7+$0x0] =	vst.idx.msk vm3, v46;
	v19 =	vmov v58  }
0x322: {  	v45 =	vand.u32 $0x38, v41;
	v42 =	vand.u32 $0x3F, v29;
	v22 =	vmovc v48;
	v20 =	vmov v47;
	v37 =	vld.idx.msk [tilespmem:v35+s18+$0x0], vm3;
	[tilespmem:v26+s7+$0x0] =	vst.idx.msk vm3, v25  }
0x323: {  	[tilespmem:v49+s7+$0x0] =	vst.idx.msk vm3, v30;
	v25 =	vld.idx.msk [tilespmem:v38+s18+$0x0], vm3  }
0x324: {  	v35 =	vor.u32 v15, v36;
	[tilespmem:v33+s7+$0x0] =	vst.idx.msk vm3, v1;
	v1 =	vld.idx.msk [tilespmem:v40+s18+$0x0], vm3  }
0x325: {  	v36 =	vor.u32 v15, v5;
	v7 =	vmax.f32 v34, v7;
	v33 =	vld.idx.msk [tilespmem:v28+s7+$0x0], vm3  }
0x326: {  	v5 =	vor.u32 v13, v5;
	v38 =	vld.idx.msk [tilespmem:v56+s18+$0x0], vm3;
	[tilespmem:v44+s7+$0x0] =	vst.idx.msk vm3, v7  }
.Ltmp39:
0x327: {  	v46 =	vor.u32 v13, v43;
	v41 =	vld.idx.msk [tilespmem:v27+s7+$0x0], vm3;
	(pc) =	sbr.rel @p0 .LBB2_52-.Ltmp39, $4  }
0x328: {  	v30 =	vor.u32 v15, v43;
	v7 =	vmax.f32 v39, v37;
	v34 =	vld.idx.msk [tilespmem:v23+s7+$0x0], vm3  }
0x329: {  	v26 =	vor.u32 v15, v52;
	v43 =	vmax.f32 v62, v59;
	[tilespmem:v57+s7+$0x0] =	vst.idx.msk vm3, v7;
	v39 =	vld.idx.msk [tilespmem:v35+s7+$0x0], vm3  }
0x32a: {  	v29 =	vor.u32 v45, v18;
	v37 =	vor.u32 v45, v17;
	v45 =	vor.u32 v13, v42;
	v40 =	vld.idx.msk [tilespmem:v36+s7+$0x0], vm3  }
0x32b: {  	v44 =	vor.u32 v13, v31;
	v31 =	vmax.f32 v33, v1;
	[tilespmem:v50+s7+$0x0] =	vst.idx.msk vm3, v43;
	v43 =	vld.idx.msk [tilespmem:v5+s18+$0x0], vm3  }
0x32c: {  	_ =	sdelay $0x4  }
0x32d: {  	v1 =	vor.u32 v15, v42;
	v5 =	vld.idx.msk [tilespmem:v46+s18+$0x0], vm3  }
0x32e: {  	v7 =	vld.idx.msk [tilespmem:v30+s7+$0x0], vm3  }
0x32f: {  	v33 =	vld.idx.msk [tilespmem:v45+s18+$0x0], vm3  }
0x330: {  	v56 =	vld.idx.msk [tilespmem:v44+s18+$0x0], vm3  }
0x331: {  	v59 =	vld.idx.msk [tilespmem:v37+s18+$0x0], vm3  }
0x332: {  	[tilespmem:v28+s7+$0x0] =	vst.idx.msk vm3, v31;
	v58 =	vmax.f32 v41, v38;
	v57 =	vld.idx.msk [tilespmem:v1+s7+$0x0], vm3  }
0x333: {  	v61 =	vld.idx.msk [tilespmem:v29+s7+$0x0], vm3;
	[tilespmem:v27+s7+$0x0] =	vst.idx.msk vm3, v58;
	v32 =	vmax.f32 v39, v32  }
0x334: {  	[tilespmem:v35+s7+$0x0] =	vst.idx.msk vm3, v32;
	v60 =	vmax.f32 v40, v43;
	v5 =	vmax.f32 v7, v5;
	v7 =	vld.idx.msk [tilespmem:v26+s7+$0x0], vm3  }
0x335: {  	v62 =	vld.idx.msk [tilespmem:v22+s7+$0x0], vm3;
	[tilespmem:v36+s7+$0x0] =	vst.idx.msk vm3, v60  }
0x336: {  	v24 =	vld.idx.msk [tilespmem:v24+s18+$0x0], vm3;
	s9 =	sadd.s32 $0x1, s9;
	v63 =	vmax.f32 v34, v56;
	[tilespmem:v30+s7+$0x0] =	vst.idx.msk vm3, v5  }
0x337: {  	p0 =	sne.s32 s9, s5;
	[tilespmem:v23+s7+$0x0] =	vst.idx.msk vm3, v63;
	v5 =	vmax.f32 v57, v33  }
.Ltmp40:
0x338: {  	[tilespmem:v1+s7+$0x0] =	vst.idx.msk vm3, v5;
	v1 =	vmax.f32 v61, v59;
	(pc) =	sbr.rel @p0 .LBB2_51-.Ltmp40, $4  }
.Ltmp41:
0x339: {  	v5 =	vmax.f32 v7, v21;
	[tilespmem:v29+s7+$0x0] =	vst.idx.msk vm3, v1;
	(pc) =	sbr.rel @!p0 .LBB2_54-.Ltmp41, $4  }
0x33a: {  	v1 =	vmax.f32 v62, v25;
	[tilespmem:v26+s7+$0x0] =	vst.idx.msk vm3, v5  }
0x33b: {  	[tilespmem:v22+s7+$0x0] =	vst.idx.msk vm3, v1;
	v1 =	vmax.f32 v20, v24  }
0x33c: {  	[tilespmem:v19+s7+$0x0] =	vst.idx.msk vm3, v1  }
0x33d: {  	_ = 	snop  }
.LBB2_56:
0x33e: {  	s0 =	rddreg [dreg:$0x12]  }
0x33f: {  	s2 =	rddreg [dreg:$0x16]  }
0x340: {  	s26 =	rddreg [dreg:$0x13]  }
0x341: {  	_ =	strace $0x9000004A;
	s6 =	simm.s32 $0x100;
	s0 =	sxor.u32 $0x80000000, s0  }
0x342: {  	s3 =	simm.s32 $0x0;
	v1 =	vimm.f32 $0.0e+00;
	s5 =	smul.u32 s0, s2;
	s0 =	sxor.u32 $0x80000000, s26  }
.LBB2_57:
0x343: {  	p0 =	sne.s32 s6, $0x8000;
	[tilespmem:s3+$0x13DB0] =	vst v1;
	s2 =	smov.u32 s6;
	s6 =	sadd.s32 $0x100, s6  }
.Ltmp42:
0x344: {  	[tilespmem:s3+$0x13DA0] =	vst v1;
	(pc) =	sbr.rel @p0 .LBB2_57-.Ltmp42, $3  }
0x345: {  	[tilespmem:s3+$0x13D80] =	vst v1  }
0x346: {  	[tilespmem:s3+$0x13D90] =	vst v1;
	_ =	sdelay $0x1  }
0x347: {  	s3 =	sshra.s32 s2, $0x2  }
0x348: {  	s14 =	stileid.u32;
	s2 =	rddreg [dreg:$0x11]  }
0x349: {  	p0 =	slt.s32 s14, s2  }
0x34a: {  	[tilespmem:s3+$0x13DB0] =	vst v1;
	p1 =	sle.s32 @!p0 s14, s0  }
0x34b: {  	[tilespmem:s3+$0x13DA0] =	vst v1;
	p0 =	por p0, !p1  }
0x34c: {  	[tilespmem:s3+$0x13D80] =	vst v1;
	s2 =	rddreg @p0 [dreg:$0xd]  }
0x34d: {  	[tilespmem:s3+$0x13D90] =	vst v1;
	s3 =	simm.s32 @p0 $0x40;
	s6 =	simm.s32 @p0 $0x80;
	s9 =	simm.s32 @p0 $0x13D80  }
0x34e: {  	[hbm4b:s2+s3] =	stream.strided.scatter @p0 [tilespmem:s9], [sflag:$0x5], $0x2000, s6, s3, $0x38;
	[tilespmem:$0x18FD0] =	vst v63  }
0x34f: {  	s8 =	rddreg [dreg:$0x2];
	s2 =	simm.s32 @p0 $0x5  }
0x350: {  	s16 =	rddreg [dreg:$0x10];
	_ =	swait.ge @p0 [sflag:s2], $0x2000  }
0x351: {  	[sflag:s2] =	ssyncset.done @p0 $0x0  }
0x352: {  	[sflag:s2] =	ssyncadd.s32 @p0 $0xFFFFE000;
	p0 =	sgt.s32 s16, s0  }
.Ltmp43:
0x353: {  	_ = 	snop;
	(pc) =	sbr.rel @p0 .LBB2_64-.Ltmp43, $2  }
0x354: {  	_ =	sdelay $0x2  }
0x355: {  	s11 =	simm.s32 $0x15DC0;
	s15 =	simm.s32 $0x16D60;
	s3 =	rddreg [dreg:$0xf]  }
0x356: {  	p0 =	slt.s32 s5, $0x1  }
.Ltmp44:
0x357: {  	_ = 	snop;
	(pc) =	sbr.rel @p0 .LBB2_63-.Ltmp44, $1  }
0x358: {  	_ =	sdelay $0x3  }
0x359: {  	s6 =	simm.s32 $0x20  }
0x35a: {  	v1 =	vld [tilespmem:s6+$0xFFFFFFE0];
	_ =	sdelay $0x4  }
0x35b: {  	vm2 =	vlt.f32 v1, $-Inf;
	vm3 =	vgt.f32 v1, $-Inf  }
0x35c: {  	vm2 =	vmor vm3, vm2  }
0x35d: {  	v5 =	vsel vm2, $0x1, v0  }
0x35e: {  	v5 =	vor.u32 $0x80000000, v5  }
0x35f: {  	(xrf0) =	vmax.scan.msk.u32 $0xffff, v5;
	_ =	sdelay $0x5  }
0x360: {  	v5, _, _ =	vpop (xrf0)  }
0x361: {  	(v2sf) =	vpush v5, $0xF;
	_ =	sdelay $0xc  }
0x362: {  	s0 =	simm.s32 $0x0;
	p0 =	seq.s32 s16, $0x0  }
0x363: {  	s0 =	smov.u32 @p0 s0  }
0x364: {  	p1 =	slt.s32 s0, $0x80;
	s2 =	spop (v2sf)  }
0x365: {  	s0 =	simm.s32 @!p1 $0x80;
	s2 =	sxor.u32 $0x80000000, s2  }
0x366: {  	s0 =	sshll.u32 s0, $0x6;
	p1 =	sgt.s32 s2, $0x0  }
0x367: {  	s0 =	simm.s32 @!p1 $0x2000  }
0x368: {  	[tilespmem:s0+$0x13D80] =	vst v1  }
0x369: {  	v1 =	vld [tilespmem:s6+$0xFFFFFFF0];
	_ =	sdelay $0x4  }
0x36a: {  	[tilespmem:s0+$0x13D90] =	vst v1  }
0x36b: {  	v1 =	vld [tilespmem:s6+$0x0];
	_ =	sdelay $0x4  }
0x36c: {  	p1 =	sne.s32 s5, $0x1;
	[tilespmem:s0+$0x13DA0] =	vst v1  }
.Ltmp45:
0x36d: {  	v8 =	vld [tilespmem:s6+$0x10];
	(pc) =	sbr.rel @!p1 .LBB2_62-.Ltmp45, $2  }
0x36e: {  	_ =	sdelay $0x2  }
0x36f: {  	s9 =	simm.s32 $0x1;
	s13 =	sadd.s32 $0x0, s2  }
.LBB2_61:
0x370: {  	[tilespmem:s0+$0x13DB0] =	vst v8;
	s6 =	sadd.s32 $0x40, s6;
	s0 =	smov.u32 s9;
	s9 =	sadd.s32 $0x1, s9  }
0x371: {  	v1 =	vld [tilespmem:s6+$0xFFFFFFE0];
	p1 =	sne.s32 s5, s9;
	_ =	sdelay $0x4  }
0x372: {  	vm2 =	vlt.f32 v1, $-Inf;
	vm3 =	vgt.f32 v1, $-Inf  }
0x373: {  	vm2 =	vmor vm3, vm2  }
0x374: {  	v5 =	vsel vm2, $0x1, v0  }
0x375: {  	v5 =	vor.u32 $0x80000000, v5  }
0x376: {  	(xrf0) =	vmax.scan.msk.u32 $0xffff, v5;
	_ =	sdelay $0x5  }
0x377: {  	v5, _, _ =	vpop (xrf0)  }
0x378: {  	(v2sf) =	vpush v5, $0xF;
	_ =	sdelay $0xc  }
0x379: {  	s2 =	smov.u32 s13  }
0x37a: {  	s2 =	smov.u32 @p0 s0  }
0x37b: {  	p2 =	slt.s32 s2, $0x80;
	s0 =	spop (v2sf)  }
0x37c: {  	s2 =	simm.s32 @!p2 $0x80;
	s3 =	sxor.u32 $0x80000000, s0  }
0x37d: {  	s0 =	sshll.u32 s2, $0x6;
	p2 =	sgt.s32 s3, $0x0;
	s13 =	sadd.s32 s13, s3  }
0x37e: {  	s0 =	simm.s32 @!p2 $0x2000  }
0x37f: {  	[tilespmem:s0+$0x13D80] =	vst v1  }
0x380: {  	v1 =	vld [tilespmem:s6+$0xFFFFFFF0];
	_ =	sdelay $0x4  }
0x381: {  	[tilespmem:s0+$0x13D90] =	vst v1  }
0x382: {  	v1 =	vld [tilespmem:s6+$0x0];
	_ =	sdelay $0x1  }
.Ltmp46:
0x383: {  	(pc) =	sbr.rel @p1 .LBB2_61-.Ltmp46, $3  }
0x384: {  	_ =	sdelay $0x1  }
0x385: {  	[tilespmem:s0+$0x13DA0] =	vst v1  }
0x386: {  	v8 =	vld [tilespmem:s6+$0x10]  }
.Ltmp47:
0x387: {  	_ = 	snop;
	(pc) =	sbr.rel .LBB2_62-.Ltmp47, $1  }
0x388: {  	_ =	sdelay $0x3  }
.LBB2_65:
0x389: {  	_ =	sfence.sel $0x180000  }
0x38a: {  	[bflag:$0x0] =	sbarrier.arrive $0xFFFF  }
0x38b: {  	_ =	strace $0x90000047  }
0x38c: {  	[bflag:$0x2] =	sbarrier.arrive $0xFFFF  }
0x38d: {  	p0 =	sne.s32 s14, $0x0;
	s0 =	rddreg [dreg:$0x7]  }
0x38e: {  	s0 =	sadd.s32 @!p0 $0x100000, s0  }
0x38f: {  	[sflag:s0] =	ssyncadd.tile.s32 @!p0 $0x1;
	_ =	shalt  }
.Lfunc_end2:
_tile_overlayer_lowered:
.L_overlay_start_2:
0x390: {  	(tag) =	ssettag $0x2  }
0x391: {  	s0 =	rddreg [dreg:$0x0];
	s2 =	stileid.u32  }
0x392: {  	s1 =	rddreg [dreg:$0x1];
	p0 =	sne.s32 s2, $0x0  }
0x393: {  	s3 =	rddreg [dreg:$0x2];
	[bflag:$0x3] =	sbarrier.arrive $0xFFFF;
	s2 =	simm.s32 @!p0 $0x1C05  }
0x394: {  	[timem:s3], [sflag:s2] =	dma.local @!p0 [hbm:s0], s1  }
0x395: {  	s0 =	simm.s32 @!p0 $0x5  }
0x396: {  	_ =	swait.ge @!p0 [sflag:s0], s1  }
0x397: {  	s1 =	ssub.s32 @!p0 $0x0, s1;
	[sflag:s0] =	ssyncset.done @!p0 $0x0  }
0x398: {  	[sflag:s0] =	ssyncadd.s32 @!p0 s1  }
0x399: {  	[bflag:$0x3] =	sbarrier.arrive $0xFFFF  }
0x39a: {  	_ =	shalt  }

</sc_bundles>
